<compile_context>
chip_gen: v7x
topology: tpu7x:2x2x1
jax: 0.10.2.dev20260603
libtpu: 0.0.44.dev20260713+nightly
codegen_flags: <defaults>
</compile_context>

<pallas_src>
import functools

import jax
import jax.numpy as jnp
from jax import lax
from jax.experimental import pallas as pl
from jax.experimental.pallas import tpu as pltpu
from jax.experimental.pallas import tpu_sc as plsc

N = 10000
E = 320000
D = 128
G = 64

NC = 2
NS = 16
NW = NC * NS
L = 16

CH = 80
EPW = E // NW
KJ = EPW // CH
NACC = N
ORT = 624
OCH = 48
OTAIL = N - NS * ORT
NG = 5
KJG = KJ // NG

NPAD = 10240
NPW = 320
PCH = 80

_mesh = plsc.VectorSubcoreMesh(core_axis_name="c", subcore_axis_name="s")


def _zero_1d(ref, n):
    @pl.loop(0, n, step=L)
    def _(i):
        ref[pl.ds(i, L)] = jnp.zeros((L,), jnp.float32)


def _fill_rows(ref, rows, val):
    @pl.loop(0, rows)
    def _(r):
        @pl.loop(0, ref.shape[1], step=L)
        def _(cc):
            ref[r, pl.ds(cc, L)] = jnp.full((L,), val, jnp.float32)


NPT = NPAD // NS


@functools.partial(
    pl.kernel,
    out_type=jax.ShapeDtypeStruct((NC * NPAD,), jnp.float32),
    mesh=_mesh,
    scratch_types=[
        pltpu.VMEM((KJ, CH), jnp.int32),
        pltpu.VMEM((CH,), jnp.float32),
        pltpu.VMEM((NPT,), jnp.float32),
        pltpu.VMEM_SHARED((NPAD,), jnp.float32),
    ],
)
def _deg_kernel(dst_hbm, out_hbm, idx_v, ones_v, buf_v, deg_sh):
    c = lax.axis_index("c")
    s = lax.axis_index("s")
    w = c * NS + s
    _zero_1d(buf_v, NPT)
    pltpu.sync_copy(buf_v, deg_sh.at[pl.ds(s * NPT, NPT)])

    @pl.loop(0, CH, step=L)
    def _(i):
        ones_v[pl.ds(i, L)] = jnp.ones((L,), jnp.float32)

    pltpu.sync_copy(dst_hbm.at[w], idx_v)
    plsc.subcore_barrier()

    @pl.loop(0, KJ)
    def _(j):
        pltpu.sync_copy(ones_v, deg_sh.at[idx_v.at[j]], add=True)

    plsc.subcore_barrier()
    pltpu.sync_copy(deg_sh.at[pl.ds(s * NPT, NPT)], buf_v)
    pltpu.sync_copy(buf_v, out_hbm.at[pl.ds(c * NPAD + s * NPT, NPT)])


@functools.partial(
    pl.kernel,
    out_type=jax.ShapeDtypeStruct((NC, N, D), jnp.float32),
    mesh=_mesh,
    scratch_types=[
        pltpu.VMEM((KJG, CH), jnp.int32),
        pltpu.VMEM((KJG, CH), jnp.int32),
        pltpu.VMEM((KJG, CH), jnp.int32),
        pltpu.VMEM((KJG, CH), jnp.int32),
        pltpu.VMEM((CH, D), jnp.float32),
        pltpu.VMEM((CH, D), jnp.float32),
        pltpu.VMEM((OCH, D), jnp.float32),
        pltpu.VMEM((OCH, D), jnp.float32),
        pltpu.VMEM_SHARED((NACC, D), jnp.float32),
        pltpu.SemaphoreType.DMA,
        pltpu.SemaphoreType.DMA,
        pltpu.SemaphoreType.DMA,
        pltpu.SemaphoreType.DMA,
    ],
)
def _edge_kernel(g_hbm, src_hbm, dst_hbm, out_hbm, srcA_v, dstA_v, srcB_v,
                 dstB_v, r0_v, r1_v, bufA_v, bufB_v, acc_sh, sem0, sem1,
                 semA, semB):
    c = lax.axis_index("c")
    s = lax.axis_index("s")
    w = c * NS + s
    _fill_rows(bufA_v, OCH, 0.0)

    @pl.loop(0, ORT // OCH)
    def _(z):
        pltpu.sync_copy(bufA_v, acc_sh.at[pl.ds(s * ORT + z * OCH, OCH)])

    @pl.when(s == NS - 1)
    def _():
        pltpu.sync_copy(bufA_v.at[pl.ds(0, OTAIL)],
                        acc_sh.at[pl.ds(NS * ORT, OTAIL)])

    plsc.subcore_barrier()

    def _group(src_v, dst_v):
        pltpu.sync_copy(g_hbm.at[src_v.at[0]], r0_v)

        @pl.loop(0, (KJG - 3) // 2)
        def _(k):
            j = 2 * k
            d0 = pltpu.async_copy(r0_v, acc_sh.at[dst_v.at[j]], sem0,
                                  add=True)
            pltpu.sync_copy(g_hbm.at[src_v.at[j + 1]], r1_v)
            d0.wait()
            d1 = pltpu.async_copy(r1_v, acc_sh.at[dst_v.at[j + 1]], sem1,
                                  add=True)
            pltpu.sync_copy(g_hbm.at[src_v.at[j + 2]], r0_v)
            d1.wait()

        j = KJG - 3
        d0 = pltpu.async_copy(r0_v, acc_sh.at[dst_v.at[j]], sem0, add=True)
        pltpu.sync_copy(g_hbm.at[src_v.at[j + 1]], r1_v)
        d0.wait()
        d1 = pltpu.async_copy(r1_v, acc_sh.at[dst_v.at[j + 1]], sem1,
                              add=True)
        pltpu.sync_copy(g_hbm.at[src_v.at[j + 2]], r0_v)
        d1.wait()
        pltpu.sync_copy(r0_v, acc_sh.at[dst_v.at[j + 2]], add=True)

    @pl.loop(0, NG)
    def _(gi):
        pltpu.sync_copy(src_hbm.at[w, gi], srcA_v)
        pltpu.sync_copy(dst_hbm.at[w, gi], dstA_v)
        _group(srcA_v, dstA_v)

    plsc.subcore_barrier()

    @pl.loop(0, ORT // OCH)
    def _(z):
        r0 = s * ORT + z * OCH
        pltpu.sync_copy(acc_sh.at[pl.ds(r0, OCH)], bufA_v)
        pltpu.sync_copy(bufA_v, out_hbm.at[c, pl.ds(r0, OCH)])

    @pl.when(s == NS - 1)
    def _():
        pltpu.sync_copy(acc_sh.at[pl.ds(NS * ORT, OTAIL)],
                        bufA_v.at[pl.ds(0, OTAIL)])
        pltpu.sync_copy(bufA_v.at[pl.ds(0, OTAIL)],
                        out_hbm.at[c, pl.ds(NS * ORT, OTAIL)])


GPT = 8
CPAD = 128


@functools.partial(
    pl.kernel,
    out_type=(
        jax.ShapeDtypeStruct((NC, G, D), jnp.float32),
        jax.ShapeDtypeStruct((NC * CPAD,), jnp.float32),
    ),
    mesh=_mesh,
    scratch_types=[
        pltpu.VMEM((PCH,), jnp.int32),
        pltpu.VMEM((PCH,), jnp.float32),
        pltpu.VMEM((PCH, D), jnp.float32),
        pltpu.VMEM((GPT, D), jnp.float32),
        pltpu.VMEM((CPAD,), jnp.float32),
        pltpu.VMEM_SHARED((G, D), jnp.float32),
        pltpu.VMEM_SHARED((CPAD,), jnp.float32),
    ],
)
def _pool_kernel(h_hbm, batch_hbm, pool_hbm, cnt_hbm, bidx_v, ones_v, rows_v,
                 pbuf_v, cbuf_v, pool_sh, cnt_sh):
    c = lax.axis_index("c")
    s = lax.axis_index("s")
    w = c * NS + s
    _fill_rows(pbuf_v, GPT, 0.0)
    _zero_1d(cbuf_v, CPAD)

    @pl.when(s < G // GPT)
    def _():
        pltpu.sync_copy(pbuf_v, pool_sh.at[pl.ds(s * GPT, GPT)])

    @pl.when(s == 0)
    def _():
        pltpu.sync_copy(cbuf_v, cnt_sh)

    @pl.loop(0, PCH, step=L)
    def _(i):
        ones_v[pl.ds(i, L)] = jnp.ones((L,), jnp.float32)

    plsc.subcore_barrier()

    nchunks = jnp.where(w == NW - 1, 1, NPW // PCH)

    @pl.loop(0, nchunks)
    def _(k):
        base = w * NPW + k * PCH
        pltpu.sync_copy(batch_hbm.at[pl.ds(base, PCH)], bidx_v)
        pltpu.sync_copy(h_hbm.at[pl.ds(base, PCH)], rows_v)
        pltpu.sync_copy(rows_v, pool_sh.at[bidx_v], add=True)
        pltpu.sync_copy(ones_v, cnt_sh.at[bidx_v], add=True)

    plsc.subcore_barrier()

    @pl.when(s < G // GPT)
    def _():
        pltpu.sync_copy(pool_sh.at[pl.ds(s * GPT, GPT)], pbuf_v)
        pltpu.sync_copy(pbuf_v, pool_hbm.at[c, pl.ds(s * GPT, GPT)])

    @pl.when(s == 0)
    def _():
        pltpu.sync_copy(cnt_sh, cbuf_v)
        pltpu.sync_copy(cbuf_v, cnt_hbm.at[pl.ds(c * CPAD, CPAD)])


BR = 1000


def _dinv_body(dp_ref, o_ref):
    deg = jnp.sum(dp_ref[...], axis=0, keepdims=True) + 1.0
    o_ref[...] = lax.rsqrt(deg)


def _mm_pre_body(x_ref, w_ref, dinv_ref, o_ref):
    h = jnp.dot(x_ref[...], w_ref[...],
                preferred_element_type=jnp.float32)
    o_ref[...] = dinv_ref[...] * h


def _combine_relu_body(s_ref, g_ref, dinv_ref, b_ref, o_ref):
    v = dinv_ref[...] * (s_ref[0] + s_ref[1] + g_ref[...]) + b_ref[...]
    o_ref[...] = jnp.maximum(v, 0.0)


def _mm_pre(x, w, dinv):
    return pl.pallas_call(
        _mm_pre_body,
        grid=(N // BR,),
        in_specs=[
            pl.BlockSpec((BR, D), lambda i: (i, 0)),
            pl.BlockSpec((D, D), lambda i: (0, 0)),
            pl.BlockSpec((BR, 1), lambda i: (i, 0)),
        ],
        out_specs=pl.BlockSpec((BR, D), lambda i: (i, 0)),
        out_shape=jax.ShapeDtypeStruct((N, D), jnp.float32),
    )(x, w, dinv)


def _combine_relu(srt, g, dinv, b):
    return pl.pallas_call(
        _combine_relu_body,
        grid=(N // BR,),
        in_specs=[
            pl.BlockSpec((NC, BR, D), lambda i: (0, i, 0)),
            pl.BlockSpec((BR, D), lambda i: (i, 0)),
            pl.BlockSpec((BR, 1), lambda i: (i, 0)),
            pl.BlockSpec((1, D), lambda i: (0, 0)),
        ],
        out_specs=pl.BlockSpec((BR, D), lambda i: (i, 0)),
        out_shape=jax.ShapeDtypeStruct((N, D), jnp.float32),
    )(srt, g, dinv, b)


def _combine_body(s_ref, g_ref, dinv_ref, b_ref, o_ref):
    o_ref[...] = dinv_ref[...] * (s_ref[0] + s_ref[1] + g_ref[...]) + b_ref[...]


def _final_body(pp_ref, cc_ref, wl_ref, bl_ref, o_ref):
    def body(i, carry):
        p, c2 = carry
        return p + pp_ref[i], c2 + cc_ref[i]

    p0 = jnp.zeros((G, D), jnp.float32)
    c0 = jnp.zeros((G, 1), jnp.float32)
    p, c2 = lax.fori_loop(0, NC, body, (p0, c0))
    pooled = p / jnp.maximum(c2, 1.0)
    o_ref[...] = (
        jnp.dot(pooled, wl_ref[...],
                preferred_element_type=jnp.float32)
        + bl_ref[...]
    )


def _combine(srt, g, dinv, b):
    return pl.pallas_call(
        _combine_body,
        grid=(N // BR,),
        in_specs=[
            pl.BlockSpec((NC, BR, D), lambda i: (0, i, 0)),
            pl.BlockSpec((BR, D), lambda i: (i, 0)),
            pl.BlockSpec((BR, 1), lambda i: (i, 0)),
            pl.BlockSpec((1, D), lambda i: (0, 0)),
        ],
        out_specs=pl.BlockSpec((BR, D), lambda i: (i, 0)),
        out_shape=jax.ShapeDtypeStruct((N, D), jnp.float32),
    )(srt, g, dinv, b)


def kernel(x, edge_index, batch, W1, b1, W2, b2, W3, b3, Wl, bl):
    src = edge_index[0].reshape(NW, NG, KJG, CH)
    dst = edge_index[1].reshape(NW, NG, KJG, CH)

    deg_part = _deg_kernel(dst.reshape(NW, KJ, CH)).reshape(NC, NPAD)
    dinv_flat = pl.pallas_call(
        _dinv_body,
        out_shape=jax.ShapeDtypeStruct((1, NPAD), jnp.float32),
    )(deg_part)
    dinv = dinv_flat.reshape(NPAD)[:N].reshape(N, 1)

    g = _mm_pre(x, W1, dinv)
    s1 = _edge_kernel(g, src, dst)
    o = _combine_relu(s1, g, dinv, b1.reshape(1, D))
    g = _mm_pre(o, W2, dinv)
    s2 = _edge_kernel(g, src, dst)
    o = _combine_relu(s2, g, dinv, b2.reshape(1, D))
    g = _mm_pre(o, W3, dinv)
    s3 = _edge_kernel(g, src, dst)
    h = _combine(s3, g, dinv, b3.reshape(1, D))

    pool_part, cnt_part = _pool_kernel(h, batch)
    cnt3 = cnt_part.reshape(NC, CPAD)[:, :G].reshape(NC, G, 1)
    y = pl.pallas_call(
        _final_body,
        out_shape=jax.ShapeDtypeStruct((G, 1), jnp.float32),
    )(pool_part, cnt3, Wl, bl.reshape(1, 1))
    return y

# --- scband reference (transcript-rebuilt; emitter-appended) ---
"""Pipeline reference for scband-gcn-57260503991114 (READ-ONLY COPY).

The authoritative reference and input builder live on the scoring server;
editing this copy changes nothing except your own understanding.
"""

import jax, jax.numpy as jnp
import numpy as np

N = 10000
E = 320000
D = 128
G = 64

def setup_inputs(seed: int = 0):
    key = jax.random.key(seed)
    ks = jax.random.split(key, 10)
    s = 1.0 / np.sqrt(D)
    return {
        "x": jax.random.normal(ks[0], (N, D), dtype=jnp.float32),
        "edge_index": jax.random.randint(ks[1], (2, E), 0, N, dtype=jnp.int32),
        "batch": jnp.sort(jax.random.randint(ks[2], (N,), 0, G, dtype=jnp.int32)),
        "W1": jax.random.normal(ks[3], (D, D), dtype=jnp.float32) * s,
        "b1": jnp.zeros((D,), dtype=jnp.float32),
        "W2": jax.random.normal(ks[4], (D, D), dtype=jnp.float32) * s,
        "b2": jnp.zeros((D,), dtype=jnp.float32),
        "W3": jax.random.normal(ks[5], (D, D), dtype=jnp.float32) * s,
        "b3": jnp.zeros((D,), dtype=jnp.float32),
        "Wl": jax.random.normal(ks[6], (D, 1), dtype=jnp.float32) * s,
        "bl": jnp.zeros((1,), dtype=jnp.float32),
    }

def _gcn_conv(x, W, b, src, dst):
    h = x @ W
    loops = jnp.arange(N, dtype=src.dtype)
    s2 = jnp.concatenate([src, loops])
    d2 = jnp.concatenate([dst, loops])
    ones = jnp.ones((s2.shape[0],), dtype=h.dtype)
    deg = jax.ops.segment_sum(ones, d2, num_segments=N)
    dinv = jnp.where(deg > 0, 1.0 / jnp.sqrt(deg), 0.0)
    norm = dinv[s2] * dinv[d2]
    out = jax.ops.segment_sum(h[s2] * norm[:, None], d2, num_segments=N)
    return out + b

def reference(x, edge_index, batch, W1, b1, W2, b2, W3, b3, Wl, bl):
    src, dst = edge_index[0], edge_index[1]
    h = jax.nn.relu(_gcn_conv(x, W1, b1, src, dst))
    h = jax.nn.relu(_gcn_conv(h, W2, b2, src, dst))
    h = _gcn_conv(h, W3, b3, src, dst)
    seg_sum = jax.ops.segment_sum(h, batch, num_segments=G)
    counts = jax.ops.segment_sum(jnp.ones((N,), dtype=h.dtype), batch, num_segments=G)
    pooled = seg_sum / jnp.maximum(counts, 1.0)[:, None]
    # dropout p=0.1 is identity in eval mode
    return pooled @ Wl + bl

if __name__ == "__main__":
    import jax
    _d = setup_inputs()
    print(jax.jit(kernel)(*tuple(_d.values())))

</pallas_src>

<mosaic_0001>
#map = affine_map<(d0, d1) -> (0, 0, 0)>
#map1 = affine_map<(d0, d1) -> (0)>
module attributes {stable_mosaic.version = 14 : i64} {
  func.func @_deg_kernel(%arg0: i32, %arg1: i32, %arg2: memref<32x125x80xi32, #tpu.memory_space<hbm>>, %arg3: memref<20480xf32, #tpu.memory_space<hbm>>, %arg4: memref<125x80xi32, #tpu.memory_space<vmem>>, %arg5: memref<80xf32, #tpu.memory_space<vmem>>, %arg6: memref<640xf32, #tpu.memory_space<vmem>>, %arg7: memref<10240xf32, #tpu.memory_space<vmem_shared>>) attributes {dimension_semantics = [#tpu.dimension_semantics<core_parallel>, #tpu.dimension_semantics<subcore_parallel>], iteration_bounds = array<i64: 2, 16>, scalar_prefetch = 0 : i64, scratch_operands = 4 : i64, tpu.core_type = #tpu.core_type<sc_vector_subcore>, window_params = [{transform_indices = #map}, {transform_indices = #map1}]} {
    %mul3A = arith.constant 16 : i32
    %mul3A_0 = arith.muli %arg0, %mul3A : i32
    %add3A = arith.addi %mul3A_0, %arg1 : i32
    %scan3A = arith.constant 0 : i32
    %scan3A_1 = arith.constant 40 : i32
    %scan3A_2 = arith.addi %scan3A, %scan3A_1 : i32
    %scan3A_3 = arith.constant 1 : i32
    scf.for %scan3A_25 = %scan3A to %scan3A_2 step %scan3A_3  : i32 {
      %mul3A_26 = arith.constant 16 : i32
      %mul3A_27 = arith.muli %scan3A_25, %mul3A_26 : i32
      %add3A_28 = arith.constant 0 : i32
      %add3A_29 = arith.addi %add3A_28, %mul3A_27 : i32
      %broadcast_in_dim3A = arith.constant 0.000000e+00 : f32
      %broadcast_in_dim3A_30 = vector.broadcast %broadcast_in_dim3A : f32 to vector<16xf32>
      %swap3A = arith.index_cast %add3A_29 : i32 to index
      %swap3A_31 = tpu.vector_load %arg6[%swap3A] {strides = array<i32>} : memref<640xf32, #tpu.memory_space<vmem>>, vector<16xf32>,
      %swap3A_32 = vector.shape_cast %swap3A_31 : vector<16xf32> to vector<16xf32>
      %swap3A_33 = vector.shape_cast %broadcast_in_dim3A_30 : vector<16xf32> to vector<16xf32>
      tpu.vector_store %arg6[%swap3A], %swap3A_33 {strides = array<i32>} : memref<640xf32, #tpu.memory_space<vmem>>, vector<16xf32>,
    }
    %scan3A_4 = arith.constant 40 : i32
    %mul3A_5 = arith.constant 640 : i32
    %mul3A_6 = arith.muli %arg1, %mul3A_5 : i32
    "tpu.region"() ({
      %run_scoped3A = tpu.sem_alloc : memref<!tpu.dma_semaphore, #tpu.memory_space<semaphore_mem>>
      %dma_start3A = tpu.memref_slice %arg7[%mul3A_6] : memref<10240xf32, #tpu.memory_space<vmem_shared>> -> memref<640xf32, #tpu.memory_space<vmem_shared>>
      %dma_start3A_25 = tpu.memref_slice %arg7[%mul3A_6] : memref<10240xf32, #tpu.memory_space<vmem_shared>> -> memref<640xf32, #tpu.memory_space<vmem_shared>>
      tpu.enqueue_dma source(%arg6 : memref<640xf32, #tpu.memory_space<vmem>>) target(%dma_start3A_25 : memref<640xf32, #tpu.memory_space<vmem_shared>>) target_semaphore(%run_scoped3A : memref<!tpu.dma_semaphore, #tpu.memory_space<semaphore_mem>>)
      %dma_wait3A = tpu.memref_slice %arg7[%mul3A_6] : memref<10240xf32, #tpu.memory_space<vmem_shared>> -> memref<640xf32, #tpu.memory_space<vmem_shared>>
      %dma_wait3A_26 = tpu.memref_slice %arg7[%mul3A_6] : memref<10240xf32, #tpu.memory_space<vmem_shared>> -> memref<640xf32, #tpu.memory_space<vmem_shared>>
      tpu.wait_dma2 semaphore(%run_scoped3A : memref<!tpu.dma_semaphore, #tpu.memory_space<semaphore_mem>>) src(%arg6 : memref<640xf32, #tpu.memory_space<vmem>>) dst(%dma_wait3A_26 : memref<640xf32, #tpu.memory_space<vmem_shared>>)
      tpu.yield
    }) : () -> ()
    %scan3A_7 = arith.constant 0 : i32
    %scan3A_8 = arith.constant 5 : i32
    %scan3A_9 = arith.addi %scan3A_7, %scan3A_8 : i32
    %scan3A_10 = arith.constant 1 : i32
    scf.for %scan3A_25 = %scan3A_7 to %scan3A_9 step %scan3A_10  : i32 {
      %mul3A_26 = arith.constant 16 : i32
      %mul3A_27 = arith.muli %scan3A_25, %mul3A_26 : i32
      %add3A_28 = arith.constant 0 : i32
      %add3A_29 = arith.addi %add3A_28, %mul3A_27 : i32
      %broadcast_in_dim3A = arith.constant 1.000000e+00 : f32
      %broadcast_in_dim3A_30 = vector.broadcast %broadcast_in_dim3A : f32 to vector<16xf32>
      %swap3A = arith.index_cast %add3A_29 : i32 to index
      %swap3A_31 = tpu.vector_load %arg5[%swap3A] {strides = array<i32>} : memref<80xf32, #tpu.memory_space<vmem>>, vector<16xf32>,
      %swap3A_32 = vector.shape_cast %swap3A_31 : vector<16xf32> to vector<16xf32>
      %swap3A_33 = vector.shape_cast %broadcast_in_dim3A_30 : vector<16xf32> to vector<16xf32>
      tpu.vector_store %arg5[%swap3A], %swap3A_33 {strides = array<i32>} : memref<80xf32, #tpu.memory_space<vmem>>, vector<16xf32>,
    }
    %scan3A_11 = arith.constant 5 : i32
    "tpu.region"() ({
      %run_scoped3A = tpu.sem_alloc : memref<!tpu.dma_semaphore, #tpu.memory_space<semaphore_mem>>
      %dma_start3A = arith.constant 0 : i32
      %dma_start3A_25 = arith.constant 0 : i32
      %dma_start3A_26 = tpu.memref_slice %arg2[%add3A, %dma_start3A, %dma_start3A_25] : memref<32x125x80xi32, #tpu.memory_space<hbm>> -> memref<1x125x80xi32, #tpu.memory_space<hbm>>
      %dma_start3A_27 = tpu.memref_squeeze %dma_start3A_26 : memref<1x125x80xi32, #tpu.memory_space<hbm>> -> memref<125x80xi32, #tpu.memory_space<hbm>>
      %dma_start3A_28 = arith.constant 0 : i32
      %dma_start3A_29 = arith.constant 0 : i32
      %dma_start3A_30 = tpu.memref_slice %arg2[%add3A, %dma_start3A_28, %dma_start3A_29] : memref<32x125x80xi32, #tpu.memory_space<hbm>> -> memref<1x125x80xi32, #tpu.memory_space<hbm>>
      %dma_start3A_31 = tpu.memref_squeeze %dma_start3A_30 : memref<1x125x80xi32, #tpu.memory_space<hbm>> -> memref<125x80xi32, #tpu.memory_space<hbm>>
      tpu.enqueue_dma source(%dma_start3A_31 : memref<125x80xi32, #tpu.memory_space<hbm>>) target(%arg4 : memref<125x80xi32, #tpu.memory_space<vmem>>) target_semaphore(%run_scoped3A : memref<!tpu.dma_semaphore, #tpu.memory_space<semaphore_mem>>)
      %dma_wait3A = arith.constant 0 : i32
      %dma_wait3A_32 = arith.constant 0 : i32
      %dma_wait3A_33 = tpu.memref_slice %arg2[%add3A, %dma_wait3A, %dma_wait3A_32] : memref<32x125x80xi32, #tpu.memory_space<hbm>> -> memref<1x125x80xi32, #tpu.memory_space<hbm>>
      %dma_wait3A_34 = tpu.memref_squeeze %dma_wait3A_33 : memref<1x125x80xi32, #tpu.memory_space<hbm>> -> memref<125x80xi32, #tpu.memory_space<hbm>>
      %dma_wait3A_35 = arith.constant 0 : i32
      %dma_wait3A_36 = arith.constant 0 : i32
      %dma_wait3A_37 = tpu.memref_slice %arg2[%add3A, %dma_wait3A_35, %dma_wait3A_36] : memref<32x125x80xi32, #tpu.memory_space<hbm>> -> memref<1x125x80xi32, #tpu.memory_space<hbm>>
      %dma_wait3A_38 = tpu.memref_squeeze %dma_wait3A_37 : memref<1x125x80xi32, #tpu.memory_space<hbm>> -> memref<125x80xi32, #tpu.memory_space<hbm>>
      tpu.wait_dma2 semaphore(%run_scoped3A : memref<!tpu.dma_semaphore, #tpu.memory_space<semaphore_mem>>) src(%dma_wait3A_38 : memref<125x80xi32, #tpu.memory_space<hbm>>) dst(%arg4 : memref<125x80xi32, #tpu.memory_space<vmem>>)
      tpu.yield
    }) : () -> ()
    %barrier3A = arith.constant 0 : index
    tpu.barrier barrier_id(%barrier3A)
    %scan3A_12 = arith.constant 0 : i32
    %scan3A_13 = arith.constant 125 : i32
    %scan3A_14 = arith.addi %scan3A_12, %scan3A_13 : i32
    %scan3A_15 = arith.constant 1 : i32
    scf.for %scan3A_25 = %scan3A_12 to %scan3A_14 step %scan3A_15  : i32 {
      %mul3A_26 = arith.constant 1 : i32
      %mul3A_27 = arith.muli %scan3A_25, %mul3A_26 : i32
      %add3A_28 = arith.constant 0 : i32
      %add3A_29 = arith.addi %add3A_28, %mul3A_27 : i32
      "tpu.region"() ({
        %run_scoped3A = tpu.sem_alloc : memref<!tpu.dma_semaphore, #tpu.memory_space<semaphore_mem>>
        %dma_start3A = arith.constant 0 : i32
        %dma_start3A_30 = tpu.memref_slice %arg4[%add3A_29, %dma_start3A] : memref<125x80xi32, #tpu.memory_space<vmem>> -> memref<1x80xi32, #tpu.memory_space<vmem>>
        %dma_start3A_31 = tpu.memref_squeeze %dma_start3A_30 : memref<1x80xi32, #tpu.memory_space<vmem>> -> memref<80xi32, #tpu.memory_space<vmem>>
        %dma_start3A_32 = arith.constant 0 : i32
        %dma_start3A_33 = tpu.memref_slice %arg7[%dma_start3A_32] : memref<10240xf32, #tpu.memory_space<vmem_shared>> -> memref<10240xf32, #tpu.memory_space<vmem_shared>>
        tpu.enqueue_indirect_dma source(%arg5 : memref<80xf32, #tpu.memory_space<vmem>>) target(%dma_start3A_33 : memref<10240xf32, #tpu.memory_space<vmem_shared>>) offsets(%dma_start3A_31 : memref<80xi32, #tpu.memory_space<vmem>>) semaphore(%run_scoped3A : memref<!tpu.dma_semaphore, #tpu.memory_space<semaphore_mem>>) {add = true}
        %dma_wait3A = arith.constant 0 : i32
        %dma_wait3A_34 = tpu.memref_slice %arg4[%add3A_29, %dma_wait3A] : memref<125x80xi32, #tpu.memory_space<vmem>> -> memref<1x80xi32, #tpu.memory_space<vmem>>
        %dma_wait3A_35 = tpu.memref_squeeze %dma_wait3A_34 : memref<1x80xi32, #tpu.memory_space<vmem>> -> memref<80xi32, #tpu.memory_space<vmem>>
        %dma_wait3A_36 = arith.constant 0 : i32
        %dma_wait3A_37 = tpu.memref_slice %arg7[%dma_wait3A_36] : memref<10240xf32, #tpu.memory_space<vmem_shared>> -> memref<10240xf32, #tpu.memory_space<vmem_shared>>
        tpu.wait_indirect_dma semaphore(%run_scoped3A : memref<!tpu.dma_semaphore, #tpu.memory_space<semaphore_mem>>) src(%arg5 : memref<80xf32, #tpu.memory_space<vmem>>) dst(%dma_wait3A_37 : memref<10240xf32, #tpu.memory_space<vmem_shared>>)
        tpu.yield
      }) : () -> ()
    }
    %scan3A_16 = arith.constant 125 : i32
    %barrier3A_17 = arith.constant 0 : index
    tpu.barrier barrier_id(%barrier3A_17)
    %mul3A_18 = arith.constant 640 : i32
    %mul3A_19 = arith.muli %arg1, %mul3A_18 : i32
    "tpu.region"() ({
      %run_scoped3A = tpu.sem_alloc : memref<!tpu.dma_semaphore, #tpu.memory_space<semaphore_mem>>
      %dma_start3A = tpu.memref_slice %arg7[%mul3A_19] : memref<10240xf32, #tpu.memory_space<vmem_shared>> -> memref<640xf32, #tpu.memory_space<vmem_shared>>
      %dma_start3A_25 = tpu.memref_slice %arg7[%mul3A_19] : memref<10240xf32, #tpu.memory_space<vmem_shared>> -> memref<640xf32, #tpu.memory_space<vmem_shared>>
      tpu.enqueue_dma source(%dma_start3A_25 : memref<640xf32, #tpu.memory_space<vmem_shared>>) target(%arg6 : memref<640xf32, #tpu.memory_space<vmem>>) target_semaphore(%run_scoped3A : memref<!tpu.dma_semaphore, #tpu.memory_space<semaphore_mem>>)
      %dma_wait3A = tpu.memref_slice %arg7[%mul3A_19] : memref<10240xf32, #tpu.memory_space<vmem_shared>> -> memref<640xf32, #tpu.memory_space<vmem_shared>>
      %dma_wait3A_26 = tpu.memref_slice %arg7[%mul3A_19] : memref<10240xf32, #tpu.memory_space<vmem_shared>> -> memref<640xf32, #tpu.memory_space<vmem_shared>>
      tpu.wait_dma2 semaphore(%run_scoped3A : memref<!tpu.dma_semaphore, #tpu.memory_space<semaphore_mem>>) src(%dma_wait3A_26 : memref<640xf32, #tpu.memory_space<vmem_shared>>) dst(%arg6 : memref<640xf32, #tpu.memory_space<vmem>>)
      tpu.yield
    }) : () -> ()
    %mul3A_20 = arith.constant 10240 : i32
    %mul3A_21 = arith.muli %arg0, %mul3A_20 : i32
    %mul3A_22 = arith.constant 640 : i32
    %mul3A_23 = arith.muli %arg1, %mul3A_22 : i32
    %add3A_24 = arith.addi %mul3A_21, %mul3A_23 : i32
    "tpu.region"() ({
      %run_scoped3A = tpu.sem_alloc : memref<!tpu.dma_semaphore, #tpu.memory_space<semaphore_mem>>
      %dma_start3A = tpu.memref_slice %arg3[%add3A_24] : memref<20480xf32, #tpu.memory_space<hbm>> -> memref<640xf32, #tpu.memory_space<hbm>>
      %dma_start3A_25 = tpu.memref_slice %arg3[%add3A_24] : memref<20480xf32, #tpu.memory_space<hbm>> -> memref<640xf32, #tpu.memory_space<hbm>>
      tpu.enqueue_dma source(%arg6 : memref<640xf32, #tpu.memory_space<vmem>>) target(%dma_start3A_25 : memref<640xf32, #tpu.memory_space<hbm>>) target_semaphore(%run_scoped3A : memref<!tpu.dma_semaphore, #tpu.memory_space<semaphore_mem>>)
      %dma_wait3A = tpu.memref_slice %arg3[%add3A_24] : memref<20480xf32, #tpu.memory_space<hbm>> -> memref<640xf32, #tpu.memory_space<hbm>>
      %dma_wait3A_26 = tpu.memref_slice %arg3[%add3A_24] : memref<20480xf32, #tpu.memory_space<hbm>> -> memref<640xf32, #tpu.memory_space<hbm>>
      tpu.wait_dma2 semaphore(%run_scoped3A : memref<!tpu.dma_semaphore, #tpu.memory_space<semaphore_mem>>) src(%arg6 : memref<640xf32, #tpu.memory_space<vmem>>) dst(%dma_wait3A_26 : memref<640xf32, #tpu.memory_space<hbm>>)
      tpu.yield
    }) : () -> ()
    return
  }
}

#map = affine_map<(d0, d1) -> (0, 0)>
#map1 = affine_map<(d0, d1) -> (0, 0, 0, 0)>
#map2 = affine_map<(d0, d1) -> (0, 0, 0)>
module attributes {stable_mosaic.version = 14 : i64} {
  func.func @_edge_kernel(%arg0: i32, %arg1: i32, %arg2: memref<10000x128xf32, #tpu.memory_space<hbm>>, %arg3: memref<32x5x25x80xi32, #tpu.memory_space<hbm>>, %arg4: memref<32x5x25x80xi32, #tpu.memory_space<hbm>>, %arg5: memref<2x10000x128xf32, #tpu.memory_space<hbm>>, %arg6: memref<25x80xi32, #tpu.memory_space<vmem>>, %arg7: memref<25x80xi32, #tpu.memory_space<vmem>>, %arg8: memref<25x80xi32, #tpu.memory_space<vmem>>, %arg9: memref<25x80xi32, #tpu.memory_space<vmem>>, %arg10: memref<80x128xf32, #tpu.memory_space<vmem>>, %arg11: memref<80x128xf32, #tpu.memory_space<vmem>>, %arg12: memref<48x128xf32, #tpu.memory_space<vmem>>, %arg13: memref<48x128xf32, #tpu.memory_space<vmem>>, %arg14: memref<10000x128xf32, #tpu.memory_space<vmem_shared>>, %arg15: memref<!tpu.dma_semaphore, #tpu.memory_space<semaphore_mem>>, %arg16: memref<!tpu.dma_semaphore, #tpu.memory_space<semaphore_mem>>, %arg17: memref<!tpu.dma_semaphore, #tpu.memory_space<semaphore_mem>>, %arg18: memref<!tpu.dma_semaphore, #tpu.memory_space<semaphore_mem>>) attributes {dimension_semantics = [#tpu.dimension_semantics<core_parallel>, #tpu.dimension_semantics<subcore_parallel>], iteration_bounds = array<i64: 2, 16>, scalar_prefetch = 0 : i64, scratch_operands = 13 : i64, tpu.core_type = #tpu.core_type<sc_vector_subcore>, window_params = [{transform_indices = #map}, {transform_indices = #map1}, {transform_indices = #map1}, {transform_indices = #map2}]} {
    %mul3A = arith.constant 16 : i32
    %mul3A_0 = arith.muli %arg0, %mul3A : i32
    %add3A = arith.addi %mul3A_0, %arg1 : i32
    %scan3A = arith.constant 0 : i32
    %scan3A_1 = arith.constant 48 : i32
    %scan3A_2 = arith.addi %scan3A, %scan3A_1 : i32
    %scan3A_3 = arith.constant 1 : i32
    scf.for %scan3A_28 = %scan3A to %scan3A_2 step %scan3A_3  : i32 {
      %mul3A_29 = arith.constant 1 : i32
      %mul3A_30 = arith.muli %scan3A_28, %mul3A_29 : i32
      %add3A_31 = arith.constant 0 : i32
      %add3A_32 = arith.addi %add3A_31, %mul3A_30 : i32
      %scan3A_33 = arith.constant 0 : i32
      %scan3A_34 = arith.constant 8 : i32
      %scan3A_35 = arith.addi %scan3A_33, %scan3A_34 : i32
      %scan3A_36 = arith.constant 1 : i32
      scf.for %scan3A_38 = %scan3A_33 to %scan3A_35 step %scan3A_36  : i32 {
        %mul3A_39 = arith.constant 16 : i32
        %mul3A_40 = arith.muli %scan3A_38, %mul3A_39 : i32
        %add3A_41 = arith.constant 0 : i32
        %add3A_42 = arith.addi %add3A_41, %mul3A_40 : i32
        %broadcast_in_dim3A = arith.constant 0.000000e+00 : f32
        %broadcast_in_dim3A_43 = vector.broadcast %broadcast_in_dim3A : f32 to vector<16xf32>
        %swap3A = arith.index_cast %add3A_32 : i32 to index
        %swap3A_44 = arith.index_cast %add3A_42 : i32 to index
        %swap3A_45 = tpu.vector_load %arg12[%swap3A, %swap3A_44] {strides = array<i32>} : memref<48x128xf32, #tpu.memory_space<vmem>>, vector<1x16xf32>,
        %swap3A_46 = vector.shape_cast %swap3A_45 : vector<1x16xf32> to vector<16xf32>
        %swap3A_47 = vector.shape_cast %broadcast_in_dim3A_43 : vector<16xf32> to vector<1x16xf32>
        tpu.vector_store %arg12[%swap3A, %swap3A_44], %swap3A_47 {strides = array<i32>} : memref<48x128xf32, #tpu.memory_space<vmem>>, vector<1x16xf32>,
      }
      %scan3A_37 = arith.constant 8 : i32
    }
    %scan3A_4 = arith.constant 48 : i32
    %scan3A_5 = arith.constant 0 : i32
    %scan3A_6 = arith.constant 13 : i32
    %scan3A_7 = arith.addi %scan3A_5, %scan3A_6 : i32
    %scan3A_8 = arith.constant 1 : i32
    scf.for %scan3A_28 = %scan3A_5 to %scan3A_7 step %scan3A_8  : i32 {
      %mul3A_29 = arith.constant 1 : i32
      %mul3A_30 = arith.muli %scan3A_28, %mul3A_29 : i32
      %add3A_31 = arith.constant 0 : i32
      %add3A_32 = arith.addi %add3A_31, %mul3A_30 : i32
      %mul3A_33 = arith.constant 624 : i32
      %mul3A_34 = arith.muli %arg1, %mul3A_33 : i32
      %mul3A_35 = arith.constant 48 : i32
      %mul3A_36 = arith.muli %add3A_32, %mul3A_35 : i32
      %add3A_37 = arith.addi %mul3A_34, %mul3A_36 : i32
      "tpu.region"() ({
        %run_scoped3A = tpu.sem_alloc : memref<!tpu.dma_semaphore, #tpu.memory_space<semaphore_mem>>
        %dma_start3A = arith.constant 0 : i32
        %dma_start3A_38 = tpu.memref_slice %arg14[%add3A_37, %dma_start3A] : memref<10000x128xf32, #tpu.memory_space<vmem_shared>> -> memref<48x128xf32, #tpu.memory_space<vmem_shared>>
        %dma_start3A_39 = arith.constant 0 : i32
        %dma_start3A_40 = tpu.memref_slice %arg14[%add3A_37, %dma_start3A_39] : memref<10000x128xf32, #tpu.memory_space<vmem_shared>> -> memref<48x128xf32, #tpu.memory_space<vmem_shared>>
        tpu.enqueue_dma source(%arg12 : memref<48x128xf32, #tpu.memory_space<vmem>>) target(%dma_start3A_40 : memref<48x128xf32, #tpu.memory_space<vmem_shared>>) target_semaphore(%run_scoped3A : memref<!tpu.dma_semaphore, #tpu.memory_space<semaphore_mem>>)
        %dma_wait3A = arith.constant 0 : i32
        %dma_wait3A_41 = tpu.memref_slice %arg14[%add3A_37, %dma_wait3A] : memref<10000x128xf32, #tpu.memory_space<vmem_shared>> -> memref<48x128xf32, #tpu.memory_space<vmem_shared>>
        %dma_wait3A_42 = arith.constant 0 : i32
        %dma_wait3A_43 = tpu.memref_slice %arg14[%add3A_37, %dma_wait3A_42] : memref<10000x128xf32, #tpu.memory_space<vmem_shared>> -> memref<48x128xf32, #tpu.memory_space<vmem_shared>>
        tpu.wait_dma2 semaphore(%run_scoped3A : memref<!tpu.dma_semaphore, #tpu.memory_space<semaphore_mem>>) src(%arg12 : memref<48x128xf32, #tpu.memory_space<vmem>>) dst(%dma_wait3A_43 : memref<48x128xf32, #tpu.memory_space<vmem_shared>>)
        tpu.yield
      }) : () -> ()
    }
    %scan3A_9 = arith.constant 13 : i32
    %eq3A = arith.constant 15 : i32
    %eq3A_10 = arith.cmpi eq, %arg1, %eq3A : i32
    %convert_element_type3A = arith.extui %eq3A_10 : i1 to i32
    %cond3A = arith.constant 0 : i32
    %cond3A_11 = arith.cmpi ne, %convert_element_type3A, %cond3A : i32
    scf.if %cond3A_11 {
      "tpu.region"() ({
        %run_scoped3A = tpu.sem_alloc : memref<!tpu.dma_semaphore, #tpu.memory_space<semaphore_mem>>
        %dma_start3A = arith.constant 0 : i32
        %dma_start3A_28 = arith.constant 0 : i32
        %dma_start3A_29 = tpu.memref_slice %arg12[%dma_start3A, %dma_start3A_28] : memref<48x128xf32, #tpu.memory_space<vmem>> -> memref<16x128xf32, #tpu.memory_space<vmem>>
        %dma_start3A_30 = arith.constant 9984 : i32
        %dma_start3A_31 = arith.constant 0 : i32
        %dma_start3A_32 = tpu.memref_slice %arg14[%dma_start3A_30, %dma_start3A_31] : memref<10000x128xf32, #tpu.memory_space<vmem_shared>> -> memref<16x128xf32, #tpu.memory_space<vmem_shared>>
        %dma_start3A_33 = arith.constant 9984 : i32
        %dma_start3A_34 = arith.constant 0 : i32
        %dma_start3A_35 = tpu.memref_slice %arg14[%dma_start3A_33, %dma_start3A_34] : memref<10000x128xf32, #tpu.memory_space<vmem_shared>> -> memref<16x128xf32, #tpu.memory_space<vmem_shared>>
        %dma_start3A_36 = arith.constant 0 : i32
        %dma_start3A_37 = arith.constant 0 : i32
        %dma_start3A_38 = tpu.memref_slice %arg12[%dma_start3A_36, %dma_start3A_37] : memref<48x128xf32, #tpu.memory_space<vmem>> -> memref<16x128xf32, #tpu.memory_space<vmem>>
        tpu.enqueue_dma source(%dma_start3A_38 : memref<16x128xf32, #tpu.memory_space<vmem>>) target(%dma_start3A_35 : memref<16x128xf32, #tpu.memory_space<vmem_shared>>) target_semaphore(%run_scoped3A : memref<!tpu.dma_semaphore, #tpu.memory_space<semaphore_mem>>)
        %dma_wait3A = arith.constant 0 : i32
        %dma_wait3A_39 = arith.constant 0 : i32
        %dma_wait3A_40 = tpu.memref_slice %arg12[%dma_wait3A, %dma_wait3A_39] : memref<48x128xf32, #tpu.memory_space<vmem>> -> memref<16x128xf32, #tpu.memory_space<vmem>>
        %dma_wait3A_41 = arith.constant 9984 : i32
        %dma_wait3A_42 = arith.constant 0 : i32
        %dma_wait3A_43 = tpu.memref_slice %arg14[%dma_wait3A_41, %dma_wait3A_42] : memref<10000x128xf32, #tpu.memory_space<vmem_shared>> -> memref<16x128xf32, #tpu.memory_space<vmem_shared>>
        %dma_wait3A_44 = arith.constant 9984 : i32
        %dma_wait3A_45 = arith.constant 0 : i32
        %dma_wait3A_46 = tpu.memref_slice %arg14[%dma_wait3A_44, %dma_wait3A_45] : memref<10000x128xf32, #tpu.memory_space<vmem_shared>> -> memref<16x128xf32, #tpu.memory_space<vmem_shared>>
        %dma_wait3A_47 = arith.constant 0 : i32
        %dma_wait3A_48 = arith.constant 0 : i32
        %dma_wait3A_49 = tpu.memref_slice %arg12[%dma_wait3A_47, %dma_wait3A_48] : memref<48x128xf32, #tpu.memory_space<vmem>> -> memref<16x128xf32, #tpu.memory_space<vmem>>
        tpu.wait_dma2 semaphore(%run_scoped3A : memref<!tpu.dma_semaphore, #tpu.memory_space<semaphore_mem>>) src(%dma_wait3A_49 : memref<16x128xf32, #tpu.memory_space<vmem>>) dst(%dma_wait3A_46 : memref<16x128xf32, #tpu.memory_space<vmem_shared>>)
        tpu.yield
      }) : () -> ()
    } else {
    }
    %barrier3A = arith.constant 0 : index
    tpu.barrier barrier_id(%barrier3A)
    %scan3A_12 = arith.constant 0 : i32
    %scan3A_13 = arith.constant 5 : i32
    %scan3A_14 = arith.addi %scan3A_12, %scan3A_13 : i32
    %scan3A_15 = arith.constant 1 : i32
    scf.for %scan3A_28 = %scan3A_12 to %scan3A_14 step %scan3A_15  : i32 {
      %mul3A_29 = arith.constant 1 : i32
      %mul3A_30 = arith.muli %scan3A_28, %mul3A_29 : i32
      %add3A_31 = arith.constant 0 : i32
      %add3A_32 = arith.addi %add3A_31, %mul3A_30 : i32
      "tpu.region"() ({
        %run_scoped3A_67 = tpu.sem_alloc : memref<!tpu.dma_semaphore, #tpu.memory_space<semaphore_mem>>
        %dma_start3A_68 = arith.constant 0 : i32
        %dma_start3A_69 = arith.constant 0 : i32
        %dma_start3A_70 = tpu.memref_slice %arg3[%add3A, %add3A_32, %dma_start3A_68, %dma_start3A_69] : memref<32x5x25x80xi32, #tpu.memory_space<hbm>> -> memref<1x1x25x80xi32, #tpu.memory_space<hbm>>
        %dma_start3A_71 = tpu.memref_squeeze %dma_start3A_70 : memref<1x1x25x80xi32, #tpu.memory_space<hbm>> -> memref<25x80xi32, #tpu.memory_space<hbm>>
        %dma_start3A_72 = arith.constant 0 : i32
        %dma_start3A_73 = arith.constant 0 : i32
        %dma_start3A_74 = tpu.memref_slice %arg3[%add3A, %add3A_32, %dma_start3A_72, %dma_start3A_73] : memref<32x5x25x80xi32, #tpu.memory_space<hbm>> -> memref<1x1x25x80xi32, #tpu.memory_space<hbm>>
        %dma_start3A_75 = tpu.memref_squeeze %dma_start3A_74 : memref<1x1x25x80xi32, #tpu.memory_space<hbm>> -> memref<25x80xi32, #tpu.memory_space<hbm>>
        tpu.enqueue_dma source(%dma_start3A_75 : memref<25x80xi32, #tpu.memory_space<hbm>>) target(%arg6 : memref<25x80xi32, #tpu.memory_space<vmem>>) target_semaphore(%run_scoped3A_67 : memref<!tpu.dma_semaphore, #tpu.memory_space<semaphore_mem>>)
        %dma_wait3A_76 = arith.constant 0 : i32
        %dma_wait3A_77 = arith.constant 0 : i32
        %dma_wait3A_78 = tpu.memref_slice %arg3[%add3A, %add3A_32, %dma_wait3A_76, %dma_wait3A_77] : memref<32x5x25x80xi32, #tpu.memory_space<hbm>> -> memref<1x1x25x80xi32, #tpu.memory_space<hbm>>
        %dma_wait3A_79 = tpu.memref_squeeze %dma_wait3A_78 : memref<1x1x25x80xi32, #tpu.memory_space<hbm>> -> memref<25x80xi32, #tpu.memory_space<hbm>>
        %dma_wait3A_80 = arith.constant 0 : i32
        %dma_wait3A_81 = arith.constant 0 : i32
        %dma_wait3A_82 = tpu.memref_slice %arg3[%add3A, %add3A_32, %dma_wait3A_80, %dma_wait3A_81] : memref<32x5x25x80xi32, #tpu.memory_space<hbm>> -> memref<1x1x25x80xi32, #tpu.memory_space<hbm>>
        %dma_wait3A_83 = tpu.memref_squeeze %dma_wait3A_82 : memref<1x1x25x80xi32, #tpu.memory_space<hbm>> -> memref<25x80xi32, #tpu.memory_space<hbm>>
        tpu.wait_dma2 semaphore(%run_scoped3A_67 : memref<!tpu.dma_semaphore, #tpu.memory_space<semaphore_mem>>) src(%dma_wait3A_83 : memref<25x80xi32, #tpu.memory_space<hbm>>) dst(%arg6 : memref<25x80xi32, #tpu.memory_space<vmem>>)
        tpu.yield
      }) : () -> ()
      "tpu.region"() ({
        %run_scoped3A_67 = tpu.sem_alloc : memref<!tpu.dma_semaphore, #tpu.memory_space<semaphore_mem>>
        %dma_start3A_68 = arith.constant 0 : i32
        %dma_start3A_69 = arith.constant 0 : i32
        %dma_start3A_70 = tpu.memref_slice %arg4[%add3A, %add3A_32, %dma_start3A_68, %dma_start3A_69] : memref<32x5x25x80xi32, #tpu.memory_space<hbm>> -> memref<1x1x25x80xi32, #tpu.memory_space<hbm>>
        %dma_start3A_71 = tpu.memref_squeeze %dma_start3A_70 : memref<1x1x25x80xi32, #tpu.memory_space<hbm>> -> memref<25x80xi32, #tpu.memory_space<hbm>>
        %dma_start3A_72 = arith.constant 0 : i32
        %dma_start3A_73 = arith.constant 0 : i32
        %dma_start3A_74 = tpu.memref_slice %arg4[%add3A, %add3A_32, %dma_start3A_72, %dma_start3A_73] : memref<32x5x25x80xi32, #tpu.memory_space<hbm>> -> memref<1x1x25x80xi32, #tpu.memory_space<hbm>>
        %dma_start3A_75 = tpu.memref_squeeze %dma_start3A_74 : memref<1x1x25x80xi32, #tpu.memory_space<hbm>> -> memref<25x80xi32, #tpu.memory_space<hbm>>
        tpu.enqueue_dma source(%dma_start3A_75 : memref<25x80xi32, #tpu.memory_space<hbm>>) target(%arg7 : memref<25x80xi32, #tpu.memory_space<vmem>>) target_semaphore(%run_scoped3A_67 : memref<!tpu.dma_semaphore, #tpu.memory_space<semaphore_mem>>)
        %dma_wait3A_76 = arith.constant 0 : i32
        %dma_wait3A_77 = arith.constant 0 : i32
        %dma_wait3A_78 = tpu.memref_slice %arg4[%add3A, %add3A_32, %dma_wait3A_76, %dma_wait3A_77] : memref<32x5x25x80xi32, #tpu.memory_space<hbm>> -> memref<1x1x25x80xi32, #tpu.memory_space<hbm>>
        %dma_wait3A_79 = tpu.memref_squeeze %dma_wait3A_78 : memref<1x1x25x80xi32, #tpu.memory_space<hbm>> -> memref<25x80xi32, #tpu.memory_space<hbm>>
        %dma_wait3A_80 = arith.constant 0 : i32
        %dma_wait3A_81 = arith.constant 0 : i32
        %dma_wait3A_82 = tpu.memref_slice %arg4[%add3A, %add3A_32, %dma_wait3A_80, %dma_wait3A_81] : memref<32x5x25x80xi32, #tpu.memory_space<hbm>> -> memref<1x1x25x80xi32, #tpu.memory_space<hbm>>
        %dma_wait3A_83 = tpu.memref_squeeze %dma_wait3A_82 : memref<1x1x25x80xi32, #tpu.memory_space<hbm>> -> memref<25x80xi32, #tpu.memory_space<hbm>>
        tpu.wait_dma2 semaphore(%run_scoped3A_67 : memref<!tpu.dma_semaphore, #tpu.memory_space<semaphore_mem>>) src(%dma_wait3A_83 : memref<25x80xi32, #tpu.memory_space<hbm>>) dst(%arg7 : memref<25x80xi32, #tpu.memory_space<vmem>>)
        tpu.yield
      }) : () -> ()
      %run_scoped3A = arith.constant 0 : i32
      "tpu.region"() ({
        %run_scoped3A_67 = tpu.sem_alloc : memref<!tpu.dma_semaphore, #tpu.memory_space<semaphore_mem>>
        %dma_start3A_68 = arith.constant 0 : i32
        %dma_start3A_69 = tpu.memref_slice %arg6[%run_scoped3A, %dma_start3A_68] : memref<25x80xi32, #tpu.memory_space<vmem>> -> memref<1x80xi32, #tpu.memory_space<vmem>>
        %dma_start3A_70 = tpu.memref_squeeze %dma_start3A_69 : memref<1x80xi32, #tpu.memory_space<vmem>> -> memref<80xi32, #tpu.memory_space<vmem>>
        %dma_start3A_71 = arith.constant 0 : i32
        %dma_start3A_72 = arith.constant 0 : i32
        %dma_start3A_73 = tpu.memref_slice %arg2[%dma_start3A_71, %dma_start3A_72] : memref<10000x128xf32, #tpu.memory_space<hbm>> -> memref<10000x128xf32, #tpu.memory_space<hbm>>
        tpu.enqueue_indirect_dma source(%dma_start3A_73 : memref<10000x128xf32, #tpu.memory_space<hbm>>) target(%arg10 : memref<80x128xf32, #tpu.memory_space<vmem>>) offsets(%dma_start3A_70 : memref<80xi32, #tpu.memory_space<vmem>>) semaphore(%run_scoped3A_67 : memref<!tpu.dma_semaphore, #tpu.memory_space<semaphore_mem>>)
        %dma_wait3A_74 = arith.constant 0 : i32
        %dma_wait3A_75 = tpu.memref_slice %arg6[%run_scoped3A, %dma_wait3A_74] : memref<25x80xi32, #tpu.memory_space<vmem>> -> memref<1x80xi32, #tpu.memory_space<vmem>>
        %dma_wait3A_76 = tpu.memref_squeeze %dma_wait3A_75 : memref<1x80xi32, #tpu.memory_space<vmem>> -> memref<80xi32, #tpu.memory_space<vmem>>
        %dma_wait3A_77 = arith.constant 0 : i32
        %dma_wait3A_78 = arith.constant 0 : i32
        %dma_wait3A_79 = tpu.memref_slice %arg2[%dma_wait3A_77, %dma_wait3A_78] : memref<10000x128xf32, #tpu.memory_space<hbm>> -> memref<10000x128xf32, #tpu.memory_space<hbm>>
        tpu.wait_indirect_dma semaphore(%run_scoped3A_67 : memref<!tpu.dma_semaphore, #tpu.memory_space<semaphore_mem>>) src(%dma_wait3A_79 : memref<10000x128xf32, #tpu.memory_space<hbm>>) dst(%arg10 : memref<80x128xf32, #tpu.memory_space<vmem>>)
        tpu.yield
      }) : () -> ()
      %scan3A_33 = arith.constant 0 : i32
      %scan3A_34 = arith.constant 11 : i32
      %scan3A_35 = arith.addi %scan3A_33, %scan3A_34 : i32
      %scan3A_36 = arith.constant 1 : i32
      scf.for %scan3A_67 = %scan3A_33 to %scan3A_35 step %scan3A_36  : i32 {
        %mul3A_68 = arith.constant 1 : i32
        %mul3A_69 = arith.muli %scan3A_67, %mul3A_68 : i32
        %add3A_70 = arith.constant 0 : i32
        %add3A_71 = arith.addi %add3A_70, %mul3A_69 : i32
        %mul3A_72 = arith.constant 2 : i32
        %mul3A_73 = arith.muli %mul3A_72, %add3A_71 : i32
        %dma_start3A_74 = arith.constant 0 : i32
        %dma_start3A_75 = tpu.memref_slice %arg7[%mul3A_73, %dma_start3A_74] : memref<25x80xi32, #tpu.memory_space<vmem>> -> memref<1x80xi32, #tpu.memory_space<vmem>>
        %dma_start3A_76 = tpu.memref_squeeze %dma_start3A_75 : memref<1x80xi32, #tpu.memory_space<vmem>> -> memref<80xi32, #tpu.memory_space<vmem>>
        %dma_start3A_77 = arith.constant 0 : i32
        %dma_start3A_78 = arith.constant 0 : i32
        %dma_start3A_79 = tpu.memref_slice %arg14[%dma_start3A_77, %dma_start3A_78] : memref<10000x128xf32, #tpu.memory_space<vmem_shared>> -> memref<10000x128xf32, #tpu.memory_space<vmem_shared>>
        tpu.enqueue_indirect_dma source(%arg10 : memref<80x128xf32, #tpu.memory_space<vmem>>) target(%dma_start3A_79 : memref<10000x128xf32, #tpu.memory_space<vmem_shared>>) offsets(%dma_start3A_76 : memref<80xi32, #tpu.memory_space<vmem>>) semaphore(%arg15 : memref<!tpu.dma_semaphore, #tpu.memory_space<semaphore_mem>>) {add = true}
        %add3A_80 = arith.constant 1 : i32
        %add3A_81 = arith.addi %mul3A_73, %add3A_80 : i32
        "tpu.region"() ({
          %run_scoped3A_104 = tpu.sem_alloc : memref<!tpu.dma_semaphore, #tpu.memory_space<semaphore_mem>>
          %dma_start3A_105 = arith.constant 0 : i32
          %dma_start3A_106 = tpu.memref_slice %arg6[%add3A_81, %dma_start3A_105] : memref<25x80xi32, #tpu.memory_space<vmem>> -> memref<1x80xi32, #tpu.memory_space<vmem>>
          %dma_start3A_107 = tpu.memref_squeeze %dma_start3A_106 : memref<1x80xi32, #tpu.memory_space<vmem>> -> memref<80xi32, #tpu.memory_space<vmem>>
          %dma_start3A_108 = arith.constant 0 : i32
          %dma_start3A_109 = arith.constant 0 : i32
          %dma_start3A_110 = tpu.memref_slice %arg2[%dma_start3A_108, %dma_start3A_109] : memref<10000x128xf32, #tpu.memory_space<hbm>> -> memref<10000x128xf32, #tpu.memory_space<hbm>>
          tpu.enqueue_indirect_dma source(%dma_start3A_110 : memref<10000x128xf32, #tpu.memory_space<hbm>>) target(%arg11 : memref<80x128xf32, #tpu.memory_space<vmem>>) offsets(%dma_start3A_107 : memref<80xi32, #tpu.memory_space<vmem>>) semaphore(%run_scoped3A_104 : memref<!tpu.dma_semaphore, #tpu.memory_space<semaphore_mem>>)
          %dma_wait3A_111 = arith.constant 0 : i32
          %dma_wait3A_112 = tpu.memref_slice %arg6[%add3A_81, %dma_wait3A_111] : memref<25x80xi32, #tpu.memory_space<vmem>> -> memref<1x80xi32, #tpu.memory_space<vmem>>
          %dma_wait3A_113 = tpu.memref_squeeze %dma_wait3A_112 : memref<1x80xi32, #tpu.memory_space<vmem>> -> memref<80xi32, #tpu.memory_space<vmem>>
          %dma_wait3A_114 = arith.constant 0 : i32
          %dma_wait3A_115 = arith.constant 0 : i32
          %dma_wait3A_116 = tpu.memref_slice %arg2[%dma_wait3A_114, %dma_wait3A_115] : memref<10000x128xf32, #tpu.memory_space<hbm>> -> memref<10000x128xf32, #tpu.memory_space<hbm>>
          tpu.wait_indirect_dma semaphore(%run_scoped3A_104 : memref<!tpu.dma_semaphore, #tpu.memory_space<semaphore_mem>>) src(%dma_wait3A_116 : memref<10000x128xf32, #tpu.memory_space<hbm>>) dst(%arg11 : memref<80x128xf32, #tpu.memory_space<vmem>>)
          tpu.yield
        }) : () -> ()
        %dma_wait3A_82 = arith.constant 0 : i32
        %dma_wait3A_83 = tpu.memref_slice %arg7[%mul3A_73, %dma_wait3A_82] : memref<25x80xi32, #tpu.memory_space<vmem>> -> memref<1x80xi32, #tpu.memory_space<vmem>>
        %dma_wait3A_84 = tpu.memref_squeeze %dma_wait3A_83 : memref<1x80xi32, #tpu.memory_space<vmem>> -> memref<80xi32, #tpu.memory_space<vmem>>
        %dma_wait3A_85 = arith.constant 0 : i32
        %dma_wait3A_86 = arith.constant 0 : i32
        %dma_wait3A_87 = tpu.memref_slice %arg14[%dma_wait3A_85, %dma_wait3A_86] : memref<10000x128xf32, #tpu.memory_space<vmem_shared>> -> memref<10000x128xf32, #tpu.memory_space<vmem_shared>>
        tpu.wait_indirect_dma semaphore(%arg15 : memref<!tpu.dma_semaphore, #tpu.memory_space<semaphore_mem>>) src(%arg10 : memref<80x128xf32, #tpu.memory_space<vmem>>) dst(%dma_wait3A_87 : memref<10000x128xf32, #tpu.memory_space<vmem_shared>>)
        %add3A_88 = arith.constant 1 : i32
        %add3A_89 = arith.addi %mul3A_73, %add3A_88 : i32
        %dma_start3A_90 = arith.constant 0 : i32
        %dma_start3A_91 = tpu.memref_slice %arg7[%add3A_89, %dma_start3A_90] : memref<25x80xi32, #tpu.memory_space<vmem>> -> memref<1x80xi32, #tpu.memory_space<vmem>>
        %dma_start3A_92 = tpu.memref_squeeze %dma_start3A_91 : memref<1x80xi32, #tpu.memory_space<vmem>> -> memref<80xi32, #tpu.memory_space<vmem>>
        %dma_start3A_93 = arith.constant 0 : i32
        %dma_start3A_94 = arith.constant 0 : i32
        %dma_start3A_95 = tpu.memref_slice %arg14[%dma_start3A_93, %dma_start3A_94] : memref<10000x128xf32, #tpu.memory_space<vmem_shared>> -> memref<10000x128xf32, #tpu.memory_space<vmem_shared>>
        tpu.enqueue_indirect_dma source(%arg11 : memref<80x128xf32, #tpu.memory_space<vmem>>) target(%dma_start3A_95 : memref<10000x128xf32, #tpu.memory_space<vmem_shared>>) offsets(%dma_start3A_92 : memref<80xi32, #tpu.memory_space<vmem>>) semaphore(%arg16 : memref<!tpu.dma_semaphore, #tpu.memory_space<semaphore_mem>>) {add = true}
        %add3A_96 = arith.constant 2 : i32
        %add3A_97 = arith.addi %mul3A_73, %add3A_96 : i32
        "tpu.region"() ({
          %run_scoped3A_104 = tpu.sem_alloc : memref<!tpu.dma_semaphore, #tpu.memory_space<semaphore_mem>>
          %dma_start3A_105 = arith.constant 0 : i32
          %dma_start3A_106 = tpu.memref_slice %arg6[%add3A_97, %dma_start3A_105] : memref<25x80xi32, #tpu.memory_space<vmem>> -> memref<1x80xi32, #tpu.memory_space<vmem>>
          %dma_start3A_107 = tpu.memref_squeeze %dma_start3A_106 : memref<1x80xi32, #tpu.memory_space<vmem>> -> memref<80xi32, #tpu.memory_space<vmem>>
          %dma_start3A_108 = arith.constant 0 : i32
          %dma_start3A_109 = arith.constant 0 : i32
          %dma_start3A_110 = tpu.memref_slice %arg2[%dma_start3A_108, %dma_start3A_109] : memref<10000x128xf32, #tpu.memory_space<hbm>> -> memref<10000x128xf32, #tpu.memory_space<hbm>>
          tpu.enqueue_indirect_dma source(%dma_start3A_110 : memref<10000x128xf32, #tpu.memory_space<hbm>>) target(%arg10 : memref<80x128xf32, #tpu.memory_space<vmem>>) offsets(%dma_start3A_107 : memref<80xi32, #tpu.memory_space<vmem>>) semaphore(%run_scoped3A_104 : memref<!tpu.dma_semaphore, #tpu.memory_space<semaphore_mem>>)
          %dma_wait3A_111 = arith.constant 0 : i32
          %dma_wait3A_112 = tpu.memref_slice %arg6[%add3A_97, %dma_wait3A_111] : memref<25x80xi32, #tpu.memory_space<vmem>> -> memref<1x80xi32, #tpu.memory_space<vmem>>
          %dma_wait3A_113 = tpu.memref_squeeze %dma_wait3A_112 : memref<1x80xi32, #tpu.memory_space<vmem>> -> memref<80xi32, #tpu.memory_space<vmem>>
          %dma_wait3A_114 = arith.constant 0 : i32
          %dma_wait3A_115 = arith.constant 0 : i32
          %dma_wait3A_116 = tpu.memref_slice %arg2[%dma_wait3A_114, %dma_wait3A_115] : memref<10000x128xf32, #tpu.memory_space<hbm>> -> memref<10000x128xf32, #tpu.memory_space<hbm>>
          tpu.wait_indirect_dma semaphore(%run_scoped3A_104 : memref<!tpu.dma_semaphore, #tpu.memory_space<semaphore_mem>>) src(%dma_wait3A_116 : memref<10000x128xf32, #tpu.memory_space<hbm>>) dst(%arg10 : memref<80x128xf32, #tpu.memory_space<vmem>>)
          tpu.yield
        }) : () -> ()
        %dma_wait3A_98 = arith.constant 0 : i32
        %dma_wait3A_99 = tpu.memref_slice %arg7[%add3A_89, %dma_wait3A_98] : memref<25x80xi32, #tpu.memory_space<vmem>> -> memref<1x80xi32, #tpu.memory_space<vmem>>
        %dma_wait3A_100 = tpu.memref_squeeze %dma_wait3A_99 : memref<1x80xi32, #tpu.memory_space<vmem>> -> memref<80xi32, #tpu.memory_space<vmem>>
        %dma_wait3A_101 = arith.constant 0 : i32
        %dma_wait3A_102 = arith.constant 0 : i32
        %dma_wait3A_103 = tpu.memref_slice %arg14[%dma_wait3A_101, %dma_wait3A_102] : memref<10000x128xf32, #tpu.memory_space<vmem_shared>> -> memref<10000x128xf32, #tpu.memory_space<vmem_shared>>
        tpu.wait_indirect_dma semaphore(%arg16 : memref<!tpu.dma_semaphore, #tpu.memory_space<semaphore_mem>>) src(%arg11 : memref<80x128xf32, #tpu.memory_space<vmem>>) dst(%dma_wait3A_103 : memref<10000x128xf32, #tpu.memory_space<vmem_shared>>)
      }
      %scan3A_37 = arith.constant 11 : i32
      %dma_start3A = arith.constant 22 : i32
      %dma_start3A_38 = arith.constant 0 : i32
      %dma_start3A_39 = tpu.memref_slice %arg7[%dma_start3A, %dma_start3A_38] : memref<25x80xi32, #tpu.memory_space<vmem>> -> memref<1x80xi32, #tpu.memory_space<vmem>>
      %dma_start3A_40 = tpu.memref_squeeze %dma_start3A_39 : memref<1x80xi32, #tpu.memory_space<vmem>> -> memref<80xi32, #tpu.memory_space<vmem>>
      %dma_start3A_41 = arith.constant 0 : i32
      %dma_start3A_42 = arith.constant 0 : i32
      %dma_start3A_43 = tpu.memref_slice %arg14[%dma_start3A_41, %dma_start3A_42] : memref<10000x128xf32, #tpu.memory_space<vmem_shared>> -> memref<10000x128xf32, #tpu.memory_space<vmem_shared>>
      tpu.enqueue_indirect_dma source(%arg10 : memref<80x128xf32, #tpu.memory_space<vmem>>) target(%dma_start3A_43 : memref<10000x128xf32, #tpu.memory_space<vmem_shared>>) offsets(%dma_start3A_40 : memref<80xi32, #tpu.memory_space<vmem>>) semaphore(%arg15 : memref<!tpu.dma_semaphore, #tpu.memory_space<semaphore_mem>>) {add = true}
      %run_scoped3A_44 = arith.constant 23 : i32
      "tpu.region"() ({
        %run_scoped3A_67 = tpu.sem_alloc : memref<!tpu.dma_semaphore, #tpu.memory_space<semaphore_mem>>
        %dma_start3A_68 = arith.constant 0 : i32
        %dma_start3A_69 = tpu.memref_slice %arg6[%run_scoped3A_44, %dma_start3A_68] : memref<25x80xi32, #tpu.memory_space<vmem>> -> memref<1x80xi32, #tpu.memory_space<vmem>>
        %dma_start3A_70 = tpu.memref_squeeze %dma_start3A_69 : memref<1x80xi32, #tpu.memory_space<vmem>> -> memref<80xi32, #tpu.memory_space<vmem>>
        %dma_start3A_71 = arith.constant 0 : i32
        %dma_start3A_72 = arith.constant 0 : i32
        %dma_start3A_73 = tpu.memref_slice %arg2[%dma_start3A_71, %dma_start3A_72] : memref<10000x128xf32, #tpu.memory_space<hbm>> -> memref<10000x128xf32, #tpu.memory_space<hbm>>
        tpu.enqueue_indirect_dma source(%dma_start3A_73 : memref<10000x128xf32, #tpu.memory_space<hbm>>) target(%arg11 : memref<80x128xf32, #tpu.memory_space<vmem>>) offsets(%dma_start3A_70 : memref<80xi32, #tpu.memory_space<vmem>>) semaphore(%run_scoped3A_67 : memref<!tpu.dma_semaphore, #tpu.memory_space<semaphore_mem>>)
        %dma_wait3A_74 = arith.constant 0 : i32
        %dma_wait3A_75 = tpu.memref_slice %arg6[%run_scoped3A_44, %dma_wait3A_74] : memref<25x80xi32, #tpu.memory_space<vmem>> -> memref<1x80xi32, #tpu.memory_space<vmem>>
        %dma_wait3A_76 = tpu.memref_squeeze %dma_wait3A_75 : memref<1x80xi32, #tpu.memory_space<vmem>> -> memref<80xi32, #tpu.memory_space<vmem>>
        %dma_wait3A_77 = arith.constant 0 : i32
        %dma_wait3A_78 = arith.constant 0 : i32
        %dma_wait3A_79 = tpu.memref_slice %arg2[%dma_wait3A_77, %dma_wait3A_78] : memref<10000x128xf32, #tpu.memory_space<hbm>> -> memref<10000x128xf32, #tpu.memory_space<hbm>>
        tpu.wait_indirect_dma semaphore(%run_scoped3A_67 : memref<!tpu.dma_semaphore, #tpu.memory_space<semaphore_mem>>) src(%dma_wait3A_79 : memref<10000x128xf32, #tpu.memory_space<hbm>>) dst(%arg11 : memref<80x128xf32, #tpu.memory_space<vmem>>)
        tpu.yield
      }) : () -> ()
      %dma_wait3A = arith.constant 22 : i32
      %dma_wait3A_45 = arith.constant 0 : i32
      %dma_wait3A_46 = tpu.memref_slice %arg7[%dma_wait3A, %dma_wait3A_45] : memref<25x80xi32, #tpu.memory_space<vmem>> -> memref<1x80xi32, #tpu.memory_space<vmem>>
      %dma_wait3A_47 = tpu.memref_squeeze %dma_wait3A_46 : memref<1x80xi32, #tpu.memory_space<vmem>> -> memref<80xi32, #tpu.memory_space<vmem>>
      %dma_wait3A_48 = arith.constant 0 : i32
      %dma_wait3A_49 = arith.constant 0 : i32
      %dma_wait3A_50 = tpu.memref_slice %arg14[%dma_wait3A_48, %dma_wait3A_49] : memref<10000x128xf32, #tpu.memory_space<vmem_shared>> -> memref<10000x128xf32, #tpu.memory_space<vmem_shared>>
      tpu.wait_indirect_dma semaphore(%arg15 : memref<!tpu.dma_semaphore, #tpu.memory_space<semaphore_mem>>) src(%arg10 : memref<80x128xf32, #tpu.memory_space<vmem>>) dst(%dma_wait3A_50 : memref<10000x128xf32, #tpu.memory_space<vmem_shared>>)
      %dma_start3A_51 = arith.constant 23 : i32
      %dma_start3A_52 = arith.constant 0 : i32
      %dma_start3A_53 = tpu.memref_slice %arg7[%dma_start3A_51, %dma_start3A_52] : memref<25x80xi32, #tpu.memory_space<vmem>> -> memref<1x80xi32, #tpu.memory_space<vmem>>
      %dma_start3A_54 = tpu.memref_squeeze %dma_start3A_53 : memref<1x80xi32, #tpu.memory_space<vmem>> -> memref<80xi32, #tpu.memory_space<vmem>>
      %dma_start3A_55 = arith.constant 0 : i32
      %dma_start3A_56 = arith.constant 0 : i32
      %dma_start3A_57 = tpu.memref_slice %arg14[%dma_start3A_55, %dma_start3A_56] : memref<10000x128xf32, #tpu.memory_space<vmem_shared>> -> memref<10000x128xf32, #tpu.memory_space<vmem_shared>>
      tpu.enqueue_indirect_dma source(%arg11 : memref<80x128xf32, #tpu.memory_space<vmem>>) target(%dma_start3A_57 : memref<10000x128xf32, #tpu.memory_space<vmem_shared>>) offsets(%dma_start3A_54 : memref<80xi32, #tpu.memory_space<vmem>>) semaphore(%arg16 : memref<!tpu.dma_semaphore, #tpu.memory_space<semaphore_mem>>) {add = true}
      %run_scoped3A_58 = arith.constant 24 : i32
      "tpu.region"() ({
        %run_scoped3A_67 = tpu.sem_alloc : memref<!tpu.dma_semaphore, #tpu.memory_space<semaphore_mem>>
        %dma_start3A_68 = arith.constant 0 : i32
        %dma_start3A_69 = tpu.memref_slice %arg6[%run_scoped3A_58, %dma_start3A_68] : memref<25x80xi32, #tpu.memory_space<vmem>> -> memref<1x80xi32, #tpu.memory_space<vmem>>
        %dma_start3A_70 = tpu.memref_squeeze %dma_start3A_69 : memref<1x80xi32, #tpu.memory_space<vmem>> -> memref<80xi32, #tpu.memory_space<vmem>>
        %dma_start3A_71 = arith.constant 0 : i32
        %dma_start3A_72 = arith.constant 0 : i32
        %dma_start3A_73 = tpu.memref_slice %arg2[%dma_start3A_71, %dma_start3A_72] : memref<10000x128xf32, #tpu.memory_space<hbm>> -> memref<10000x128xf32, #tpu.memory_space<hbm>>
        tpu.enqueue_indirect_dma source(%dma_start3A_73 : memref<10000x128xf32, #tpu.memory_space<hbm>>) target(%arg10 : memref<80x128xf32, #tpu.memory_space<vmem>>) offsets(%dma_start3A_70 : memref<80xi32, #tpu.memory_space<vmem>>) semaphore(%run_scoped3A_67 : memref<!tpu.dma_semaphore, #tpu.memory_space<semaphore_mem>>)
        %dma_wait3A_74 = arith.constant 0 : i32
        %dma_wait3A_75 = tpu.memref_slice %arg6[%run_scoped3A_58, %dma_wait3A_74] : memref<25x80xi32, #tpu.memory_space<vmem>> -> memref<1x80xi32, #tpu.memory_space<vmem>>
        %dma_wait3A_76 = tpu.memref_squeeze %dma_wait3A_75 : memref<1x80xi32, #tpu.memory_space<vmem>> -> memref<80xi32, #tpu.memory_space<vmem>>
        %dma_wait3A_77 = arith.constant 0 : i32
        %dma_wait3A_78 = arith.constant 0 : i32
        %dma_wait3A_79 = tpu.memref_slice %arg2[%dma_wait3A_77, %dma_wait3A_78] : memref<10000x128xf32, #tpu.memory_space<hbm>> -> memref<10000x128xf32, #tpu.memory_space<hbm>>
        tpu.wait_indirect_dma semaphore(%run_scoped3A_67 : memref<!tpu.dma_semaphore, #tpu.memory_space<semaphore_mem>>) src(%dma_wait3A_79 : memref<10000x128xf32, #tpu.memory_space<hbm>>) dst(%arg10 : memref<80x128xf32, #tpu.memory_space<vmem>>)
        tpu.yield
      }) : () -> ()
      %dma_wait3A_59 = arith.constant 23 : i32
      %dma_wait3A_60 = arith.constant 0 : i32
      %dma_wait3A_61 = tpu.memref_slice %arg7[%dma_wait3A_59, %dma_wait3A_60] : memref<25x80xi32, #tpu.memory_space<vmem>> -> memref<1x80xi32, #tpu.memory_space<vmem>>
      %dma_wait3A_62 = tpu.memref_squeeze %dma_wait3A_61 : memref<1x80xi32, #tpu.memory_space<vmem>> -> memref<80xi32, #tpu.memory_space<vmem>>
      %dma_wait3A_63 = arith.constant 0 : i32
      %dma_wait3A_64 = arith.constant 0 : i32
      %dma_wait3A_65 = tpu.memref_slice %arg14[%dma_wait3A_63, %dma_wait3A_64] : memref<10000x128xf32, #tpu.memory_space<vmem_shared>> -> memref<10000x128xf32, #tpu.memory_space<vmem_shared>>
      tpu.wait_indirect_dma semaphore(%arg16 : memref<!tpu.dma_semaphore, #tpu.memory_space<semaphore_mem>>) src(%arg11 : memref<80x128xf32, #tpu.memory_space<vmem>>) dst(%dma_wait3A_65 : memref<10000x128xf32, #tpu.memory_space<vmem_shared>>)
      %run_scoped3A_66 = arith.constant 24 : i32
      "tpu.region"() ({
        %run_scoped3A_67 = tpu.sem_alloc : memref<!tpu.dma_semaphore, #tpu.memory_space<semaphore_mem>>
        %dma_start3A_68 = arith.constant 0 : i32
        %dma_start3A_69 = tpu.memref_slice %arg7[%run_scoped3A_66, %dma_start3A_68] : memref<25x80xi32, #tpu.memory_space<vmem>> -> memref<1x80xi32, #tpu.memory_space<vmem>>
        %dma_start3A_70 = tpu.memref_squeeze %dma_start3A_69 : memref<1x80xi32, #tpu.memory_space<vmem>> -> memref<80xi32, #tpu.memory_space<vmem>>
        %dma_start3A_71 = arith.constant 0 : i32
        %dma_start3A_72 = arith.constant 0 : i32
        %dma_start3A_73 = tpu.memref_slice %arg14[%dma_start3A_71, %dma_start3A_72] : memref<10000x128xf32, #tpu.memory_space<vmem_shared>> -> memref<10000x128xf32, #tpu.memory_space<vmem_shared>>
        tpu.enqueue_indirect_dma source(%arg10 : memref<80x128xf32, #tpu.memory_space<vmem>>) target(%dma_start3A_73 : memref<10000x128xf32, #tpu.memory_space<vmem_shared>>) offsets(%dma_start3A_70 : memref<80xi32, #tpu.memory_space<vmem>>) semaphore(%run_scoped3A_67 : memref<!tpu.dma_semaphore, #tpu.memory_space<semaphore_mem>>) {add = true}
        %dma_wait3A_74 = arith.constant 0 : i32
        %dma_wait3A_75 = tpu.memref_slice %arg7[%run_scoped3A_66, %dma_wait3A_74] : memref<25x80xi32, #tpu.memory_space<vmem>> -> memref<1x80xi32, #tpu.memory_space<vmem>>
        %dma_wait3A_76 = tpu.memref_squeeze %dma_wait3A_75 : memref<1x80xi32, #tpu.memory_space<vmem>> -> memref<80xi32, #tpu.memory_space<vmem>>
        %dma_wait3A_77 = arith.constant 0 : i32
        %dma_wait3A_78 = arith.constant 0 : i32
        %dma_wait3A_79 = tpu.memref_slice %arg14[%dma_wait3A_77, %dma_wait3A_78] : memref<10000x128xf32, #tpu.memory_space<vmem_shared>> -> memref<10000x128xf32, #tpu.memory_space<vmem_shared>>
        tpu.wait_indirect_dma semaphore(%run_scoped3A_67 : memref<!tpu.dma_semaphore, #tpu.memory_space<semaphore_mem>>) src(%arg10 : memref<80x128xf32, #tpu.memory_space<vmem>>) dst(%dma_wait3A_79 : memref<10000x128xf32, #tpu.memory_space<vmem_shared>>)
        tpu.yield
      }) : () -> ()
    }
    %scan3A_16 = arith.constant 5 : i32
    %barrier3A_17 = arith.constant 0 : index
    tpu.barrier barrier_id(%barrier3A_17)
    %scan3A_18 = arith.constant 0 : i32
    %scan3A_19 = arith.constant 13 : i32
    %scan3A_20 = arith.addi %scan3A_18, %scan3A_19 : i32
    %scan3A_21 = arith.constant 1 : i32
    scf.for %scan3A_28 = %scan3A_18 to %scan3A_20 step %scan3A_21  : i32 {
      %mul3A_29 = arith.constant 1 : i32
      %mul3A_30 = arith.muli %scan3A_28, %mul3A_29 : i32
      %add3A_31 = arith.constant 0 : i32
      %add3A_32 = arith.addi %add3A_31, %mul3A_30 : i32
      %mul3A_33 = arith.constant 624 : i32
      %mul3A_34 = arith.muli %arg1, %mul3A_33 : i32
      %mul3A_35 = arith.constant 48 : i32
      %mul3A_36 = arith.muli %add3A_32, %mul3A_35 : i32
      %add3A_37 = arith.addi %mul3A_34, %mul3A_36 : i32
      "tpu.region"() ({
        %run_scoped3A = tpu.sem_alloc : memref<!tpu.dma_semaphore, #tpu.memory_space<semaphore_mem>>
        %dma_start3A = arith.constant 0 : i32
        %dma_start3A_38 = tpu.memref_slice %arg14[%add3A_37, %dma_start3A] : memref<10000x128xf32, #tpu.memory_space<vmem_shared>> -> memref<48x128xf32, #tpu.memory_space<vmem_shared>>
        %dma_start3A_39 = arith.constant 0 : i32
        %dma_start3A_40 = tpu.memref_slice %arg14[%add3A_37, %dma_start3A_39] : memref<10000x128xf32, #tpu.memory_space<vmem_shared>> -> memref<48x128xf32, #tpu.memory_space<vmem_shared>>
        tpu.enqueue_dma source(%dma_start3A_40 : memref<48x128xf32, #tpu.memory_space<vmem_shared>>) target(%arg12 : memref<48x128xf32, #tpu.memory_space<vmem>>) target_semaphore(%run_scoped3A : memref<!tpu.dma_semaphore, #tpu.memory_space<semaphore_mem>>)
        %dma_wait3A = arith.constant 0 : i32
        %dma_wait3A_41 = tpu.memref_slice %arg14[%add3A_37, %dma_wait3A] : memref<10000x128xf32, #tpu.memory_space<vmem_shared>> -> memref<48x128xf32, #tpu.memory_space<vmem_shared>>
        %dma_wait3A_42 = arith.constant 0 : i32
        %dma_wait3A_43 = tpu.memref_slice %arg14[%add3A_37, %dma_wait3A_42] : memref<10000x128xf32, #tpu.memory_space<vmem_shared>> -> memref<48x128xf32, #tpu.memory_space<vmem_shared>>
        tpu.wait_dma2 semaphore(%run_scoped3A : memref<!tpu.dma_semaphore, #tpu.memory_space<semaphore_mem>>) src(%dma_wait3A_43 : memref<48x128xf32, #tpu.memory_space<vmem_shared>>) dst(%arg12 : memref<48x128xf32, #tpu.memory_space<vmem>>)
        tpu.yield
      }) : () -> ()
      "tpu.region"() ({
        %run_scoped3A = tpu.sem_alloc : memref<!tpu.dma_semaphore, #tpu.memory_space<semaphore_mem>>
        %dma_start3A = arith.constant 0 : i32
        %dma_start3A_38 = tpu.memref_slice %arg5[%arg0, %add3A_37, %dma_start3A] : memref<2x10000x128xf32, #tpu.memory_space<hbm>> -> memref<1x48x128xf32, #tpu.memory_space<hbm>>
        %dma_start3A_39 = tpu.memref_squeeze %dma_start3A_38 : memref<1x48x128xf32, #tpu.memory_space<hbm>> -> memref<48x128xf32, #tpu.memory_space<hbm>>
        %dma_start3A_40 = arith.constant 0 : i32
        %dma_start3A_41 = tpu.memref_slice %arg5[%arg0, %add3A_37, %dma_start3A_40] : memref<2x10000x128xf32, #tpu.memory_space<hbm>> -> memref<1x48x128xf32, #tpu.memory_space<hbm>>
        %dma_start3A_42 = tpu.memref_squeeze %dma_start3A_41 : memref<1x48x128xf32, #tpu.memory_space<hbm>> -> memref<48x128xf32, #tpu.memory_space<hbm>>
        tpu.enqueue_dma source(%arg12 : memref<48x128xf32, #tpu.memory_space<vmem>>) target(%dma_start3A_42 : memref<48x128xf32, #tpu.memory_space<hbm>>) target_semaphore(%run_scoped3A : memref<!tpu.dma_semaphore, #tpu.memory_space<semaphore_mem>>)
        %dma_wait3A = arith.constant 0 : i32
        %dma_wait3A_43 = tpu.memref_slice %arg5[%arg0, %add3A_37, %dma_wait3A] : memref<2x10000x128xf32, #tpu.memory_space<hbm>> -> memref<1x48x128xf32, #tpu.memory_space<hbm>>
        %dma_wait3A_44 = tpu.memref_squeeze %dma_wait3A_43 : memref<1x48x128xf32, #tpu.memory_space<hbm>> -> memref<48x128xf32, #tpu.memory_space<hbm>>
        %dma_wait3A_45 = arith.constant 0 : i32
        %dma_wait3A_46 = tpu.memref_slice %arg5[%arg0, %add3A_37, %dma_wait3A_45] : memref<2x10000x128xf32, #tpu.memory_space<hbm>> -> memref<1x48x128xf32, #tpu.memory_space<hbm>>
        %dma_wait3A_47 = tpu.memref_squeeze %dma_wait3A_46 : memref<1x48x128xf32, #tpu.memory_space<hbm>> -> memref<48x128xf32, #tpu.memory_space<hbm>>
        tpu.wait_dma2 semaphore(%run_scoped3A : memref<!tpu.dma_semaphore, #tpu.memory_space<semaphore_mem>>) src(%arg12 : memref<48x128xf32, #tpu.memory_space<vmem>>) dst(%dma_wait3A_47 : memref<48x128xf32, #tpu.memory_space<hbm>>)
        tpu.yield
      }) : () -> ()
    }
    %scan3A_22 = arith.constant 13 : i32
    %eq3A_23 = arith.constant 15 : i32
    %eq3A_24 = arith.cmpi eq, %arg1, %eq3A_23 : i32
    %convert_element_type3A_25 = arith.extui %eq3A_24 : i1 to i32
    %cond3A_26 = arith.constant 0 : i32
    %cond3A_27 = arith.cmpi ne, %convert_element_type3A_25, %cond3A_26 : i32
    scf.if %cond3A_27 {
      "tpu.region"() ({
        %run_scoped3A = tpu.sem_alloc : memref<!tpu.dma_semaphore, #tpu.memory_space<semaphore_mem>>
        %dma_start3A = arith.constant 0 : i32
        %dma_start3A_28 = arith.constant 0 : i32
        %dma_start3A_29 = tpu.memref_slice %arg12[%dma_start3A, %dma_start3A_28] : memref<48x128xf32, #tpu.memory_space<vmem>> -> memref<16x128xf32, #tpu.memory_space<vmem>>
        %dma_start3A_30 = arith.constant 9984 : i32
        %dma_start3A_31 = arith.constant 0 : i32
        %dma_start3A_32 = tpu.memref_slice %arg14[%dma_start3A_30, %dma_start3A_31] : memref<10000x128xf32, #tpu.memory_space<vmem_shared>> -> memref<16x128xf32, #tpu.memory_space<vmem_shared>>
        %dma_start3A_33 = arith.constant 0 : i32
        %dma_start3A_34 = arith.constant 0 : i32
        %dma_start3A_35 = tpu.memref_slice %arg12[%dma_start3A_33, %dma_start3A_34] : memref<48x128xf32, #tpu.memory_space<vmem>> -> memref<16x128xf32, #tpu.memory_space<vmem>>
        %dma_start3A_36 = arith.constant 9984 : i32
        %dma_start3A_37 = arith.constant 0 : i32
        %dma_start3A_38 = tpu.memref_slice %arg14[%dma_start3A_36, %dma_start3A_37] : memref<10000x128xf32, #tpu.memory_space<vmem_shared>> -> memref<16x128xf32, #tpu.memory_space<vmem_shared>>
        tpu.enqueue_dma source(%dma_start3A_38 : memref<16x128xf32, #tpu.memory_space<vmem_shared>>) target(%dma_start3A_35 : memref<16x128xf32, #tpu.memory_space<vmem>>) target_semaphore(%run_scoped3A : memref<!tpu.dma_semaphore, #tpu.memory_space<semaphore_mem>>)
        %dma_wait3A = arith.constant 0 : i32
        %dma_wait3A_39 = arith.constant 0 : i32
        %dma_wait3A_40 = tpu.memref_slice %arg12[%dma_wait3A, %dma_wait3A_39] : memref<48x128xf32, #tpu.memory_space<vmem>> -> memref<16x128xf32, #tpu.memory_space<vmem>>
        %dma_wait3A_41 = arith.constant 9984 : i32
        %dma_wait3A_42 = arith.constant 0 : i32
        %dma_wait3A_43 = tpu.memref_slice %arg14[%dma_wait3A_41, %dma_wait3A_42] : memref<10000x128xf32, #tpu.memory_space<vmem_shared>> -> memref<16x128xf32, #tpu.memory_space<vmem_shared>>
        %dma_wait3A_44 = arith.constant 0 : i32
        %dma_wait3A_45 = arith.constant 0 : i32
        %dma_wait3A_46 = tpu.memref_slice %arg12[%dma_wait3A_44, %dma_wait3A_45] : memref<48x128xf32, #tpu.memory_space<vmem>> -> memref<16x128xf32, #tpu.memory_space<vmem>>
        %dma_wait3A_47 = arith.constant 9984 : i32
        %dma_wait3A_48 = arith.constant 0 : i32
        %dma_wait3A_49 = tpu.memref_slice %arg14[%dma_wait3A_47, %dma_wait3A_48] : memref<10000x128xf32, #tpu.memory_space<vmem_shared>> -> memref<16x128xf32, #tpu.memory_space<vmem_shared>>
        tpu.wait_dma2 semaphore(%run_scoped3A : memref<!tpu.dma_semaphore, #tpu.memory_space<semaphore_mem>>) src(%dma_wait3A_49 : memref<16x128xf32, #tpu.memory_space<vmem_shared>>) dst(%dma_wait3A_46 : memref<16x128xf32, #tpu.memory_space<vmem>>)
        tpu.yield
      }) : () -> ()
      "tpu.region"() ({
        %run_scoped3A = tpu.sem_alloc : memref<!tpu.dma_semaphore, #tpu.memory_space<semaphore_mem>>
        %dma_start3A = arith.constant 0 : i32
        %dma_start3A_28 = arith.constant 0 : i32
        %dma_start3A_29 = tpu.memref_slice %arg12[%dma_start3A, %dma_start3A_28] : memref<48x128xf32, #tpu.memory_space<vmem>> -> memref<16x128xf32, #tpu.memory_space<vmem>>
        %dma_start3A_30 = arith.constant 9984 : i32
        %dma_start3A_31 = arith.constant 0 : i32
        %dma_start3A_32 = tpu.memref_slice %arg5[%arg0, %dma_start3A_30, %dma_start3A_31] : memref<2x10000x128xf32, #tpu.memory_space<hbm>> -> memref<1x16x128xf32, #tpu.memory_space<hbm>>
        %dma_start3A_33 = tpu.memref_squeeze %dma_start3A_32 : memref<1x16x128xf32, #tpu.memory_space<hbm>> -> memref<16x128xf32, #tpu.memory_space<hbm>>
        %dma_start3A_34 = arith.constant 9984 : i32
        %dma_start3A_35 = arith.constant 0 : i32
        %dma_start3A_36 = tpu.memref_slice %arg5[%arg0, %dma_start3A_34, %dma_start3A_35] : memref<2x10000x128xf32, #tpu.memory_space<hbm>> -> memref<1x16x128xf32, #tpu.memory_space<hbm>>
        %dma_start3A_37 = tpu.memref_squeeze %dma_start3A_36 : memref<1x16x128xf32, #tpu.memory_space<hbm>> -> memref<16x128xf32, #tpu.memory_space<hbm>>
        %dma_start3A_38 = arith.constant 0 : i32
        %dma_start3A_39 = arith.constant 0 : i32
        %dma_start3A_40 = tpu.memref_slice %arg12[%dma_start3A_38, %dma_start3A_39] : memref<48x128xf32, #tpu.memory_space<vmem>> -> memref<16x128xf32, #tpu.memory_space<vmem>>
        tpu.enqueue_dma source(%dma_start3A_40 : memref<16x128xf32, #tpu.memory_space<vmem>>) target(%dma_start3A_37 : memref<16x128xf32, #tpu.memory_space<hbm>>) target_semaphore(%run_scoped3A : memref<!tpu.dma_semaphore, #tpu.memory_space<semaphore_mem>>)
        %dma_wait3A = arith.constant 0 : i32
        %dma_wait3A_41 = arith.constant 0 : i32
        %dma_wait3A_42 = tpu.memref_slice %arg12[%dma_wait3A, %dma_wait3A_41] : memref<48x128xf32, #tpu.memory_space<vmem>> -> memref<16x128xf32, #tpu.memory_space<vmem>>
        %dma_wait3A_43 = arith.constant 9984 : i32
        %dma_wait3A_44 = arith.constant 0 : i32
        %dma_wait3A_45 = tpu.memref_slice %arg5[%arg0, %dma_wait3A_43, %dma_wait3A_44] : memref<2x10000x128xf32, #tpu.memory_space<hbm>> -> memref<1x16x128xf32, #tpu.memory_space<hbm>>
        %dma_wait3A_46 = tpu.memref_squeeze %dma_wait3A_45 : memref<1x16x128xf32, #tpu.memory_space<hbm>> -> memref<16x128xf32, #tpu.memory_space<hbm>>
        %dma_wait3A_47 = arith.constant 9984 : i32
        %dma_wait3A_48 = arith.constant 0 : i32
        %dma_wait3A_49 = tpu.memref_slice %arg5[%arg0, %dma_wait3A_47, %dma_wait3A_48] : memref<2x10000x128xf32, #tpu.memory_space<hbm>> -> memref<1x16x128xf32, #tpu.memory_space<hbm>>
        %dma_wait3A_50 = tpu.memref_squeeze %dma_wait3A_49 : memref<1x16x128xf32, #tpu.memory_space<hbm>> -> memref<16x128xf32, #tpu.memory_space<hbm>>
        %dma_wait3A_51 = arith.constant 0 : i32
        %dma_wait3A_52 = arith.constant 0 : i32
        %dma_wait3A_53 = tpu.memref_slice %arg12[%dma_wait3A_51, %dma_wait3A_52] : memref<48x128xf32, #tpu.memory_space<vmem>> -> memref<16x128xf32, #tpu.memory_space<vmem>>
        tpu.wait_dma2 semaphore(%run_scoped3A : memref<!tpu.dma_semaphore, #tpu.memory_space<semaphore_mem>>) src(%dma_wait3A_53 : memref<16x128xf32, #tpu.memory_space<vmem>>) dst(%dma_wait3A_50 : memref<16x128xf32, #tpu.memory_space<hbm>>)
        tpu.yield
      }) : () -> ()
    } else {
    }
    return
  }
}

#map = affine_map<(d0, d1) -> (0, 0)>
#map1 = affine_map<(d0, d1) -> (0, 0, 0, 0)>
#map2 = affine_map<(d0, d1) -> (0, 0, 0)>
module attributes {stable_mosaic.version = 14 : i64} {
  func.func @_edge_kernel(%arg0: i32, %arg1: i32, %arg2: memref<10000x128xf32, #tpu.memory_space<hbm>>, %arg3: memref<32x5x25x80xi32, #tpu.memory_space<hbm>>, %arg4: memref<32x5x25x80xi32, #tpu.memory_space<hbm>>, %arg5: memref<2x10000x128xf32, #tpu.memory_space<hbm>>, %arg6: memref<25x80xi32, #tpu.memory_space<vmem>>, %arg7: memref<25x80xi32, #tpu.memory_space<vmem>>, %arg8: memref<25x80xi32, #tpu.memory_space<vmem>>, %arg9: memref<25x80xi32, #tpu.memory_space<vmem>>, %arg10: memref<80x128xf32, #tpu.memory_space<vmem>>, %arg11: memref<80x128xf32, #tpu.memory_space<vmem>>, %arg12: memref<48x128xf32, #tpu.memory_space<vmem>>, %arg13: memref<48x128xf32, #tpu.memory_space<vmem>>, %arg14: memref<10000x128xf32, #tpu.memory_space<vmem_shared>>, %arg15: memref<!tpu.dma_semaphore, #tpu.memory_space<semaphore_mem>>, %arg16: memref<!tpu.dma_semaphore, #tpu.memory_space<semaphore_mem>>, %arg17: memref<!tpu.dma_semaphore, #tpu.memory_space<semaphore_mem>>, %arg18: memref<!tpu.dma_semaphore, #tpu.memory_space<semaphore_mem>>) attributes {dimension_semantics = [#tpu.dimension_semantics<core_parallel>, #tpu.dimension_semantics<subcore_parallel>], iteration_bounds = array<i64: 2, 16>, scalar_prefetch = 0 : i64, scratch_operands = 13 : i64, tpu.core_type = #tpu.core_type<sc_vector_subcore>, window_params = [{transform_indices = #map}, {transform_indices = #map1}, {transform_indices = #map1}, {transform_indices = #map2}]} {
    %mul3A = arith.constant 16 : i32
    %mul3A_0 = arith.muli %arg0, %mul3A : i32
    %add3A = arith.addi %mul3A_0, %arg1 : i32
    %scan3A = arith.constant 0 : i32
    %scan3A_1 = arith.constant 48 : i32
    %scan3A_2 = arith.addi %scan3A, %scan3A_1 : i32
    %scan3A_3 = arith.constant 1 : i32
    scf.for %scan3A_28 = %scan3A to %scan3A_2 step %scan3A_3  : i32 {
      %mul3A_29 = arith.constant 1 : i32
      %mul3A_30 = arith.muli %scan3A_28, %mul3A_29 : i32
      %add3A_31 = arith.constant 0 : i32
      %add3A_32 = arith.addi %add3A_31, %mul3A_30 : i32
      %scan3A_33 = arith.constant 0 : i32
      %scan3A_34 = arith.constant 8 : i32
      %scan3A_35 = arith.addi %scan3A_33, %scan3A_34 : i32
      %scan3A_36 = arith.constant 1 : i32
      scf.for %scan3A_38 = %scan3A_33 to %scan3A_35 step %scan3A_36  : i32 {
        %mul3A_39 = arith.constant 16 : i32
        %mul3A_40 = arith.muli %scan3A_38, %mul3A_39 : i32
        %add3A_41 = arith.constant 0 : i32
        %add3A_42 = arith.addi %add3A_41, %mul3A_40 : i32
        %broadcast_in_dim3A = arith.constant 0.000000e+00 : f32
        %broadcast_in_dim3A_43 = vector.broadcast %broadcast_in_dim3A : f32 to vector<16xf32>
        %swap3A = arith.index_cast %add3A_32 : i32 to index
        %swap3A_44 = arith.index_cast %add3A_42 : i32 to index
        %swap3A_45 = tpu.vector_load %arg12[%swap3A, %swap3A_44] {strides = array<i32>} : memref<48x128xf32, #tpu.memory_space<vmem>>, vector<1x16xf32>,
        %swap3A_46 = vector.shape_cast %swap3A_45 : vector<1x16xf32> to vector<16xf32>
        %swap3A_47 = vector.shape_cast %broadcast_in_dim3A_43 : vector<16xf32> to vector<1x16xf32>
        tpu.vector_store %arg12[%swap3A, %swap3A_44], %swap3A_47 {strides = array<i32>} : memref<48x128xf32, #tpu.memory_space<vmem>>, vector<1x16xf32>,
      }
      %scan3A_37 = arith.constant 8 : i32
    }
    %scan3A_4 = arith.constant 48 : i32
    %scan3A_5 = arith.constant 0 : i32
    %scan3A_6 = arith.constant 13 : i32
    %scan3A_7 = arith.addi %scan3A_5, %scan3A_6 : i32
    %scan3A_8 = arith.constant 1 : i32
    scf.for %scan3A_28 = %scan3A_5 to %scan3A_7 step %scan3A_8  : i32 {
      %mul3A_29 = arith.constant 1 : i32
      %mul3A_30 = arith.muli %scan3A_28, %mul3A_29 : i32
      %add3A_31 = arith.constant 0 : i32
      %add3A_32 = arith.addi %add3A_31, %mul3A_30 : i32
      %mul3A_33 = arith.constant 624 : i32
      %mul3A_34 = arith.muli %arg1, %mul3A_33 : i32
      %mul3A_35 = arith.constant 48 : i32
      %mul3A_36 = arith.muli %add3A_32, %mul3A_35 : i32
      %add3A_37 = arith.addi %mul3A_34, %mul3A_36 : i32
      "tpu.region"() ({
        %run_scoped3A = tpu.sem_alloc : memref<!tpu.dma_semaphore, #tpu.memory_space<semaphore_mem>>
        %dma_start3A = arith.constant 0 : i32
        %dma_start3A_38 = tpu.memref_slice %arg14[%add3A_37, %dma_start3A] : memref<10000x128xf32, #tpu.memory_space<vmem_shared>> -> memref<48x128xf32, #tpu.memory_space<vmem_shared>>
        %dma_start3A_39 = arith.constant 0 : i32
        %dma_start3A_40 = tpu.memref_slice %arg14[%add3A_37, %dma_start3A_39] : memref<10000x128xf32, #tpu.memory_space<vmem_shared>> -> memref<48x128xf32, #tpu.memory_space<vmem_shared>>
        tpu.enqueue_dma source(%arg12 : memref<48x128xf32, #tpu.memory_space<vmem>>) target(%dma_start3A_40 : memref<48x128xf32, #tpu.memory_space<vmem_shared>>) target_semaphore(%run_scoped3A : memref<!tpu.dma_semaphore, #tpu.memory_space<semaphore_mem>>)
        %dma_wait3A = arith.constant 0 : i32
        %dma_wait3A_41 = tpu.memref_slice %arg14[%add3A_37, %dma_wait3A] : memref<10000x128xf32, #tpu.memory_space<vmem_shared>> -> memref<48x128xf32, #tpu.memory_space<vmem_shared>>
        %dma_wait3A_42 = arith.constant 0 : i32
        %dma_wait3A_43 = tpu.memref_slice %arg14[%add3A_37, %dma_wait3A_42] : memref<10000x128xf32, #tpu.memory_space<vmem_shared>> -> memref<48x128xf32, #tpu.memory_space<vmem_shared>>
        tpu.wait_dma2 semaphore(%run_scoped3A : memref<!tpu.dma_semaphore, #tpu.memory_space<semaphore_mem>>) src(%arg12 : memref<48x128xf32, #tpu.memory_space<vmem>>) dst(%dma_wait3A_43 : memref<48x128xf32, #tpu.memory_space<vmem_shared>>)
        tpu.yield
      }) : () -> ()
    }
    %scan3A_9 = arith.constant 13 : i32
    %eq3A = arith.constant 15 : i32
    %eq3A_10 = arith.cmpi eq, %arg1, %eq3A : i32
    %convert_element_type3A = arith.extui %eq3A_10 : i1 to i32
    %cond3A = arith.constant 0 : i32
    %cond3A_11 = arith.cmpi ne, %convert_element_type3A, %cond3A : i32
    scf.if %cond3A_11 {
      "tpu.region"() ({
        %run_scoped3A = tpu.sem_alloc : memref<!tpu.dma_semaphore, #tpu.memory_space<semaphore_mem>>
        %dma_start3A = arith.constant 0 : i32
        %dma_start3A_28 = arith.constant 0 : i32
        %dma_start3A_29 = tpu.memref_slice %arg12[%dma_start3A, %dma_start3A_28] : memref<48x128xf32, #tpu.memory_space<vmem>> -> memref<16x128xf32, #tpu.memory_space<vmem>>
        %dma_start3A_30 = arith.constant 9984 : i32
        %dma_start3A_31 = arith.constant 0 : i32
        %dma_start3A_32 = tpu.memref_slice %arg14[%dma_start3A_30, %dma_start3A_31] : memref<10000x128xf32, #tpu.memory_space<vmem_shared>> -> memref<16x128xf32, #tpu.memory_space<vmem_shared>>
        %dma_start3A_33 = arith.constant 9984 : i32
        %dma_start3A_34 = arith.constant 0 : i32
        %dma_start3A_35 = tpu.memref_slice %arg14[%dma_start3A_33, %dma_start3A_34] : memref<10000x128xf32, #tpu.memory_space<vmem_shared>> -> memref<16x128xf32, #tpu.memory_space<vmem_shared>>
        %dma_start3A_36 = arith.constant 0 : i32
        %dma_start3A_37 = arith.constant 0 : i32
        %dma_start3A_38 = tpu.memref_slice %arg12[%dma_start3A_36, %dma_start3A_37] : memref<48x128xf32, #tpu.memory_space<vmem>> -> memref<16x128xf32, #tpu.memory_space<vmem>>
        tpu.enqueue_dma source(%dma_start3A_38 : memref<16x128xf32, #tpu.memory_space<vmem>>) target(%dma_start3A_35 : memref<16x128xf32, #tpu.memory_space<vmem_shared>>) target_semaphore(%run_scoped3A : memref<!tpu.dma_semaphore, #tpu.memory_space<semaphore_mem>>)
        %dma_wait3A = arith.constant 0 : i32
        %dma_wait3A_39 = arith.constant 0 : i32
        %dma_wait3A_40 = tpu.memref_slice %arg12[%dma_wait3A, %dma_wait3A_39] : memref<48x128xf32, #tpu.memory_space<vmem>> -> memref<16x128xf32, #tpu.memory_space<vmem>>
        %dma_wait3A_41 = arith.constant 9984 : i32
        %dma_wait3A_42 = arith.constant 0 : i32
        %dma_wait3A_43 = tpu.memref_slice %arg14[%dma_wait3A_41, %dma_wait3A_42] : memref<10000x128xf32, #tpu.memory_space<vmem_shared>> -> memref<16x128xf32, #tpu.memory_space<vmem_shared>>
        %dma_wait3A_44 = arith.constant 9984 : i32
        %dma_wait3A_45 = arith.constant 0 : i32
        %dma_wait3A_46 = tpu.memref_slice %arg14[%dma_wait3A_44, %dma_wait3A_45] : memref<10000x128xf32, #tpu.memory_space<vmem_shared>> -> memref<16x128xf32, #tpu.memory_space<vmem_shared>>
        %dma_wait3A_47 = arith.constant 0 : i32
        %dma_wait3A_48 = arith.constant 0 : i32
        %dma_wait3A_49 = tpu.memref_slice %arg12[%dma_wait3A_47, %dma_wait3A_48] : memref<48x128xf32, #tpu.memory_space<vmem>> -> memref<16x128xf32, #tpu.memory_space<vmem>>
        tpu.wait_dma2 semaphore(%run_scoped3A : memref<!tpu.dma_semaphore, #tpu.memory_space<semaphore_mem>>) src(%dma_wait3A_49 : memref<16x128xf32, #tpu.memory_space<vmem>>) dst(%dma_wait3A_46 : memref<16x128xf32, #tpu.memory_space<vmem_shared>>)
        tpu.yield
      }) : () -> ()
    } else {
    }
    %barrier3A = arith.constant 0 : index
    tpu.barrier barrier_id(%barrier3A)
    %scan3A_12 = arith.constant 0 : i32
    %scan3A_13 = arith.constant 5 : i32
    %scan3A_14 = arith.addi %scan3A_12, %scan3A_13 : i32
    %scan3A_15 = arith.constant 1 : i32
    scf.for %scan3A_28 = %scan3A_12 to %scan3A_14 step %scan3A_15  : i32 {
      %mul3A_29 = arith.constant 1 : i32
      %mul3A_30 = arith.muli %scan3A_28, %mul3A_29 : i32
      %add3A_31 = arith.constant 0 : i32
      %add3A_32 = arith.addi %add3A_31, %mul3A_30 : i32
      "tpu.region"() ({
        %run_scoped3A_67 = tpu.sem_alloc : memref<!tpu.dma_semaphore, #tpu.memory_space<semaphore_mem>>
        %dma_start3A_68 = arith.constant 0 : i32
        %dma_start3A_69 = arith.constant 0 : i32
        %dma_start3A_70 = tpu.memref_slice %arg3[%add3A, %add3A_32, %dma_start3A_68, %dma_start3A_69] : memref<32x5x25x80xi32, #tpu.memory_space<hbm>> -> memref<1x1x25x80xi32, #tpu.memory_space<hbm>>
        %dma_start3A_71 = tpu.memref_squeeze %dma_start3A_70 : memref<1x1x25x80xi32, #tpu.memory_space<hbm>> -> memref<25x80xi32, #tpu.memory_space<hbm>>
        %dma_start3A_72 = arith.constant 0 : i32
        %dma_start3A_73 = arith.constant 0 : i32
        %dma_start3A_74 = tpu.memref_slice %arg3[%add3A, %add3A_32, %dma_start3A_72, %dma_start3A_73] : memref<32x5x25x80xi32, #tpu.memory_space<hbm>> -> memref<1x1x25x80xi32, #tpu.memory_space<hbm>>
        %dma_start3A_75 = tpu.memref_squeeze %dma_start3A_74 : memref<1x1x25x80xi32, #tpu.memory_space<hbm>> -> memref<25x80xi32, #tpu.memory_space<hbm>>
        tpu.enqueue_dma source(%dma_start3A_75 : memref<25x80xi32, #tpu.memory_space<hbm>>) target(%arg6 : memref<25x80xi32, #tpu.memory_space<vmem>>) target_semaphore(%run_scoped3A_67 : memref<!tpu.dma_semaphore, #tpu.memory_space<semaphore_mem>>)
        %dma_wait3A_76 = arith.constant 0 : i32
        %dma_wait3A_77 = arith.constant 0 : i32
        %dma_wait3A_78 = tpu.memref_slice %arg3[%add3A, %add3A_32, %dma_wait3A_76, %dma_wait3A_77] : memref<32x5x25x80xi32, #tpu.memory_space<hbm>> -> memref<1x1x25x80xi32, #tpu.memory_space<hbm>>
        %dma_wait3A_79 = tpu.memref_squeeze %dma_wait3A_78 : memref<1x1x25x80xi32, #tpu.memory_space<hbm>> -> memref<25x80xi32, #tpu.memory_space<hbm>>
        %dma_wait3A_80 = arith.constant 0 : i32
        %dma_wait3A_81 = arith.constant 0 : i32
        %dma_wait3A_82 = tpu.memref_slice %arg3[%add3A, %add3A_32, %dma_wait3A_80, %dma_wait3A_81] : memref<32x5x25x80xi32, #tpu.memory_space<hbm>> -> memref<1x1x25x80xi32, #tpu.memory_space<hbm>>
        %dma_wait3A_83 = tpu.memref_squeeze %dma_wait3A_82 : memref<1x1x25x80xi32, #tpu.memory_space<hbm>> -> memref<25x80xi32, #tpu.memory_space<hbm>>
        tpu.wait_dma2 semaphore(%run_scoped3A_67 : memref<!tpu.dma_semaphore, #tpu.memory_space<semaphore_mem>>) src(%dma_wait3A_83 : memref<25x80xi32, #tpu.memory_space<hbm>>) dst(%arg6 : memref<25x80xi32, #tpu.memory_space<vmem>>)
        tpu.yield
      }) : () -> ()
      "tpu.region"() ({
        %run_scoped3A_67 = tpu.sem_alloc : memref<!tpu.dma_semaphore, #tpu.memory_space<semaphore_mem>>
        %dma_start3A_68 = arith.constant 0 : i32
        %dma_start3A_69 = arith.constant 0 : i32
        %dma_start3A_70 = tpu.memref_slice %arg4[%add3A, %add3A_32, %dma_start3A_68, %dma_start3A_69] : memref<32x5x25x80xi32, #tpu.memory_space<hbm>> -> memref<1x1x25x80xi32, #tpu.memory_space<hbm>>
        %dma_start3A_71 = tpu.memref_squeeze %dma_start3A_70 : memref<1x1x25x80xi32, #tpu.memory_space<hbm>> -> memref<25x80xi32, #tpu.memory_space<hbm>>
        %dma_start3A_72 = arith.constant 0 : i32
        %dma_start3A_73 = arith.constant 0 : i32
        %dma_start3A_74 = tpu.memref_slice %arg4[%add3A, %add3A_32, %dma_start3A_72, %dma_start3A_73] : memref<32x5x25x80xi32, #tpu.memory_space<hbm>> -> memref<1x1x25x80xi32, #tpu.memory_space<hbm>>
        %dma_start3A_75 = tpu.memref_squeeze %dma_start3A_74 : memref<1x1x25x80xi32, #tpu.memory_space<hbm>> -> memref<25x80xi32, #tpu.memory_space<hbm>>
        tpu.enqueue_dma source(%dma_start3A_75 : memref<25x80xi32, #tpu.memory_space<hbm>>) target(%arg7 : memref<25x80xi32, #tpu.memory_space<vmem>>) target_semaphore(%run_scoped3A_67 : memref<!tpu.dma_semaphore, #tpu.memory_space<semaphore_mem>>)
        %dma_wait3A_76 = arith.constant 0 : i32
        %dma_wait3A_77 = arith.constant 0 : i32
        %dma_wait3A_78 = tpu.memref_slice %arg4[%add3A, %add3A_32, %dma_wait3A_76, %dma_wait3A_77] : memref<32x5x25x80xi32, #tpu.memory_space<hbm>> -> memref<1x1x25x80xi32, #tpu.memory_space<hbm>>
        %dma_wait3A_79 = tpu.memref_squeeze %dma_wait3A_78 : memref<1x1x25x80xi32, #tpu.memory_space<hbm>> -> memref<25x80xi32, #tpu.memory_space<hbm>>
        %dma_wait3A_80 = arith.constant 0 : i32
        %dma_wait3A_81 = arith.constant 0 : i32
        %dma_wait3A_82 = tpu.memref_slice %arg4[%add3A, %add3A_32, %dma_wait3A_80, %dma_wait3A_81] : memref<32x5x25x80xi32, #tpu.memory_space<hbm>> -> memref<1x1x25x80xi32, #tpu.memory_space<hbm>>
        %dma_wait3A_83 = tpu.memref_squeeze %dma_wait3A_82 : memref<1x1x25x80xi32, #tpu.memory_space<hbm>> -> memref<25x80xi32, #tpu.memory_space<hbm>>
        tpu.wait_dma2 semaphore(%run_scoped3A_67 : memref<!tpu.dma_semaphore, #tpu.memory_space<semaphore_mem>>) src(%dma_wait3A_83 : memref<25x80xi32, #tpu.memory_space<hbm>>) dst(%arg7 : memref<25x80xi32, #tpu.memory_space<vmem>>)
        tpu.yield
      }) : () -> ()
      %run_scoped3A = arith.constant 0 : i32
      "tpu.region"() ({
        %run_scoped3A_67 = tpu.sem_alloc : memref<!tpu.dma_semaphore, #tpu.memory_space<semaphore_mem>>
        %dma_start3A_68 = arith.constant 0 : i32
        %dma_start3A_69 = tpu.memref_slice %arg6[%run_scoped3A, %dma_start3A_68] : memref<25x80xi32, #tpu.memory_space<vmem>> -> memref<1x80xi32, #tpu.memory_space<vmem>>
        %dma_start3A_70 = tpu.memref_squeeze %dma_start3A_69 : memref<1x80xi32, #tpu.memory_space<vmem>> -> memref<80xi32, #tpu.memory_space<vmem>>
        %dma_start3A_71 = arith.constant 0 : i32
        %dma_start3A_72 = arith.constant 0 : i32
        %dma_start3A_73 = tpu.memref_slice %arg2[%dma_start3A_71, %dma_start3A_72] : memref<10000x128xf32, #tpu.memory_space<hbm>> -> memref<10000x128xf32, #tpu.memory_space<hbm>>
        tpu.enqueue_indirect_dma source(%dma_start3A_73 : memref<10000x128xf32, #tpu.memory_space<hbm>>) target(%arg10 : memref<80x128xf32, #tpu.memory_space<vmem>>) offsets(%dma_start3A_70 : memref<80xi32, #tpu.memory_space<vmem>>) semaphore(%run_scoped3A_67 : memref<!tpu.dma_semaphore, #tpu.memory_space<semaphore_mem>>)
        %dma_wait3A_74 = arith.constant 0 : i32
        %dma_wait3A_75 = tpu.memref_slice %arg6[%run_scoped3A, %dma_wait3A_74] : memref<25x80xi32, #tpu.memory_space<vmem>> -> memref<1x80xi32, #tpu.memory_space<vmem>>
        %dma_wait3A_76 = tpu.memref_squeeze %dma_wait3A_75 : memref<1x80xi32, #tpu.memory_space<vmem>> -> memref<80xi32, #tpu.memory_space<vmem>>
        %dma_wait3A_77 = arith.constant 0 : i32
        %dma_wait3A_78 = arith.constant 0 : i32
        %dma_wait3A_79 = tpu.memref_slice %arg2[%dma_wait3A_77, %dma_wait3A_78] : memref<10000x128xf32, #tpu.memory_space<hbm>> -> memref<10000x128xf32, #tpu.memory_space<hbm>>
        tpu.wait_indirect_dma semaphore(%run_scoped3A_67 : memref<!tpu.dma_semaphore, #tpu.memory_space<semaphore_mem>>) src(%dma_wait3A_79 : memref<10000x128xf32, #tpu.memory_space<hbm>>) dst(%arg10 : memref<80x128xf32, #tpu.memory_space<vmem>>)
        tpu.yield
      }) : () -> ()
      %scan3A_33 = arith.constant 0 : i32
      %scan3A_34 = arith.constant 11 : i32
      %scan3A_35 = arith.addi %scan3A_33, %scan3A_34 : i32
      %scan3A_36 = arith.constant 1 : i32
      scf.for %scan3A_67 = %scan3A_33 to %scan3A_35 step %scan3A_36  : i32 {
        %mul3A_68 = arith.constant 1 : i32
        %mul3A_69 = arith.muli %scan3A_67, %mul3A_68 : i32
        %add3A_70 = arith.constant 0 : i32
        %add3A_71 = arith.addi %add3A_70, %mul3A_69 : i32
        %mul3A_72 = arith.constant 2 : i32
        %mul3A_73 = arith.muli %mul3A_72, %add3A_71 : i32
        %dma_start3A_74 = arith.constant 0 : i32
        %dma_start3A_75 = tpu.memref_slice %arg7[%mul3A_73, %dma_start3A_74] : memref<25x80xi32, #tpu.memory_space<vmem>> -> memref<1x80xi32, #tpu.memory_space<vmem>>
        %dma_start3A_76 = tpu.memref_squeeze %dma_start3A_75 : memref<1x80xi32, #tpu.memory_space<vmem>> -> memref<80xi32, #tpu.memory_space<vmem>>
        %dma_start3A_77 = arith.constant 0 : i32
        %dma_start3A_78 = arith.constant 0 : i32
        %dma_start3A_79 = tpu.memref_slice %arg14[%dma_start3A_77, %dma_start3A_78] : memref<10000x128xf32, #tpu.memory_space<vmem_shared>> -> memref<10000x128xf32, #tpu.memory_space<vmem_shared>>
        tpu.enqueue_indirect_dma source(%arg10 : memref<80x128xf32, #tpu.memory_space<vmem>>) target(%dma_start3A_79 : memref<10000x128xf32, #tpu.memory_space<vmem_shared>>) offsets(%dma_start3A_76 : memref<80xi32, #tpu.memory_space<vmem>>) semaphore(%arg15 : memref<!tpu.dma_semaphore, #tpu.memory_space<semaphore_mem>>) {add = true}
        %add3A_80 = arith.constant 1 : i32
        %add3A_81 = arith.addi %mul3A_73, %add3A_80 : i32
        "tpu.region"() ({
          %run_scoped3A_104 = tpu.sem_alloc : memref<!tpu.dma_semaphore, #tpu.memory_space<semaphore_mem>>
          %dma_start3A_105 = arith.constant 0 : i32
          %dma_start3A_106 = tpu.memref_slice %arg6[%add3A_81, %dma_start3A_105] : memref<25x80xi32, #tpu.memory_space<vmem>> -> memref<1x80xi32, #tpu.memory_space<vmem>>
          %dma_start3A_107 = tpu.memref_squeeze %dma_start3A_106 : memref<1x80xi32, #tpu.memory_space<vmem>> -> memref<80xi32, #tpu.memory_space<vmem>>
          %dma_start3A_108 = arith.constant 0 : i32
          %dma_start3A_109 = arith.constant 0 : i32
          %dma_start3A_110 = tpu.memref_slice %arg2[%dma_start3A_108, %dma_start3A_109] : memref<10000x128xf32, #tpu.memory_space<hbm>> -> memref<10000x128xf32, #tpu.memory_space<hbm>>
          tpu.enqueue_indirect_dma source(%dma_start3A_110 : memref<10000x128xf32, #tpu.memory_space<hbm>>) target(%arg11 : memref<80x128xf32, #tpu.memory_space<vmem>>) offsets(%dma_start3A_107 : memref<80xi32, #tpu.memory_space<vmem>>) semaphore(%run_scoped3A_104 : memref<!tpu.dma_semaphore, #tpu.memory_space<semaphore_mem>>)
          %dma_wait3A_111 = arith.constant 0 : i32
          %dma_wait3A_112 = tpu.memref_slice %arg6[%add3A_81, %dma_wait3A_111] : memref<25x80xi32, #tpu.memory_space<vmem>> -> memref<1x80xi32, #tpu.memory_space<vmem>>
          %dma_wait3A_113 = tpu.memref_squeeze %dma_wait3A_112 : memref<1x80xi32, #tpu.memory_space<vmem>> -> memref<80xi32, #tpu.memory_space<vmem>>
          %dma_wait3A_114 = arith.constant 0 : i32
          %dma_wait3A_115 = arith.constant 0 : i32
          %dma_wait3A_116 = tpu.memref_slice %arg2[%dma_wait3A_114, %dma_wait3A_115] : memref<10000x128xf32, #tpu.memory_space<hbm>> -> memref<10000x128xf32, #tpu.memory_space<hbm>>
          tpu.wait_indirect_dma semaphore(%run_scoped3A_104 : memref<!tpu.dma_semaphore, #tpu.memory_space<semaphore_mem>>) src(%dma_wait3A_116 : memref<10000x128xf32, #tpu.memory_space<hbm>>) dst(%arg11 : memref<80x128xf32, #tpu.memory_space<vmem>>)
          tpu.yield
        }) : () -> ()
        %dma_wait3A_82 = arith.constant 0 : i32
        %dma_wait3A_83 = tpu.memref_slice %arg7[%mul3A_73, %dma_wait3A_82] : memref<25x80xi32, #tpu.memory_space<vmem>> -> memref<1x80xi32, #tpu.memory_space<vmem>>
        %dma_wait3A_84 = tpu.memref_squeeze %dma_wait3A_83 : memref<1x80xi32, #tpu.memory_space<vmem>> -> memref<80xi32, #tpu.memory_space<vmem>>
        %dma_wait3A_85 = arith.constant 0 : i32
        %dma_wait3A_86 = arith.constant 0 : i32
        %dma_wait3A_87 = tpu.memref_slice %arg14[%dma_wait3A_85, %dma_wait3A_86] : memref<10000x128xf32, #tpu.memory_space<vmem_shared>> -> memref<10000x128xf32, #tpu.memory_space<vmem_shared>>
        tpu.wait_indirect_dma semaphore(%arg15 : memref<!tpu.dma_semaphore, #tpu.memory_space<semaphore_mem>>) src(%arg10 : memref<80x128xf32, #tpu.memory_space<vmem>>) dst(%dma_wait3A_87 : memref<10000x128xf32, #tpu.memory_space<vmem_shared>>)
        %add3A_88 = arith.constant 1 : i32
        %add3A_89 = arith.addi %mul3A_73, %add3A_88 : i32
        %dma_start3A_90 = arith.constant 0 : i32
        %dma_start3A_91 = tpu.memref_slice %arg7[%add3A_89, %dma_start3A_90] : memref<25x80xi32, #tpu.memory_space<vmem>> -> memref<1x80xi32, #tpu.memory_space<vmem>>
        %dma_start3A_92 = tpu.memref_squeeze %dma_start3A_91 : memref<1x80xi32, #tpu.memory_space<vmem>> -> memref<80xi32, #tpu.memory_space<vmem>>
        %dma_start3A_93 = arith.constant 0 : i32
        %dma_start3A_94 = arith.constant 0 : i32
        %dma_start3A_95 = tpu.memref_slice %arg14[%dma_start3A_93, %dma_start3A_94] : memref<10000x128xf32, #tpu.memory_space<vmem_shared>> -> memref<10000x128xf32, #tpu.memory_space<vmem_shared>>
        tpu.enqueue_indirect_dma source(%arg11 : memref<80x128xf32, #tpu.memory_space<vmem>>) target(%dma_start3A_95 : memref<10000x128xf32, #tpu.memory_space<vmem_shared>>) offsets(%dma_start3A_92 : memref<80xi32, #tpu.memory_space<vmem>>) semaphore(%arg16 : memref<!tpu.dma_semaphore, #tpu.memory_space<semaphore_mem>>) {add = true}
        %add3A_96 = arith.constant 2 : i32
        %add3A_97 = arith.addi %mul3A_73, %add3A_96 : i32
        "tpu.region"() ({
          %run_scoped3A_104 = tpu.sem_alloc : memref<!tpu.dma_semaphore, #tpu.memory_space<semaphore_mem>>
          %dma_start3A_105 = arith.constant 0 : i32
          %dma_start3A_106 = tpu.memref_slice %arg6[%add3A_97, %dma_start3A_105] : memref<25x80xi32, #tpu.memory_space<vmem>> -> memref<1x80xi32, #tpu.memory_space<vmem>>
          %dma_start3A_107 = tpu.memref_squeeze %dma_start3A_106 : memref<1x80xi32, #tpu.memory_space<vmem>> -> memref<80xi32, #tpu.memory_space<vmem>>
          %dma_start3A_108 = arith.constant 0 : i32
          %dma_start3A_109 = arith.constant 0 : i32
          %dma_start3A_110 = tpu.memref_slice %arg2[%dma_start3A_108, %dma_start3A_109] : memref<10000x128xf32, #tpu.memory_space<hbm>> -> memref<10000x128xf32, #tpu.memory_space<hbm>>
          tpu.enqueue_indirect_dma source(%dma_start3A_110 : memref<10000x128xf32, #tpu.memory_space<hbm>>) target(%arg10 : memref<80x128xf32, #tpu.memory_space<vmem>>) offsets(%dma_start3A_107 : memref<80xi32, #tpu.memory_space<vmem>>) semaphore(%run_scoped3A_104 : memref<!tpu.dma_semaphore, #tpu.memory_space<semaphore_mem>>)
          %dma_wait3A_111 = arith.constant 0 : i32
          %dma_wait3A_112 = tpu.memref_slice %arg6[%add3A_97, %dma_wait3A_111] : memref<25x80xi32, #tpu.memory_space<vmem>> -> memref<1x80xi32, #tpu.memory_space<vmem>>
          %dma_wait3A_113 = tpu.memref_squeeze %dma_wait3A_112 : memref<1x80xi32, #tpu.memory_space<vmem>> -> memref<80xi32, #tpu.memory_space<vmem>>
          %dma_wait3A_114 = arith.constant 0 : i32
          %dma_wait3A_115 = arith.constant 0 : i32
          %dma_wait3A_116 = tpu.memref_slice %arg2[%dma_wait3A_114, %dma_wait3A_115] : memref<10000x128xf32, #tpu.memory_space<hbm>> -> memref<10000x128xf32, #tpu.memory_space<hbm>>
          tpu.wait_indirect_dma semaphore(%run_scoped3A_104 : memref<!tpu.dma_semaphore, #tpu.memory_space<semaphore_mem>>) src(%dma_wait3A_116 : memref<10000x128xf32, #tpu.memory_space<hbm>>) dst(%arg10 : memref<80x128xf32, #tpu.memory_space<vmem>>)
          tpu.yield
        }) : () -> ()
        %dma_wait3A_98 = arith.constant 0 : i32
        %dma_wait3A_99 = tpu.memref_slice %arg7[%add3A_89, %dma_wait3A_98] : memref<25x80xi32, #tpu.memory_space<vmem>> -> memref<1x80xi32, #tpu.memory_space<vmem>>
        %dma_wait3A_100 = tpu.memref_squeeze %dma_wait3A_99 : memref<1x80xi32, #tpu.memory_space<vmem>> -> memref<80xi32, #tpu.memory_space<vmem>>
        %dma_wait3A_101 = arith.constant 0 : i32
        %dma_wait3A_102 = arith.constant 0 : i32
        %dma_wait3A_103 = tpu.memref_slice %arg14[%dma_wait3A_101, %dma_wait3A_102] : memref<10000x128xf32, #tpu.memory_space<vmem_shared>> -> memref<10000x128xf32, #tpu.memory_space<vmem_shared>>
        tpu.wait_indirect_dma semaphore(%arg16 : memref<!tpu.dma_semaphore, #tpu.memory_space<semaphore_mem>>) src(%arg11 : memref<80x128xf32, #tpu.memory_space<vmem>>) dst(%dma_wait3A_103 : memref<10000x128xf32, #tpu.memory_space<vmem_shared>>)
      }
      %scan3A_37 = arith.constant 11 : i32
      %dma_start3A = arith.constant 22 : i32
      %dma_start3A_38 = arith.constant 0 : i32
      %dma_start3A_39 = tpu.memref_slice %arg7[%dma_start3A, %dma_start3A_38] : memref<25x80xi32, #tpu.memory_space<vmem>> -> memref<1x80xi32, #tpu.memory_space<vmem>>
      %dma_start3A_40 = tpu.memref_squeeze %dma_start3A_39 : memref<1x80xi32, #tpu.memory_space<vmem>> -> memref<80xi32, #tpu.memory_space<vmem>>
      %dma_start3A_41 = arith.constant 0 : i32
      %dma_start3A_42 = arith.constant 0 : i32
      %dma_start3A_43 = tpu.memref_slice %arg14[%dma_start3A_41, %dma_start3A_42] : memref<10000x128xf32, #tpu.memory_space<vmem_shared>> -> memref<10000x128xf32, #tpu.memory_space<vmem_shared>>
      tpu.enqueue_indirect_dma source(%arg10 : memref<80x128xf32, #tpu.memory_space<vmem>>) target(%dma_start3A_43 : memref<10000x128xf32, #tpu.memory_space<vmem_shared>>) offsets(%dma_start3A_40 : memref<80xi32, #tpu.memory_space<vmem>>) semaphore(%arg15 : memref<!tpu.dma_semaphore, #tpu.memory_space<semaphore_mem>>) {add = true}
      %run_scoped3A_44 = arith.constant 23 : i32
      "tpu.region"() ({
        %run_scoped3A_67 = tpu.sem_alloc : memref<!tpu.dma_semaphore, #tpu.memory_space<semaphore_mem>>
        %dma_start3A_68 = arith.constant 0 : i32
        %dma_start3A_69 = tpu.memref_slice %arg6[%run_scoped3A_44, %dma_start3A_68] : memref<25x80xi32, #tpu.memory_space<vmem>> -> memref<1x80xi32, #tpu.memory_space<vmem>>
        %dma_start3A_70 = tpu.memref_squeeze %dma_start3A_69 : memref<1x80xi32, #tpu.memory_space<vmem>> -> memref<80xi32, #tpu.memory_space<vmem>>
        %dma_start3A_71 = arith.constant 0 : i32
        %dma_start3A_72 = arith.constant 0 : i32
        %dma_start3A_73 = tpu.memref_slice %arg2[%dma_start3A_71, %dma_start3A_72] : memref<10000x128xf32, #tpu.memory_space<hbm>> -> memref<10000x128xf32, #tpu.memory_space<hbm>>
        tpu.enqueue_indirect_dma source(%dma_start3A_73 : memref<10000x128xf32, #tpu.memory_space<hbm>>) target(%arg11 : memref<80x128xf32, #tpu.memory_space<vmem>>) offsets(%dma_start3A_70 : memref<80xi32, #tpu.memory_space<vmem>>) semaphore(%run_scoped3A_67 : memref<!tpu.dma_semaphore, #tpu.memory_space<semaphore_mem>>)
        %dma_wait3A_74 = arith.constant 0 : i32
        %dma_wait3A_75 = tpu.memref_slice %arg6[%run_scoped3A_44, %dma_wait3A_74] : memref<25x80xi32, #tpu.memory_space<vmem>> -> memref<1x80xi32, #tpu.memory_space<vmem>>
        %dma_wait3A_76 = tpu.memref_squeeze %dma_wait3A_75 : memref<1x80xi32, #tpu.memory_space<vmem>> -> memref<80xi32, #tpu.memory_space<vmem>>
        %dma_wait3A_77 = arith.constant 0 : i32
        %dma_wait3A_78 = arith.constant 0 : i32
        %dma_wait3A_79 = tpu.memref_slice %arg2[%dma_wait3A_77, %dma_wait3A_78] : memref<10000x128xf32, #tpu.memory_space<hbm>> -> memref<10000x128xf32, #tpu.memory_space<hbm>>
        tpu.wait_indirect_dma semaphore(%run_scoped3A_67 : memref<!tpu.dma_semaphore, #tpu.memory_space<semaphore_mem>>) src(%dma_wait3A_79 : memref<10000x128xf32, #tpu.memory_space<hbm>>) dst(%arg11 : memref<80x128xf32, #tpu.memory_space<vmem>>)
        tpu.yield
      }) : () -> ()
      %dma_wait3A = arith.constant 22 : i32
      %dma_wait3A_45 = arith.constant 0 : i32
      %dma_wait3A_46 = tpu.memref_slice %arg7[%dma_wait3A, %dma_wait3A_45] : memref<25x80xi32, #tpu.memory_space<vmem>> -> memref<1x80xi32, #tpu.memory_space<vmem>>
      %dma_wait3A_47 = tpu.memref_squeeze %dma_wait3A_46 : memref<1x80xi32, #tpu.memory_space<vmem>> -> memref<80xi32, #tpu.memory_space<vmem>>
      %dma_wait3A_48 = arith.constant 0 : i32
      %dma_wait3A_49 = arith.constant 0 : i32
      %dma_wait3A_50 = tpu.memref_slice %arg14[%dma_wait3A_48, %dma_wait3A_49] : memref<10000x128xf32, #tpu.memory_space<vmem_shared>> -> memref<10000x128xf32, #tpu.memory_space<vmem_shared>>
      tpu.wait_indirect_dma semaphore(%arg15 : memref<!tpu.dma_semaphore, #tpu.memory_space<semaphore_mem>>) src(%arg10 : memref<80x128xf32, #tpu.memory_space<vmem>>) dst(%dma_wait3A_50 : memref<10000x128xf32, #tpu.memory_space<vmem_shared>>)
      %dma_start3A_51 = arith.constant 23 : i32
      %dma_start3A_52 = arith.constant 0 : i32
      %dma_start3A_53 = tpu.memref_slice %arg7[%dma_start3A_51, %dma_start3A_52] : memref<25x80xi32, #tpu.memory_space<vmem>> -> memref<1x80xi32, #tpu.memory_space<vmem>>
      %dma_start3A_54 = tpu.memref_squeeze %dma_start3A_53 : memref<1x80xi32, #tpu.memory_space<vmem>> -> memref<80xi32, #tpu.memory_space<vmem>>
      %dma_start3A_55 = arith.constant 0 : i32
      %dma_start3A_56 = arith.constant 0 : i32
      %dma_start3A_57 = tpu.memref_slice %arg14[%dma_start3A_55, %dma_start3A_56] : memref<10000x128xf32, #tpu.memory_space<vmem_shared>> -> memref<10000x128xf32, #tpu.memory_space<vmem_shared>>
      tpu.enqueue_indirect_dma source(%arg11 : memref<80x128xf32, #tpu.memory_space<vmem>>) target(%dma_start3A_57 : memref<10000x128xf32, #tpu.memory_space<vmem_shared>>) offsets(%dma_start3A_54 : memref<80xi32, #tpu.memory_space<vmem>>) semaphore(%arg16 : memref<!tpu.dma_semaphore, #tpu.memory_space<semaphore_mem>>) {add = true}
      %run_scoped3A_58 = arith.constant 24 : i32
      "tpu.region"() ({
        %run_scoped3A_67 = tpu.sem_alloc : memref<!tpu.dma_semaphore, #tpu.memory_space<semaphore_mem>>
        %dma_start3A_68 = arith.constant 0 : i32
        %dma_start3A_69 = tpu.memref_slice %arg6[%run_scoped3A_58, %dma_start3A_68] : memref<25x80xi32, #tpu.memory_space<vmem>> -> memref<1x80xi32, #tpu.memory_space<vmem>>
        %dma_start3A_70 = tpu.memref_squeeze %dma_start3A_69 : memref<1x80xi32, #tpu.memory_space<vmem>> -> memref<80xi32, #tpu.memory_space<vmem>>
        %dma_start3A_71 = arith.constant 0 : i32
        %dma_start3A_72 = arith.constant 0 : i32
        %dma_start3A_73 = tpu.memref_slice %arg2[%dma_start3A_71, %dma_start3A_72] : memref<10000x128xf32, #tpu.memory_space<hbm>> -> memref<10000x128xf32, #tpu.memory_space<hbm>>
        tpu.enqueue_indirect_dma source(%dma_start3A_73 : memref<10000x128xf32, #tpu.memory_space<hbm>>) target(%arg10 : memref<80x128xf32, #tpu.memory_space<vmem>>) offsets(%dma_start3A_70 : memref<80xi32, #tpu.memory_space<vmem>>) semaphore(%run_scoped3A_67 : memref<!tpu.dma_semaphore, #tpu.memory_space<semaphore_mem>>)
        %dma_wait3A_74 = arith.constant 0 : i32
        %dma_wait3A_75 = tpu.memref_slice %arg6[%run_scoped3A_58, %dma_wait3A_74] : memref<25x80xi32, #tpu.memory_space<vmem>> -> memref<1x80xi32, #tpu.memory_space<vmem>>
        %dma_wait3A_76 = tpu.memref_squeeze %dma_wait3A_75 : memref<1x80xi32, #tpu.memory_space<vmem>> -> memref<80xi32, #tpu.memory_space<vmem>>
        %dma_wait3A_77 = arith.constant 0 : i32
        %dma_wait3A_78 = arith.constant 0 : i32
        %dma_wait3A_79 = tpu.memref_slice %arg2[%dma_wait3A_77, %dma_wait3A_78] : memref<10000x128xf32, #tpu.memory_space<hbm>> -> memref<10000x128xf32, #tpu.memory_space<hbm>>
        tpu.wait_indirect_dma semaphore(%run_scoped3A_67 : memref<!tpu.dma_semaphore, #tpu.memory_space<semaphore_mem>>) src(%dma_wait3A_79 : memref<10000x128xf32, #tpu.memory_space<hbm>>) dst(%arg10 : memref<80x128xf32, #tpu.memory_space<vmem>>)
        tpu.yield
      }) : () -> ()
      %dma_wait3A_59 = arith.constant 23 : i32
      %dma_wait3A_60 = arith.constant 0 : i32
      %dma_wait3A_61 = tpu.memref_slice %arg7[%dma_wait3A_59, %dma_wait3A_60] : memref<25x80xi32, #tpu.memory_space<vmem>> -> memref<1x80xi32, #tpu.memory_space<vmem>>
      %dma_wait3A_62 = tpu.memref_squeeze %dma_wait3A_61 : memref<1x80xi32, #tpu.memory_space<vmem>> -> memref<80xi32, #tpu.memory_space<vmem>>
      %dma_wait3A_63 = arith.constant 0 : i32
      %dma_wait3A_64 = arith.constant 0 : i32
      %dma_wait3A_65 = tpu.memref_slice %arg14[%dma_wait3A_63, %dma_wait3A_64] : memref<10000x128xf32, #tpu.memory_space<vmem_shared>> -> memref<10000x128xf32, #tpu.memory_space<vmem_shared>>
      tpu.wait_indirect_dma semaphore(%arg16 : memref<!tpu.dma_semaphore, #tpu.memory_space<semaphore_mem>>) src(%arg11 : memref<80x128xf32, #tpu.memory_space<vmem>>) dst(%dma_wait3A_65 : memref<10000x128xf32, #tpu.memory_space<vmem_shared>>)
      %run_scoped3A_66 = arith.constant 24 : i32
      "tpu.region"() ({
        %run_scoped3A_67 = tpu.sem_alloc : memref<!tpu.dma_semaphore, #tpu.memory_space<semaphore_mem>>
        %dma_start3A_68 = arith.constant 0 : i32
        %dma_start3A_69 = tpu.memref_slice %arg7[%run_scoped3A_66, %dma_start3A_68] : memref<25x80xi32, #tpu.memory_space<vmem>> -> memref<1x80xi32, #tpu.memory_space<vmem>>
        %dma_start3A_70 = tpu.memref_squeeze %dma_start3A_69 : memref<1x80xi32, #tpu.memory_space<vmem>> -> memref<80xi32, #tpu.memory_space<vmem>>
        %dma_start3A_71 = arith.constant 0 : i32
        %dma_start3A_72 = arith.constant 0 : i32
        %dma_start3A_73 = tpu.memref_slice %arg14[%dma_start3A_71, %dma_start3A_72] : memref<10000x128xf32, #tpu.memory_space<vmem_shared>> -> memref<10000x128xf32, #tpu.memory_space<vmem_shared>>
        tpu.enqueue_indirect_dma source(%arg10 : memref<80x128xf32, #tpu.memory_space<vmem>>) target(%dma_start3A_73 : memref<10000x128xf32, #tpu.memory_space<vmem_shared>>) offsets(%dma_start3A_70 : memref<80xi32, #tpu.memory_space<vmem>>) semaphore(%run_scoped3A_67 : memref<!tpu.dma_semaphore, #tpu.memory_space<semaphore_mem>>) {add = true}
        %dma_wait3A_74 = arith.constant 0 : i32
        %dma_wait3A_75 = tpu.memref_slice %arg7[%run_scoped3A_66, %dma_wait3A_74] : memref<25x80xi32, #tpu.memory_space<vmem>> -> memref<1x80xi32, #tpu.memory_space<vmem>>
        %dma_wait3A_76 = tpu.memref_squeeze %dma_wait3A_75 : memref<1x80xi32, #tpu.memory_space<vmem>> -> memref<80xi32, #tpu.memory_space<vmem>>
        %dma_wait3A_77 = arith.constant 0 : i32
        %dma_wait3A_78 = arith.constant 0 : i32
        %dma_wait3A_79 = tpu.memref_slice %arg14[%dma_wait3A_77, %dma_wait3A_78] : memref<10000x128xf32, #tpu.memory_space<vmem_shared>> -> memref<10000x128xf32, #tpu.memory_space<vmem_shared>>
        tpu.wait_indirect_dma semaphore(%run_scoped3A_67 : memref<!tpu.dma_semaphore, #tpu.memory_space<semaphore_mem>>) src(%arg10 : memref<80x128xf32, #tpu.memory_space<vmem>>) dst(%dma_wait3A_79 : memref<10000x128xf32, #tpu.memory_space<vmem_shared>>)
        tpu.yield
      }) : () -> ()
    }
    %scan3A_16 = arith.constant 5 : i32
    %barrier3A_17 = arith.constant 0 : index
    tpu.barrier barrier_id(%barrier3A_17)
    %scan3A_18 = arith.constant 0 : i32
    %scan3A_19 = arith.constant 13 : i32
    %scan3A_20 = arith.addi %scan3A_18, %scan3A_19 : i32
    %scan3A_21 = arith.constant 1 : i32
    scf.for %scan3A_28 = %scan3A_18 to %scan3A_20 step %scan3A_21  : i32 {
      %mul3A_29 = arith.constant 1 : i32
      %mul3A_30 = arith.muli %scan3A_28, %mul3A_29 : i32
      %add3A_31 = arith.constant 0 : i32
      %add3A_32 = arith.addi %add3A_31, %mul3A_30 : i32
      %mul3A_33 = arith.constant 624 : i32
      %mul3A_34 = arith.muli %arg1, %mul3A_33 : i32
      %mul3A_35 = arith.constant 48 : i32
      %mul3A_36 = arith.muli %add3A_32, %mul3A_35 : i32
      %add3A_37 = arith.addi %mul3A_34, %mul3A_36 : i32
      "tpu.region"() ({
        %run_scoped3A = tpu.sem_alloc : memref<!tpu.dma_semaphore, #tpu.memory_space<semaphore_mem>>
        %dma_start3A = arith.constant 0 : i32
        %dma_start3A_38 = tpu.memref_slice %arg14[%add3A_37, %dma_start3A] : memref<10000x128xf32, #tpu.memory_space<vmem_shared>> -> memref<48x128xf32, #tpu.memory_space<vmem_shared>>
        %dma_start3A_39 = arith.constant 0 : i32
        %dma_start3A_40 = tpu.memref_slice %arg14[%add3A_37, %dma_start3A_39] : memref<10000x128xf32, #tpu.memory_space<vmem_shared>> -> memref<48x128xf32, #tpu.memory_space<vmem_shared>>
        tpu.enqueue_dma source(%dma_start3A_40 : memref<48x128xf32, #tpu.memory_space<vmem_shared>>) target(%arg12 : memref<48x128xf32, #tpu.memory_space<vmem>>) target_semaphore(%run_scoped3A : memref<!tpu.dma_semaphore, #tpu.memory_space<semaphore_mem>>)
        %dma_wait3A = arith.constant 0 : i32
        %dma_wait3A_41 = tpu.memref_slice %arg14[%add3A_37, %dma_wait3A] : memref<10000x128xf32, #tpu.memory_space<vmem_shared>> -> memref<48x128xf32, #tpu.memory_space<vmem_shared>>
        %dma_wait3A_42 = arith.constant 0 : i32
        %dma_wait3A_43 = tpu.memref_slice %arg14[%add3A_37, %dma_wait3A_42] : memref<10000x128xf32, #tpu.memory_space<vmem_shared>> -> memref<48x128xf32, #tpu.memory_space<vmem_shared>>
        tpu.wait_dma2 semaphore(%run_scoped3A : memref<!tpu.dma_semaphore, #tpu.memory_space<semaphore_mem>>) src(%dma_wait3A_43 : memref<48x128xf32, #tpu.memory_space<vmem_shared>>) dst(%arg12 : memref<48x128xf32, #tpu.memory_space<vmem>>)
        tpu.yield
      }) : () -> ()
      "tpu.region"() ({
        %run_scoped3A = tpu.sem_alloc : memref<!tpu.dma_semaphore, #tpu.memory_space<semaphore_mem>>
        %dma_start3A = arith.constant 0 : i32
        %dma_start3A_38 = tpu.memref_slice %arg5[%arg0, %add3A_37, %dma_start3A] : memref<2x10000x128xf32, #tpu.memory_space<hbm>> -> memref<1x48x128xf32, #tpu.memory_space<hbm>>
        %dma_start3A_39 = tpu.memref_squeeze %dma_start3A_38 : memref<1x48x128xf32, #tpu.memory_space<hbm>> -> memref<48x128xf32, #tpu.memory_space<hbm>>
        %dma_start3A_40 = arith.constant 0 : i32
        %dma_start3A_41 = tpu.memref_slice %arg5[%arg0, %add3A_37, %dma_start3A_40] : memref<2x10000x128xf32, #tpu.memory_space<hbm>> -> memref<1x48x128xf32, #tpu.memory_space<hbm>>
        %dma_start3A_42 = tpu.memref_squeeze %dma_start3A_41 : memref<1x48x128xf32, #tpu.memory_space<hbm>> -> memref<48x128xf32, #tpu.memory_space<hbm>>
        tpu.enqueue_dma source(%arg12 : memref<48x128xf32, #tpu.memory_space<vmem>>) target(%dma_start3A_42 : memref<48x128xf32, #tpu.memory_space<hbm>>) target_semaphore(%run_scoped3A : memref<!tpu.dma_semaphore, #tpu.memory_space<semaphore_mem>>)
        %dma_wait3A = arith.constant 0 : i32
        %dma_wait3A_43 = tpu.memref_slice %arg5[%arg0, %add3A_37, %dma_wait3A] : memref<2x10000x128xf32, #tpu.memory_space<hbm>> -> memref<1x48x128xf32, #tpu.memory_space<hbm>>
        %dma_wait3A_44 = tpu.memref_squeeze %dma_wait3A_43 : memref<1x48x128xf32, #tpu.memory_space<hbm>> -> memref<48x128xf32, #tpu.memory_space<hbm>>
        %dma_wait3A_45 = arith.constant 0 : i32
        %dma_wait3A_46 = tpu.memref_slice %arg5[%arg0, %add3A_37, %dma_wait3A_45] : memref<2x10000x128xf32, #tpu.memory_space<hbm>> -> memref<1x48x128xf32, #tpu.memory_space<hbm>>
        %dma_wait3A_47 = tpu.memref_squeeze %dma_wait3A_46 : memref<1x48x128xf32, #tpu.memory_space<hbm>> -> memref<48x128xf32, #tpu.memory_space<hbm>>
        tpu.wait_dma2 semaphore(%run_scoped3A : memref<!tpu.dma_semaphore, #tpu.memory_space<semaphore_mem>>) src(%arg12 : memref<48x128xf32, #tpu.memory_space<vmem>>) dst(%dma_wait3A_47 : memref<48x128xf32, #tpu.memory_space<hbm>>)
        tpu.yield
      }) : () -> ()
    }
    %scan3A_22 = arith.constant 13 : i32
    %eq3A_23 = arith.constant 15 : i32
    %eq3A_24 = arith.cmpi eq, %arg1, %eq3A_23 : i32
    %convert_element_type3A_25 = arith.extui %eq3A_24 : i1 to i32
    %cond3A_26 = arith.constant 0 : i32
    %cond3A_27 = arith.cmpi ne, %convert_element_type3A_25, %cond3A_26 : i32
    scf.if %cond3A_27 {
      "tpu.region"() ({
        %run_scoped3A = tpu.sem_alloc : memref<!tpu.dma_semaphore, #tpu.memory_space<semaphore_mem>>
        %dma_start3A = arith.constant 0 : i32
        %dma_start3A_28 = arith.constant 0 : i32
        %dma_start3A_29 = tpu.memref_slice %arg12[%dma_start3A, %dma_start3A_28] : memref<48x128xf32, #tpu.memory_space<vmem>> -> memref<16x128xf32, #tpu.memory_space<vmem>>
        %dma_start3A_30 = arith.constant 9984 : i32
        %dma_start3A_31 = arith.constant 0 : i32
        %dma_start3A_32 = tpu.memref_slice %arg14[%dma_start3A_30, %dma_start3A_31] : memref<10000x128xf32, #tpu.memory_space<vmem_shared>> -> memref<16x128xf32, #tpu.memory_space<vmem_shared>>
        %dma_start3A_33 = arith.constant 0 : i32
        %dma_start3A_34 = arith.constant 0 : i32
        %dma_start3A_35 = tpu.memref_slice %arg12[%dma_start3A_33, %dma_start3A_34] : memref<48x128xf32, #tpu.memory_space<vmem>> -> memref<16x128xf32, #tpu.memory_space<vmem>>
        %dma_start3A_36 = arith.constant 9984 : i32
        %dma_start3A_37 = arith.constant 0 : i32
        %dma_start3A_38 = tpu.memref_slice %arg14[%dma_start3A_36, %dma_start3A_37] : memref<10000x128xf32, #tpu.memory_space<vmem_shared>> -> memref<16x128xf32, #tpu.memory_space<vmem_shared>>
        tpu.enqueue_dma source(%dma_start3A_38 : memref<16x128xf32, #tpu.memory_space<vmem_shared>>) target(%dma_start3A_35 : memref<16x128xf32, #tpu.memory_space<vmem>>) target_semaphore(%run_scoped3A : memref<!tpu.dma_semaphore, #tpu.memory_space<semaphore_mem>>)
        %dma_wait3A = arith.constant 0 : i32
        %dma_wait3A_39 = arith.constant 0 : i32
        %dma_wait3A_40 = tpu.memref_slice %arg12[%dma_wait3A, %dma_wait3A_39] : memref<48x128xf32, #tpu.memory_space<vmem>> -> memref<16x128xf32, #tpu.memory_space<vmem>>
        %dma_wait3A_41 = arith.constant 9984 : i32
        %dma_wait3A_42 = arith.constant 0 : i32
        %dma_wait3A_43 = tpu.memref_slice %arg14[%dma_wait3A_41, %dma_wait3A_42] : memref<10000x128xf32, #tpu.memory_space<vmem_shared>> -> memref<16x128xf32, #tpu.memory_space<vmem_shared>>
        %dma_wait3A_44 = arith.constant 0 : i32
        %dma_wait3A_45 = arith.constant 0 : i32
        %dma_wait3A_46 = tpu.memref_slice %arg12[%dma_wait3A_44, %dma_wait3A_45] : memref<48x128xf32, #tpu.memory_space<vmem>> -> memref<16x128xf32, #tpu.memory_space<vmem>>
        %dma_wait3A_47 = arith.constant 9984 : i32
        %dma_wait3A_48 = arith.constant 0 : i32
        %dma_wait3A_49 = tpu.memref_slice %arg14[%dma_wait3A_47, %dma_wait3A_48] : memref<10000x128xf32, #tpu.memory_space<vmem_shared>> -> memref<16x128xf32, #tpu.memory_space<vmem_shared>>
        tpu.wait_dma2 semaphore(%run_scoped3A : memref<!tpu.dma_semaphore, #tpu.memory_space<semaphore_mem>>) src(%dma_wait3A_49 : memref<16x128xf32, #tpu.memory_space<vmem_shared>>) dst(%dma_wait3A_46 : memref<16x128xf32, #tpu.memory_space<vmem>>)
        tpu.yield
      }) : () -> ()
      "tpu.region"() ({
        %run_scoped3A = tpu.sem_alloc : memref<!tpu.dma_semaphore, #tpu.memory_space<semaphore_mem>>
        %dma_start3A = arith.constant 0 : i32
        %dma_start3A_28 = arith.constant 0 : i32
        %dma_start3A_29 = tpu.memref_slice %arg12[%dma_start3A, %dma_start3A_28] : memref<48x128xf32, #tpu.memory_space<vmem>> -> memref<16x128xf32, #tpu.memory_space<vmem>>
        %dma_start3A_30 = arith.constant 9984 : i32
        %dma_start3A_31 = arith.constant 0 : i32
        %dma_start3A_32 = tpu.memref_slice %arg5[%arg0, %dma_start3A_30, %dma_start3A_31] : memref<2x10000x128xf32, #tpu.memory_space<hbm>> -> memref<1x16x128xf32, #tpu.memory_space<hbm>>
        %dma_start3A_33 = tpu.memref_squeeze %dma_start3A_32 : memref<1x16x128xf32, #tpu.memory_space<hbm>> -> memref<16x128xf32, #tpu.memory_space<hbm>>
        %dma_start3A_34 = arith.constant 9984 : i32
        %dma_start3A_35 = arith.constant 0 : i32
        %dma_start3A_36 = tpu.memref_slice %arg5[%arg0, %dma_start3A_34, %dma_start3A_35] : memref<2x10000x128xf32, #tpu.memory_space<hbm>> -> memref<1x16x128xf32, #tpu.memory_space<hbm>>
        %dma_start3A_37 = tpu.memref_squeeze %dma_start3A_36 : memref<1x16x128xf32, #tpu.memory_space<hbm>> -> memref<16x128xf32, #tpu.memory_space<hbm>>
        %dma_start3A_38 = arith.constant 0 : i32
        %dma_start3A_39 = arith.constant 0 : i32
        %dma_start3A_40 = tpu.memref_slice %arg12[%dma_start3A_38, %dma_start3A_39] : memref<48x128xf32, #tpu.memory_space<vmem>> -> memref<16x128xf32, #tpu.memory_space<vmem>>
        tpu.enqueue_dma source(%dma_start3A_40 : memref<16x128xf32, #tpu.memory_space<vmem>>) target(%dma_start3A_37 : memref<16x128xf32, #tpu.memory_space<hbm>>) target_semaphore(%run_scoped3A : memref<!tpu.dma_semaphore, #tpu.memory_space<semaphore_mem>>)
        %dma_wait3A = arith.constant 0 : i32
        %dma_wait3A_41 = arith.constant 0 : i32
        %dma_wait3A_42 = tpu.memref_slice %arg12[%dma_wait3A, %dma_wait3A_41] : memref<48x128xf32, #tpu.memory_space<vmem>> -> memref<16x128xf32, #tpu.memory_space<vmem>>
        %dma_wait3A_43 = arith.constant 9984 : i32
        %dma_wait3A_44 = arith.constant 0 : i32
        %dma_wait3A_45 = tpu.memref_slice %arg5[%arg0, %dma_wait3A_43, %dma_wait3A_44] : memref<2x10000x128xf32, #tpu.memory_space<hbm>> -> memref<1x16x128xf32, #tpu.memory_space<hbm>>
        %dma_wait3A_46 = tpu.memref_squeeze %dma_wait3A_45 : memref<1x16x128xf32, #tpu.memory_space<hbm>> -> memref<16x128xf32, #tpu.memory_space<hbm>>
        %dma_wait3A_47 = arith.constant 9984 : i32
        %dma_wait3A_48 = arith.constant 0 : i32
        %dma_wait3A_49 = tpu.memref_slice %arg5[%arg0, %dma_wait3A_47, %dma_wait3A_48] : memref<2x10000x128xf32, #tpu.memory_space<hbm>> -> memref<1x16x128xf32, #tpu.memory_space<hbm>>
        %dma_wait3A_50 = tpu.memref_squeeze %dma_wait3A_49 : memref<1x16x128xf32, #tpu.memory_space<hbm>> -> memref<16x128xf32, #tpu.memory_space<hbm>>
        %dma_wait3A_51 = arith.constant 0 : i32
        %dma_wait3A_52 = arith.constant 0 : i32
        %dma_wait3A_53 = tpu.memref_slice %arg12[%dma_wait3A_51, %dma_wait3A_52] : memref<48x128xf32, #tpu.memory_space<vmem>> -> memref<16x128xf32, #tpu.memory_space<vmem>>
        tpu.wait_dma2 semaphore(%run_scoped3A : memref<!tpu.dma_semaphore, #tpu.memory_space<semaphore_mem>>) src(%dma_wait3A_53 : memref<16x128xf32, #tpu.memory_space<vmem>>) dst(%dma_wait3A_50 : memref<16x128xf32, #tpu.memory_space<hbm>>)
        tpu.yield
      }) : () -> ()
    } else {
    }
    return
  }
}

#map = affine_map<(d0, d1) -> (0, 0)>
#map1 = affine_map<(d0, d1) -> (0, 0, 0, 0)>
#map2 = affine_map<(d0, d1) -> (0, 0, 0)>
module attributes {stable_mosaic.version = 14 : i64} {
  func.func @_edge_kernel(%arg0: i32, %arg1: i32, %arg2: memref<10000x128xf32, #tpu.memory_space<hbm>>, %arg3: memref<32x5x25x80xi32, #tpu.memory_space<hbm>>, %arg4: memref<32x5x25x80xi32, #tpu.memory_space<hbm>>, %arg5: memref<2x10000x128xf32, #tpu.memory_space<hbm>>, %arg6: memref<25x80xi32, #tpu.memory_space<vmem>>, %arg7: memref<25x80xi32, #tpu.memory_space<vmem>>, %arg8: memref<25x80xi32, #tpu.memory_space<vmem>>, %arg9: memref<25x80xi32, #tpu.memory_space<vmem>>, %arg10: memref<80x128xf32, #tpu.memory_space<vmem>>, %arg11: memref<80x128xf32, #tpu.memory_space<vmem>>, %arg12: memref<48x128xf32, #tpu.memory_space<vmem>>, %arg13: memref<48x128xf32, #tpu.memory_space<vmem>>, %arg14: memref<10000x128xf32, #tpu.memory_space<vmem_shared>>, %arg15: memref<!tpu.dma_semaphore, #tpu.memory_space<semaphore_mem>>, %arg16: memref<!tpu.dma_semaphore, #tpu.memory_space<semaphore_mem>>, %arg17: memref<!tpu.dma_semaphore, #tpu.memory_space<semaphore_mem>>, %arg18: memref<!tpu.dma_semaphore, #tpu.memory_space<semaphore_mem>>) attributes {dimension_semantics = [#tpu.dimension_semantics<core_parallel>, #tpu.dimension_semantics<subcore_parallel>], iteration_bounds = array<i64: 2, 16>, scalar_prefetch = 0 : i64, scratch_operands = 13 : i64, tpu.core_type = #tpu.core_type<sc_vector_subcore>, window_params = [{transform_indices = #map}, {transform_indices = #map1}, {transform_indices = #map1}, {transform_indices = #map2}]} {
    %mul3A = arith.constant 16 : i32
    %mul3A_0 = arith.muli %arg0, %mul3A : i32
    %add3A = arith.addi %mul3A_0, %arg1 : i32
    %scan3A = arith.constant 0 : i32
    %scan3A_1 = arith.constant 48 : i32
    %scan3A_2 = arith.addi %scan3A, %scan3A_1 : i32
    %scan3A_3 = arith.constant 1 : i32
    scf.for %scan3A_28 = %scan3A to %scan3A_2 step %scan3A_3  : i32 {
      %mul3A_29 = arith.constant 1 : i32
      %mul3A_30 = arith.muli %scan3A_28, %mul3A_29 : i32
      %add3A_31 = arith.constant 0 : i32
      %add3A_32 = arith.addi %add3A_31, %mul3A_30 : i32
      %scan3A_33 = arith.constant 0 : i32
      %scan3A_34 = arith.constant 8 : i32
      %scan3A_35 = arith.addi %scan3A_33, %scan3A_34 : i32
      %scan3A_36 = arith.constant 1 : i32
      scf.for %scan3A_38 = %scan3A_33 to %scan3A_35 step %scan3A_36  : i32 {
        %mul3A_39 = arith.constant 16 : i32
        %mul3A_40 = arith.muli %scan3A_38, %mul3A_39 : i32
        %add3A_41 = arith.constant 0 : i32
        %add3A_42 = arith.addi %add3A_41, %mul3A_40 : i32
        %broadcast_in_dim3A = arith.constant 0.000000e+00 : f32
        %broadcast_in_dim3A_43 = vector.broadcast %broadcast_in_dim3A : f32 to vector<16xf32>
        %swap3A = arith.index_cast %add3A_32 : i32 to index
        %swap3A_44 = arith.index_cast %add3A_42 : i32 to index
        %swap3A_45 = tpu.vector_load %arg12[%swap3A, %swap3A_44] {strides = array<i32>} : memref<48x128xf32, #tpu.memory_space<vmem>>, vector<1x16xf32>,
        %swap3A_46 = vector.shape_cast %swap3A_45 : vector<1x16xf32> to vector<16xf32>
        %swap3A_47 = vector.shape_cast %broadcast_in_dim3A_43 : vector<16xf32> to vector<1x16xf32>
        tpu.vector_store %arg12[%swap3A, %swap3A_44], %swap3A_47 {strides = array<i32>} : memref<48x128xf32, #tpu.memory_space<vmem>>, vector<1x16xf32>,
      }
      %scan3A_37 = arith.constant 8 : i32
    }
    %scan3A_4 = arith.constant 48 : i32
    %scan3A_5 = arith.constant 0 : i32
    %scan3A_6 = arith.constant 13 : i32
    %scan3A_7 = arith.addi %scan3A_5, %scan3A_6 : i32
    %scan3A_8 = arith.constant 1 : i32
    scf.for %scan3A_28 = %scan3A_5 to %scan3A_7 step %scan3A_8  : i32 {
      %mul3A_29 = arith.constant 1 : i32
      %mul3A_30 = arith.muli %scan3A_28, %mul3A_29 : i32
      %add3A_31 = arith.constant 0 : i32
      %add3A_32 = arith.addi %add3A_31, %mul3A_30 : i32
      %mul3A_33 = arith.constant 624 : i32
      %mul3A_34 = arith.muli %arg1, %mul3A_33 : i32
      %mul3A_35 = arith.constant 48 : i32
      %mul3A_36 = arith.muli %add3A_32, %mul3A_35 : i32
      %add3A_37 = arith.addi %mul3A_34, %mul3A_36 : i32
      "tpu.region"() ({
        %run_scoped3A = tpu.sem_alloc : memref<!tpu.dma_semaphore, #tpu.memory_space<semaphore_mem>>
        %dma_start3A = arith.constant 0 : i32
        %dma_start3A_38 = tpu.memref_slice %arg14[%add3A_37, %dma_start3A] : memref<10000x128xf32, #tpu.memory_space<vmem_shared>> -> memref<48x128xf32, #tpu.memory_space<vmem_shared>>
        %dma_start3A_39 = arith.constant 0 : i32
        %dma_start3A_40 = tpu.memref_slice %arg14[%add3A_37, %dma_start3A_39] : memref<10000x128xf32, #tpu.memory_space<vmem_shared>> -> memref<48x128xf32, #tpu.memory_space<vmem_shared>>
        tpu.enqueue_dma source(%arg12 : memref<48x128xf32, #tpu.memory_space<vmem>>) target(%dma_start3A_40 : memref<48x128xf32, #tpu.memory_space<vmem_shared>>) target_semaphore(%run_scoped3A : memref<!tpu.dma_semaphore, #tpu.memory_space<semaphore_mem>>)
        %dma_wait3A = arith.constant 0 : i32
        %dma_wait3A_41 = tpu.memref_slice %arg14[%add3A_37, %dma_wait3A] : memref<10000x128xf32, #tpu.memory_space<vmem_shared>> -> memref<48x128xf32, #tpu.memory_space<vmem_shared>>
        %dma_wait3A_42 = arith.constant 0 : i32
        %dma_wait3A_43 = tpu.memref_slice %arg14[%add3A_37, %dma_wait3A_42] : memref<10000x128xf32, #tpu.memory_space<vmem_shared>> -> memref<48x128xf32, #tpu.memory_space<vmem_shared>>
        tpu.wait_dma2 semaphore(%run_scoped3A : memref<!tpu.dma_semaphore, #tpu.memory_space<semaphore_mem>>) src(%arg12 : memref<48x128xf32, #tpu.memory_space<vmem>>) dst(%dma_wait3A_43 : memref<48x128xf32, #tpu.memory_space<vmem_shared>>)
        tpu.yield
      }) : () -> ()
    }
    %scan3A_9 = arith.constant 13 : i32
    %eq3A = arith.constant 15 : i32
    %eq3A_10 = arith.cmpi eq, %arg1, %eq3A : i32
    %convert_element_type3A = arith.extui %eq3A_10 : i1 to i32
    %cond3A = arith.constant 0 : i32
    %cond3A_11 = arith.cmpi ne, %convert_element_type3A, %cond3A : i32
    scf.if %cond3A_11 {
      "tpu.region"() ({
        %run_scoped3A = tpu.sem_alloc : memref<!tpu.dma_semaphore, #tpu.memory_space<semaphore_mem>>
        %dma_start3A = arith.constant 0 : i32
        %dma_start3A_28 = arith.constant 0 : i32
        %dma_start3A_29 = tpu.memref_slice %arg12[%dma_start3A, %dma_start3A_28] : memref<48x128xf32, #tpu.memory_space<vmem>> -> memref<16x128xf32, #tpu.memory_space<vmem>>
        %dma_start3A_30 = arith.constant 9984 : i32
        %dma_start3A_31 = arith.constant 0 : i32
        %dma_start3A_32 = tpu.memref_slice %arg14[%dma_start3A_30, %dma_start3A_31] : memref<10000x128xf32, #tpu.memory_space<vmem_shared>> -> memref<16x128xf32, #tpu.memory_space<vmem_shared>>
        %dma_start3A_33 = arith.constant 9984 : i32
        %dma_start3A_34 = arith.constant 0 : i32
        %dma_start3A_35 = tpu.memref_slice %arg14[%dma_start3A_33, %dma_start3A_34] : memref<10000x128xf32, #tpu.memory_space<vmem_shared>> -> memref<16x128xf32, #tpu.memory_space<vmem_shared>>
        %dma_start3A_36 = arith.constant 0 : i32
        %dma_start3A_37 = arith.constant 0 : i32
        %dma_start3A_38 = tpu.memref_slice %arg12[%dma_start3A_36, %dma_start3A_37] : memref<48x128xf32, #tpu.memory_space<vmem>> -> memref<16x128xf32, #tpu.memory_space<vmem>>
        tpu.enqueue_dma source(%dma_start3A_38 : memref<16x128xf32, #tpu.memory_space<vmem>>) target(%dma_start3A_35 : memref<16x128xf32, #tpu.memory_space<vmem_shared>>) target_semaphore(%run_scoped3A : memref<!tpu.dma_semaphore, #tpu.memory_space<semaphore_mem>>)
        %dma_wait3A = arith.constant 0 : i32
        %dma_wait3A_39 = arith.constant 0 : i32
        %dma_wait3A_40 = tpu.memref_slice %arg12[%dma_wait3A, %dma_wait3A_39] : memref<48x128xf32, #tpu.memory_space<vmem>> -> memref<16x128xf32, #tpu.memory_space<vmem>>
        %dma_wait3A_41 = arith.constant 9984 : i32
        %dma_wait3A_42 = arith.constant 0 : i32
        %dma_wait3A_43 = tpu.memref_slice %arg14[%dma_wait3A_41, %dma_wait3A_42] : memref<10000x128xf32, #tpu.memory_space<vmem_shared>> -> memref<16x128xf32, #tpu.memory_space<vmem_shared>>
        %dma_wait3A_44 = arith.constant 9984 : i32
        %dma_wait3A_45 = arith.constant 0 : i32
        %dma_wait3A_46 = tpu.memref_slice %arg14[%dma_wait3A_44, %dma_wait3A_45] : memref<10000x128xf32, #tpu.memory_space<vmem_shared>> -> memref<16x128xf32, #tpu.memory_space<vmem_shared>>
        %dma_wait3A_47 = arith.constant 0 : i32
        %dma_wait3A_48 = arith.constant 0 : i32
        %dma_wait3A_49 = tpu.memref_slice %arg12[%dma_wait3A_47, %dma_wait3A_48] : memref<48x128xf32, #tpu.memory_space<vmem>> -> memref<16x128xf32, #tpu.memory_space<vmem>>
        tpu.wait_dma2 semaphore(%run_scoped3A : memref<!tpu.dma_semaphore, #tpu.memory_space<semaphore_mem>>) src(%dma_wait3A_49 : memref<16x128xf32, #tpu.memory_space<vmem>>) dst(%dma_wait3A_46 : memref<16x128xf32, #tpu.memory_space<vmem_shared>>)
        tpu.yield
      }) : () -> ()
    } else {
    }
    %barrier3A = arith.constant 0 : index
    tpu.barrier barrier_id(%barrier3A)
    %scan3A_12 = arith.constant 0 : i32
    %scan3A_13 = arith.constant 5 : i32
    %scan3A_14 = arith.addi %scan3A_12, %scan3A_13 : i32
    %scan3A_15 = arith.constant 1 : i32
    scf.for %scan3A_28 = %scan3A_12 to %scan3A_14 step %scan3A_15  : i32 {
      %mul3A_29 = arith.constant 1 : i32
      %mul3A_30 = arith.muli %scan3A_28, %mul3A_29 : i32
      %add3A_31 = arith.constant 0 : i32
      %add3A_32 = arith.addi %add3A_31, %mul3A_30 : i32
      "tpu.region"() ({
        %run_scoped3A_67 = tpu.sem_alloc : memref<!tpu.dma_semaphore, #tpu.memory_space<semaphore_mem>>
        %dma_start3A_68 = arith.constant 0 : i32
        %dma_start3A_69 = arith.constant 0 : i32
        %dma_start3A_70 = tpu.memref_slice %arg3[%add3A, %add3A_32, %dma_start3A_68, %dma_start3A_69] : memref<32x5x25x80xi32, #tpu.memory_space<hbm>> -> memref<1x1x25x80xi32, #tpu.memory_space<hbm>>
        %dma_start3A_71 = tpu.memref_squeeze %dma_start3A_70 : memref<1x1x25x80xi32, #tpu.memory_space<hbm>> -> memref<25x80xi32, #tpu.memory_space<hbm>>
        %dma_start3A_72 = arith.constant 0 : i32
        %dma_start3A_73 = arith.constant 0 : i32
        %dma_start3A_74 = tpu.memref_slice %arg3[%add3A, %add3A_32, %dma_start3A_72, %dma_start3A_73] : memref<32x5x25x80xi32, #tpu.memory_space<hbm>> -> memref<1x1x25x80xi32, #tpu.memory_space<hbm>>
        %dma_start3A_75 = tpu.memref_squeeze %dma_start3A_74 : memref<1x1x25x80xi32, #tpu.memory_space<hbm>> -> memref<25x80xi32, #tpu.memory_space<hbm>>
        tpu.enqueue_dma source(%dma_start3A_75 : memref<25x80xi32, #tpu.memory_space<hbm>>) target(%arg6 : memref<25x80xi32, #tpu.memory_space<vmem>>) target_semaphore(%run_scoped3A_67 : memref<!tpu.dma_semaphore, #tpu.memory_space<semaphore_mem>>)
        %dma_wait3A_76 = arith.constant 0 : i32
        %dma_wait3A_77 = arith.constant 0 : i32
        %dma_wait3A_78 = tpu.memref_slice %arg3[%add3A, %add3A_32, %dma_wait3A_76, %dma_wait3A_77] : memref<32x5x25x80xi32, #tpu.memory_space<hbm>> -> memref<1x1x25x80xi32, #tpu.memory_space<hbm>>
        %dma_wait3A_79 = tpu.memref_squeeze %dma_wait3A_78 : memref<1x1x25x80xi32, #tpu.memory_space<hbm>> -> memref<25x80xi32, #tpu.memory_space<hbm>>
        %dma_wait3A_80 = arith.constant 0 : i32
        %dma_wait3A_81 = arith.constant 0 : i32
        %dma_wait3A_82 = tpu.memref_slice %arg3[%add3A, %add3A_32, %dma_wait3A_80, %dma_wait3A_81] : memref<32x5x25x80xi32, #tpu.memory_space<hbm>> -> memref<1x1x25x80xi32, #tpu.memory_space<hbm>>
        %dma_wait3A_83 = tpu.memref_squeeze %dma_wait3A_82 : memref<1x1x25x80xi32, #tpu.memory_space<hbm>> -> memref<25x80xi32, #tpu.memory_space<hbm>>
        tpu.wait_dma2 semaphore(%run_scoped3A_67 : memref<!tpu.dma_semaphore, #tpu.memory_space<semaphore_mem>>) src(%dma_wait3A_83 : memref<25x80xi32, #tpu.memory_space<hbm>>) dst(%arg6 : memref<25x80xi32, #tpu.memory_space<vmem>>)
        tpu.yield
      }) : () -> ()
      "tpu.region"() ({
        %run_scoped3A_67 = tpu.sem_alloc : memref<!tpu.dma_semaphore, #tpu.memory_space<semaphore_mem>>
        %dma_start3A_68 = arith.constant 0 : i32
        %dma_start3A_69 = arith.constant 0 : i32
        %dma_start3A_70 = tpu.memref_slice %arg4[%add3A, %add3A_32, %dma_start3A_68, %dma_start3A_69] : memref<32x5x25x80xi32, #tpu.memory_space<hbm>> -> memref<1x1x25x80xi32, #tpu.memory_space<hbm>>
        %dma_start3A_71 = tpu.memref_squeeze %dma_start3A_70 : memref<1x1x25x80xi32, #tpu.memory_space<hbm>> -> memref<25x80xi32, #tpu.memory_space<hbm>>
        %dma_start3A_72 = arith.constant 0 : i32
        %dma_start3A_73 = arith.constant 0 : i32
        %dma_start3A_74 = tpu.memref_slice %arg4[%add3A, %add3A_32, %dma_start3A_72, %dma_start3A_73] : memref<32x5x25x80xi32, #tpu.memory_space<hbm>> -> memref<1x1x25x80xi32, #tpu.memory_space<hbm>>
        %dma_start3A_75 = tpu.memref_squeeze %dma_start3A_74 : memref<1x1x25x80xi32, #tpu.memory_space<hbm>> -> memref<25x80xi32, #tpu.memory_space<hbm>>
        tpu.enqueue_dma source(%dma_start3A_75 : memref<25x80xi32, #tpu.memory_space<hbm>>) target(%arg7 : memref<25x80xi32, #tpu.memory_space<vmem>>) target_semaphore(%run_scoped3A_67 : memref<!tpu.dma_semaphore, #tpu.memory_space<semaphore_mem>>)
        %dma_wait3A_76 = arith.constant 0 : i32
        %dma_wait3A_77 = arith.constant 0 : i32
        %dma_wait3A_78 = tpu.memref_slice %arg4[%add3A, %add3A_32, %dma_wait3A_76, %dma_wait3A_77] : memref<32x5x25x80xi32, #tpu.memory_space<hbm>> -> memref<1x1x25x80xi32, #tpu.memory_space<hbm>>
        %dma_wait3A_79 = tpu.memref_squeeze %dma_wait3A_78 : memref<1x1x25x80xi32, #tpu.memory_space<hbm>> -> memref<25x80xi32, #tpu.memory_space<hbm>>
        %dma_wait3A_80 = arith.constant 0 : i32
        %dma_wait3A_81 = arith.constant 0 : i32
        %dma_wait3A_82 = tpu.memref_slice %arg4[%add3A, %add3A_32, %dma_wait3A_80, %dma_wait3A_81] : memref<32x5x25x80xi32, #tpu.memory_space<hbm>> -> memref<1x1x25x80xi32, #tpu.memory_space<hbm>>
        %dma_wait3A_83 = tpu.memref_squeeze %dma_wait3A_82 : memref<1x1x25x80xi32, #tpu.memory_space<hbm>> -> memref<25x80xi32, #tpu.memory_space<hbm>>
        tpu.wait_dma2 semaphore(%run_scoped3A_67 : memref<!tpu.dma_semaphore, #tpu.memory_space<semaphore_mem>>) src(%dma_wait3A_83 : memref<25x80xi32, #tpu.memory_space<hbm>>) dst(%arg7 : memref<25x80xi32, #tpu.memory_space<vmem>>)
        tpu.yield
      }) : () -> ()
      %run_scoped3A = arith.constant 0 : i32
      "tpu.region"() ({
        %run_scoped3A_67 = tpu.sem_alloc : memref<!tpu.dma_semaphore, #tpu.memory_space<semaphore_mem>>
        %dma_start3A_68 = arith.constant 0 : i32
        %dma_start3A_69 = tpu.memref_slice %arg6[%run_scoped3A, %dma_start3A_68] : memref<25x80xi32, #tpu.memory_space<vmem>> -> memref<1x80xi32, #tpu.memory_space<vmem>>
        %dma_start3A_70 = tpu.memref_squeeze %dma_start3A_69 : memref<1x80xi32, #tpu.memory_space<vmem>> -> memref<80xi32, #tpu.memory_space<vmem>>
        %dma_start3A_71 = arith.constant 0 : i32
        %dma_start3A_72 = arith.constant 0 : i32
        %dma_start3A_73 = tpu.memref_slice %arg2[%dma_start3A_71, %dma_start3A_72] : memref<10000x128xf32, #tpu.memory_space<hbm>> -> memref<10000x128xf32, #tpu.memory_space<hbm>>
        tpu.enqueue_indirect_dma source(%dma_start3A_73 : memref<10000x128xf32, #tpu.memory_space<hbm>>) target(%arg10 : memref<80x128xf32, #tpu.memory_space<vmem>>) offsets(%dma_start3A_70 : memref<80xi32, #tpu.memory_space<vmem>>) semaphore(%run_scoped3A_67 : memref<!tpu.dma_semaphore, #tpu.memory_space<semaphore_mem>>)
        %dma_wait3A_74 = arith.constant 0 : i32
        %dma_wait3A_75 = tpu.memref_slice %arg6[%run_scoped3A, %dma_wait3A_74] : memref<25x80xi32, #tpu.memory_space<vmem>> -> memref<1x80xi32, #tpu.memory_space<vmem>>
        %dma_wait3A_76 = tpu.memref_squeeze %dma_wait3A_75 : memref<1x80xi32, #tpu.memory_space<vmem>> -> memref<80xi32, #tpu.memory_space<vmem>>
        %dma_wait3A_77 = arith.constant 0 : i32
        %dma_wait3A_78 = arith.constant 0 : i32
        %dma_wait3A_79 = tpu.memref_slice %arg2[%dma_wait3A_77, %dma_wait3A_78] : memref<10000x128xf32, #tpu.memory_space<hbm>> -> memref<10000x128xf32, #tpu.memory_space<hbm>>
        tpu.wait_indirect_dma semaphore(%run_scoped3A_67 : memref<!tpu.dma_semaphore, #tpu.memory_space<semaphore_mem>>) src(%dma_wait3A_79 : memref<10000x128xf32, #tpu.memory_space<hbm>>) dst(%arg10 : memref<80x128xf32, #tpu.memory_space<vmem>>)
        tpu.yield
      }) : () -> ()
      %scan3A_33 = arith.constant 0 : i32
      %scan3A_34 = arith.constant 11 : i32
      %scan3A_35 = arith.addi %scan3A_33, %scan3A_34 : i32
      %scan3A_36 = arith.constant 1 : i32
      scf.for %scan3A_67 = %scan3A_33 to %scan3A_35 step %scan3A_36  : i32 {
        %mul3A_68 = arith.constant 1 : i32
        %mul3A_69 = arith.muli %scan3A_67, %mul3A_68 : i32
        %add3A_70 = arith.constant 0 : i32
        %add3A_71 = arith.addi %add3A_70, %mul3A_69 : i32
        %mul3A_72 = arith.constant 2 : i32
        %mul3A_73 = arith.muli %mul3A_72, %add3A_71 : i32
        %dma_start3A_74 = arith.constant 0 : i32
        %dma_start3A_75 = tpu.memref_slice %arg7[%mul3A_73, %dma_start3A_74] : memref<25x80xi32, #tpu.memory_space<vmem>> -> memref<1x80xi32, #tpu.memory_space<vmem>>
        %dma_start3A_76 = tpu.memref_squeeze %dma_start3A_75 : memref<1x80xi32, #tpu.memory_space<vmem>> -> memref<80xi32, #tpu.memory_space<vmem>>
        %dma_start3A_77 = arith.constant 0 : i32
        %dma_start3A_78 = arith.constant 0 : i32
        %dma_start3A_79 = tpu.memref_slice %arg14[%dma_start3A_77, %dma_start3A_78] : memref<10000x128xf32, #tpu.memory_space<vmem_shared>> -> memref<10000x128xf32, #tpu.memory_space<vmem_shared>>
        tpu.enqueue_indirect_dma source(%arg10 : memref<80x128xf32, #tpu.memory_space<vmem>>) target(%dma_start3A_79 : memref<10000x128xf32, #tpu.memory_space<vmem_shared>>) offsets(%dma_start3A_76 : memref<80xi32, #tpu.memory_space<vmem>>) semaphore(%arg15 : memref<!tpu.dma_semaphore, #tpu.memory_space<semaphore_mem>>) {add = true}
        %add3A_80 = arith.constant 1 : i32
        %add3A_81 = arith.addi %mul3A_73, %add3A_80 : i32
        "tpu.region"() ({
          %run_scoped3A_104 = tpu.sem_alloc : memref<!tpu.dma_semaphore, #tpu.memory_space<semaphore_mem>>
          %dma_start3A_105 = arith.constant 0 : i32
          %dma_start3A_106 = tpu.memref_slice %arg6[%add3A_81, %dma_start3A_105] : memref<25x80xi32, #tpu.memory_space<vmem>> -> memref<1x80xi32, #tpu.memory_space<vmem>>
          %dma_start3A_107 = tpu.memref_squeeze %dma_start3A_106 : memref<1x80xi32, #tpu.memory_space<vmem>> -> memref<80xi32, #tpu.memory_space<vmem>>
          %dma_start3A_108 = arith.constant 0 : i32
          %dma_start3A_109 = arith.constant 0 : i32
          %dma_start3A_110 = tpu.memref_slice %arg2[%dma_start3A_108, %dma_start3A_109] : memref<10000x128xf32, #tpu.memory_space<hbm>> -> memref<10000x128xf32, #tpu.memory_space<hbm>>
          tpu.enqueue_indirect_dma source(%dma_start3A_110 : memref<10000x128xf32, #tpu.memory_space<hbm>>) target(%arg11 : memref<80x128xf32, #tpu.memory_space<vmem>>) offsets(%dma_start3A_107 : memref<80xi32, #tpu.memory_space<vmem>>) semaphore(%run_scoped3A_104 : memref<!tpu.dma_semaphore, #tpu.memory_space<semaphore_mem>>)
          %dma_wait3A_111 = arith.constant 0 : i32
          %dma_wait3A_112 = tpu.memref_slice %arg6[%add3A_81, %dma_wait3A_111] : memref<25x80xi32, #tpu.memory_space<vmem>> -> memref<1x80xi32, #tpu.memory_space<vmem>>
          %dma_wait3A_113 = tpu.memref_squeeze %dma_wait3A_112 : memref<1x80xi32, #tpu.memory_space<vmem>> -> memref<80xi32, #tpu.memory_space<vmem>>
          %dma_wait3A_114 = arith.constant 0 : i32
          %dma_wait3A_115 = arith.constant 0 : i32
          %dma_wait3A_116 = tpu.memref_slice %arg2[%dma_wait3A_114, %dma_wait3A_115] : memref<10000x128xf32, #tpu.memory_space<hbm>> -> memref<10000x128xf32, #tpu.memory_space<hbm>>
          tpu.wait_indirect_dma semaphore(%run_scoped3A_104 : memref<!tpu.dma_semaphore, #tpu.memory_space<semaphore_mem>>) src(%dma_wait3A_116 : memref<10000x128xf32, #tpu.memory_space<hbm>>) dst(%arg11 : memref<80x128xf32, #tpu.memory_space<vmem>>)
          tpu.yield
        }) : () -> ()
        %dma_wait3A_82 = arith.constant 0 : i32
        %dma_wait3A_83 = tpu.memref_slice %arg7[%mul3A_73, %dma_wait3A_82] : memref<25x80xi32, #tpu.memory_space<vmem>> -> memref<1x80xi32, #tpu.memory_space<vmem>>
        %dma_wait3A_84 = tpu.memref_squeeze %dma_wait3A_83 : memref<1x80xi32, #tpu.memory_space<vmem>> -> memref<80xi32, #tpu.memory_space<vmem>>
        %dma_wait3A_85 = arith.constant 0 : i32
        %dma_wait3A_86 = arith.constant 0 : i32
        %dma_wait3A_87 = tpu.memref_slice %arg14[%dma_wait3A_85, %dma_wait3A_86] : memref<10000x128xf32, #tpu.memory_space<vmem_shared>> -> memref<10000x128xf32, #tpu.memory_space<vmem_shared>>
        tpu.wait_indirect_dma semaphore(%arg15 : memref<!tpu.dma_semaphore, #tpu.memory_space<semaphore_mem>>) src(%arg10 : memref<80x128xf32, #tpu.memory_space<vmem>>) dst(%dma_wait3A_87 : memref<10000x128xf32, #tpu.memory_space<vmem_shared>>)
        %add3A_88 = arith.constant 1 : i32
        %add3A_89 = arith.addi %mul3A_73, %add3A_88 : i32
        %dma_start3A_90 = arith.constant 0 : i32
        %dma_start3A_91 = tpu.memref_slice %arg7[%add3A_89, %dma_start3A_90] : memref<25x80xi32, #tpu.memory_space<vmem>> -> memref<1x80xi32, #tpu.memory_space<vmem>>
        %dma_start3A_92 = tpu.memref_squeeze %dma_start3A_91 : memref<1x80xi32, #tpu.memory_space<vmem>> -> memref<80xi32, #tpu.memory_space<vmem>>
        %dma_start3A_93 = arith.constant 0 : i32
        %dma_start3A_94 = arith.constant 0 : i32
        %dma_start3A_95 = tpu.memref_slice %arg14[%dma_start3A_93, %dma_start3A_94] : memref<10000x128xf32, #tpu.memory_space<vmem_shared>> -> memref<10000x128xf32, #tpu.memory_space<vmem_shared>>
        tpu.enqueue_indirect_dma source(%arg11 : memref<80x128xf32, #tpu.memory_space<vmem>>) target(%dma_start3A_95 : memref<10000x128xf32, #tpu.memory_space<vmem_shared>>) offsets(%dma_start3A_92 : memref<80xi32, #tpu.memory_space<vmem>>) semaphore(%arg16 : memref<!tpu.dma_semaphore, #tpu.memory_space<semaphore_mem>>) {add = true}
        %add3A_96 = arith.constant 2 : i32
        %add3A_97 = arith.addi %mul3A_73, %add3A_96 : i32
        "tpu.region"() ({
          %run_scoped3A_104 = tpu.sem_alloc : memref<!tpu.dma_semaphore, #tpu.memory_space<semaphore_mem>>
          %dma_start3A_105 = arith.constant 0 : i32
          %dma_start3A_106 = tpu.memref_slice %arg6[%add3A_97, %dma_start3A_105] : memref<25x80xi32, #tpu.memory_space<vmem>> -> memref<1x80xi32, #tpu.memory_space<vmem>>
          %dma_start3A_107 = tpu.memref_squeeze %dma_start3A_106 : memref<1x80xi32, #tpu.memory_space<vmem>> -> memref<80xi32, #tpu.memory_space<vmem>>
          %dma_start3A_108 = arith.constant 0 : i32
          %dma_start3A_109 = arith.constant 0 : i32
          %dma_start3A_110 = tpu.memref_slice %arg2[%dma_start3A_108, %dma_start3A_109] : memref<10000x128xf32, #tpu.memory_space<hbm>> -> memref<10000x128xf32, #tpu.memory_space<hbm>>
          tpu.enqueue_indirect_dma source(%dma_start3A_110 : memref<10000x128xf32, #tpu.memory_space<hbm>>) target(%arg10 : memref<80x128xf32, #tpu.memory_space<vmem>>) offsets(%dma_start3A_107 : memref<80xi32, #tpu.memory_space<vmem>>) semaphore(%run_scoped3A_104 : memref<!tpu.dma_semaphore, #tpu.memory_space<semaphore_mem>>)
          %dma_wait3A_111 = arith.constant 0 : i32
          %dma_wait3A_112 = tpu.memref_slice %arg6[%add3A_97, %dma_wait3A_111] : memref<25x80xi32, #tpu.memory_space<vmem>> -> memref<1x80xi32, #tpu.memory_space<vmem>>
          %dma_wait3A_113 = tpu.memref_squeeze %dma_wait3A_112 : memref<1x80xi32, #tpu.memory_space<vmem>> -> memref<80xi32, #tpu.memory_space<vmem>>
          %dma_wait3A_114 = arith.constant 0 : i32
          %dma_wait3A_115 = arith.constant 0 : i32
          %dma_wait3A_116 = tpu.memref_slice %arg2[%dma_wait3A_114, %dma_wait3A_115] : memref<10000x128xf32, #tpu.memory_space<hbm>> -> memref<10000x128xf32, #tpu.memory_space<hbm>>
          tpu.wait_indirect_dma semaphore(%run_scoped3A_104 : memref<!tpu.dma_semaphore, #tpu.memory_space<semaphore_mem>>) src(%dma_wait3A_116 : memref<10000x128xf32, #tpu.memory_space<hbm>>) dst(%arg10 : memref<80x128xf32, #tpu.memory_space<vmem>>)
          tpu.yield
        }) : () -> ()
        %dma_wait3A_98 = arith.constant 0 : i32
        %dma_wait3A_99 = tpu.memref_slice %arg7[%add3A_89, %dma_wait3A_98] : memref<25x80xi32, #tpu.memory_space<vmem>> -> memref<1x80xi32, #tpu.memory_space<vmem>>
        %dma_wait3A_100 = tpu.memref_squeeze %dma_wait3A_99 : memref<1x80xi32, #tpu.memory_space<vmem>> -> memref<80xi32, #tpu.memory_space<vmem>>
        %dma_wait3A_101 = arith.constant 0 : i32
        %dma_wait3A_102 = arith.constant 0 : i32
        %dma_wait3A_103 = tpu.memref_slice %arg14[%dma_wait3A_101, %dma_wait3A_102] : memref<10000x128xf32, #tpu.memory_space<vmem_shared>> -> memref<10000x128xf32, #tpu.memory_space<vmem_shared>>
        tpu.wait_indirect_dma semaphore(%arg16 : memref<!tpu.dma_semaphore, #tpu.memory_space<semaphore_mem>>) src(%arg11 : memref<80x128xf32, #tpu.memory_space<vmem>>) dst(%dma_wait3A_103 : memref<10000x128xf32, #tpu.memory_space<vmem_shared>>)
      }
      %scan3A_37 = arith.constant 11 : i32
      %dma_start3A = arith.constant 22 : i32
      %dma_start3A_38 = arith.constant 0 : i32
      %dma_start3A_39 = tpu.memref_slice %arg7[%dma_start3A, %dma_start3A_38] : memref<25x80xi32, #tpu.memory_space<vmem>> -> memref<1x80xi32, #tpu.memory_space<vmem>>
      %dma_start3A_40 = tpu.memref_squeeze %dma_start3A_39 : memref<1x80xi32, #tpu.memory_space<vmem>> -> memref<80xi32, #tpu.memory_space<vmem>>
      %dma_start3A_41 = arith.constant 0 : i32
      %dma_start3A_42 = arith.constant 0 : i32
      %dma_start3A_43 = tpu.memref_slice %arg14[%dma_start3A_41, %dma_start3A_42] : memref<10000x128xf32, #tpu.memory_space<vmem_shared>> -> memref<10000x128xf32, #tpu.memory_space<vmem_shared>>
      tpu.enqueue_indirect_dma source(%arg10 : memref<80x128xf32, #tpu.memory_space<vmem>>) target(%dma_start3A_43 : memref<10000x128xf32, #tpu.memory_space<vmem_shared>>) offsets(%dma_start3A_40 : memref<80xi32, #tpu.memory_space<vmem>>) semaphore(%arg15 : memref<!tpu.dma_semaphore, #tpu.memory_space<semaphore_mem>>) {add = true}
      %run_scoped3A_44 = arith.constant 23 : i32
      "tpu.region"() ({
        %run_scoped3A_67 = tpu.sem_alloc : memref<!tpu.dma_semaphore, #tpu.memory_space<semaphore_mem>>
        %dma_start3A_68 = arith.constant 0 : i32
        %dma_start3A_69 = tpu.memref_slice %arg6[%run_scoped3A_44, %dma_start3A_68] : memref<25x80xi32, #tpu.memory_space<vmem>> -> memref<1x80xi32, #tpu.memory_space<vmem>>
        %dma_start3A_70 = tpu.memref_squeeze %dma_start3A_69 : memref<1x80xi32, #tpu.memory_space<vmem>> -> memref<80xi32, #tpu.memory_space<vmem>>
        %dma_start3A_71 = arith.constant 0 : i32
        %dma_start3A_72 = arith.constant 0 : i32
        %dma_start3A_73 = tpu.memref_slice %arg2[%dma_start3A_71, %dma_start3A_72] : memref<10000x128xf32, #tpu.memory_space<hbm>> -> memref<10000x128xf32, #tpu.memory_space<hbm>>
        tpu.enqueue_indirect_dma source(%dma_start3A_73 : memref<10000x128xf32, #tpu.memory_space<hbm>>) target(%arg11 : memref<80x128xf32, #tpu.memory_space<vmem>>) offsets(%dma_start3A_70 : memref<80xi32, #tpu.memory_space<vmem>>) semaphore(%run_scoped3A_67 : memref<!tpu.dma_semaphore, #tpu.memory_space<semaphore_mem>>)
        %dma_wait3A_74 = arith.constant 0 : i32
        %dma_wait3A_75 = tpu.memref_slice %arg6[%run_scoped3A_44, %dma_wait3A_74] : memref<25x80xi32, #tpu.memory_space<vmem>> -> memref<1x80xi32, #tpu.memory_space<vmem>>
        %dma_wait3A_76 = tpu.memref_squeeze %dma_wait3A_75 : memref<1x80xi32, #tpu.memory_space<vmem>> -> memref<80xi32, #tpu.memory_space<vmem>>
        %dma_wait3A_77 = arith.constant 0 : i32
        %dma_wait3A_78 = arith.constant 0 : i32
        %dma_wait3A_79 = tpu.memref_slice %arg2[%dma_wait3A_77, %dma_wait3A_78] : memref<10000x128xf32, #tpu.memory_space<hbm>> -> memref<10000x128xf32, #tpu.memory_space<hbm>>
        tpu.wait_indirect_dma semaphore(%run_scoped3A_67 : memref<!tpu.dma_semaphore, #tpu.memory_space<semaphore_mem>>) src(%dma_wait3A_79 : memref<10000x128xf32, #tpu.memory_space<hbm>>) dst(%arg11 : memref<80x128xf32, #tpu.memory_space<vmem>>)
        tpu.yield
      }) : () -> ()
      %dma_wait3A = arith.constant 22 : i32
      %dma_wait3A_45 = arith.constant 0 : i32
      %dma_wait3A_46 = tpu.memref_slice %arg7[%dma_wait3A, %dma_wait3A_45] : memref<25x80xi32, #tpu.memory_space<vmem>> -> memref<1x80xi32, #tpu.memory_space<vmem>>
      %dma_wait3A_47 = tpu.memref_squeeze %dma_wait3A_46 : memref<1x80xi32, #tpu.memory_space<vmem>> -> memref<80xi32, #tpu.memory_space<vmem>>
      %dma_wait3A_48 = arith.constant 0 : i32
      %dma_wait3A_49 = arith.constant 0 : i32
      %dma_wait3A_50 = tpu.memref_slice %arg14[%dma_wait3A_48, %dma_wait3A_49] : memref<10000x128xf32, #tpu.memory_space<vmem_shared>> -> memref<10000x128xf32, #tpu.memory_space<vmem_shared>>
      tpu.wait_indirect_dma semaphore(%arg15 : memref<!tpu.dma_semaphore, #tpu.memory_space<semaphore_mem>>) src(%arg10 : memref<80x128xf32, #tpu.memory_space<vmem>>) dst(%dma_wait3A_50 : memref<10000x128xf32, #tpu.memory_space<vmem_shared>>)
      %dma_start3A_51 = arith.constant 23 : i32
      %dma_start3A_52 = arith.constant 0 : i32
      %dma_start3A_53 = tpu.memref_slice %arg7[%dma_start3A_51, %dma_start3A_52] : memref<25x80xi32, #tpu.memory_space<vmem>> -> memref<1x80xi32, #tpu.memory_space<vmem>>
      %dma_start3A_54 = tpu.memref_squeeze %dma_start3A_53 : memref<1x80xi32, #tpu.memory_space<vmem>> -> memref<80xi32, #tpu.memory_space<vmem>>
      %dma_start3A_55 = arith.constant 0 : i32
      %dma_start3A_56 = arith.constant 0 : i32
      %dma_start3A_57 = tpu.memref_slice %arg14[%dma_start3A_55, %dma_start3A_56] : memref<10000x128xf32, #tpu.memory_space<vmem_shared>> -> memref<10000x128xf32, #tpu.memory_space<vmem_shared>>
      tpu.enqueue_indirect_dma source(%arg11 : memref<80x128xf32, #tpu.memory_space<vmem>>) target(%dma_start3A_57 : memref<10000x128xf32, #tpu.memory_space<vmem_shared>>) offsets(%dma_start3A_54 : memref<80xi32, #tpu.memory_space<vmem>>) semaphore(%arg16 : memref<!tpu.dma_semaphore, #tpu.memory_space<semaphore_mem>>) {add = true}
      %run_scoped3A_58 = arith.constant 24 : i32
      "tpu.region"() ({
        %run_scoped3A_67 = tpu.sem_alloc : memref<!tpu.dma_semaphore, #tpu.memory_space<semaphore_mem>>
        %dma_start3A_68 = arith.constant 0 : i32
        %dma_start3A_69 = tpu.memref_slice %arg6[%run_scoped3A_58, %dma_start3A_68] : memref<25x80xi32, #tpu.memory_space<vmem>> -> memref<1x80xi32, #tpu.memory_space<vmem>>
        %dma_start3A_70 = tpu.memref_squeeze %dma_start3A_69 : memref<1x80xi32, #tpu.memory_space<vmem>> -> memref<80xi32, #tpu.memory_space<vmem>>
        %dma_start3A_71 = arith.constant 0 : i32
        %dma_start3A_72 = arith.constant 0 : i32
        %dma_start3A_73 = tpu.memref_slice %arg2[%dma_start3A_71, %dma_start3A_72] : memref<10000x128xf32, #tpu.memory_space<hbm>> -> memref<10000x128xf32, #tpu.memory_space<hbm>>
        tpu.enqueue_indirect_dma source(%dma_start3A_73 : memref<10000x128xf32, #tpu.memory_space<hbm>>) target(%arg10 : memref<80x128xf32, #tpu.memory_space<vmem>>) offsets(%dma_start3A_70 : memref<80xi32, #tpu.memory_space<vmem>>) semaphore(%run_scoped3A_67 : memref<!tpu.dma_semaphore, #tpu.memory_space<semaphore_mem>>)
        %dma_wait3A_74 = arith.constant 0 : i32
        %dma_wait3A_75 = tpu.memref_slice %arg6[%run_scoped3A_58, %dma_wait3A_74] : memref<25x80xi32, #tpu.memory_space<vmem>> -> memref<1x80xi32, #tpu.memory_space<vmem>>
        %dma_wait3A_76 = tpu.memref_squeeze %dma_wait3A_75 : memref<1x80xi32, #tpu.memory_space<vmem>> -> memref<80xi32, #tpu.memory_space<vmem>>
        %dma_wait3A_77 = arith.constant 0 : i32
        %dma_wait3A_78 = arith.constant 0 : i32
        %dma_wait3A_79 = tpu.memref_slice %arg2[%dma_wait3A_77, %dma_wait3A_78] : memref<10000x128xf32, #tpu.memory_space<hbm>> -> memref<10000x128xf32, #tpu.memory_space<hbm>>
        tpu.wait_indirect_dma semaphore(%run_scoped3A_67 : memref<!tpu.dma_semaphore, #tpu.memory_space<semaphore_mem>>) src(%dma_wait3A_79 : memref<10000x128xf32, #tpu.memory_space<hbm>>) dst(%arg10 : memref<80x128xf32, #tpu.memory_space<vmem>>)
        tpu.yield
      }) : () -> ()
      %dma_wait3A_59 = arith.constant 23 : i32
      %dma_wait3A_60 = arith.constant 0 : i32
      %dma_wait3A_61 = tpu.memref_slice %arg7[%dma_wait3A_59, %dma_wait3A_60] : memref<25x80xi32, #tpu.memory_space<vmem>> -> memref<1x80xi32, #tpu.memory_space<vmem>>
      %dma_wait3A_62 = tpu.memref_squeeze %dma_wait3A_61 : memref<1x80xi32, #tpu.memory_space<vmem>> -> memref<80xi32, #tpu.memory_space<vmem>>
      %dma_wait3A_63 = arith.constant 0 : i32
      %dma_wait3A_64 = arith.constant 0 : i32
      %dma_wait3A_65 = tpu.memref_slice %arg14[%dma_wait3A_63, %dma_wait3A_64] : memref<10000x128xf32, #tpu.memory_space<vmem_shared>> -> memref<10000x128xf32, #tpu.memory_space<vmem_shared>>
      tpu.wait_indirect_dma semaphore(%arg16 : memref<!tpu.dma_semaphore, #tpu.memory_space<semaphore_mem>>) src(%arg11 : memref<80x128xf32, #tpu.memory_space<vmem>>) dst(%dma_wait3A_65 : memref<10000x128xf32, #tpu.memory_space<vmem_shared>>)
      %run_scoped3A_66 = arith.constant 24 : i32
      "tpu.region"() ({
        %run_scoped3A_67 = tpu.sem_alloc : memref<!tpu.dma_semaphore, #tpu.memory_space<semaphore_mem>>
        %dma_start3A_68 = arith.constant 0 : i32
        %dma_start3A_69 = tpu.memref_slice %arg7[%run_scoped3A_66, %dma_start3A_68] : memref<25x80xi32, #tpu.memory_space<vmem>> -> memref<1x80xi32, #tpu.memory_space<vmem>>
        %dma_start3A_70 = tpu.memref_squeeze %dma_start3A_69 : memref<1x80xi32, #tpu.memory_space<vmem>> -> memref<80xi32, #tpu.memory_space<vmem>>
        %dma_start3A_71 = arith.constant 0 : i32
        %dma_start3A_72 = arith.constant 0 : i32
        %dma_start3A_73 = tpu.memref_slice %arg14[%dma_start3A_71, %dma_start3A_72] : memref<10000x128xf32, #tpu.memory_space<vmem_shared>> -> memref<10000x128xf32, #tpu.memory_space<vmem_shared>>
        tpu.enqueue_indirect_dma source(%arg10 : memref<80x128xf32, #tpu.memory_space<vmem>>) target(%dma_start3A_73 : memref<10000x128xf32, #tpu.memory_space<vmem_shared>>) offsets(%dma_start3A_70 : memref<80xi32, #tpu.memory_space<vmem>>) semaphore(%run_scoped3A_67 : memref<!tpu.dma_semaphore, #tpu.memory_space<semaphore_mem>>) {add = true}
        %dma_wait3A_74 = arith.constant 0 : i32
        %dma_wait3A_75 = tpu.memref_slice %arg7[%run_scoped3A_66, %dma_wait3A_74] : memref<25x80xi32, #tpu.memory_space<vmem>> -> memref<1x80xi32, #tpu.memory_space<vmem>>
        %dma_wait3A_76 = tpu.memref_squeeze %dma_wait3A_75 : memref<1x80xi32, #tpu.memory_space<vmem>> -> memref<80xi32, #tpu.memory_space<vmem>>
        %dma_wait3A_77 = arith.constant 0 : i32
        %dma_wait3A_78 = arith.constant 0 : i32
        %dma_wait3A_79 = tpu.memref_slice %arg14[%dma_wait3A_77, %dma_wait3A_78] : memref<10000x128xf32, #tpu.memory_space<vmem_shared>> -> memref<10000x128xf32, #tpu.memory_space<vmem_shared>>
        tpu.wait_indirect_dma semaphore(%run_scoped3A_67 : memref<!tpu.dma_semaphore, #tpu.memory_space<semaphore_mem>>) src(%arg10 : memref<80x128xf32, #tpu.memory_space<vmem>>) dst(%dma_wait3A_79 : memref<10000x128xf32, #tpu.memory_space<vmem_shared>>)
        tpu.yield
      }) : () -> ()
    }
    %scan3A_16 = arith.constant 5 : i32
    %barrier3A_17 = arith.constant 0 : index
    tpu.barrier barrier_id(%barrier3A_17)
    %scan3A_18 = arith.constant 0 : i32
    %scan3A_19 = arith.constant 13 : i32
    %scan3A_20 = arith.addi %scan3A_18, %scan3A_19 : i32
    %scan3A_21 = arith.constant 1 : i32
    scf.for %scan3A_28 = %scan3A_18 to %scan3A_20 step %scan3A_21  : i32 {
      %mul3A_29 = arith.constant 1 : i32
      %mul3A_30 = arith.muli %scan3A_28, %mul3A_29 : i32
      %add3A_31 = arith.constant 0 : i32
      %add3A_32 = arith.addi %add3A_31, %mul3A_30 : i32
      %mul3A_33 = arith.constant 624 : i32
      %mul3A_34 = arith.muli %arg1, %mul3A_33 : i32
      %mul3A_35 = arith.constant 48 : i32
      %mul3A_36 = arith.muli %add3A_32, %mul3A_35 : i32
      %add3A_37 = arith.addi %mul3A_34, %mul3A_36 : i32
      "tpu.region"() ({
        %run_scoped3A = tpu.sem_alloc : memref<!tpu.dma_semaphore, #tpu.memory_space<semaphore_mem>>
        %dma_start3A = arith.constant 0 : i32
        %dma_start3A_38 = tpu.memref_slice %arg14[%add3A_37, %dma_start3A] : memref<10000x128xf32, #tpu.memory_space<vmem_shared>> -> memref<48x128xf32, #tpu.memory_space<vmem_shared>>
        %dma_start3A_39 = arith.constant 0 : i32
        %dma_start3A_40 = tpu.memref_slice %arg14[%add3A_37, %dma_start3A_39] : memref<10000x128xf32, #tpu.memory_space<vmem_shared>> -> memref<48x128xf32, #tpu.memory_space<vmem_shared>>
        tpu.enqueue_dma source(%dma_start3A_40 : memref<48x128xf32, #tpu.memory_space<vmem_shared>>) target(%arg12 : memref<48x128xf32, #tpu.memory_space<vmem>>) target_semaphore(%run_scoped3A : memref<!tpu.dma_semaphore, #tpu.memory_space<semaphore_mem>>)
        %dma_wait3A = arith.constant 0 : i32
        %dma_wait3A_41 = tpu.memref_slice %arg14[%add3A_37, %dma_wait3A] : memref<10000x128xf32, #tpu.memory_space<vmem_shared>> -> memref<48x128xf32, #tpu.memory_space<vmem_shared>>
        %dma_wait3A_42 = arith.constant 0 : i32
        %dma_wait3A_43 = tpu.memref_slice %arg14[%add3A_37, %dma_wait3A_42] : memref<10000x128xf32, #tpu.memory_space<vmem_shared>> -> memref<48x128xf32, #tpu.memory_space<vmem_shared>>
        tpu.wait_dma2 semaphore(%run_scoped3A : memref<!tpu.dma_semaphore, #tpu.memory_space<semaphore_mem>>) src(%dma_wait3A_43 : memref<48x128xf32, #tpu.memory_space<vmem_shared>>) dst(%arg12 : memref<48x128xf32, #tpu.memory_space<vmem>>)
        tpu.yield
      }) : () -> ()
      "tpu.region"() ({
        %run_scoped3A = tpu.sem_alloc : memref<!tpu.dma_semaphore, #tpu.memory_space<semaphore_mem>>
        %dma_start3A = arith.constant 0 : i32
        %dma_start3A_38 = tpu.memref_slice %arg5[%arg0, %add3A_37, %dma_start3A] : memref<2x10000x128xf32, #tpu.memory_space<hbm>> -> memref<1x48x128xf32, #tpu.memory_space<hbm>>
        %dma_start3A_39 = tpu.memref_squeeze %dma_start3A_38 : memref<1x48x128xf32, #tpu.memory_space<hbm>> -> memref<48x128xf32, #tpu.memory_space<hbm>>
        %dma_start3A_40 = arith.constant 0 : i32
        %dma_start3A_41 = tpu.memref_slice %arg5[%arg0, %add3A_37, %dma_start3A_40] : memref<2x10000x128xf32, #tpu.memory_space<hbm>> -> memref<1x48x128xf32, #tpu.memory_space<hbm>>
        %dma_start3A_42 = tpu.memref_squeeze %dma_start3A_41 : memref<1x48x128xf32, #tpu.memory_space<hbm>> -> memref<48x128xf32, #tpu.memory_space<hbm>>
        tpu.enqueue_dma source(%arg12 : memref<48x128xf32, #tpu.memory_space<vmem>>) target(%dma_start3A_42 : memref<48x128xf32, #tpu.memory_space<hbm>>) target_semaphore(%run_scoped3A : memref<!tpu.dma_semaphore, #tpu.memory_space<semaphore_mem>>)
        %dma_wait3A = arith.constant 0 : i32
        %dma_wait3A_43 = tpu.memref_slice %arg5[%arg0, %add3A_37, %dma_wait3A] : memref<2x10000x128xf32, #tpu.memory_space<hbm>> -> memref<1x48x128xf32, #tpu.memory_space<hbm>>
        %dma_wait3A_44 = tpu.memref_squeeze %dma_wait3A_43 : memref<1x48x128xf32, #tpu.memory_space<hbm>> -> memref<48x128xf32, #tpu.memory_space<hbm>>
        %dma_wait3A_45 = arith.constant 0 : i32
        %dma_wait3A_46 = tpu.memref_slice %arg5[%arg0, %add3A_37, %dma_wait3A_45] : memref<2x10000x128xf32, #tpu.memory_space<hbm>> -> memref<1x48x128xf32, #tpu.memory_space<hbm>>
        %dma_wait3A_47 = tpu.memref_squeeze %dma_wait3A_46 : memref<1x48x128xf32, #tpu.memory_space<hbm>> -> memref<48x128xf32, #tpu.memory_space<hbm>>
        tpu.wait_dma2 semaphore(%run_scoped3A : memref<!tpu.dma_semaphore, #tpu.memory_space<semaphore_mem>>) src(%arg12 : memref<48x128xf32, #tpu.memory_space<vmem>>) dst(%dma_wait3A_47 : memref<48x128xf32, #tpu.memory_space<hbm>>)
        tpu.yield
      }) : () -> ()
    }
    %scan3A_22 = arith.constant 13 : i32
    %eq3A_23 = arith.constant 15 : i32
    %eq3A_24 = arith.cmpi eq, %arg1, %eq3A_23 : i32
    %convert_element_type3A_25 = arith.extui %eq3A_24 : i1 to i32
    %cond3A_26 = arith.constant 0 : i32
    %cond3A_27 = arith.cmpi ne, %convert_element_type3A_25, %cond3A_26 : i32
    scf.if %cond3A_27 {
      "tpu.region"() ({
        %run_scoped3A = tpu.sem_alloc : memref<!tpu.dma_semaphore, #tpu.memory_space<semaphore_mem>>
        %dma_start3A = arith.constant 0 : i32
        %dma_start3A_28 = arith.constant 0 : i32
        %dma_start3A_29 = tpu.memref_slice %arg12[%dma_start3A, %dma_start3A_28] : memref<48x128xf32, #tpu.memory_space<vmem>> -> memref<16x128xf32, #tpu.memory_space<vmem>>
        %dma_start3A_30 = arith.constant 9984 : i32
        %dma_start3A_31 = arith.constant 0 : i32
        %dma_start3A_32 = tpu.memref_slice %arg14[%dma_start3A_30, %dma_start3A_31] : memref<10000x128xf32, #tpu.memory_space<vmem_shared>> -> memref<16x128xf32, #tpu.memory_space<vmem_shared>>
        %dma_start3A_33 = arith.constant 0 : i32
        %dma_start3A_34 = arith.constant 0 : i32
        %dma_start3A_35 = tpu.memref_slice %arg12[%dma_start3A_33, %dma_start3A_34] : memref<48x128xf32, #tpu.memory_space<vmem>> -> memref<16x128xf32, #tpu.memory_space<vmem>>
        %dma_start3A_36 = arith.constant 9984 : i32
        %dma_start3A_37 = arith.constant 0 : i32
        %dma_start3A_38 = tpu.memref_slice %arg14[%dma_start3A_36, %dma_start3A_37] : memref<10000x128xf32, #tpu.memory_space<vmem_shared>> -> memref<16x128xf32, #tpu.memory_space<vmem_shared>>
        tpu.enqueue_dma source(%dma_start3A_38 : memref<16x128xf32, #tpu.memory_space<vmem_shared>>) target(%dma_start3A_35 : memref<16x128xf32, #tpu.memory_space<vmem>>) target_semaphore(%run_scoped3A : memref<!tpu.dma_semaphore, #tpu.memory_space<semaphore_mem>>)
        %dma_wait3A = arith.constant 0 : i32
        %dma_wait3A_39 = arith.constant 0 : i32
        %dma_wait3A_40 = tpu.memref_slice %arg12[%dma_wait3A, %dma_wait3A_39] : memref<48x128xf32, #tpu.memory_space<vmem>> -> memref<16x128xf32, #tpu.memory_space<vmem>>
        %dma_wait3A_41 = arith.constant 9984 : i32
        %dma_wait3A_42 = arith.constant 0 : i32
        %dma_wait3A_43 = tpu.memref_slice %arg14[%dma_wait3A_41, %dma_wait3A_42] : memref<10000x128xf32, #tpu.memory_space<vmem_shared>> -> memref<16x128xf32, #tpu.memory_space<vmem_shared>>
        %dma_wait3A_44 = arith.constant 0 : i32
        %dma_wait3A_45 = arith.constant 0 : i32
        %dma_wait3A_46 = tpu.memref_slice %arg12[%dma_wait3A_44, %dma_wait3A_45] : memref<48x128xf32, #tpu.memory_space<vmem>> -> memref<16x128xf32, #tpu.memory_space<vmem>>
        %dma_wait3A_47 = arith.constant 9984 : i32
        %dma_wait3A_48 = arith.constant 0 : i32
        %dma_wait3A_49 = tpu.memref_slice %arg14[%dma_wait3A_47, %dma_wait3A_48] : memref<10000x128xf32, #tpu.memory_space<vmem_shared>> -> memref<16x128xf32, #tpu.memory_space<vmem_shared>>
        tpu.wait_dma2 semaphore(%run_scoped3A : memref<!tpu.dma_semaphore, #tpu.memory_space<semaphore_mem>>) src(%dma_wait3A_49 : memref<16x128xf32, #tpu.memory_space<vmem_shared>>) dst(%dma_wait3A_46 : memref<16x128xf32, #tpu.memory_space<vmem>>)
        tpu.yield
      }) : () -> ()
      "tpu.region"() ({
        %run_scoped3A = tpu.sem_alloc : memref<!tpu.dma_semaphore, #tpu.memory_space<semaphore_mem>>
        %dma_start3A = arith.constant 0 : i32
        %dma_start3A_28 = arith.constant 0 : i32
        %dma_start3A_29 = tpu.memref_slice %arg12[%dma_start3A, %dma_start3A_28] : memref<48x128xf32, #tpu.memory_space<vmem>> -> memref<16x128xf32, #tpu.memory_space<vmem>>
        %dma_start3A_30 = arith.constant 9984 : i32
        %dma_start3A_31 = arith.constant 0 : i32
        %dma_start3A_32 = tpu.memref_slice %arg5[%arg0, %dma_start3A_30, %dma_start3A_31] : memref<2x10000x128xf32, #tpu.memory_space<hbm>> -> memref<1x16x128xf32, #tpu.memory_space<hbm>>
        %dma_start3A_33 = tpu.memref_squeeze %dma_start3A_32 : memref<1x16x128xf32, #tpu.memory_space<hbm>> -> memref<16x128xf32, #tpu.memory_space<hbm>>
        %dma_start3A_34 = arith.constant 9984 : i32
        %dma_start3A_35 = arith.constant 0 : i32
        %dma_start3A_36 = tpu.memref_slice %arg5[%arg0, %dma_start3A_34, %dma_start3A_35] : memref<2x10000x128xf32, #tpu.memory_space<hbm>> -> memref<1x16x128xf32, #tpu.memory_space<hbm>>
        %dma_start3A_37 = tpu.memref_squeeze %dma_start3A_36 : memref<1x16x128xf32, #tpu.memory_space<hbm>> -> memref<16x128xf32, #tpu.memory_space<hbm>>
        %dma_start3A_38 = arith.constant 0 : i32
        %dma_start3A_39 = arith.constant 0 : i32
        %dma_start3A_40 = tpu.memref_slice %arg12[%dma_start3A_38, %dma_start3A_39] : memref<48x128xf32, #tpu.memory_space<vmem>> -> memref<16x128xf32, #tpu.memory_space<vmem>>
        tpu.enqueue_dma source(%dma_start3A_40 : memref<16x128xf32, #tpu.memory_space<vmem>>) target(%dma_start3A_37 : memref<16x128xf32, #tpu.memory_space<hbm>>) target_semaphore(%run_scoped3A : memref<!tpu.dma_semaphore, #tpu.memory_space<semaphore_mem>>)
        %dma_wait3A = arith.constant 0 : i32
        %dma_wait3A_41 = arith.constant 0 : i32
        %dma_wait3A_42 = tpu.memref_slice %arg12[%dma_wait3A, %dma_wait3A_41] : memref<48x128xf32, #tpu.memory_space<vmem>> -> memref<16x128xf32, #tpu.memory_space<vmem>>
        %dma_wait3A_43 = arith.constant 9984 : i32
        %dma_wait3A_44 = arith.constant 0 : i32
        %dma_wait3A_45 = tpu.memref_slice %arg5[%arg0, %dma_wait3A_43, %dma_wait3A_44] : memref<2x10000x128xf32, #tpu.memory_space<hbm>> -> memref<1x16x128xf32, #tpu.memory_space<hbm>>
        %dma_wait3A_46 = tpu.memref_squeeze %dma_wait3A_45 : memref<1x16x128xf32, #tpu.memory_space<hbm>> -> memref<16x128xf32, #tpu.memory_space<hbm>>
        %dma_wait3A_47 = arith.constant 9984 : i32
        %dma_wait3A_48 = arith.constant 0 : i32
        %dma_wait3A_49 = tpu.memref_slice %arg5[%arg0, %dma_wait3A_47, %dma_wait3A_48] : memref<2x10000x128xf32, #tpu.memory_space<hbm>> -> memref<1x16x128xf32, #tpu.memory_space<hbm>>
        %dma_wait3A_50 = tpu.memref_squeeze %dma_wait3A_49 : memref<1x16x128xf32, #tpu.memory_space<hbm>> -> memref<16x128xf32, #tpu.memory_space<hbm>>
        %dma_wait3A_51 = arith.constant 0 : i32
        %dma_wait3A_52 = arith.constant 0 : i32
        %dma_wait3A_53 = tpu.memref_slice %arg12[%dma_wait3A_51, %dma_wait3A_52] : memref<48x128xf32, #tpu.memory_space<vmem>> -> memref<16x128xf32, #tpu.memory_space<vmem>>
        tpu.wait_dma2 semaphore(%run_scoped3A : memref<!tpu.dma_semaphore, #tpu.memory_space<semaphore_mem>>) src(%dma_wait3A_53 : memref<16x128xf32, #tpu.memory_space<vmem>>) dst(%dma_wait3A_50 : memref<16x128xf32, #tpu.memory_space<hbm>>)
        tpu.yield
      }) : () -> ()
    } else {
    }
    return
  }
}

#map = affine_map<(d0, d1) -> (0, 0)>
#map1 = affine_map<(d0, d1) -> (0)>
#map2 = affine_map<(d0, d1) -> (0, 0, 0)>
module attributes {stable_mosaic.version = 14 : i64} {
  func.func @_pool_kernel(%arg0: i32, %arg1: i32, %arg2: memref<10000x128xf32, #tpu.memory_space<hbm>>, %arg3: memref<10000xi32, #tpu.memory_space<hbm>>, %arg4: memref<2x64x128xf32, #tpu.memory_space<hbm>>, %arg5: memref<256xf32, #tpu.memory_space<hbm>>, %arg6: memref<80xi32, #tpu.memory_space<vmem>>, %arg7: memref<80xf32, #tpu.memory_space<vmem>>, %arg8: memref<80x128xf32, #tpu.memory_space<vmem>>, %arg9: memref<8x128xf32, #tpu.memory_space<vmem>>, %arg10: memref<128xf32, #tpu.memory_space<vmem>>, %arg11: memref<64x128xf32, #tpu.memory_space<vmem_shared>>, %arg12: memref<128xf32, #tpu.memory_space<vmem_shared>>) attributes {dimension_semantics = [#tpu.dimension_semantics<core_parallel>, #tpu.dimension_semantics<subcore_parallel>], iteration_bounds = array<i64: 2, 16>, scalar_prefetch = 0 : i64, scratch_operands = 7 : i64, tpu.core_type = #tpu.core_type<sc_vector_subcore>, window_params = [{transform_indices = #map}, {transform_indices = #map1}, {transform_indices = #map2}, {transform_indices = #map1}]} {
    %mul3A = arith.constant 16 : i32
    %mul3A_0 = arith.muli %arg0, %mul3A : i32
    %add3A = arith.addi %mul3A_0, %arg1 : i32
    %scan3A = arith.constant 0 : i32
    %scan3A_1 = arith.constant 8 : i32
    %scan3A_2 = arith.addi %scan3A, %scan3A_1 : i32
    %scan3A_3 = arith.constant 1 : i32
    scf.for %scan3A_51 = %scan3A to %scan3A_2 step %scan3A_3  : i32 {
      %mul3A_52 = arith.constant 1 : i32
      %mul3A_53 = arith.muli %scan3A_51, %mul3A_52 : i32
      %add3A_54 = arith.constant 0 : i32
      %add3A_55 = arith.addi %add3A_54, %mul3A_53 : i32
      %scan3A_56 = arith.constant 0 : i32
      %scan3A_57 = arith.constant 8 : i32
      %scan3A_58 = arith.addi %scan3A_56, %scan3A_57 : i32
      %scan3A_59 = arith.constant 1 : i32
      scf.for %scan3A_61 = %scan3A_56 to %scan3A_58 step %scan3A_59  : i32 {
        %mul3A_62 = arith.constant 16 : i32
        %mul3A_63 = arith.muli %scan3A_61, %mul3A_62 : i32
        %add3A_64 = arith.constant 0 : i32
        %add3A_65 = arith.addi %add3A_64, %mul3A_63 : i32
        %broadcast_in_dim3A = arith.constant 0.000000e+00 : f32
        %broadcast_in_dim3A_66 = vector.broadcast %broadcast_in_dim3A : f32 to vector<16xf32>
        %swap3A = arith.index_cast %add3A_55 : i32 to index
        %swap3A_67 = arith.index_cast %add3A_65 : i32 to index
        %swap3A_68 = tpu.vector_load %arg9[%swap3A, %swap3A_67] {strides = array<i32>} : memref<8x128xf32, #tpu.memory_space<vmem>>, vector<1x16xf32>,
        %swap3A_69 = vector.shape_cast %swap3A_68 : vector<1x16xf32> to vector<16xf32>
        %swap3A_70 = vector.shape_cast %broadcast_in_dim3A_66 : vector<16xf32> to vector<1x16xf32>
        tpu.vector_store %arg9[%swap3A, %swap3A_67], %swap3A_70 {strides = array<i32>} : memref<8x128xf32, #tpu.memory_space<vmem>>, vector<1x16xf32>,
      }
      %scan3A_60 = arith.constant 8 : i32
    }
    %scan3A_4 = arith.constant 8 : i32
    %scan3A_5 = arith.constant 0 : i32
    %scan3A_6 = arith.constant 8 : i32
    %scan3A_7 = arith.addi %scan3A_5, %scan3A_6 : i32
    %scan3A_8 = arith.constant 1 : i32
    scf.for %scan3A_51 = %scan3A_5 to %scan3A_7 step %scan3A_8  : i32 {
      %mul3A_52 = arith.constant 16 : i32
      %mul3A_53 = arith.muli %scan3A_51, %mul3A_52 : i32
      %add3A_54 = arith.constant 0 : i32
      %add3A_55 = arith.addi %add3A_54, %mul3A_53 : i32
      %broadcast_in_dim3A = arith.constant 0.000000e+00 : f32
      %broadcast_in_dim3A_56 = vector.broadcast %broadcast_in_dim3A : f32 to vector<16xf32>
      %swap3A = arith.index_cast %add3A_55 : i32 to index
      %swap3A_57 = tpu.vector_load %arg10[%swap3A] {strides = array<i32>} : memref<128xf32, #tpu.memory_space<vmem>>, vector<16xf32>,
      %swap3A_58 = vector.shape_cast %swap3A_57 : vector<16xf32> to vector<16xf32>
      %swap3A_59 = vector.shape_cast %broadcast_in_dim3A_56 : vector<16xf32> to vector<16xf32>
      tpu.vector_store %arg10[%swap3A], %swap3A_59 {strides = array<i32>} : memref<128xf32, #tpu.memory_space<vmem>>, vector<16xf32>,
    }
    %scan3A_9 = arith.constant 8 : i32
    %lt3A = arith.constant 8 : i32
    %lt3A_10 = arith.cmpi slt, %arg1, %lt3A : i32
    %convert_element_type3A = arith.extui %lt3A_10 : i1 to i32
    %cond3A = arith.constant 0 : i32
    %cond3A_11 = arith.cmpi ne, %convert_element_type3A, %cond3A : i32
    scf.if %cond3A_11 {
      %mul3A_51 = arith.constant 8 : i32
      %mul3A_52 = arith.muli %arg1, %mul3A_51 : i32
      "tpu.region"() ({
        %run_scoped3A = tpu.sem_alloc : memref<!tpu.dma_semaphore, #tpu.memory_space<semaphore_mem>>
        %dma_start3A = arith.constant 0 : i32
        %dma_start3A_53 = tpu.memref_slice %arg11[%mul3A_52, %dma_start3A] : memref<64x128xf32, #tpu.memory_space<vmem_shared>> -> memref<8x128xf32, #tpu.memory_space<vmem_shared>>
        %dma_start3A_54 = arith.constant 0 : i32
        %dma_start3A_55 = tpu.memref_slice %arg11[%mul3A_52, %dma_start3A_54] : memref<64x128xf32, #tpu.memory_space<vmem_shared>> -> memref<8x128xf32, #tpu.memory_space<vmem_shared>>
        tpu.enqueue_dma source(%arg9 : memref<8x128xf32, #tpu.memory_space<vmem>>) target(%dma_start3A_55 : memref<8x128xf32, #tpu.memory_space<vmem_shared>>) target_semaphore(%run_scoped3A : memref<!tpu.dma_semaphore, #tpu.memory_space<semaphore_mem>>)
        %dma_wait3A = arith.constant 0 : i32
        %dma_wait3A_56 = tpu.memref_slice %arg11[%mul3A_52, %dma_wait3A] : memref<64x128xf32, #tpu.memory_space<vmem_shared>> -> memref<8x128xf32, #tpu.memory_space<vmem_shared>>
        %dma_wait3A_57 = arith.constant 0 : i32
        %dma_wait3A_58 = tpu.memref_slice %arg11[%mul3A_52, %dma_wait3A_57] : memref<64x128xf32, #tpu.memory_space<vmem_shared>> -> memref<8x128xf32, #tpu.memory_space<vmem_shared>>
        tpu.wait_dma2 semaphore(%run_scoped3A : memref<!tpu.dma_semaphore, #tpu.memory_space<semaphore_mem>>) src(%arg9 : memref<8x128xf32, #tpu.memory_space<vmem>>) dst(%dma_wait3A_58 : memref<8x128xf32, #tpu.memory_space<vmem_shared>>)
        tpu.yield
      }) : () -> ()
    } else {
    }
    %eq3A = arith.constant 0 : i32
    %eq3A_12 = arith.cmpi eq, %arg1, %eq3A : i32
    %convert_element_type3A_13 = arith.extui %eq3A_12 : i1 to i32
    %cond3A_14 = arith.constant 0 : i32
    %cond3A_15 = arith.cmpi ne, %convert_element_type3A_13, %cond3A_14 : i32
    scf.if %cond3A_15 {
      "tpu.region"() ({
        %run_scoped3A = tpu.sem_alloc : memref<!tpu.dma_semaphore, #tpu.memory_space<semaphore_mem>>
        tpu.enqueue_dma source(%arg10 : memref<128xf32, #tpu.memory_space<vmem>>) target(%arg12 : memref<128xf32, #tpu.memory_space<vmem_shared>>) target_semaphore(%run_scoped3A : memref<!tpu.dma_semaphore, #tpu.memory_space<semaphore_mem>>)
        tpu.wait_dma2 semaphore(%run_scoped3A : memref<!tpu.dma_semaphore, #tpu.memory_space<semaphore_mem>>) src(%arg10 : memref<128xf32, #tpu.memory_space<vmem>>) dst(%arg12 : memref<128xf32, #tpu.memory_space<vmem_shared>>)
        tpu.yield
      }) : () -> ()
    } else {
    }
    %scan3A_16 = arith.constant 0 : i32
    %scan3A_17 = arith.constant 5 : i32
    %scan3A_18 = arith.addi %scan3A_16, %scan3A_17 : i32
    %scan3A_19 = arith.constant 1 : i32
    scf.for %scan3A_51 = %scan3A_16 to %scan3A_18 step %scan3A_19  : i32 {
      %mul3A_52 = arith.constant 16 : i32
      %mul3A_53 = arith.muli %scan3A_51, %mul3A_52 : i32
      %add3A_54 = arith.constant 0 : i32
      %add3A_55 = arith.addi %add3A_54, %mul3A_53 : i32
      %broadcast_in_dim3A = arith.constant 1.000000e+00 : f32
      %broadcast_in_dim3A_56 = vector.broadcast %broadcast_in_dim3A : f32 to vector<16xf32>
      %swap3A = arith.index_cast %add3A_55 : i32 to index
      %swap3A_57 = tpu.vector_load %arg7[%swap3A] {strides = array<i32>} : memref<80xf32, #tpu.memory_space<vmem>>, vector<16xf32>,
      %swap3A_58 = vector.shape_cast %swap3A_57 : vector<16xf32> to vector<16xf32>
      %swap3A_59 = vector.shape_cast %broadcast_in_dim3A_56 : vector<16xf32> to vector<16xf32>
      tpu.vector_store %arg7[%swap3A], %swap3A_59 {strides = array<i32>} : memref<80xf32, #tpu.memory_space<vmem>>, vector<16xf32>,
    }
    %scan3A_20 = arith.constant 5 : i32
    %barrier3A = arith.constant 0 : index
    tpu.barrier barrier_id(%barrier3A)
    %eq3A_21 = arith.constant 31 : i32
    %eq3A_22 = arith.cmpi eq, %add3A, %eq3A_21 : i32
    %jit3A = arith.constant 1 : i32
    %jit3A_23 = arith.constant 4 : i32
    %select_n3A = arith.select %eq3A_22, %jit3A, %jit3A_23 : i32
    %sub3A = arith.constant 0 : i32
    %sub3A_24 = arith.subi %select_n3A, %sub3A : i32
    %sub3A_25 = arith.constant 1 : i32
    %sub3A_26 = arith.constant 1 : i32
    %sub3A_27 = arith.subi %sub3A_25, %sub3A_26 : i32
    %add3A_28 = arith.addi %sub3A_24, %sub3A_27 : i32
    %div3A = arith.constant 1 : i32
    %div3A_29 = arith.divsi %add3A_28, %div3A : i32
    %while3A = arith.constant 1 : i32
    %while3A_30 = arith.constant 0 : i32
    %while3A_31 = arith.constant 0 : i32
    %while3A_32 = arith.subi %div3A_29, %while3A_31 : i32
    %while3A_33 = arith.addi %while3A_31, %while3A_32 : i32
    %while3A_34 = arith.constant 1 : i32
    %while3A_35 = arith.divsi %while3A_32, %while3A_34 : i32
    %while3A_36 = arith.muli %while3A_35, %while3A_34 : i32
    %while3A_37 = arith.addi %while3A_31, %while3A_36 : i32
    %while3A_38 = arith.constant 1 : i32
    scf.for %while3A_51 = %while3A_31 to %while3A_37 step %while3A_38  : i32 {
      %mul3A_52 = arith.muli %while3A_51, %while3A : i32
      %add3A_53 = arith.addi %while3A_30, %mul3A_52 : i32
      %mul3A_54 = arith.constant 320 : i32
      %mul3A_55 = arith.muli %add3A, %mul3A_54 : i32
      %mul3A_56 = arith.constant 80 : i32
      %mul3A_57 = arith.muli %add3A_53, %mul3A_56 : i32
      %add3A_58 = arith.addi %mul3A_55, %mul3A_57 : i32
      "tpu.region"() ({
        %run_scoped3A = tpu.sem_alloc : memref<!tpu.dma_semaphore, #tpu.memory_space<semaphore_mem>>
        %dma_start3A = tpu.memref_slice %arg3[%add3A_58] : memref<10000xi32, #tpu.memory_space<hbm>> -> memref<80xi32, #tpu.memory_space<hbm>>
        %dma_start3A_59 = tpu.memref_slice %arg3[%add3A_58] : memref<10000xi32, #tpu.memory_space<hbm>> -> memref<80xi32, #tpu.memory_space<hbm>>
        tpu.enqueue_dma source(%dma_start3A_59 : memref<80xi32, #tpu.memory_space<hbm>>) target(%arg6 : memref<80xi32, #tpu.memory_space<vmem>>) target_semaphore(%run_scoped3A : memref<!tpu.dma_semaphore, #tpu.memory_space<semaphore_mem>>)
        %dma_wait3A = tpu.memref_slice %arg3[%add3A_58] : memref<10000xi32, #tpu.memory_space<hbm>> -> memref<80xi32, #tpu.memory_space<hbm>>
        %dma_wait3A_60 = tpu.memref_slice %arg3[%add3A_58] : memref<10000xi32, #tpu.memory_space<hbm>> -> memref<80xi32, #tpu.memory_space<hbm>>
        tpu.wait_dma2 semaphore(%run_scoped3A : memref<!tpu.dma_semaphore, #tpu.memory_space<semaphore_mem>>) src(%dma_wait3A_60 : memref<80xi32, #tpu.memory_space<hbm>>) dst(%arg6 : memref<80xi32, #tpu.memory_space<vmem>>)
        tpu.yield
      }) : () -> ()
      "tpu.region"() ({
        %run_scoped3A = tpu.sem_alloc : memref<!tpu.dma_semaphore, #tpu.memory_space<semaphore_mem>>
        %dma_start3A = arith.constant 0 : i32
        %dma_start3A_59 = tpu.memref_slice %arg2[%add3A_58, %dma_start3A] : memref<10000x128xf32, #tpu.memory_space<hbm>> -> memref<80x128xf32, #tpu.memory_space<hbm>>
        %dma_start3A_60 = arith.constant 0 : i32
        %dma_start3A_61 = tpu.memref_slice %arg2[%add3A_58, %dma_start3A_60] : memref<10000x128xf32, #tpu.memory_space<hbm>> -> memref<80x128xf32, #tpu.memory_space<hbm>>
        tpu.enqueue_dma source(%dma_start3A_61 : memref<80x128xf32, #tpu.memory_space<hbm>>) target(%arg8 : memref<80x128xf32, #tpu.memory_space<vmem>>) target_semaphore(%run_scoped3A : memref<!tpu.dma_semaphore, #tpu.memory_space<semaphore_mem>>)
        %dma_wait3A = arith.constant 0 : i32
        %dma_wait3A_62 = tpu.memref_slice %arg2[%add3A_58, %dma_wait3A] : memref<10000x128xf32, #tpu.memory_space<hbm>> -> memref<80x128xf32, #tpu.memory_space<hbm>>
        %dma_wait3A_63 = arith.constant 0 : i32
        %dma_wait3A_64 = tpu.memref_slice %arg2[%add3A_58, %dma_wait3A_63] : memref<10000x128xf32, #tpu.memory_space<hbm>> -> memref<80x128xf32, #tpu.memory_space<hbm>>
        tpu.wait_dma2 semaphore(%run_scoped3A : memref<!tpu.dma_semaphore, #tpu.memory_space<semaphore_mem>>) src(%dma_wait3A_64 : memref<80x128xf32, #tpu.memory_space<hbm>>) dst(%arg8 : memref<80x128xf32, #tpu.memory_space<vmem>>)
        tpu.yield
      }) : () -> ()
      "tpu.region"() ({
        %run_scoped3A = tpu.sem_alloc : memref<!tpu.dma_semaphore, #tpu.memory_space<semaphore_mem>>
        %dma_start3A = arith.constant 0 : i32
        %dma_start3A_59 = arith.constant 0 : i32
        %dma_start3A_60 = tpu.memref_slice %arg11[%dma_start3A, %dma_start3A_59] : memref<64x128xf32, #tpu.memory_space<vmem_shared>> -> memref<64x128xf32, #tpu.memory_space<vmem_shared>>
        tpu.enqueue_indirect_dma source(%arg8 : memref<80x128xf32, #tpu.memory_space<vmem>>) target(%dma_start3A_60 : memref<64x128xf32, #tpu.memory_space<vmem_shared>>) offsets(%arg6 : memref<80xi32, #tpu.memory_space<vmem>>) semaphore(%run_scoped3A : memref<!tpu.dma_semaphore, #tpu.memory_space<semaphore_mem>>) {add = true}
        %dma_wait3A = arith.constant 0 : i32
        %dma_wait3A_61 = arith.constant 0 : i32
        %dma_wait3A_62 = tpu.memref_slice %arg11[%dma_wait3A, %dma_wait3A_61] : memref<64x128xf32, #tpu.memory_space<vmem_shared>> -> memref<64x128xf32, #tpu.memory_space<vmem_shared>>
        tpu.wait_indirect_dma semaphore(%run_scoped3A : memref<!tpu.dma_semaphore, #tpu.memory_space<semaphore_mem>>) src(%arg8 : memref<80x128xf32, #tpu.memory_space<vmem>>) dst(%dma_wait3A_62 : memref<64x128xf32, #tpu.memory_space<vmem_shared>>)
        tpu.yield
      }) : () -> ()
      "tpu.region"() ({
        %run_scoped3A = tpu.sem_alloc : memref<!tpu.dma_semaphore, #tpu.memory_space<semaphore_mem>>
        %dma_start3A = arith.constant 0 : i32
        %dma_start3A_59 = tpu.memref_slice %arg12[%dma_start3A] : memref<128xf32, #tpu.memory_space<vmem_shared>> -> memref<128xf32, #tpu.memory_space<vmem_shared>>
        tpu.enqueue_indirect_dma source(%arg7 : memref<80xf32, #tpu.memory_space<vmem>>) target(%dma_start3A_59 : memref<128xf32, #tpu.memory_space<vmem_shared>>) offsets(%arg6 : memref<80xi32, #tpu.memory_space<vmem>>) semaphore(%run_scoped3A : memref<!tpu.dma_semaphore, #tpu.memory_space<semaphore_mem>>) {add = true}
        %dma_wait3A = arith.constant 0 : i32
        %dma_wait3A_60 = tpu.memref_slice %arg12[%dma_wait3A] : memref<128xf32, #tpu.memory_space<vmem_shared>> -> memref<128xf32, #tpu.memory_space<vmem_shared>>
        tpu.wait_indirect_dma semaphore(%run_scoped3A : memref<!tpu.dma_semaphore, #tpu.memory_space<semaphore_mem>>) src(%arg7 : memref<80xf32, #tpu.memory_space<vmem>>) dst(%dma_wait3A_60 : memref<128xf32, #tpu.memory_space<vmem_shared>>)
        tpu.yield
      }) : () -> ()
    }
    %while3A_39 = arith.constant 1 : i32
    scf.for %while3A_51 = %while3A_37 to %while3A_33 step %while3A_39  : i32 {
      %mul3A_52 = arith.muli %while3A_51, %while3A : i32
      %add3A_53 = arith.addi %while3A_30, %mul3A_52 : i32
      %mul3A_54 = arith.constant 320 : i32
      %mul3A_55 = arith.muli %add3A, %mul3A_54 : i32
      %mul3A_56 = arith.constant 80 : i32
      %mul3A_57 = arith.muli %add3A_53, %mul3A_56 : i32
      %add3A_58 = arith.addi %mul3A_55, %mul3A_57 : i32
      "tpu.region"() ({
        %run_scoped3A = tpu.sem_alloc : memref<!tpu.dma_semaphore, #tpu.memory_space<semaphore_mem>>
        %dma_start3A = tpu.memref_slice %arg3[%add3A_58] : memref<10000xi32, #tpu.memory_space<hbm>> -> memref<80xi32, #tpu.memory_space<hbm>>
        %dma_start3A_59 = tpu.memref_slice %arg3[%add3A_58] : memref<10000xi32, #tpu.memory_space<hbm>> -> memref<80xi32, #tpu.memory_space<hbm>>
        tpu.enqueue_dma source(%dma_start3A_59 : memref<80xi32, #tpu.memory_space<hbm>>) target(%arg6 : memref<80xi32, #tpu.memory_space<vmem>>) target_semaphore(%run_scoped3A : memref<!tpu.dma_semaphore, #tpu.memory_space<semaphore_mem>>)
        %dma_wait3A = tpu.memref_slice %arg3[%add3A_58] : memref<10000xi32, #tpu.memory_space<hbm>> -> memref<80xi32, #tpu.memory_space<hbm>>
        %dma_wait3A_60 = tpu.memref_slice %arg3[%add3A_58] : memref<10000xi32, #tpu.memory_space<hbm>> -> memref<80xi32, #tpu.memory_space<hbm>>
        tpu.wait_dma2 semaphore(%run_scoped3A : memref<!tpu.dma_semaphore, #tpu.memory_space<semaphore_mem>>) src(%dma_wait3A_60 : memref<80xi32, #tpu.memory_space<hbm>>) dst(%arg6 : memref<80xi32, #tpu.memory_space<vmem>>)
        tpu.yield
      }) : () -> ()
      "tpu.region"() ({
        %run_scoped3A = tpu.sem_alloc : memref<!tpu.dma_semaphore, #tpu.memory_space<semaphore_mem>>
        %dma_start3A = arith.constant 0 : i32
        %dma_start3A_59 = tpu.memref_slice %arg2[%add3A_58, %dma_start3A] : memref<10000x128xf32, #tpu.memory_space<hbm>> -> memref<80x128xf32, #tpu.memory_space<hbm>>
        %dma_start3A_60 = arith.constant 0 : i32
        %dma_start3A_61 = tpu.memref_slice %arg2[%add3A_58, %dma_start3A_60] : memref<10000x128xf32, #tpu.memory_space<hbm>> -> memref<80x128xf32, #tpu.memory_space<hbm>>
        tpu.enqueue_dma source(%dma_start3A_61 : memref<80x128xf32, #tpu.memory_space<hbm>>) target(%arg8 : memref<80x128xf32, #tpu.memory_space<vmem>>) target_semaphore(%run_scoped3A : memref<!tpu.dma_semaphore, #tpu.memory_space<semaphore_mem>>)
        %dma_wait3A = arith.constant 0 : i32
        %dma_wait3A_62 = tpu.memref_slice %arg2[%add3A_58, %dma_wait3A] : memref<10000x128xf32, #tpu.memory_space<hbm>> -> memref<80x128xf32, #tpu.memory_space<hbm>>
        %dma_wait3A_63 = arith.constant 0 : i32
        %dma_wait3A_64 = tpu.memref_slice %arg2[%add3A_58, %dma_wait3A_63] : memref<10000x128xf32, #tpu.memory_space<hbm>> -> memref<80x128xf32, #tpu.memory_space<hbm>>
        tpu.wait_dma2 semaphore(%run_scoped3A : memref<!tpu.dma_semaphore, #tpu.memory_space<semaphore_mem>>) src(%dma_wait3A_64 : memref<80x128xf32, #tpu.memory_space<hbm>>) dst(%arg8 : memref<80x128xf32, #tpu.memory_space<vmem>>)
        tpu.yield
      }) : () -> ()
      "tpu.region"() ({
        %run_scoped3A = tpu.sem_alloc : memref<!tpu.dma_semaphore, #tpu.memory_space<semaphore_mem>>
        %dma_start3A = arith.constant 0 : i32
        %dma_start3A_59 = arith.constant 0 : i32
        %dma_start3A_60 = tpu.memref_slice %arg11[%dma_start3A, %dma_start3A_59] : memref<64x128xf32, #tpu.memory_space<vmem_shared>> -> memref<64x128xf32, #tpu.memory_space<vmem_shared>>
        tpu.enqueue_indirect_dma source(%arg8 : memref<80x128xf32, #tpu.memory_space<vmem>>) target(%dma_start3A_60 : memref<64x128xf32, #tpu.memory_space<vmem_shared>>) offsets(%arg6 : memref<80xi32, #tpu.memory_space<vmem>>) semaphore(%run_scoped3A : memref<!tpu.dma_semaphore, #tpu.memory_space<semaphore_mem>>) {add = true}
        %dma_wait3A = arith.constant 0 : i32
        %dma_wait3A_61 = arith.constant 0 : i32
        %dma_wait3A_62 = tpu.memref_slice %arg11[%dma_wait3A, %dma_wait3A_61] : memref<64x128xf32, #tpu.memory_space<vmem_shared>> -> memref<64x128xf32, #tpu.memory_space<vmem_shared>>
        tpu.wait_indirect_dma semaphore(%run_scoped3A : memref<!tpu.dma_semaphore, #tpu.memory_space<semaphore_mem>>) src(%arg8 : memref<80x128xf32, #tpu.memory_space<vmem>>) dst(%dma_wait3A_62 : memref<64x128xf32, #tpu.memory_space<vmem_shared>>)
        tpu.yield
      }) : () -> ()
      "tpu.region"() ({
        %run_scoped3A = tpu.sem_alloc : memref<!tpu.dma_semaphore, #tpu.memory_space<semaphore_mem>>
        %dma_start3A = arith.constant 0 : i32
        %dma_start3A_59 = tpu.memref_slice %arg12[%dma_start3A] : memref<128xf32, #tpu.memory_space<vmem_shared>> -> memref<128xf32, #tpu.memory_space<vmem_shared>>
        tpu.enqueue_indirect_dma source(%arg7 : memref<80xf32, #tpu.memory_space<vmem>>) target(%dma_start3A_59 : memref<128xf32, #tpu.memory_space<vmem_shared>>) offsets(%arg6 : memref<80xi32, #tpu.memory_space<vmem>>) semaphore(%run_scoped3A : memref<!tpu.dma_semaphore, #tpu.memory_space<semaphore_mem>>) {add = true}
        %dma_wait3A = arith.constant 0 : i32
        %dma_wait3A_60 = tpu.memref_slice %arg12[%dma_wait3A] : memref<128xf32, #tpu.memory_space<vmem_shared>> -> memref<128xf32, #tpu.memory_space<vmem_shared>>
        tpu.wait_indirect_dma semaphore(%run_scoped3A : memref<!tpu.dma_semaphore, #tpu.memory_space<semaphore_mem>>) src(%arg7 : memref<80xf32, #tpu.memory_space<vmem>>) dst(%dma_wait3A_60 : memref<128xf32, #tpu.memory_space<vmem_shared>>)
        tpu.yield
      }) : () -> ()
    }
    %barrier3A_40 = arith.constant 0 : index
    tpu.barrier barrier_id(%barrier3A_40)
    %lt3A_41 = arith.constant 8 : i32
    %lt3A_42 = arith.cmpi slt, %arg1, %lt3A_41 : i32
    %convert_element_type3A_43 = arith.extui %lt3A_42 : i1 to i32
    %cond3A_44 = arith.constant 0 : i32
    %cond3A_45 = arith.cmpi ne, %convert_element_type3A_43, %cond3A_44 : i32
    scf.if %cond3A_45 {
      %mul3A_51 = arith.constant 8 : i32
      %mul3A_52 = arith.muli %arg1, %mul3A_51 : i32
      "tpu.region"() ({
        %run_scoped3A = tpu.sem_alloc : memref<!tpu.dma_semaphore, #tpu.memory_space<semaphore_mem>>
        %dma_start3A = arith.constant 0 : i32
        %dma_start3A_55 = tpu.memref_slice %arg11[%mul3A_52, %dma_start3A] : memref<64x128xf32, #tpu.memory_space<vmem_shared>> -> memref<8x128xf32, #tpu.memory_space<vmem_shared>>
        %dma_start3A_56 = arith.constant 0 : i32
        %dma_start3A_57 = tpu.memref_slice %arg11[%mul3A_52, %dma_start3A_56] : memref<64x128xf32, #tpu.memory_space<vmem_shared>> -> memref<8x128xf32, #tpu.memory_space<vmem_shared>>
        tpu.enqueue_dma source(%dma_start3A_57 : memref<8x128xf32, #tpu.memory_space<vmem_shared>>) target(%arg9 : memref<8x128xf32, #tpu.memory_space<vmem>>) target_semaphore(%run_scoped3A : memref<!tpu.dma_semaphore, #tpu.memory_space<semaphore_mem>>)
        %dma_wait3A = arith.constant 0 : i32
        %dma_wait3A_58 = tpu.memref_slice %arg11[%mul3A_52, %dma_wait3A] : memref<64x128xf32, #tpu.memory_space<vmem_shared>> -> memref<8x128xf32, #tpu.memory_space<vmem_shared>>
        %dma_wait3A_59 = arith.constant 0 : i32
        %dma_wait3A_60 = tpu.memref_slice %arg11[%mul3A_52, %dma_wait3A_59] : memref<64x128xf32, #tpu.memory_space<vmem_shared>> -> memref<8x128xf32, #tpu.memory_space<vmem_shared>>
        tpu.wait_dma2 semaphore(%run_scoped3A : memref<!tpu.dma_semaphore, #tpu.memory_space<semaphore_mem>>) src(%dma_wait3A_60 : memref<8x128xf32, #tpu.memory_space<vmem_shared>>) dst(%arg9 : memref<8x128xf32, #tpu.memory_space<vmem>>)
        tpu.yield
      }) : () -> ()
      %mul3A_53 = arith.constant 8 : i32
      %mul3A_54 = arith.muli %arg1, %mul3A_53 : i32
      "tpu.region"() ({
        %run_scoped3A = tpu.sem_alloc : memref<!tpu.dma_semaphore, #tpu.memory_space<semaphore_mem>>
        %dma_start3A = arith.constant 0 : i32
        %dma_start3A_55 = tpu.memref_slice %arg4[%arg0, %mul3A_54, %dma_start3A] : memref<2x64x128xf32, #tpu.memory_space<hbm>> -> memref<1x8x128xf32, #tpu.memory_space<hbm>>
        %dma_start3A_56 = tpu.memref_squeeze %dma_start3A_55 : memref<1x8x128xf32, #tpu.memory_space<hbm>> -> memref<8x128xf32, #tpu.memory_space<hbm>>
        %dma_start3A_57 = arith.constant 0 : i32
        %dma_start3A_58 = tpu.memref_slice %arg4[%arg0, %mul3A_54, %dma_start3A_57] : memref<2x64x128xf32, #tpu.memory_space<hbm>> -> memref<1x8x128xf32, #tpu.memory_space<hbm>>
        %dma_start3A_59 = tpu.memref_squeeze %dma_start3A_58 : memref<1x8x128xf32, #tpu.memory_space<hbm>> -> memref<8x128xf32, #tpu.memory_space<hbm>>
        tpu.enqueue_dma source(%arg9 : memref<8x128xf32, #tpu.memory_space<vmem>>) target(%dma_start3A_59 : memref<8x128xf32, #tpu.memory_space<hbm>>) target_semaphore(%run_scoped3A : memref<!tpu.dma_semaphore, #tpu.memory_space<semaphore_mem>>)
        %dma_wait3A = arith.constant 0 : i32
        %dma_wait3A_60 = tpu.memref_slice %arg4[%arg0, %mul3A_54, %dma_wait3A] : memref<2x64x128xf32, #tpu.memory_space<hbm>> -> memref<1x8x128xf32, #tpu.memory_space<hbm>>
        %dma_wait3A_61 = tpu.memref_squeeze %dma_wait3A_60 : memref<1x8x128xf32, #tpu.memory_space<hbm>> -> memref<8x128xf32, #tpu.memory_space<hbm>>
        %dma_wait3A_62 = arith.constant 0 : i32
        %dma_wait3A_63 = tpu.memref_slice %arg4[%arg0, %mul3A_54, %dma_wait3A_62] : memref<2x64x128xf32, #tpu.memory_space<hbm>> -> memref<1x8x128xf32, #tpu.memory_space<hbm>>
        %dma_wait3A_64 = tpu.memref_squeeze %dma_wait3A_63 : memref<1x8x128xf32, #tpu.memory_space<hbm>> -> memref<8x128xf32, #tpu.memory_space<hbm>>
        tpu.wait_dma2 semaphore(%run_scoped3A : memref<!tpu.dma_semaphore, #tpu.memory_space<semaphore_mem>>) src(%arg9 : memref<8x128xf32, #tpu.memory_space<vmem>>) dst(%dma_wait3A_64 : memref<8x128xf32, #tpu.memory_space<hbm>>)
        tpu.yield
      }) : () -> ()
    } else {
    }
    %eq3A_46 = arith.constant 0 : i32
    %eq3A_47 = arith.cmpi eq, %arg1, %eq3A_46 : i32
    %convert_element_type3A_48 = arith.extui %eq3A_47 : i1 to i32
    %cond3A_49 = arith.constant 0 : i32
    %cond3A_50 = arith.cmpi ne, %convert_element_type3A_48, %cond3A_49 : i32
    scf.if %cond3A_50 {
      "tpu.region"() ({
        %run_scoped3A = tpu.sem_alloc : memref<!tpu.dma_semaphore, #tpu.memory_space<semaphore_mem>>
        tpu.enqueue_dma source(%arg12 : memref<128xf32, #tpu.memory_space<vmem_shared>>) target(%arg10 : memref<128xf32, #tpu.memory_space<vmem>>) target_semaphore(%run_scoped3A : memref<!tpu.dma_semaphore, #tpu.memory_space<semaphore_mem>>)
        tpu.wait_dma2 semaphore(%run_scoped3A : memref<!tpu.dma_semaphore, #tpu.memory_space<semaphore_mem>>) src(%arg12 : memref<128xf32, #tpu.memory_space<vmem_shared>>) dst(%arg10 : memref<128xf32, #tpu.memory_space<vmem>>)
        tpu.yield
      }) : () -> ()
      %mul3A_51 = arith.constant 128 : i32
      %mul3A_52 = arith.muli %arg0, %mul3A_51 : i32
      "tpu.region"() ({
        %run_scoped3A = tpu.sem_alloc : memref<!tpu.dma_semaphore, #tpu.memory_space<semaphore_mem>>
        %dma_start3A = tpu.memref_slice %arg5[%mul3A_52] : memref<256xf32, #tpu.memory_space<hbm>> -> memref<128xf32, #tpu.memory_space<hbm>>
        %dma_start3A_53 = tpu.memref_slice %arg5[%mul3A_52] : memref<256xf32, #tpu.memory_space<hbm>> -> memref<128xf32, #tpu.memory_space<hbm>>
        tpu.enqueue_dma source(%arg10 : memref<128xf32, #tpu.memory_space<vmem>>) target(%dma_start3A_53 : memref<128xf32, #tpu.memory_space<hbm>>) target_semaphore(%run_scoped3A : memref<!tpu.dma_semaphore, #tpu.memory_space<semaphore_mem>>)
        %dma_wait3A = tpu.memref_slice %arg5[%mul3A_52] : memref<256xf32, #tpu.memory_space<hbm>> -> memref<128xf32, #tpu.memory_space<hbm>>
        %dma_wait3A_54 = tpu.memref_slice %arg5[%mul3A_52] : memref<256xf32, #tpu.memory_space<hbm>> -> memref<128xf32, #tpu.memory_space<hbm>>
        tpu.wait_dma2 semaphore(%run_scoped3A : memref<!tpu.dma_semaphore, #tpu.memory_space<semaphore_mem>>) src(%arg10 : memref<128xf32, #tpu.memory_space<vmem>>) dst(%dma_wait3A_54 : memref<128xf32, #tpu.memory_space<hbm>>)
        tpu.yield
      }) : () -> ()
    } else {
    }
    return
  }
}

module attributes {stable_mosaic.version = 14 : i64} {
  func.func @_dinv_body(%arg0: memref<2x10240xf32, #tpu.memory_space<vmem>>, %arg1: memref<1x10240xf32, #tpu.memory_space<vmem>>) attributes {dimension_semantics = [], scalar_prefetch = 0 : i64, scratch_operands = 0 : i64, tpu.core_type = #tpu.core_type<tc>} {
    %get3A = arith.constant 0 : index
    %get3A_0 = arith.constant 0 : index
    %get3A_1 = vector.load %arg0[%get3A, %get3A_0] : memref<2x10240xf32, #tpu.memory_space<vmem>>, vector<2x10240xf32>
    %reduce_sum3A = arith.constant dense<0.000000e+00> : vector<10240xf32>
    %reduce_sum3A_2 = vector.multi_reduction <add>, %get3A_1, %reduce_sum3A [0] : vector<2x10240xf32> to vector<10240xf32>
    %broadcast_in_dim3A = vector.shape_cast %reduce_sum3A_2 : vector<10240xf32> to vector<1x10240xf32>
    %add3A = arith.constant 1.000000e+00 : f32
    %add3A_3 = vector.broadcast %add3A : f32 to vector<1x10240xf32>
    %add3A_4 = arith.addf %broadcast_in_dim3A, %add3A_3 : vector<1x10240xf32>
    %rsqrt3A = math.rsqrt %add3A_4 : vector<1x10240xf32>
    %swap3A = arith.constant 0 : index
    %swap3A_5 = arith.constant 0 : index
    %swap3A_6 = vector.load %arg1[%swap3A, %swap3A_5] : memref<1x10240xf32, #tpu.memory_space<vmem>>, vector<1x10240xf32>
    tpu.vector_store %arg1[%swap3A, %swap3A_5], %rsqrt3A {strides = array<i32>} : memref<1x10240xf32, #tpu.memory_space<vmem>>, vector<1x10240xf32>,
    return
  }
}

module attributes {stable_mosaic.version = 14 : i64} {
  func.func @_mm_pre_body(%arg0: i32, %arg1: memref<1000x128xf32, #tpu.memory_space<vmem>>, %arg2: memref<128x128xf32, #tpu.memory_space<vmem>>, %arg3: memref<1000x1xf32, #tpu.memory_space<vmem>>, %arg4: memref<1000x128xf32, #tpu.memory_space<vmem>>) attributes {dimension_semantics = [#tpu.dimension_semantics<arbitrary>], iteration_bounds = array<i64: 10>, scalar_prefetch = 0 : i64, scratch_operands = 0 : i64, tpu.core_type = #tpu.core_type<tc>, window_params = [{transform_indices = @transform_0, window_bounds = array<i64: 1000, 128>}, {pipeline_mode = #tpu.pipeline_mode<synchronous>, transform_indices = @transform_1, window_bounds = array<i64: 128, 128>}, {transform_indices = @transform_2, window_bounds = array<i64: 1000, 1>}, {transform_indices = @transform_3, window_bounds = array<i64: 1000, 128>}]} {
    %get3A = arith.constant 0 : index
    %get3A_0 = arith.constant 0 : index
    %get3A_1 = vector.load %arg1[%get3A, %get3A_0] : memref<1000x128xf32, #tpu.memory_space<vmem>>, vector<1000x128xf32>
    %get3A_2 = arith.constant 0 : index
    %get3A_3 = arith.constant 0 : index
    %get3A_4 = vector.load %arg2[%get3A_2, %get3A_3] : memref<128x128xf32, #tpu.memory_space<vmem>>, vector<128x128xf32>
    %dot_general3A = arith.constant dense<0.000000e+00> : vector<1000x128xf32>
    %dot_general3A_5 = tpu.matmul %get3A_1, %get3A_4, %dot_general3A {dimension_numbers = #tpu.dot_dimension_numbers<[1], [0], [0], [1], [0, 0, 1, 1], [], []>, transpose_lhs_hint = false} : vector<1000x128xf32>, vector<128x128xf32>, vector<1000x128xf32> -> vector<1000x128xf32>
    %get3A_6 = arith.constant 0 : index
    %get3A_7 = arith.constant 0 : index
    %get3A_8 = vector.load %arg3[%get3A_6, %get3A_7] : memref<1000x1xf32, #tpu.memory_space<vmem>>, vector<1000x1xf32>
    %mul3A = vector.broadcast %get3A_8 : vector<1000x1xf32> to vector<1000x128xf32>
    %mul3A_9 = arith.mulf %mul3A, %dot_general3A_5 : vector<1000x128xf32>
    %swap3A = arith.constant 0 : index
    %swap3A_10 = arith.constant 0 : index
    %swap3A_11 = vector.load %arg4[%swap3A, %swap3A_10] : memref<1000x128xf32, #tpu.memory_space<vmem>>, vector<1000x128xf32>
    tpu.vector_store %arg4[%swap3A, %swap3A_10], %mul3A_9 {strides = array<i32>} : memref<1000x128xf32, #tpu.memory_space<vmem>>, vector<1000x128xf32>,
    return
  }
  func.func @transform_0(%arg0: i32) -> (i32, i32) {
    %c0_i32 = arith.constant 0 : i32
    %c0_i32_0 = arith.constant 0 : i32
    return %arg0, %c0_i32 : i32, i32
  }
  func.func @transform_1(%arg0: i32) -> (i32, i32) {
    %c0_i32 = arith.constant 0 : i32
    %c0_i32_0 = arith.constant 0 : i32
    %c0_i32_1 = arith.constant 0 : i32
    return %c0_i32, %c0_i32_0 : i32, i32
  }
  func.func @transform_2(%arg0: i32) -> (i32, i32) {
    %c0_i32 = arith.constant 0 : i32
    %c0_i32_0 = arith.constant 0 : i32
    return %arg0, %c0_i32 : i32, i32
  }
  func.func @transform_3(%arg0: i32) -> (i32, i32) {
    %c0_i32 = arith.constant 0 : i32
    %c0_i32_0 = arith.constant 0 : i32
    return %arg0, %c0_i32 : i32, i32
  }
}

module attributes {stable_mosaic.version = 14 : i64} {
  func.func @_combine_relu_body(%arg0: i32, %arg1: memref<2x1000x128xf32, #tpu.memory_space<vmem>>, %arg2: memref<1000x128xf32, #tpu.memory_space<vmem>>, %arg3: memref<1000x1xf32, #tpu.memory_space<vmem>>, %arg4: memref<1x128xf32, #tpu.memory_space<vmem>>, %arg5: memref<1000x128xf32, #tpu.memory_space<vmem>>) attributes {dimension_semantics = [#tpu.dimension_semantics<arbitrary>], iteration_bounds = array<i64: 10>, scalar_prefetch = 0 : i64, scratch_operands = 0 : i64, tpu.core_type = #tpu.core_type<tc>, window_params = [{transform_indices = @transform_0, window_bounds = array<i64: 2, 1000, 128>}, {transform_indices = @transform_1, window_bounds = array<i64: 1000, 128>}, {transform_indices = @transform_2, window_bounds = array<i64: 1000, 1>}, {pipeline_mode = #tpu.pipeline_mode<synchronous>, transform_indices = @transform_3, window_bounds = array<i64: 1, 128>}, {transform_indices = @transform_4, window_bounds = array<i64: 1000, 128>}]} {
    %get3A = arith.constant 0 : index
    %get3A_0 = arith.constant 0 : index
    %get3A_1 = vector.load %arg3[%get3A, %get3A_0] : memref<1000x1xf32, #tpu.memory_space<vmem>>, vector<1000x1xf32>
    %get3A_2 = arith.constant 0 : index
    %get3A_3 = arith.constant 0 : index
    %get3A_4 = arith.constant 0 : index
    %get3A_5 = vector.load %arg1[%get3A_2, %get3A_3, %get3A_4] : memref<2x1000x128xf32, #tpu.memory_space<vmem>>, vector<1x1000x128xf32>
    %get3A_6 = vector.shape_cast %get3A_5 : vector<1x1000x128xf32> to vector<1000x128xf32>
    %get3A_7 = arith.constant 1 : index
    %get3A_8 = arith.constant 0 : index
    %get3A_9 = arith.constant 0 : index
    %get3A_10 = vector.load %arg1[%get3A_7, %get3A_8, %get3A_9] : memref<2x1000x128xf32, #tpu.memory_space<vmem>>, vector<1x1000x128xf32>
    %get3A_11 = vector.shape_cast %get3A_10 : vector<1x1000x128xf32> to vector<1000x128xf32>
    %add3A = arith.addf %get3A_6, %get3A_11 : vector<1000x128xf32>
    %get3A_12 = arith.constant 0 : index
    %get3A_13 = arith.constant 0 : index
    %get3A_14 = vector.load %arg2[%get3A_12, %get3A_13] : memref<1000x128xf32, #tpu.memory_space<vmem>>, vector<1000x128xf32>
    %add3A_15 = arith.addf %add3A, %get3A_14 : vector<1000x128xf32>
    %mul3A = vector.broadcast %get3A_1 : vector<1000x1xf32> to vector<1000x128xf32>
    %mul3A_16 = arith.mulf %mul3A, %add3A_15 : vector<1000x128xf32>
    %get3A_17 = arith.constant 0 : index
    %get3A_18 = arith.constant 0 : index
    %get3A_19 = vector.load %arg4[%get3A_17, %get3A_18] : memref<1x128xf32, #tpu.memory_space<vmem>>, vector<1x128xf32>
    %add3A_20 = vector.broadcast %get3A_19 : vector<1x128xf32> to vector<1000x128xf32>
    %add3A_21 = arith.addf %mul3A_16, %add3A_20 : vector<1000x128xf32>
    %max3A = arith.constant 0.000000e+00 : f32
    %max3A_22 = vector.broadcast %max3A : f32 to vector<1000x128xf32>
    %max3A_23 = arith.maximumf %add3A_21, %max3A_22 : vector<1000x128xf32>
    %swap3A = arith.constant 0 : index
    %swap3A_24 = arith.constant 0 : index
    %swap3A_25 = vector.load %arg5[%swap3A, %swap3A_24] : memref<1000x128xf32, #tpu.memory_space<vmem>>, vector<1000x128xf32>
    tpu.vector_store %arg5[%swap3A, %swap3A_24], %max3A_23 {strides = array<i32>} : memref<1000x128xf32, #tpu.memory_space<vmem>>, vector<1000x128xf32>,
    return
  }
  func.func @transform_0(%arg0: i32) -> (i32, i32, i32) {
    %c0_i32 = arith.constant 0 : i32
    %c0_i32_0 = arith.constant 0 : i32
    %c0_i32_1 = arith.constant 0 : i32
    return %c0_i32, %arg0, %c0_i32_0 : i32, i32, i32
  }
  func.func @transform_1(%arg0: i32) -> (i32, i32) {
    %c0_i32 = arith.constant 0 : i32
    %c0_i32_0 = arith.constant 0 : i32
    return %arg0, %c0_i32 : i32, i32
  }
  func.func @transform_2(%arg0: i32) -> (i32, i32) {
    %c0_i32 = arith.constant 0 : i32
    %c0_i32_0 = arith.constant 0 : i32
    return %arg0, %c0_i32 : i32, i32
  }
  func.func @transform_3(%arg0: i32) -> (i32, i32) {
    %c0_i32 = arith.constant 0 : i32
    %c0_i32_0 = arith.constant 0 : i32
    %c0_i32_1 = arith.constant 0 : i32
    return %c0_i32, %c0_i32_0 : i32, i32
  }
  func.func @transform_4(%arg0: i32) -> (i32, i32) {
    %c0_i32 = arith.constant 0 : i32
    %c0_i32_0 = arith.constant 0 : i32
    return %arg0, %c0_i32 : i32, i32
  }
}

module attributes {stable_mosaic.version = 14 : i64} {
  func.func @_combine_body(%arg0: i32, %arg1: memref<2x1000x128xf32, #tpu.memory_space<vmem>>, %arg2: memref<1000x128xf32, #tpu.memory_space<vmem>>, %arg3: memref<1000x1xf32, #tpu.memory_space<vmem>>, %arg4: memref<1x128xf32, #tpu.memory_space<vmem>>, %arg5: memref<1000x128xf32, #tpu.memory_space<vmem>>) attributes {dimension_semantics = [#tpu.dimension_semantics<arbitrary>], iteration_bounds = array<i64: 10>, scalar_prefetch = 0 : i64, scratch_operands = 0 : i64, tpu.core_type = #tpu.core_type<tc>, window_params = [{transform_indices = @transform_0, window_bounds = array<i64: 2, 1000, 128>}, {transform_indices = @transform_1, window_bounds = array<i64: 1000, 128>}, {transform_indices = @transform_2, window_bounds = array<i64: 1000, 1>}, {pipeline_mode = #tpu.pipeline_mode<synchronous>, transform_indices = @transform_3, window_bounds = array<i64: 1, 128>}, {transform_indices = @transform_4, window_bounds = array<i64: 1000, 128>}]} {
    %get3A = arith.constant 0 : index
    %get3A_0 = arith.constant 0 : index
    %get3A_1 = vector.load %arg3[%get3A, %get3A_0] : memref<1000x1xf32, #tpu.memory_space<vmem>>, vector<1000x1xf32>
    %get3A_2 = arith.constant 0 : index
    %get3A_3 = arith.constant 0 : index
    %get3A_4 = arith.constant 0 : index
    %get3A_5 = vector.load %arg1[%get3A_2, %get3A_3, %get3A_4] : memref<2x1000x128xf32, #tpu.memory_space<vmem>>, vector<1x1000x128xf32>
    %get3A_6 = vector.shape_cast %get3A_5 : vector<1x1000x128xf32> to vector<1000x128xf32>
    %get3A_7 = arith.constant 1 : index
    %get3A_8 = arith.constant 0 : index
    %get3A_9 = arith.constant 0 : index
    %get3A_10 = vector.load %arg1[%get3A_7, %get3A_8, %get3A_9] : memref<2x1000x128xf32, #tpu.memory_space<vmem>>, vector<1x1000x128xf32>
    %get3A_11 = vector.shape_cast %get3A_10 : vector<1x1000x128xf32> to vector<1000x128xf32>
    %add3A = arith.addf %get3A_6, %get3A_11 : vector<1000x128xf32>
    %get3A_12 = arith.constant 0 : index
    %get3A_13 = arith.constant 0 : index
    %get3A_14 = vector.load %arg2[%get3A_12, %get3A_13] : memref<1000x128xf32, #tpu.memory_space<vmem>>, vector<1000x128xf32>
    %add3A_15 = arith.addf %add3A, %get3A_14 : vector<1000x128xf32>
    %mul3A = vector.broadcast %get3A_1 : vector<1000x1xf32> to vector<1000x128xf32>
    %mul3A_16 = arith.mulf %mul3A, %add3A_15 : vector<1000x128xf32>
    %get3A_17 = arith.constant 0 : index
    %get3A_18 = arith.constant 0 : index
    %get3A_19 = vector.load %arg4[%get3A_17, %get3A_18] : memref<1x128xf32, #tpu.memory_space<vmem>>, vector<1x128xf32>
    %add3A_20 = vector.broadcast %get3A_19 : vector<1x128xf32> to vector<1000x128xf32>
    %add3A_21 = arith.addf %mul3A_16, %add3A_20 : vector<1000x128xf32>
    %swap3A = arith.constant 0 : index
    %swap3A_22 = arith.constant 0 : index
    %swap3A_23 = vector.load %arg5[%swap3A, %swap3A_22] : memref<1000x128xf32, #tpu.memory_space<vmem>>, vector<1000x128xf32>
    tpu.vector_store %arg5[%swap3A, %swap3A_22], %add3A_21 {strides = array<i32>} : memref<1000x128xf32, #tpu.memory_space<vmem>>, vector<1000x128xf32>,
    return
  }
  func.func @transform_0(%arg0: i32) -> (i32, i32, i32) {
    %c0_i32 = arith.constant 0 : i32
    %c0_i32_0 = arith.constant 0 : i32
    %c0_i32_1 = arith.constant 0 : i32
    return %c0_i32, %arg0, %c0_i32_0 : i32, i32, i32
  }
  func.func @transform_1(%arg0: i32) -> (i32, i32) {
    %c0_i32 = arith.constant 0 : i32
    %c0_i32_0 = arith.constant 0 : i32
    return %arg0, %c0_i32 : i32, i32
  }
  func.func @transform_2(%arg0: i32) -> (i32, i32) {
    %c0_i32 = arith.constant 0 : i32
    %c0_i32_0 = arith.constant 0 : i32
    return %arg0, %c0_i32 : i32, i32
  }
  func.func @transform_3(%arg0: i32) -> (i32, i32) {
    %c0_i32 = arith.constant 0 : i32
    %c0_i32_0 = arith.constant 0 : i32
    %c0_i32_1 = arith.constant 0 : i32
    return %c0_i32, %c0_i32_0 : i32, i32
  }
  func.func @transform_4(%arg0: i32) -> (i32, i32) {
    %c0_i32 = arith.constant 0 : i32
    %c0_i32_0 = arith.constant 0 : i32
    return %arg0, %c0_i32 : i32, i32
  }
}

module attributes {stable_mosaic.version = 14 : i64} {
  func.func @_final_body(%arg0: memref<2x64x128xf32, #tpu.memory_space<vmem>>, %arg1: memref<2x64x1xf32, #tpu.memory_space<vmem>>, %arg2: memref<128x1xf32, #tpu.memory_space<vmem>>, %arg3: memref<1x1xf32, #tpu.memory_space<vmem>>, %arg4: memref<64x1xf32, #tpu.memory_space<vmem>>) attributes {dimension_semantics = [], scalar_prefetch = 0 : i64, scratch_operands = 0 : i64, tpu.core_type = #tpu.core_type<tc>} {
    %broadcast_in_dim3A = arith.constant 0.000000e+00 : f32
    %broadcast_in_dim3A_0 = vector.broadcast %broadcast_in_dim3A : f32 to vector<64x128xf32>
    %broadcast_in_dim3A_1 = arith.constant 0.000000e+00 : f32
    %broadcast_in_dim3A_2 = vector.broadcast %broadcast_in_dim3A_1 : f32 to vector<64x1xf32>
    %scan3A = arith.constant 0 : i32
    %scan3A_3 = arith.constant 2 : i32
    %scan3A_4 = arith.addi %scan3A, %scan3A_3 : i32
    %scan3A_5 = arith.constant 1 : i32
    %scan3A_6:2 = scf.for %scan3A_20 = %scan3A to %scan3A_4 step %scan3A_5 iter_args(%scan3A_21 = %broadcast_in_dim3A_0, %scan3A_22 = %broadcast_in_dim3A_2) -> (vector<64x128xf32>, vector<64x1xf32>)  : i32 {
      %get3A_23 = arith.index_cast %scan3A_20 : i32 to index
      %get3A_24 = arith.constant 0 : index
      %get3A_25 = arith.constant 0 : index
      %get3A_26 = vector.load %arg0[%get3A_23, %get3A_24, %get3A_25] : memref<2x64x128xf32, #tpu.memory_space<vmem>>, vector<1x64x128xf32>
      %get3A_27 = vector.shape_cast %get3A_26 : vector<1x64x128xf32> to vector<64x128xf32>
      %add3A_28 = arith.addf %scan3A_21, %get3A_27 : vector<64x128xf32>
      %get3A_29 = arith.index_cast %scan3A_20 : i32 to index
      %get3A_30 = arith.constant 0 : index
      %get3A_31 = arith.constant 0 : index
      %get3A_32 = vector.load %arg1[%get3A_29, %get3A_30, %get3A_31] : memref<2x64x1xf32, #tpu.memory_space<vmem>>, vector<1x64x1xf32>
      %get3A_33 = vector.shape_cast %get3A_32 : vector<1x64x1xf32> to vector<64x1xf32>
      %add3A_34 = arith.addf %scan3A_22, %get3A_33 : vector<64x1xf32>
      scf.yield %add3A_28, %add3A_34 : vector<64x128xf32>, vector<64x1xf32>
    }
    %scan3A_7 = arith.constant 2 : i32
    %max3A = arith.constant 1.000000e+00 : f32
    %max3A_8 = vector.broadcast %max3A : f32 to vector<64x1xf32>
    %max3A_9 = arith.maximumf %scan3A_6#1, %max3A_8 : vector<64x1xf32>
    %div3A = vector.broadcast %max3A_9 : vector<64x1xf32> to vector<64x128xf32>
    %div3A_10 = arith.divf %scan3A_6#0, %div3A : vector<64x128xf32>
    %get3A = arith.constant 0 : index
    %get3A_11 = arith.constant 0 : index
    %get3A_12 = vector.load %arg2[%get3A, %get3A_11] : memref<128x1xf32, #tpu.memory_space<vmem>>, vector<128x1xf32>
    %dot_general3A = arith.constant dense<0.000000e+00> : vector<64x1xf32>
    %dot_general3A_13 = tpu.matmul %div3A_10, %get3A_12, %dot_general3A {dimension_numbers = #tpu.dot_dimension_numbers<[1], [0], [0], [1], [0, 0, 1, 1], [], []>, transpose_lhs_hint = false} : vector<64x128xf32>, vector<128x1xf32>, vector<64x1xf32> -> vector<64x1xf32>
    %get3A_14 = arith.constant 0 : index
    %get3A_15 = arith.constant 0 : index
    %get3A_16 = vector.load %arg3[%get3A_14, %get3A_15] : memref<1x1xf32, #tpu.memory_space<vmem>>, vector<1x1xf32>
    %add3A = vector.broadcast %get3A_16 : vector<1x1xf32> to vector<64x1xf32>
    %add3A_17 = arith.addf %dot_general3A_13, %add3A : vector<64x1xf32>
    %swap3A = arith.constant 0 : index
    %swap3A_18 = arith.constant 0 : index
    %swap3A_19 = vector.load %arg4[%swap3A, %swap3A_18] : memref<64x1xf32, #tpu.memory_space<vmem>>, vector<64x1xf32>
    tpu.vector_store %arg4[%swap3A, %swap3A_18], %add3A_17 {strides = array<i32>} : memref<64x1xf32, #tpu.memory_space<vmem>>, vector<64x1xf32>,
    return
  }
}

</mosaic_0001>

<sc_bundles>
// kernel: kernel.15.cloned.1.call-start
scs
__scs_entry_jumppad:
0x0: {  	(pc) =	sbr.rel $0x88, $3  }
0x1: {  	(tag) =	ssettag $0x0;
	lr =	simm.s32 $0x1  }
0x2: {  	[smem:$0x3F96] =	sst lr;
	_ =	strace $0xD0000000  }
0x3: {  	_ = 	snop  }
0x4: {  	_ = 	snop  }
0x5: {  	_ = 	snop  }
0x6: {  	_ = 	snop  }
0x7: {  	_ = 	snop  }
__scs_overlays_trampoline_lowered:
0x8: {  	[smem:$0x3FA5] =	sst s0  }
0x9: {  	[smem:$0x3FA6] =	sst s1  }
0xa: {  	[smem:$0x3FA7] =	sst s2  }
0xb: {  	[smem:$0x3FA8] =	sst s3  }
0xc: {  	[smem:$0x3FA9] =	sst s4  }
0xd: {  	[smem:$0x3FAA] =	sst s5  }
0xe: {  	[smem:$0x3FAB] =	sst s6  }
0xf: {  	[smem:$0x3FAC] =	sst s7  }
0x10: {  	[smem:$0x3FAD] =	sst s8  }
0x11: {  	[smem:$0x3FAE] =	sst s9;
	s0 =	simm.s32 @!p0 $0x0  }
0x12: {  	s1 =	sld [smem:$0x3F94];
	s0 =	simm.s32 @p0 $0x1  }
0x13: {  	[smem:$0x3FAF] =	sst s0;
	s0 =	simm.s32 @!p1 $0x0  }
0x14: {  	s2 =	sld [smem:$0x3F93];
	s0 =	simm.s32 @p1 $0x1  }
0x15: {  	[smem:$0x3FB0] =	sst s0;
	s0 =	simm.s32 @!p2 $0x0  }
0x16: {  	s3 =	sld [smem:$0x3FDB];
	s0 =	simm.s32 @p2 $0x1  }
0x17: {  	s4 =	simm.s32 $0x1BF5;
	[smem:$0x3FB2] =	sst s0  }
0x18: {  	s0 =	sld [smem:$0x3F95];
	_ =	swait.ge [sflag:s4], $0x0  }
0x19: {  	s7 =	sld [smem:$0x3F96]  }
0x1a: {  	s8 =	sadd.s32 $0xFFFFE003, lr  }
0x1b: {  	s9 =	sadd.s32 $0xFFFFFEF7, lr;
	s5 =	simm.s32 $0xFFFFFFFF;
	p2 =	slt.u32 s8, $0xFFFFF086  }
0x1c: {  	p1 =	slt.u32 s9, $0xF7A;
	s5 =	simm.s32 @!p2 $0x0  }
0x1d: {  	s5 =	simm.s32 @p1 $0x1;
	p0 =	seq.s32 s7, s2  }
0x1e: {  	s7 =	smul.u32 @!p0 $0xF7A, s2;
	p2 =	seq.s32 @!p0 s5, $0x0  }
0x1f: {  	s9 =	smul.u32 $0xF7A, s1;
	s8 =	simm.s32 @!p0 $0x1BF5;
	p2 =	por !p2, p0  }
0x20: {  	[sflag:s8] =	ssyncset.s32 @!p0 $0xFFFFF086;
	s6 =	sadd.s32 @!p0 s3, s7;
	s7 =	simm.s32 @!p0 $0x108  }
0x21: {  	s3 =	sadd.s32 s3, s9;
	s6 =	sadd.s32 @!p0 $0x88, s6;
	s7 =	simm.s32 @p2 $0x1082  }
0x22: {  	[simem:s7], [sflag:s8] =	dma.local @!p0 [hbm:s6], $0xF7A  }
0x23: {  	s9 =	sor.u32 $0xD0000000, s2;
	s6 =	simm.s32 $0x108;
	_ =	swait.ge @!p0 [sflag:s8], $0x0  }
0x24: {  	s3 =	sadd.s32 $0x88, s3;
	s6 =	simm.s32 @!p1 $0x1082;
	[sflag:s4] =	ssyncset.s32 $0xFFFFF086  }
0x25: {  	[simem:s6], [sflag:s4] =	dma.local [hbm:s3], $0xF7A  }
0x26: {  	[smem:$0x3F96] =	sst s1;
	(tag) =	ssettag s2;
	_ =	strace s9  }
0x27: {  	s1 =	sld [smem:$0x3FA6]  }
0x28: {  	s2 =	sld [smem:$0x3FA7]  }
0x29: {  	s4 =	sld [smem:$0x3FA9]  }
0x2a: {  	p0 =	seq.s32 s5, $0x0;
	s5 =	sld [smem:$0x3FAA]  }
0x2b: {  	s6 =	sld [smem:$0x3FAB]  }
0x2c: {  	s7 =	sld [smem:$0x3FAC]  }
0x2d: {  	s3 =	simm.s32 $0x108;
	s8 =	sld [smem:$0x3FAD]  }
0x2e: {  	s3 =	simm.s32 @!p0 $0x1082;
	s9 =	sld [smem:$0x3FAE]  }
0x2f: {  	lr =	sadd.s32 s0, s3;
	s0 =	sld [smem:$0x3FA5]  }
0x30: {  	s3 =	sld [smem:$0x3FA8]  }
0x31: {  	[smem:$0x3FB1] =	sst s10  }
0x32: {  	s10 =	sld [smem:$0x3FAF];
	_ =	sdelay $0x3  }
0x33: {  	p0 =	seq.s32 s10, $0x1;
	s10 =	sld [smem:$0x3FB1];
	_ =	sdelay $0x3  }
0x34: {  	[smem:$0x3FB1] =	sst s10  }
0x35: {  	s10 =	sld [smem:$0x3FB0];
	_ =	sdelay $0x3  }
0x36: {  	p1 =	seq.s32 s10, $0x1;
	s10 =	sld [smem:$0x3FB1];
	_ =	sdelay $0x3  }
0x37: {  	[smem:$0x3FB1] =	sst s10  }
0x38: {  	s10 =	sld [smem:$0x3FB2]  }
0x39: {  	_ = 	snop;
	(pc) =	sbr.ind lr, $3  }
0x3a: {  	_ = 	snop  }
0x3b: {  	_ = 	snop  }
0x3c: {  	p2 =	seq.s32 s10, $0x1;
	s10 =	sld [smem:$0x3FB1]  }
0x3d: {  	_ =	shalt  }
0x3e: {  	_ =	shalt  }
0x3f: {  	_ =	shalt  }
0x40: {  	_ =	shalt  }
0x41: {  	_ =	shalt  }
0x42: {  	_ =	shalt  }
0x43: {  	_ =	shalt  }
0x44: {  	_ =	shalt  }
0x45: {  	_ =	shalt  }
0x46: {  	_ =	shalt  }
0x47: {  	_ =	shalt  }
0x48: {  	_ =	shalt  }
0x49: {  	_ =	shalt  }
0x4a: {  	_ =	shalt  }
0x4b: {  	_ =	shalt  }
0x4c: {  	_ =	shalt  }
0x4d: {  	_ =	shalt  }
0x4e: {  	_ =	shalt  }
0x4f: {  	_ =	shalt  }
0x50: {  	_ =	shalt  }
0x51: {  	_ =	shalt  }
0x52: {  	_ =	shalt  }
0x53: {  	_ =	shalt  }
0x54: {  	_ =	shalt  }
0x55: {  	_ =	shalt  }
0x56: {  	_ =	shalt  }
0x57: {  	_ =	shalt  }
0x58: {  	_ =	shalt  }
0x59: {  	_ =	shalt  }
0x5a: {  	_ =	shalt  }
0x5b: {  	_ =	shalt  }
0x5c: {  	_ =	shalt  }
0x5d: {  	_ =	shalt  }
0x5e: {  	_ =	shalt  }
0x5f: {  	_ =	shalt  }
0x60: {  	_ =	shalt  }
0x61: {  	_ =	shalt  }
0x62: {  	_ =	shalt  }
0x63: {  	_ =	shalt  }
0x64: {  	_ =	shalt  }
0x65: {  	_ =	shalt  }
0x66: {  	_ =	shalt  }
0x67: {  	_ =	shalt  }
0x68: {  	_ =	shalt  }
0x69: {  	_ =	shalt  }
0x6a: {  	_ =	shalt  }
0x6b: {  	_ =	shalt  }
0x6c: {  	_ =	shalt  }
0x6d: {  	_ =	shalt  }
0x6e: {  	_ =	shalt  }
0x6f: {  	_ =	shalt  }
0x70: {  	_ =	shalt  }
0x71: {  	_ =	shalt  }
0x72: {  	_ =	shalt  }
0x73: {  	_ =	shalt  }
0x74: {  	_ =	shalt  }
0x75: {  	_ =	shalt  }
0x76: {  	_ =	shalt  }
0x77: {  	_ =	shalt  }
0x78: {  	_ =	shalt  }
0x79: {  	_ =	shalt  }
0x7a: {  	_ =	shalt  }
0x7b: {  	_ =	shalt  }
0x7c: {  	_ =	shalt  }
0x7d: {  	_ =	shalt  }
0x7e: {  	_ =	shalt  }
0x7f: {  	_ =	shalt  }
0x80: {  	_ =	shalt  }
0x81: {  	_ =	shalt  }
0x82: {  	_ =	shalt  }
0x83: {  	_ =	shalt  }
0x84: {  	_ =	shalt  }
0x85: {  	_ =	shalt  }
0x86: {  	_ =	shalt  }
0x87: {  	_ =	shalt  }
.Lfunc_end0:
.L_simem_size_0:
called_computation_lowered:
.L_overlay_start_0:
0x88: {  	s2 =	sld [smem:$0x3FD9]  }
0x89: {  	s3 =	sld [smem:$0x3FFE];
	_ =	sdelay $0x1  }
0x8a: {  	s1 =	srdreg.scid  }
0x8b: {  	s0 =	sand.u32 $0x1, s1  }
0x8c: {  	s16 =	sshll.u32 s0, $0xA;
	s2 =	sadd.s32 s3, s2  }
0x8d: {  	s2 =	sadd.s32 s2, s16  }
0x8e: {  	[smem:$0x3FBD] =	sst s2  }
0x8f: {  	_ = 	snop  }
0x90: {  	(tm) =	ssettm $0x1  }
0x91: {  	s17 =	sld [smem:$0x3FFB];
	_ =	sdelay $0x3  }
0x92: {  	_ =	strace s17  }
0x93: {  	s2 =	sld [smem:$0x3FFC];
	_ =	sdelay $0x3  }
0x94: {  	_ =	strace s2  }
0x95: {  	s2 =	sld [smem:$0x3FFD];
	_ =	sdelay $0x3  }
0x96: {  	_ =	strace s2  }
0x97: {  	_ =	strace $0x8FFFFFFF  }
0x98: {  	s18 =	sld [smem:$0x3FDB];
	_ =	sdelay $0x1  }
0x99: {  	s19 =	simm.s32 $_scs_section_size  }
0x9a: {  	s4 =	simm.s32 $_size__tile_overlayer_lowered;
	s5 =	simm.s32 $_tile_overlayer_lowered  }
0x9b: {  	s22 =	simm.s32 $0x1BFF;
	s21 =	sshll.u32 s5, $0x1;
	s2 =	sadd.s32 s19, s18  }
0x9c: {  	s6 =	simm.s32 $0x0;
	s20 =	sshll.u32 s4, $0x1;
	s4 =	sadd.s32 s21, s2  }
0x9d: {  	[timem:s6], [sflag:s22] =	dma.local [hbm:s4], s20  }
0x9e: {  	_ =	swait.ge [sflag:s22], s20  }
0x9f: {  	s3 =	ssub.s32 $0x0, s20;
	[sflag:s22] =	ssyncset.done $0x0  }
0xa0: {  	[sflag:s22] =	ssyncadd.s32 s3;
	_ =	sdelay $0x1  }
0xa1: {  	s23 =	simm.s32 $0x1B8B  }
0xa2: {  	_ =	swait.ge [sflag:s23], $0x1  }
0xa3: {  	[sflag:s23] =	ssyncset.done $0x0  }
0xa4: {  	s25 =	simm.s32 $0x1B8E;
	s24 =	sld [smem:$0x3FFE];
	[sflag:s23] =	ssyncadd.s32 $0xFFFFFFFF  }
0xa5: {  	s26 =	simm.s32 $execute0_lowered;
	[smem:$0x3FD2] =	sst s25  }
0xa6: {  	s4 =	sshll.u32 s26, $0x1;
	_ =	strace $0x80000046;
	[dreg:$0x1] =	wrdreg $0xFFFFFFFF  }
0xa7: {  	s28 =	simm.s32 $_size_execute0_lowered;
	s2 =	sadd.s32 s2, s4;
	[dreg:$0x0] =	wrdreg $0x0  }
0xa8: {  	s4 =	sshll.u32 s28, $0x1;
	[dreg:$0x2] =	wrdreg s2  }
0xa9: {  	[dreg:$0x3] =	wrdreg s4  }
0xaa: {  	[dreg:$0x4] =	wrdreg $0xC0  }
0xab: {  	_ =	task [dreg:s6], $0x5FFFF  }
0xac: {  	[dreg:$0x1] =	wrdreg $0xFFFFFFFF  }
0xad: {  	[dreg:$0x0] =	wrdreg $0x60  }
0xae: {  	[dreg:$0x2] =	wrdreg s24  }
0xaf: {  	[dreg:$0x3] =	wrdreg $0x43000  }
0xb0: {  	[dreg:$0x4] =	wrdreg $0x9  }
0xb1: {  	_ =	task.clear_ibuf [dreg:s6], $0x5FFFF;
	_ =	strace $0x90000046  }
0xb2: {  	s29 =	simm.s32 $0x9;
	_ =	strace $0x80000048  }
0xb3: {  	_ =	swait.ge [sflag:s29], $0x1  }
0xb4: {  	[sflag:s29] =	ssyncadd.s32 $0xFFFFFFFF  }
0xb5: {  	_ =	strace $0x90000048  }
0xb6: {  	_ =	sfence  }
0xb7: {  	s30 =	sld [smem:$0x0];
	_ =	sdelay $0x2  }
0xb8: {  	s31 =	sshll.u32 s1, $0xD;
	s1 =	sshrl.u32 s1, $0x2  }
0xb9: {  	s3 =	sand.u32 $0x4000, s31;
	s1 =	sadd.s32 s1, s30  }
0xba: {  	s0 =	sor.u32 s3, s0;
	s1 =	sshll.u32 s1, $0x11  }
0xbb: {  	s0 =	sor.u32 s1, s0  }
0xbc: {  	s0 =	sadd.s32 $0x8F2B, s0  }
0xbd: {  	[sflag:s0] =	ssyncadd.remote.s32 $0x1  }
0xbe: {  	_ =	sfence.sel $0xFFFF  }
0xbf: {  	[dreg:$0x0] =	wrdreg $0xFFFFFFFF;
	(pc) =	sbr.abs _section_cstart, $3  }
0xc0: {  	[dreg:$0x1] =	wrdreg $0xFFFFFFFF  }
0xc1: {  	_ =	task.clear_ibuf [dreg:s6], $0x2FFFF;
	_ =	strace $0x9FFFFFFF  }
0xc2: {  	(tm) =	ssettm $0x7FFFFFFF  }
0xc3: {  	_ =	shalt  }
tec
execute0_lowered:
.L_overlay_start_1:
0x0: {  	(tag) =	ssettag $0x1  }
0x1: {  	s4 =	rddreg [dreg:$0x0]  }
0x2: {  	s2 =	rddreg [dreg:$0x1]  }
0x3: {  	s0 =	rddreg [dreg:$0x2]  }
0x4: {  	s1 =	stileid.u32;
	s5 =	srdreg.scid;
	s3 =	simm.s32 $0x0  }
0x5: {  	s11 =	simm.s32 $0x4000;
	s12 =	simm.s32 $0x0;
	s5 =	sand.u32 $0x1, s5  }
0x6: {  	s6 =	smul.u32 $0x280, s1;
	[smem:$0x7FF] =	sst s3;
	s8 =	sshll.u32 s1, $0xB  }
0x7: {  	s7 =	smul.u32 $0x2800, s5;
	_ =	strace $0x80000047;
	s9 =	ssub.s32 $0x2, s5  }
0x8: {  	s8 =	sadd.s32 s8, s4;
	s5 =	sshll.u32 s5, $0xF;
	s10 =	sshrl.u32 s9, $0x1  }
0x9: {  	s5 =	sadd.s32 s5, s8;
	s8 =	simm.s32 $0x4080;
	s7 =	sadd.s32 s6, s7  }
0xa: {  	s9 =	ssub.s32 s9, s10;
	s5 =	sadd.s32 $0x3600, s5;
	s7 =	sshrl.u32 s7, $0x3  }
0xb: {  	s10 =	simm.s32 $0x50;
	s7 =	sadd.s32 s7, s4;
	s4 =	sadd.s32 s6, s2  }
0xc: {  	v0 =	vimm.f32 $0.0e+00;
	v1 =	vimm.f32 $1.000000000e+00;
	s6 =	sadd.s32 $0x13600, s7;
	s7 =	smax.u32 s9, $0x1;
	s9 =	simm.s32 $0x1  }
.LBB2_1:
0xd: {  	[tilespmem:$0x4080] =	vst v0  }
0xe: {  	[tilespmem:$0x4090] =	vst v0  }
0xf: {  	[tilespmem:$0x40A0] =	vst v0  }
0x10: {  	[tilespmem:$0x40B0] =	vst v0  }
0x11: {  	[tilespmem:$0x40C0] =	vst v0  }
0x12: {  	[tilespmem:$0x40D0] =	vst v0  }
0x13: {  	[tilespmem:$0x40E0] =	vst v0  }
0x14: {  	[tilespmem:$0x40F0] =	vst v0  }
0x15: {  	[tilespmem:$0x4100] =	vst v0  }
0x16: {  	[tilespmem:$0x4110] =	vst v0  }
0x17: {  	[tilespmem:$0x4120] =	vst v0  }
0x18: {  	[tilespmem:$0x4130] =	vst v0  }
0x19: {  	[tilespmem:$0x4140] =	vst v0  }
0x1a: {  	[tilespmem:$0x4150] =	vst v0  }
0x1b: {  	[tilespmem:$0x4160] =	vst v0  }
0x1c: {  	[tilespmem:$0x4170] =	vst v0  }
0x1d: {  	[tilespmem:$0x4180] =	vst v0  }
0x1e: {  	[tilespmem:$0x4190] =	vst v0  }
0x1f: {  	[tilespmem:$0x41A0] =	vst v0  }
0x20: {  	[tilespmem:$0x41B0] =	vst v0  }
0x21: {  	[tilespmem:$0x41C0] =	vst v0  }
0x22: {  	[tilespmem:$0x41D0] =	vst v0  }
0x23: {  	[tilespmem:$0x41E0] =	vst v0  }
0x24: {  	[tilespmem:$0x41F0] =	vst v0  }
0x25: {  	[tilespmem:$0x4200] =	vst v0  }
0x26: {  	[tilespmem:$0x4210] =	vst v0  }
0x27: {  	[tilespmem:$0x4220] =	vst v0  }
0x28: {  	[tilespmem:$0x4230] =	vst v0  }
0x29: {  	[tilespmem:$0x4240] =	vst v0  }
0x2a: {  	[tilespmem:$0x4250] =	vst v0  }
0x2b: {  	[tilespmem:$0x4260] =	vst v0  }
0x2c: {  	[tilespmem:$0x4270] =	vst v0  }
0x2d: {  	[tilespmem:$0x4280] =	vst v0  }
0x2e: {  	[tilespmem:$0x4290] =	vst v0  }
0x2f: {  	[tilespmem:$0x42A0] =	vst v0  }
0x30: {  	[tilespmem:$0x42B0] =	vst v0  }
0x31: {  	[tilespmem:$0x42C0] =	vst v0  }
0x32: {  	[tilespmem:$0x42D0] =	vst v0  }
0x33: {  	[tilespmem:$0x42E0] =	vst v0  }
0x34: {  	[tilespmem:$0x42F0] =	vst v0  }
0x35: {  	[spmem:s4] =	stream.linear.scatter [tilespmem:s8], [sflag:$0x1], $0x280, $0x38;
	[tilespmem:$0x4580] =	vst v63  }
0x36: {  	_ =	swait.ge [sflag:s9], $0x280  }
0x37: {  	[sflag:s9] =	ssyncset.done $0x0  }
0x38: {  	[sflag:s9] =	ssyncadd.s32 $0xFFFFFD80  }
0x39: {  	[tilespmem:$0x4000] =	vst v1  }
0x3a: {  	[tilespmem:$0x4010] =	vst v1  }
0x3b: {  	[tilespmem:$0x4020] =	vst v1  }
0x3c: {  	[tilespmem:$0x4030] =	vst v1  }
0x3d: {  	[tilespmem:$0x4040] =	vst v1  }
0x3e: {  	[tilespmem:s3], [sflag:$0x1] =	stream.linear.gather [hbm4b:s5+s3], $0x3E80, $0x38;
	[tilespmem:$0x4580] =	vst v63  }
0x3f: {  	_ =	swait.ge [sflag:s9], $0x3E80  }
0x40: {  	[sflag:s9] =	ssyncset.done $0x0  }
0x41: {  	[sflag:s9] =	ssyncadd.s32 $0xFFFFC180  }
0x42: {  	s13 =	simm.s32 $0x0;
	[bflag:$0x0] =	sbarrier.arrive $0xFFFF  }
0x43: {  	[spmem:s2] =	stream.indirect.scatter.add.f32 [tilespmem:s11], [sflag:$0x1], $0x1, s13, s10, $0xb8;
	[tilespmem:$0x4580] =	vst v63  }
0x44: {  	_ =	swait.ge [sflag:s9], $0x50  }
0x45: {  	s13 =	simm.s32 $0x200;
	[sflag:s9] =	ssyncset.done $0x0  }
.LBB2_2:
0x46: {  	s14 =	sshra.s32 s13, $0x2;
	[sflag:s9] =	ssyncadd.s32 $0xFFFFFFB0;
	p0 =	sne.s32 s13, $0xF800  }
0x47: {  	[spmem:s2] =	stream.indirect.scatter.add.f32 [tilespmem:s11], [sflag:$0x1], $0x1, s14, s10, $0xb8;
	[tilespmem:$0x4580] =	vst v63  }
.Ltmp0:
0x48: {  	_ = 	snop;
	(pc) =	sbr.rel @p0 .LBB2_2-.Ltmp0, $4  }
0x49: {  	_ = 	snop  }
0x4a: {  	s13 =	sadd.s32 $0x200, s13  }
0x4b: {  	_ =	swait.ge [sflag:s9], $0x50  }
0x4c: {  	[sflag:s9] =	ssyncset.done $0x0  }
0x4d: {  	[sflag:s9] =	ssyncadd.s32 $0xFFFFFFB0  }
0x4e: {  	[bflag:$0x0] =	sbarrier.arrive $0xFFFF  }
0x4f: {  	[tilespmem:s8], [sflag:$0x1] =	stream.linear.gather [spmem:s4], $0x280, $0x38;
	[tilespmem:$0x4580] =	vst v63  }
0x50: {  	s12 =	sadd.s32 $0x1, s12;
	_ =	swait.ge [sflag:s9], $0x280  }
0x51: {  	p0 =	sne.s32 s12, s7;
	[sflag:s9] =	ssyncset.done $0x0  }
.Ltmp1:
0x52: {  	[sflag:s9] =	ssyncadd.s32 $0xFFFFFD80;
	(pc) =	sbr.rel @p0 .LBB2_1-.Ltmp1, $4  }
0x53: {  	[hbm4b:s6+s3] =	stream.linear.scatter [tilespmem:s8], [sflag:$0x1], $0x280, $0x38;
	[tilespmem:$0x4580] =	vst v63  }
0x54: {  	_ =	swait.ge [sflag:s9], $0x280  }
0x55: {  	[sflag:s9] =	ssyncset.done $0x0  }
0x56: {  	[sflag:s9] =	ssyncadd.s32 $0xFFFFFD80  }
0x57: {  	_ =	sfence.sel $0x180000  }
0x58: {  	[bflag:$0x0] =	sbarrier.arrive $0xFFFF  }
0x59: {  	p0 =	sne.s32 s1, $0x0;
	_ =	strace $0x90000047  }
0x5a: {  	s0 =	sadd.s32 @!p0 $0x100000, s0;
	[bflag:$0x2] =	sbarrier.arrive $0xFFFF  }
0x5b: {  	[sflag:s0] =	ssyncadd.tile.s32 @!p0 $0x1;
	_ =	shalt  }
.Lfunc_end2:
_tile_overlayer_lowered:
.L_overlay_start_2:
0x5c: {  	(tag) =	ssettag $0x2  }
0x5d: {  	s0 =	rddreg [dreg:$0x0];
	s2 =	stileid.u32  }
0x5e: {  	s1 =	rddreg [dreg:$0x1];
	p0 =	sne.s32 s2, $0x0  }
0x5f: {  	s3 =	rddreg [dreg:$0x2];
	[bflag:$0x3] =	sbarrier.arrive $0xFFFF;
	s2 =	simm.s32 @!p0 $0x1C01  }
0x60: {  	[timem:s3], [sflag:s2] =	dma.local @!p0 [hbm:s0], s1  }
0x61: {  	s0 =	simm.s32 @!p0 $0x1  }
0x62: {  	_ =	swait.ge @!p0 [sflag:s0], s1  }
0x63: {  	s1 =	ssub.s32 @!p0 $0x0, s1;
	[sflag:s0] =	ssyncset.done @!p0 $0x0  }
0x64: {  	[sflag:s0] =	ssyncadd.s32 @!p0 s1  }
0x65: {  	[bflag:$0x3] =	sbarrier.arrive $0xFFFF  }
0x66: {  	_ =	shalt  }

// kernel: kernel.18.cloned.1.call-start
scs
__scs_entry_jumppad:
0x0: {  	(pc) =	sbr.rel $0x88, $3  }
0x1: {  	(tag) =	ssettag $0x0;
	lr =	simm.s32 $0x1  }
0x2: {  	[smem:$0x3F96] =	sst lr;
	_ =	strace $0xD0000000  }
0x3: {  	_ = 	snop  }
0x4: {  	_ = 	snop  }
0x5: {  	_ = 	snop  }
0x6: {  	_ = 	snop  }
0x7: {  	_ = 	snop  }
__scs_overlays_trampoline_lowered:
0x8: {  	[smem:$0x3FA5] =	sst s0  }
0x9: {  	[smem:$0x3FA6] =	sst s1  }
0xa: {  	[smem:$0x3FA7] =	sst s2  }
0xb: {  	[smem:$0x3FA8] =	sst s3  }
0xc: {  	[smem:$0x3FA9] =	sst s4  }
0xd: {  	[smem:$0x3FAA] =	sst s5  }
0xe: {  	[smem:$0x3FAB] =	sst s6  }
0xf: {  	[smem:$0x3FAC] =	sst s7  }
0x10: {  	[smem:$0x3FAD] =	sst s8  }
0x11: {  	[smem:$0x3FAE] =	sst s9;
	s0 =	simm.s32 @!p0 $0x0  }
0x12: {  	s1 =	sld [smem:$0x3F94];
	s0 =	simm.s32 @p0 $0x1  }
0x13: {  	[smem:$0x3FAF] =	sst s0;
	s0 =	simm.s32 @!p1 $0x0  }
0x14: {  	s2 =	sld [smem:$0x3F93];
	s0 =	simm.s32 @p1 $0x1  }
0x15: {  	[smem:$0x3FB0] =	sst s0;
	s0 =	simm.s32 @!p2 $0x0  }
0x16: {  	s3 =	sld [smem:$0x3FDB];
	s0 =	simm.s32 @p2 $0x1  }
0x17: {  	s4 =	simm.s32 $0x1BF5;
	[smem:$0x3FB2] =	sst s0  }
0x18: {  	s0 =	sld [smem:$0x3F95];
	_ =	swait.ge [sflag:s4], $0x0  }
0x19: {  	s7 =	sld [smem:$0x3F96]  }
0x1a: {  	s8 =	sadd.s32 $0xFFFFE003, lr  }
0x1b: {  	s9 =	sadd.s32 $0xFFFFFEF7, lr;
	s5 =	simm.s32 $0xFFFFFFFF;
	p2 =	slt.u32 s8, $0xFFFFF086  }
0x1c: {  	p1 =	slt.u32 s9, $0xF7A;
	s5 =	simm.s32 @!p2 $0x0  }
0x1d: {  	s5 =	simm.s32 @p1 $0x1;
	p0 =	seq.s32 s7, s2  }
0x1e: {  	s7 =	smul.u32 @!p0 $0xF7A, s2;
	p2 =	seq.s32 @!p0 s5, $0x0  }
0x1f: {  	s9 =	smul.u32 $0xF7A, s1;
	s8 =	simm.s32 @!p0 $0x1BF5;
	p2 =	por !p2, p0  }
0x20: {  	[sflag:s8] =	ssyncset.s32 @!p0 $0xFFFFF086;
	s6 =	sadd.s32 @!p0 s3, s7;
	s7 =	simm.s32 @!p0 $0x108  }
0x21: {  	s3 =	sadd.s32 s3, s9;
	s6 =	sadd.s32 @!p0 $0x88, s6;
	s7 =	simm.s32 @p2 $0x1082  }
0x22: {  	[simem:s7], [sflag:s8] =	dma.local @!p0 [hbm:s6], $0xF7A  }
0x23: {  	s9 =	sor.u32 $0xD0000000, s2;
	s6 =	simm.s32 $0x108;
	_ =	swait.ge @!p0 [sflag:s8], $0x0  }
0x24: {  	s3 =	sadd.s32 $0x88, s3;
	s6 =	simm.s32 @!p1 $0x1082;
	[sflag:s4] =	ssyncset.s32 $0xFFFFF086  }
0x25: {  	[simem:s6], [sflag:s4] =	dma.local [hbm:s3], $0xF7A  }
0x26: {  	[smem:$0x3F96] =	sst s1;
	(tag) =	ssettag s2;
	_ =	strace s9  }
0x27: {  	s1 =	sld [smem:$0x3FA6]  }
0x28: {  	s2 =	sld [smem:$0x3FA7]  }
0x29: {  	s4 =	sld [smem:$0x3FA9]  }
0x2a: {  	p0 =	seq.s32 s5, $0x0;
	s5 =	sld [smem:$0x3FAA]  }
0x2b: {  	s6 =	sld [smem:$0x3FAB]  }
0x2c: {  	s7 =	sld [smem:$0x3FAC]  }
0x2d: {  	s3 =	simm.s32 $0x108;
	s8 =	sld [smem:$0x3FAD]  }
0x2e: {  	s3 =	simm.s32 @!p0 $0x1082;
	s9 =	sld [smem:$0x3FAE]  }
0x2f: {  	lr =	sadd.s32 s0, s3;
	s0 =	sld [smem:$0x3FA5]  }
0x30: {  	s3 =	sld [smem:$0x3FA8]  }
0x31: {  	[smem:$0x3FB1] =	sst s10  }
0x32: {  	s10 =	sld [smem:$0x3FAF];
	_ =	sdelay $0x3  }
0x33: {  	p0 =	seq.s32 s10, $0x1;
	s10 =	sld [smem:$0x3FB1];
	_ =	sdelay $0x3  }
0x34: {  	[smem:$0x3FB1] =	sst s10  }
0x35: {  	s10 =	sld [smem:$0x3FB0];
	_ =	sdelay $0x3  }
0x36: {  	p1 =	seq.s32 s10, $0x1;
	s10 =	sld [smem:$0x3FB1];
	_ =	sdelay $0x3  }
0x37: {  	[smem:$0x3FB1] =	sst s10  }
0x38: {  	s10 =	sld [smem:$0x3FB2]  }
0x39: {  	_ = 	snop;
	(pc) =	sbr.ind lr, $3  }
0x3a: {  	_ = 	snop  }
0x3b: {  	_ = 	snop  }
0x3c: {  	p2 =	seq.s32 s10, $0x1;
	s10 =	sld [smem:$0x3FB1]  }
0x3d: {  	_ =	shalt  }
0x3e: {  	_ =	shalt  }
0x3f: {  	_ =	shalt  }
0x40: {  	_ =	shalt  }
0x41: {  	_ =	shalt  }
0x42: {  	_ =	shalt  }
0x43: {  	_ =	shalt  }
0x44: {  	_ =	shalt  }
0x45: {  	_ =	shalt  }
0x46: {  	_ =	shalt  }
0x47: {  	_ =	shalt  }
0x48: {  	_ =	shalt  }
0x49: {  	_ =	shalt  }
0x4a: {  	_ =	shalt  }
0x4b: {  	_ =	shalt  }
0x4c: {  	_ =	shalt  }
0x4d: {  	_ =	shalt  }
0x4e: {  	_ =	shalt  }
0x4f: {  	_ =	shalt  }
0x50: {  	_ =	shalt  }
0x51: {  	_ =	shalt  }
0x52: {  	_ =	shalt  }
0x53: {  	_ =	shalt  }
0x54: {  	_ =	shalt  }
0x55: {  	_ =	shalt  }
0x56: {  	_ =	shalt  }
0x57: {  	_ =	shalt  }
0x58: {  	_ =	shalt  }
0x59: {  	_ =	shalt  }
0x5a: {  	_ =	shalt  }
0x5b: {  	_ =	shalt  }
0x5c: {  	_ =	shalt  }
0x5d: {  	_ =	shalt  }
0x5e: {  	_ =	shalt  }
0x5f: {  	_ =	shalt  }
0x60: {  	_ =	shalt  }
0x61: {  	_ =	shalt  }
0x62: {  	_ =	shalt  }
0x63: {  	_ =	shalt  }
0x64: {  	_ =	shalt  }
0x65: {  	_ =	shalt  }
0x66: {  	_ =	shalt  }
0x67: {  	_ =	shalt  }
0x68: {  	_ =	shalt  }
0x69: {  	_ =	shalt  }
0x6a: {  	_ =	shalt  }
0x6b: {  	_ =	shalt  }
0x6c: {  	_ =	shalt  }
0x6d: {  	_ =	shalt  }
0x6e: {  	_ =	shalt  }
0x6f: {  	_ =	shalt  }
0x70: {  	_ =	shalt  }
0x71: {  	_ =	shalt  }
0x72: {  	_ =	shalt  }
0x73: {  	_ =	shalt  }
0x74: {  	_ =	shalt  }
0x75: {  	_ =	shalt  }
0x76: {  	_ =	shalt  }
0x77: {  	_ =	shalt  }
0x78: {  	_ =	shalt  }
0x79: {  	_ =	shalt  }
0x7a: {  	_ =	shalt  }
0x7b: {  	_ =	shalt  }
0x7c: {  	_ =	shalt  }
0x7d: {  	_ =	shalt  }
0x7e: {  	_ =	shalt  }
0x7f: {  	_ =	shalt  }
0x80: {  	_ =	shalt  }
0x81: {  	_ =	shalt  }
0x82: {  	_ =	shalt  }
0x83: {  	_ =	shalt  }
0x84: {  	_ =	shalt  }
0x85: {  	_ =	shalt  }
0x86: {  	_ =	shalt  }
0x87: {  	_ =	shalt  }
.Lfunc_end0:
.L_simem_size_0:
called_computation.1_lowered:
.L_overlay_start_0:
0x88: {  	s2 =	sld [smem:$0x3FD9]  }
0x89: {  	s3 =	sld [smem:$0x3FFE];
	_ =	sdelay $0x1  }
0x8a: {  	s1 =	srdreg.scid  }
0x8b: {  	s0 =	sand.u32 $0x1, s1  }
0x8c: {  	s16 =	sshll.u32 s0, $0xA;
	s2 =	sadd.s32 s3, s2  }
0x8d: {  	s2 =	sadd.s32 s2, s16  }
0x8e: {  	[smem:$0x3FBD] =	sst s2  }
0x8f: {  	_ = 	snop  }
0x90: {  	(tm) =	ssettm $0x1  }
0x91: {  	s17 =	sld [smem:$0x3FFB];
	_ =	sdelay $0x3  }
0x92: {  	_ =	strace s17  }
0x93: {  	s2 =	sld [smem:$0x3FFC];
	_ =	sdelay $0x3  }
0x94: {  	_ =	strace s2  }
0x95: {  	s2 =	sld [smem:$0x3FFD];
	_ =	sdelay $0x3  }
0x96: {  	_ =	strace s2  }
0x97: {  	_ =	strace $0x8FFFFFFF  }
0x98: {  	s18 =	sld [smem:$0x3FDB];
	_ =	sdelay $0x1  }
0x99: {  	s19 =	simm.s32 $_scs_section_size  }
0x9a: {  	s4 =	simm.s32 $_size__tile_overlayer_lowered;
	s5 =	simm.s32 $_tile_overlayer_lowered  }
0x9b: {  	s22 =	simm.s32 $0x1BFF;
	s21 =	sshll.u32 s5, $0x1;
	s2 =	sadd.s32 s19, s18  }
0x9c: {  	s6 =	simm.s32 $0x0;
	s20 =	sshll.u32 s4, $0x1;
	s4 =	sadd.s32 s21, s2  }
0x9d: {  	[timem:s6], [sflag:s22] =	dma.local [hbm:s4], s20  }
0x9e: {  	_ =	swait.ge [sflag:s22], s20  }
0x9f: {  	s3 =	ssub.s32 $0x0, s20;
	[sflag:s22] =	ssyncset.done $0x0  }
0xa0: {  	[sflag:s22] =	ssyncadd.s32 s3;
	_ =	sdelay $0x1  }
0xa1: {  	s23 =	simm.s32 $0x1B8B  }
0xa2: {  	_ =	swait.ge [sflag:s23], $0x1  }
0xa3: {  	[sflag:s23] =	ssyncset.done $0x0  }
0xa4: {  	s25 =	simm.s32 $0x1B8E;
	s24 =	sld [smem:$0x3FFE];
	[sflag:s23] =	ssyncadd.s32 $0xFFFFFFFF  }
0xa5: {  	s26 =	simm.s32 $execute0_lowered;
	[smem:$0x3FD2] =	sst s25  }
0xa6: {  	s4 =	sshll.u32 s26, $0x1;
	_ =	strace $0x80000049;
	[dreg:$0x1] =	wrdreg $0xFFFFFFFF  }
0xa7: {  	s28 =	simm.s32 $_size_execute0_lowered;
	s2 =	sadd.s32 s2, s4;
	[dreg:$0x0] =	wrdreg $0x0  }
0xa8: {  	s4 =	sshll.u32 s28, $0x1;
	[dreg:$0x2] =	wrdreg s2  }
0xa9: {  	[dreg:$0x3] =	wrdreg s4  }
0xaa: {  	[dreg:$0x4] =	wrdreg $0xC0  }
0xab: {  	_ =	task [dreg:s6], $0x5FFFF  }
0xac: {  	[dreg:$0x1] =	wrdreg $0xFFFFFFFF  }
0xad: {  	[dreg:$0x0] =	wrdreg $0x60  }
0xae: {  	[dreg:$0x2] =	wrdreg s24  }
0xaf: {  	[dreg:$0x3] =	wrdreg $0x88000  }
0xb0: {  	[dreg:$0x4] =	wrdreg $0x9  }
0xb1: {  	_ =	task.clear_ibuf [dreg:s6], $0x5FFFF;
	_ =	strace $0x90000049  }
0xb2: {  	s29 =	simm.s32 $0x9;
	_ =	strace $0x8000004B  }
0xb3: {  	_ =	swait.ge [sflag:s29], $0x1  }
0xb4: {  	[sflag:s29] =	ssyncadd.s32 $0xFFFFFFFF  }
0xb5: {  	_ =	strace $0x9000004B  }
0xb6: {  	_ =	sfence  }
0xb7: {  	s30 =	sld [smem:$0x0];
	_ =	sdelay $0x2  }
0xb8: {  	s31 =	sshll.u32 s1, $0xD;
	s1 =	sshrl.u32 s1, $0x2  }
0xb9: {  	s3 =	sand.u32 $0x4000, s31;
	s1 =	sadd.s32 s1, s30  }
0xba: {  	s0 =	sor.u32 s3, s0;
	s1 =	sshll.u32 s1, $0x11  }
0xbb: {  	s0 =	sor.u32 s1, s0  }
0xbc: {  	s0 =	sadd.s32 $0x8F2B, s0  }
0xbd: {  	[sflag:s0] =	ssyncadd.remote.s32 $0x1  }
0xbe: {  	_ =	sfence.sel $0xFFFF  }
0xbf: {  	[dreg:$0x0] =	wrdreg $0xFFFFFFFF;
	(pc) =	sbr.abs _section_cstart, $3  }
0xc0: {  	[dreg:$0x1] =	wrdreg $0xFFFFFFFF  }
0xc1: {  	_ =	task.clear_ibuf [dreg:s6], $0x2FFFF;
	_ =	strace $0x9FFFFFFF  }
0xc2: {  	(tm) =	ssettm $0x7FFFFFFF  }
0xc3: {  	_ =	shalt  }
tec
execute0_lowered:
.L_overlay_start_1:
0x0: {  	(tag) =	ssettag $0x1  }
0x1: {  	s0 =	rddreg [dreg:$0x0]  }
0x2: {  	s1 =	rddreg [dreg:$0x1]  }
0x3: {  	s2 =	simm.s32 $0x0;
	s4 =	srdreg.scid;
	s13 =	stileid.u32  }
0x4: {  	s28 =	simm.s32 $0x1000;
	s29 =	simm.s32 $0x50;
	s30 =	simm.s32 $0x2000  }
0x5: {  	s31 =	simm.s32 $0x4800;
	[smem:$0x7FF] =	sst s2;
	s4 =	sand.u32 $0x1, s4  }
0x6: {  	s3 =	sadd.s32 $0x3C000, s0;
	s9 =	smul.u32 $0x4E000, s13;
	s7 =	ssub.s32 $0x2, s4  }
0x7: {  	s5 =	sadd.s32 $0x28000, s0;
	s6 =	sadd.s32 $0x14000, s0;
	s8 =	sshrl.u32 s7, $0x1  }
0x8: {  	s0 =	sadd.s32 $0x63200, s0;
	s9 =	sshrl.u32 s9, $0x2;
	s11 =	ssub.s32 s7, s8  }
0x9: {  	s18 =	smul.u32 $0x13800, s13;
	s9 =	sadd.s32 s9, s1;
	s14 =	smax.u32 s11, $0x1  }
0xa: {  	_ =	strace $0x8000004A;
	s15 =	sadd.s32 $0x1800, s9;
	[dreg:$0x4] =	wrdreg s14  }
0xb: {  	p0 =	sne.s32 s13, $0xF;
	s16 =	sadd.s32 $0x3000, s9;
	[dreg:$0x5] =	wrdreg s15  }
0xc: {  	s10 =	smul.u32 $0x138800, s4;
	s17 =	sadd.s32 $0x4800, s9;
	[dreg:$0x6] =	wrdreg s16  }
0xd: {  	s4 =	sshll.u32 s4, $0x4;
	s19 =	sadd.s32 $0x6000, s9;
	[dreg:$0x7] =	wrdreg s17  }
0xe: {  	s4 =	sor.u32 s13, s4;
	s20 =	sadd.s32 $0x7800, s9;
	[dreg:$0x8] =	wrdreg s19  }
0xf: {  	s13 =	simm.s32 $0xC00;
	s21 =	sadd.s32 $0x9000, s9;
	[dreg:$0x9] =	wrdreg s20  }
0x10: {  	s7 =	sadd.s32 $0x138000, s1;
	s22 =	sadd.s32 $0xA800, s9;
	[dreg:$0xa] =	wrdreg s21  }
0x11: {  	s12 =	sshrl.u32 s10, $0x3;
	s23 =	sadd.s32 $0xC000, s9;
	[dreg:$0xb] =	wrdreg s22  }
0x12: {  	s8 =	smul.u32 $0x5000, s4;
	s24 =	sadd.s32 $0xD800, s9;
	[dreg:$0xc] =	wrdreg s23  }
0x13: {  	s12 =	sadd.s32 s0, s12;
	s25 =	sadd.s32 $0xF000, s9;
	[dreg:$0xd] =	wrdreg s24  }
0x14: {  	s26 =	sadd.s32 $0x10800, s9;
	s11 =	simm.s32 $0xB80;
	[dreg:$0xe] =	wrdreg s25  }
0x15: {  	s4 =	sadd.s32 $0x27000, s12;
	[dreg:$0xf] =	wrdreg s26;
	s23 =	sadd.s32 $0x12000, s9  }
0x16: {  	s25 =	simm.s32 $0x7000;
	s26 =	simm.s32 $0x3;
	s12 =	simm.s32 $0x1B80  }
0x17: {  	s14 =	simm.s32 $0x1C00;
	[dreg:$0x3] =	wrdreg s4;
	s4 =	sadd.s32 s18, s10  }
0x18: {  	s15 =	simm.s32 $0x0;
	s10 =	simm.s32 $0x1B00;
	s4 =	sshrl.u32 s4, $0x3  }
0x19: {  	v0 =	vimm.f32 $0.0e+00;
	s24 =	sadd.s32 s4, s0;
	s0 =	simm.s32 $0x1;
	s4 =	simm.s32 $0x2  }
.LBB2_1:
0x1a: {  	s16 =	simm.s32 $0x70;
	s17 =	simm.s32 $0x3C0  }
.LBB2_2:
0x1b: {  	p1 =	sne.s32 s17, $0x5FC0;
	[tilespmem:s16+$0x7000] =	vst v0  }
0x1c: {  	[tilespmem:s16+$0x6F90] =	vst v0  }
0x1d: {  	[tilespmem:s16+$0x6FA0] =	vst v0  }
.Ltmp0:
0x1e: {  	[tilespmem:s16+$0x6FB0] =	vst v0;
	(pc) =	sbr.rel @p1 .LBB2_2-.Ltmp0, $4  }
0x1f: {  	[tilespmem:s16+$0x6FC0] =	vst v0  }
0x20: {  	[tilespmem:s16+$0x6FD0] =	vst v0  }
0x21: {  	[tilespmem:s16+$0x6FE0] =	vst v0  }
0x22: {  	[tilespmem:s16+$0x6FF0] =	vst v0;
	s16 =	sshra.s32 s17, $0x2;
	s17 =	sadd.s32 $0x200, s17  }
0x23: {  	[tilespmem:s16+$0x7000] =	vst v0  }
0x24: {  	[tilespmem:s16+$0x6F90] =	vst v0  }
0x25: {  	[tilespmem:s16+$0x6FA0] =	vst v0  }
0x26: {  	[tilespmem:s16+$0x6FB0] =	vst v0  }
0x27: {  	[tilespmem:s16+$0x6FC0] =	vst v0  }
0x28: {  	[tilespmem:s16+$0x6FD0] =	vst v0  }
0x29: {  	[tilespmem:s16+$0x6FE0] =	vst v0  }
0x2a: {  	[tilespmem:s16+$0x6FF0] =	vst v0  }
0x2b: {  	[spmem:s9] =	stream.linear.scatter [tilespmem:s25], [sflag:$0x3], $0x1800, $0x38;
	[tilespmem:$0x1C080] =	vst v63  }
0x2c: {  	_ =	swait.ge [sflag:s26], $0x1800  }
0x2d: {  	[sflag:s26] =	ssyncset.done $0x0  }
0x2e: {  	s18 =	rddreg [dreg:$0x5];
	[sflag:s26] =	ssyncadd.s32 $0xFFFFE800  }
0x2f: {  	[spmem:s18] =	stream.linear.scatter [tilespmem:s25], [sflag:$0x3], $0x1800, $0x38;
	[tilespmem:$0x1C080] =	vst v63  }
0x30: {  	_ =	swait.ge [sflag:s26], $0x1800  }
0x31: {  	[sflag:s26] =	ssyncset.done $0x0  }
0x32: {  	s19 =	rddreg [dreg:$0x6];
	[sflag:s26] =	ssyncadd.s32 $0xFFFFE800  }
0x33: {  	[spmem:s19] =	stream.linear.scatter [tilespmem:s25], [sflag:$0x3], $0x1800, $0x38;
	[tilespmem:$0x1C080] =	vst v63  }
0x34: {  	_ =	swait.ge [sflag:s26], $0x1800  }
0x35: {  	[sflag:s26] =	ssyncset.done $0x0  }
0x36: {  	s20 =	rddreg [dreg:$0x7];
	[sflag:s26] =	ssyncadd.s32 $0xFFFFE800  }
0x37: {  	[spmem:s20] =	stream.linear.scatter [tilespmem:s25], [sflag:$0x3], $0x1800, $0x38;
	[tilespmem:$0x1C080] =	vst v63  }
0x38: {  	_ =	swait.ge [sflag:s26], $0x1800  }
0x39: {  	[sflag:s26] =	ssyncset.done $0x0  }
0x3a: {  	s21 =	rddreg [dreg:$0x8];
	[sflag:s26] =	ssyncadd.s32 $0xFFFFE800  }
0x3b: {  	[spmem:s21] =	stream.linear.scatter [tilespmem:s25], [sflag:$0x3], $0x1800, $0x38;
	[tilespmem:$0x1C080] =	vst v63  }
0x3c: {  	_ =	swait.ge [sflag:s26], $0x1800  }
0x3d: {  	[sflag:s26] =	ssyncset.done $0x0  }
0x3e: {  	s22 =	rddreg [dreg:$0x9];
	[sflag:s26] =	ssyncadd.s32 $0xFFFFE800  }
0x3f: {  	[spmem:s22] =	stream.linear.scatter [tilespmem:s25], [sflag:$0x3], $0x1800, $0x38;
	[tilespmem:$0x1C080] =	vst v63  }
0x40: {  	_ =	swait.ge [sflag:s26], $0x1800  }
0x41: {  	[sflag:s26] =	ssyncset.done $0x0  }
0x42: {  	s17 =	rddreg [dreg:$0xa];
	[sflag:s26] =	ssyncadd.s32 $0xFFFFE800  }
0x43: {  	[spmem:s17] =	stream.linear.scatter [tilespmem:s25], [sflag:$0x3], $0x1800, $0x38;
	[tilespmem:$0x1C080] =	vst v63  }
0x44: {  	_ =	swait.ge [sflag:s26], $0x1800  }
0x45: {  	[sflag:s26] =	ssyncset.done $0x0  }
0x46: {  	s18 =	rddreg [dreg:$0xb];
	[sflag:s26] =	ssyncadd.s32 $0xFFFFE800  }
0x47: {  	[spmem:s18] =	stream.linear.scatter [tilespmem:s25], [sflag:$0x3], $0x1800, $0x38;
	[tilespmem:$0x1C080] =	vst v63  }
0x48: {  	_ =	swait.ge [sflag:s26], $0x1800  }
0x49: {  	[sflag:s26] =	ssyncset.done $0x0  }
0x4a: {  	s19 =	rddreg [dreg:$0xc];
	[sflag:s26] =	ssyncadd.s32 $0xFFFFE800  }
0x4b: {  	[spmem:s19] =	stream.linear.scatter [tilespmem:s25], [sflag:$0x3], $0x1800, $0x38;
	[tilespmem:$0x1C080] =	vst v63  }
0x4c: {  	_ =	swait.ge [sflag:s26], $0x1800  }
0x4d: {  	[sflag:s26] =	ssyncset.done $0x0  }
0x4e: {  	s20 =	rddreg [dreg:$0xd];
	[sflag:s26] =	ssyncadd.s32 $0xFFFFE800  }
0x4f: {  	[spmem:s20] =	stream.linear.scatter [tilespmem:s25], [sflag:$0x3], $0x1800, $0x38;
	[tilespmem:$0x1C080] =	vst v63  }
0x50: {  	_ =	swait.ge [sflag:s26], $0x1800  }
0x51: {  	[sflag:s26] =	ssyncset.done $0x0  }
0x52: {  	s21 =	rddreg [dreg:$0xe];
	[sflag:s26] =	ssyncadd.s32 $0xFFFFE800  }
0x53: {  	[spmem:s21] =	stream.linear.scatter [tilespmem:s25], [sflag:$0x3], $0x1800, $0x38;
	[tilespmem:$0x1C080] =	vst v63  }
0x54: {  	_ =	swait.ge [sflag:s26], $0x1800  }
0x55: {  	[sflag:s26] =	ssyncset.done $0x0  }
0x56: {  	s22 =	rddreg [dreg:$0xf];
	[sflag:s26] =	ssyncadd.s32 $0xFFFFE800  }
0x57: {  	[spmem:s22] =	stream.linear.scatter [tilespmem:s25], [sflag:$0x3], $0x1800, $0x38;
	[tilespmem:$0x1C080] =	vst v63  }
0x58: {  	_ =	swait.ge [sflag:s26], $0x1800  }
0x59: {  	[sflag:s26] =	ssyncset.done $0x0  }
0x5a: {  	[sflag:s26] =	ssyncadd.s32 $0xFFFFE800  }
0x5b: {  	[spmem:s23] =	stream.linear.scatter [tilespmem:s25], [sflag:$0x3], $0x1800, $0x38;
	[tilespmem:$0x1C080] =	vst v63  }
0x5c: {  	_ =	swait.ge [sflag:s26], $0x1800  }
0x5d: {  	[sflag:s26] =	ssyncset.done $0x0  }
0x5e: {  	s16 =	simm.s32 @!p0 $0x7000;
	[sflag:s26] =	ssyncadd.s32 $0xFFFFE800  }
0x5f: {  	[spmem:s7] =	stream.linear.scatter @!p0 [tilespmem:s16], [sflag:$0x3], $0x800, $0x38;
	[tilespmem:$0x1C080] =	vst v63  }
0x60: {  	s16 =	simm.s32 @!p0 $0x3  }
0x61: {  	_ =	swait.ge @!p0 [sflag:s16], $0x800  }
0x62: {  	[sflag:s16] =	ssyncset.done @!p0 $0x0  }
0x63: {  	[sflag:s16] =	ssyncadd.s32 @!p0 $0xFFFFF800  }
0x64: {  	s17 =	simm.s32 $0x0;
	s16 =	simm.s32 $0x0;
	[bflag:$0x0] =	sbarrier.arrive $0xFFFF  }
.LBB2_4:
0x65: {  	s18 =	sshll.u32 s17, $0xC  }
0x66: {  	s18 =	sadd.s32 s8, s18  }
0x67: {  	s18 =	sshrl.u32 s18, $0x3  }
0x68: {  	s19 =	sadd.s32 s5, s18  }
0x69: {  	[tilespmem:s16], [sflag:$0x3] =	stream.linear.gather [hbm4b:s19+s16], $0xC80, $0x38;
	[tilespmem:$0x1C080] =	vst v63  }
0x6a: {  	_ =	swait.ge [sflag:s26], $0xC80  }
0x6b: {  	[sflag:s26] =	ssyncset.done $0x0  }
0x6c: {  	s18 =	sadd.s32 s6, s18;
	[sflag:s26] =	ssyncadd.s32 $0xFFFFF380  }
0x6d: {  	[tilespmem:s28], [sflag:$0x3] =	stream.linear.gather [hbm4b:s18+s16], $0xC80, $0x38;
	[tilespmem:$0x1C080] =	vst v63  }
0x6e: {  	_ =	swait.ge [sflag:s26], $0xC80  }
0x6f: {  	[sflag:s26] =	ssyncset.done $0x0  }
0x70: {  	[sflag:s26] =	ssyncadd.s32 $0xFFFFF380  }
0x71: {  	[tilespmem:s30], [sflag:$0x3] =	stream.indirect.gather [hbm4b:s3+s29], $0x80, s16, s29, $0xb8;
	[tilespmem:$0x1C080] =	vst v63  }
0x72: {  	_ =	swait.ge [sflag:s26], $0x2800  }
0x73: {  	[sflag:s26] =	ssyncset.done $0x0  }
0x74: {  	s19 =	simm.s32 $0x1000;
	[sflag:s26] =	ssyncadd.s32 $0xFFFFD800  }
0x75: {  	[spmem:s1] =	stream.indirect.scatter.add.f32 [tilespmem:s30], [sflag:$0x1], $0x80, s19, s29, $0xb8;
	[tilespmem:$0x1C080] =	vst v63  }
0x76: {  	s20 =	simm.s32 $0x80  }
0x77: {  	[tilespmem:s31], [sflag:$0x3] =	stream.indirect.gather [hbm4b:s3+s29], $0x80, s20, s29, $0xb8;
	[tilespmem:$0x1C080] =	vst v63  }
0x78: {  	_ =	swait.ge [sflag:s26], $0x2800  }
0x79: {  	[sflag:s26] =	ssyncset.done $0x0  }
0x7a: {  	[sflag:s26] =	ssyncadd.s32 $0xFFFFD800  }
0x7b: {  	_ =	swait.ge [sflag:s0], $0x2800  }
0x7c: {  	[sflag:s0] =	ssyncset.done $0x0  }
0x7d: {  	s21 =	simm.s32 $0x1080;
	[sflag:s0] =	ssyncadd.s32 $0xFFFFD800  }
0x7e: {  	[spmem:s1] =	stream.indirect.scatter.add.f32 [tilespmem:s31], [sflag:$0x2], $0x80, s21, s29, $0xb8;
	[tilespmem:$0x1C080] =	vst v63  }
0x7f: {  	s22 =	simm.s32 $0x100  }
0x80: {  	[tilespmem:s30], [sflag:$0x3] =	stream.indirect.gather [hbm4b:s3+s29], $0x80, s22, s29, $0xb8;
	[tilespmem:$0x1C080] =	vst v63  }
0x81: {  	_ =	swait.ge [sflag:s26], $0x2800  }
0x82: {  	[sflag:s26] =	ssyncset.done $0x0  }
0x83: {  	[sflag:s26] =	ssyncadd.s32 $0xFFFFD800  }
0x84: {  	_ =	swait.ge [sflag:s4], $0x2800  }
0x85: {  	s18 =	simm.s32 $0x100;
	s19 =	simm.s32 $0x800;
	[sflag:s4] =	ssyncset.done $0x0  }
.LBB2_5:
0x86: {  	s20 =	sadd.s32 $0x1000, s18  }
0x87: {  	[sflag:s4] =	ssyncadd.s32 $0xFFFFD800;
	s21 =	smov.u32 s19;
	s22 =	sadd.s32 $0x400, s19  }
0x88: {  	[spmem:s1] =	stream.indirect.scatter.add.f32 [tilespmem:s30], [sflag:$0x1], $0x80, s20, s29, $0xb8;
	[tilespmem:$0x1C080] =	vst v63  }
0x89: {  	p1 =	sne.s32 s19, $0x2800;
	s19 =	sadd.s32 $0x80, s18  }
0x8a: {  	[tilespmem:s31], [sflag:$0x3] =	stream.indirect.gather [hbm4b:s3+s29], $0x80, s19, s29, $0xb8;
	[tilespmem:$0x1C080] =	vst v63  }
0x8b: {  	_ =	swait.ge [sflag:s26], $0x2800  }
0x8c: {  	[sflag:s26] =	ssyncset.done $0x0  }
0x8d: {  	[sflag:s26] =	ssyncadd.s32 $0xFFFFD800  }
0x8e: {  	_ =	swait.ge [sflag:s0], $0x2800  }
0x8f: {  	[sflag:s0] =	ssyncset.done $0x0  }
0x90: {  	s19 =	sadd.s32 $0x1080, s18;
	[sflag:s0] =	ssyncadd.s32 $0xFFFFD800  }
0x91: {  	[spmem:s1] =	stream.indirect.scatter.add.f32 [tilespmem:s31], [sflag:$0x2], $0x80, s19, s29, $0xb8;
	[tilespmem:$0x1C080] =	vst v63  }
0x92: {  	s18 =	sadd.s32 $0x100, s18  }
0x93: {  	[tilespmem:s30], [sflag:$0x3] =	stream.indirect.gather [hbm4b:s3+s29], $0x80, s18, s29, $0xb8;
	[tilespmem:$0x1C080] =	vst v63  }
.Ltmp1:
0x94: {  	_ =	swait.ge [sflag:s26], $0x2800;
	(pc) =	sbr.rel @p1 .LBB2_5-.Ltmp1, $4  }
0x95: {  	[sflag:s26] =	ssyncset.done $0x0  }
0x96: {  	[sflag:s26] =	ssyncadd.s32 $0xFFFFD800  }
0x97: {  	_ =	swait.ge [sflag:s4], $0x2800  }
0x98: {  	s19 =	smov.u32 s22;
	s18 =	sshra.s32 s21, $0x2;
	[sflag:s4] =	ssyncset.done $0x0  }
0x99: {  	s19 =	sadd.s32 $0x1000, s18;
	[sflag:s4] =	ssyncadd.s32 $0xFFFFD800  }
0x9a: {  	[spmem:s1] =	stream.indirect.scatter.add.f32 [tilespmem:s30], [sflag:$0x1], $0x80, s19, s29, $0xb8;
	[tilespmem:$0x1C080] =	vst v63  }
0x9b: {  	s20 =	sadd.s32 $0x80, s18  }
0x9c: {  	[tilespmem:s31], [sflag:$0x3] =	stream.indirect.gather [hbm4b:s3+s29], $0x80, s20, s29, $0xb8;
	[tilespmem:$0x1C080] =	vst v63  }
0x9d: {  	_ =	swait.ge [sflag:s26], $0x2800  }
0x9e: {  	[sflag:s26] =	ssyncset.done $0x0  }
0x9f: {  	[sflag:s26] =	ssyncadd.s32 $0xFFFFD800  }
0xa0: {  	_ =	swait.ge [sflag:s0], $0x2800  }
0xa1: {  	[sflag:s0] =	ssyncset.done $0x0  }
0xa2: {  	s21 =	sadd.s32 $0x1080, s18;
	[sflag:s0] =	ssyncadd.s32 $0xFFFFD800  }
0xa3: {  	[spmem:s1] =	stream.indirect.scatter.add.f32 [tilespmem:s31], [sflag:$0x2], $0x80, s21, s29, $0xb8;
	[tilespmem:$0x1C080] =	vst v63  }
0xa4: {  	s22 =	sadd.s32 $0x100, s18  }
0xa5: {  	[tilespmem:s30], [sflag:$0x3] =	stream.indirect.gather [hbm4b:s3+s29], $0x80, s22, s29, $0xb8;
	[tilespmem:$0x1C080] =	vst v63  }
0xa6: {  	_ =	swait.ge [sflag:s26], $0x2800  }
0xa7: {  	[sflag:s26] =	ssyncset.done $0x0  }
0xa8: {  	[sflag:s26] =	ssyncadd.s32 $0xFFFFD800  }
0xa9: {  	_ =	swait.ge [sflag:s4], $0x2800  }
0xaa: {  	[sflag:s4] =	ssyncset.done $0x0  }
0xab: {  	[sflag:s4] =	ssyncadd.s32 $0xFFFFD800  }
0xac: {  	[spmem:s1] =	stream.indirect.scatter.add.f32 [tilespmem:s30], [sflag:$0x1], $0x80, s10, s29, $0xb8;
	[tilespmem:$0x1C080] =	vst v63  }
0xad: {  	_ = 	snop  }
0xae: {  	[tilespmem:s31], [sflag:$0x3] =	stream.indirect.gather [hbm4b:s3+s29], $0x80, s11, s29, $0xb8;
	[tilespmem:$0x1C080] =	vst v63  }
0xaf: {  	_ =	swait.ge [sflag:s26], $0x2800  }
0xb0: {  	[sflag:s26] =	ssyncset.done $0x0  }
0xb1: {  	[sflag:s26] =	ssyncadd.s32 $0xFFFFD800  }
0xb2: {  	_ =	swait.ge [sflag:s0], $0x2800  }
0xb3: {  	[sflag:s0] =	ssyncset.done $0x0  }
0xb4: {  	[sflag:s0] =	ssyncadd.s32 $0xFFFFD800  }
0xb5: {  	[spmem:s1] =	stream.indirect.scatter.add.f32 [tilespmem:s31], [sflag:$0x2], $0x80, s12, s29, $0xb8;
	[tilespmem:$0x1C080] =	vst v63  }
0xb6: {  	_ = 	snop  }
0xb7: {  	[tilespmem:s30], [sflag:$0x3] =	stream.indirect.gather [hbm4b:s3+s29], $0x80, s13, s29, $0xb8;
	[tilespmem:$0x1C080] =	vst v63  }
0xb8: {  	_ =	swait.ge [sflag:s26], $0x2800  }
0xb9: {  	[sflag:s26] =	ssyncset.done $0x0  }
0xba: {  	[sflag:s26] =	ssyncadd.s32 $0xFFFFD800  }
0xbb: {  	s17 =	sadd.s32 $0x1, s17;
	_ =	swait.ge [sflag:s4], $0x2800  }
0xbc: {  	p1 =	sne.s32 s17, $0x5;
	[sflag:s4] =	ssyncset.done $0x0  }
.Ltmp2:
0xbd: {  	[sflag:s4] =	ssyncadd.s32 $0xFFFFD800;
	(pc) =	sbr.rel @p1 .LBB2_4-.Ltmp2, $4  }
0xbe: {  	[spmem:s1] =	stream.indirect.scatter.add.f32 [tilespmem:s30], [sflag:$0x3], $0x80, s14, s29, $0xb8;
	[tilespmem:$0x1C080] =	vst v63  }
0xbf: {  	_ =	swait.ge [sflag:s26], $0x2800  }
0xc0: {  	[sflag:s26] =	ssyncset.done $0x0  }
0xc1: {  	[sflag:s26] =	ssyncadd.s32 $0xFFFFD800  }
0xc2: {  	[bflag:$0x0] =	sbarrier.arrive $0xFFFF  }
0xc3: {  	[tilespmem:s25], [sflag:$0x3] =	stream.linear.gather [spmem:s9], $0x1800, $0x38;
	[tilespmem:$0x1C080] =	vst v63  }
0xc4: {  	_ =	swait.ge [sflag:s26], $0x1800  }
0xc5: {  	[sflag:s26] =	ssyncset.done $0x0  }
0xc6: {  	s16 =	sadd.s32 $0x0, s24;
	[sflag:s26] =	ssyncadd.s32 $0xFFFFE800  }
0xc7: {  	[hbm4b:s16+s2] =	stream.linear.scatter [tilespmem:s25], [sflag:$0x3], $0x1800, $0x38;
	[tilespmem:$0x1C080] =	vst v63  }
0xc8: {  	_ =	swait.ge [sflag:s26], $0x1800  }
0xc9: {  	s17 =	smov.u32 s9;
	s16 =	simm.s32 $0x300;
	[sflag:s26] =	ssyncset.done $0x0  }
.LBB2_8:
0xca: {  	p1 =	sne.s32 s16, $0x2400;
	[sflag:s26] =	ssyncadd.s32 $0xFFFFE800;
	s17 =	sadd.s32 $0x1800, s17  }
0xcb: {  	[tilespmem:s25], [sflag:$0x3] =	stream.linear.gather [spmem:s17], $0x1800, $0x38;
	[tilespmem:$0x1C080] =	vst v63  }
0xcc: {  	s18 =	smov.u32 s16;
	s16 =	sadd.s32 $0x300, s16;
	_ =	swait.ge [sflag:s26], $0x1800  }
.Ltmp3:
0xcd: {  	[sflag:s26] =	ssyncset.done $0x0;
	(pc) =	sbr.rel @p1 .LBB2_8-.Ltmp3, $4  }
0xce: {  	s18 =	sadd.s32 s18, s24;
	[sflag:s26] =	ssyncadd.s32 $0xFFFFE800  }
0xcf: {  	[hbm4b:s18+s2] =	stream.linear.scatter [tilespmem:s25], [sflag:$0x3], $0x1800, $0x38;
	[tilespmem:$0x1C080] =	vst v63  }
0xd0: {  	_ =	swait.ge [sflag:s26], $0x1800  }
0xd1: {  	[sflag:s26] =	ssyncset.done $0x0  }
0xd2: {  	[sflag:s26] =	ssyncadd.s32 $0xFFFFE800;
	s16 =	simm.s32 @!p0 $0x7000;
	s17 =	simm.s32 @!p0 $0x3  }
0xd3: {  	[tilespmem:s16], [sflag:$0x3] =	stream.linear.gather @!p0 [spmem:s7], $0x800, $0x38;
	[tilespmem:$0x1C080] =	vst v63  }
0xd4: {  	_ =	swait.ge @!p0 [sflag:s17], $0x800  }
0xd5: {  	[sflag:s17] =	ssyncset.done @!p0 $0x0  }
0xd6: {  	s18 =	simm.s32 @!p0 $0x0;
	s19 =	rddreg [dreg:$0x3];
	[sflag:s17] =	ssyncadd.s32 @!p0 $0xFFFFF800  }
0xd7: {  	[hbm4b:s19+s18] =	stream.linear.scatter @!p0 [tilespmem:s16], [sflag:$0x3], $0x800, $0x38;
	[tilespmem:$0x1C080] =	vst v63  }
0xd8: {  	_ =	swait.ge @!p0 [sflag:s17], $0x800  }
0xd9: {  	s15 =	sadd.s32 $0x1, s15;
	s22 =	rddreg [dreg:$0x4]  }
0xda: {  	p1 =	sne.s32 s15, s22  }
.Ltmp4:
0xdb: {  	_ = 	snop;
	(pc) =	sbr.rel @p1 .LBB2_1-.Ltmp4, $3  }
0xdc: {  	_ =	sdelay $0x1  }
0xdd: {  	[sflag:s17] =	ssyncset.done @!p0 $0x0  }
0xde: {  	[sflag:s17] =	ssyncadd.s32 @!p0 $0xFFFFF800  }
0xdf: {  	_ =	sfence.sel $0x180000  }
0xe0: {  	[bflag:$0x0] =	sbarrier.arrive $0xFFFF  }
0xe1: {  	_ =	strace $0x9000004A  }
0xe2: {  	s0 =	stileid.u32;
	[bflag:$0x2] =	sbarrier.arrive $0xFFFF  }
0xe3: {  	p0 =	sne.s32 s0, $0x0;
	s0 =	rddreg [dreg:$0x2]  }
0xe4: {  	s0 =	sadd.s32 @!p0 $0x100000, s0  }
0xe5: {  	[sflag:s0] =	ssyncadd.tile.s32 @!p0 $0x1;
	_ =	shalt  }
.Lfunc_end2:
_tile_overlayer_lowered:
.L_overlay_start_2:
0xe6: {  	(tag) =	ssettag $0x2  }
0xe7: {  	s0 =	rddreg [dreg:$0x0];
	s2 =	stileid.u32  }
0xe8: {  	s1 =	rddreg [dreg:$0x1];
	p0 =	sne.s32 s2, $0x0  }
0xe9: {  	s3 =	rddreg [dreg:$0x2];
	[bflag:$0x3] =	sbarrier.arrive $0xFFFF;
	s2 =	simm.s32 @!p0 $0x1C03  }
0xea: {  	[timem:s3], [sflag:s2] =	dma.local @!p0 [hbm:s0], s1  }
0xeb: {  	s0 =	simm.s32 @!p0 $0x3  }
0xec: {  	_ =	swait.ge @!p0 [sflag:s0], s1  }
0xed: {  	s1 =	ssub.s32 @!p0 $0x0, s1;
	[sflag:s0] =	ssyncset.done @!p0 $0x0  }
0xee: {  	[sflag:s0] =	ssyncadd.s32 @!p0 s1  }
0xef: {  	[bflag:$0x3] =	sbarrier.arrive $0xFFFF  }
0xf0: {  	_ =	shalt  }

// kernel: kernel.21.cloned.1.call-start
scs
__scs_entry_jumppad:
0x0: {  	(pc) =	sbr.rel $0x88, $3  }
0x1: {  	(tag) =	ssettag $0x0;
	lr =	simm.s32 $0x1  }
0x2: {  	[smem:$0x3F96] =	sst lr;
	_ =	strace $0xD0000000  }
0x3: {  	_ = 	snop  }
0x4: {  	_ = 	snop  }
0x5: {  	_ = 	snop  }
0x6: {  	_ = 	snop  }
0x7: {  	_ = 	snop  }
__scs_overlays_trampoline_lowered:
0x8: {  	[smem:$0x3FA5] =	sst s0  }
0x9: {  	[smem:$0x3FA6] =	sst s1  }
0xa: {  	[smem:$0x3FA7] =	sst s2  }
0xb: {  	[smem:$0x3FA8] =	sst s3  }
0xc: {  	[smem:$0x3FA9] =	sst s4  }
0xd: {  	[smem:$0x3FAA] =	sst s5  }
0xe: {  	[smem:$0x3FAB] =	sst s6  }
0xf: {  	[smem:$0x3FAC] =	sst s7  }
0x10: {  	[smem:$0x3FAD] =	sst s8  }
0x11: {  	[smem:$0x3FAE] =	sst s9;
	s0 =	simm.s32 @!p0 $0x0  }
0x12: {  	s1 =	sld [smem:$0x3F94];
	s0 =	simm.s32 @p0 $0x1  }
0x13: {  	[smem:$0x3FAF] =	sst s0;
	s0 =	simm.s32 @!p1 $0x0  }
0x14: {  	s2 =	sld [smem:$0x3F93];
	s0 =	simm.s32 @p1 $0x1  }
0x15: {  	[smem:$0x3FB0] =	sst s0;
	s0 =	simm.s32 @!p2 $0x0  }
0x16: {  	s3 =	sld [smem:$0x3FDB];
	s0 =	simm.s32 @p2 $0x1  }
0x17: {  	s4 =	simm.s32 $0x1BF5;
	[smem:$0x3FB2] =	sst s0  }
0x18: {  	s0 =	sld [smem:$0x3F95];
	_ =	swait.ge [sflag:s4], $0x0  }
0x19: {  	s7 =	sld [smem:$0x3F96]  }
0x1a: {  	s8 =	sadd.s32 $0xFFFFE003, lr  }
0x1b: {  	s9 =	sadd.s32 $0xFFFFFEF7, lr;
	s5 =	simm.s32 $0xFFFFFFFF;
	p2 =	slt.u32 s8, $0xFFFFF086  }
0x1c: {  	p1 =	slt.u32 s9, $0xF7A;
	s5 =	simm.s32 @!p2 $0x0  }
0x1d: {  	s5 =	simm.s32 @p1 $0x1;
	p0 =	seq.s32 s7, s2  }
0x1e: {  	s7 =	smul.u32 @!p0 $0xF7A, s2;
	p2 =	seq.s32 @!p0 s5, $0x0  }
0x1f: {  	s9 =	smul.u32 $0xF7A, s1;
	s8 =	simm.s32 @!p0 $0x1BF5;
	p2 =	por !p2, p0  }
0x20: {  	[sflag:s8] =	ssyncset.s32 @!p0 $0xFFFFF086;
	s6 =	sadd.s32 @!p0 s3, s7;
	s7 =	simm.s32 @!p0 $0x108  }
0x21: {  	s3 =	sadd.s32 s3, s9;
	s6 =	sadd.s32 @!p0 $0x88, s6;
	s7 =	simm.s32 @p2 $0x1082  }
0x22: {  	[simem:s7], [sflag:s8] =	dma.local @!p0 [hbm:s6], $0xF7A  }
0x23: {  	s9 =	sor.u32 $0xD0000000, s2;
	s6 =	simm.s32 $0x108;
	_ =	swait.ge @!p0 [sflag:s8], $0x0  }
0x24: {  	s3 =	sadd.s32 $0x88, s3;
	s6 =	simm.s32 @!p1 $0x1082;
	[sflag:s4] =	ssyncset.s32 $0xFFFFF086  }
0x25: {  	[simem:s6], [sflag:s4] =	dma.local [hbm:s3], $0xF7A  }
0x26: {  	[smem:$0x3F96] =	sst s1;
	(tag) =	ssettag s2;
	_ =	strace s9  }
0x27: {  	s1 =	sld [smem:$0x3FA6]  }
0x28: {  	s2 =	sld [smem:$0x3FA7]  }
0x29: {  	s4 =	sld [smem:$0x3FA9]  }
0x2a: {  	p0 =	seq.s32 s5, $0x0;
	s5 =	sld [smem:$0x3FAA]  }
0x2b: {  	s6 =	sld [smem:$0x3FAB]  }
0x2c: {  	s7 =	sld [smem:$0x3FAC]  }
0x2d: {  	s3 =	simm.s32 $0x108;
	s8 =	sld [smem:$0x3FAD]  }
0x2e: {  	s3 =	simm.s32 @!p0 $0x1082;
	s9 =	sld [smem:$0x3FAE]  }
0x2f: {  	lr =	sadd.s32 s0, s3;
	s0 =	sld [smem:$0x3FA5]  }
0x30: {  	s3 =	sld [smem:$0x3FA8]  }
0x31: {  	[smem:$0x3FB1] =	sst s10  }
0x32: {  	s10 =	sld [smem:$0x3FAF];
	_ =	sdelay $0x3  }
0x33: {  	p0 =	seq.s32 s10, $0x1;
	s10 =	sld [smem:$0x3FB1];
	_ =	sdelay $0x3  }
0x34: {  	[smem:$0x3FB1] =	sst s10  }
0x35: {  	s10 =	sld [smem:$0x3FB0];
	_ =	sdelay $0x3  }
0x36: {  	p1 =	seq.s32 s10, $0x1;
	s10 =	sld [smem:$0x3FB1];
	_ =	sdelay $0x3  }
0x37: {  	[smem:$0x3FB1] =	sst s10  }
0x38: {  	s10 =	sld [smem:$0x3FB2]  }
0x39: {  	_ = 	snop;
	(pc) =	sbr.ind lr, $3  }
0x3a: {  	_ = 	snop  }
0x3b: {  	_ = 	snop  }
0x3c: {  	p2 =	seq.s32 s10, $0x1;
	s10 =	sld [smem:$0x3FB1]  }
0x3d: {  	_ =	shalt  }
0x3e: {  	_ =	shalt  }
0x3f: {  	_ =	shalt  }
0x40: {  	_ =	shalt  }
0x41: {  	_ =	shalt  }
0x42: {  	_ =	shalt  }
0x43: {  	_ =	shalt  }
0x44: {  	_ =	shalt  }
0x45: {  	_ =	shalt  }
0x46: {  	_ =	shalt  }
0x47: {  	_ =	shalt  }
0x48: {  	_ =	shalt  }
0x49: {  	_ =	shalt  }
0x4a: {  	_ =	shalt  }
0x4b: {  	_ =	shalt  }
0x4c: {  	_ =	shalt  }
0x4d: {  	_ =	shalt  }
0x4e: {  	_ =	shalt  }
0x4f: {  	_ =	shalt  }
0x50: {  	_ =	shalt  }
0x51: {  	_ =	shalt  }
0x52: {  	_ =	shalt  }
0x53: {  	_ =	shalt  }
0x54: {  	_ =	shalt  }
0x55: {  	_ =	shalt  }
0x56: {  	_ =	shalt  }
0x57: {  	_ =	shalt  }
0x58: {  	_ =	shalt  }
0x59: {  	_ =	shalt  }
0x5a: {  	_ =	shalt  }
0x5b: {  	_ =	shalt  }
0x5c: {  	_ =	shalt  }
0x5d: {  	_ =	shalt  }
0x5e: {  	_ =	shalt  }
0x5f: {  	_ =	shalt  }
0x60: {  	_ =	shalt  }
0x61: {  	_ =	shalt  }
0x62: {  	_ =	shalt  }
0x63: {  	_ =	shalt  }
0x64: {  	_ =	shalt  }
0x65: {  	_ =	shalt  }
0x66: {  	_ =	shalt  }
0x67: {  	_ =	shalt  }
0x68: {  	_ =	shalt  }
0x69: {  	_ =	shalt  }
0x6a: {  	_ =	shalt  }
0x6b: {  	_ =	shalt  }
0x6c: {  	_ =	shalt  }
0x6d: {  	_ =	shalt  }
0x6e: {  	_ =	shalt  }
0x6f: {  	_ =	shalt  }
0x70: {  	_ =	shalt  }
0x71: {  	_ =	shalt  }
0x72: {  	_ =	shalt  }
0x73: {  	_ =	shalt  }
0x74: {  	_ =	shalt  }
0x75: {  	_ =	shalt  }
0x76: {  	_ =	shalt  }
0x77: {  	_ =	shalt  }
0x78: {  	_ =	shalt  }
0x79: {  	_ =	shalt  }
0x7a: {  	_ =	shalt  }
0x7b: {  	_ =	shalt  }
0x7c: {  	_ =	shalt  }
0x7d: {  	_ =	shalt  }
0x7e: {  	_ =	shalt  }
0x7f: {  	_ =	shalt  }
0x80: {  	_ =	shalt  }
0x81: {  	_ =	shalt  }
0x82: {  	_ =	shalt  }
0x83: {  	_ =	shalt  }
0x84: {  	_ =	shalt  }
0x85: {  	_ =	shalt  }
0x86: {  	_ =	shalt  }
0x87: {  	_ =	shalt  }
.Lfunc_end0:
.L_simem_size_0:
called_computation.2_lowered:
.L_overlay_start_0:
0x88: {  	s2 =	sld [smem:$0x3FD9]  }
0x89: {  	s3 =	sld [smem:$0x3FFE];
	_ =	sdelay $0x1  }
0x8a: {  	s1 =	srdreg.scid  }
0x8b: {  	s0 =	sand.u32 $0x1, s1  }
0x8c: {  	s16 =	sshll.u32 s0, $0xA;
	s2 =	sadd.s32 s3, s2  }
0x8d: {  	s2 =	sadd.s32 s2, s16  }
0x8e: {  	[smem:$0x3FBD] =	sst s2  }
0x8f: {  	_ = 	snop  }
0x90: {  	(tm) =	ssettm $0x1  }
0x91: {  	s17 =	sld [smem:$0x3FFB];
	_ =	sdelay $0x3  }
0x92: {  	_ =	strace s17  }
0x93: {  	s2 =	sld [smem:$0x3FFC];
	_ =	sdelay $0x3  }
0x94: {  	_ =	strace s2  }
0x95: {  	s2 =	sld [smem:$0x3FFD];
	_ =	sdelay $0x3  }
0x96: {  	_ =	strace s2  }
0x97: {  	_ =	strace $0x8FFFFFFF  }
0x98: {  	s18 =	sld [smem:$0x3FDB];
	_ =	sdelay $0x1  }
0x99: {  	s19 =	simm.s32 $_scs_section_size  }
0x9a: {  	s4 =	simm.s32 $_size__tile_overlayer_lowered;
	s5 =	simm.s32 $_tile_overlayer_lowered  }
0x9b: {  	s22 =	simm.s32 $0x1BFF;
	s21 =	sshll.u32 s5, $0x1;
	s2 =	sadd.s32 s19, s18  }
0x9c: {  	s6 =	simm.s32 $0x0;
	s20 =	sshll.u32 s4, $0x1;
	s4 =	sadd.s32 s21, s2  }
0x9d: {  	[timem:s6], [sflag:s22] =	dma.local [hbm:s4], s20  }
0x9e: {  	_ =	swait.ge [sflag:s22], s20  }
0x9f: {  	s3 =	ssub.s32 $0x0, s20;
	[sflag:s22] =	ssyncset.done $0x0  }
0xa0: {  	[sflag:s22] =	ssyncadd.s32 s3;
	_ =	sdelay $0x1  }
0xa1: {  	s23 =	simm.s32 $0x1B8B  }
0xa2: {  	_ =	swait.ge [sflag:s23], $0x1  }
0xa3: {  	[sflag:s23] =	ssyncset.done $0x0  }
0xa4: {  	s25 =	simm.s32 $0x1B8E;
	s24 =	sld [smem:$0x3FFE];
	[sflag:s23] =	ssyncadd.s32 $0xFFFFFFFF  }
0xa5: {  	s26 =	simm.s32 $execute0_lowered;
	[smem:$0x3FD2] =	sst s25  }
0xa6: {  	s4 =	sshll.u32 s26, $0x1;
	_ =	strace $0x8000004C;
	[dreg:$0x1] =	wrdreg $0xFFFFFFFF  }
0xa7: {  	s28 =	simm.s32 $_size_execute0_lowered;
	s2 =	sadd.s32 s2, s4;
	[dreg:$0x0] =	wrdreg $0x0  }
0xa8: {  	s4 =	sshll.u32 s28, $0x1;
	[dreg:$0x2] =	wrdreg s2  }
0xa9: {  	[dreg:$0x3] =	wrdreg s4  }
0xaa: {  	[dreg:$0x4] =	wrdreg $0xC0  }
0xab: {  	_ =	task [dreg:s6], $0x5FFFF  }
0xac: {  	[dreg:$0x1] =	wrdreg $0xFFFFFFFF  }
0xad: {  	[dreg:$0x0] =	wrdreg $0x60  }
0xae: {  	[dreg:$0x2] =	wrdreg s24  }
0xaf: {  	[dreg:$0x3] =	wrdreg $0x88000  }
0xb0: {  	[dreg:$0x4] =	wrdreg $0x9  }
0xb1: {  	_ =	task.clear_ibuf [dreg:s6], $0x5FFFF;
	_ =	strace $0x9000004C  }
0xb2: {  	s29 =	simm.s32 $0x9;
	_ =	strace $0x8000004E  }
0xb3: {  	_ =	swait.ge [sflag:s29], $0x1  }
0xb4: {  	[sflag:s29] =	ssyncadd.s32 $0xFFFFFFFF  }
0xb5: {  	_ =	strace $0x9000004E  }
0xb6: {  	_ =	sfence  }
0xb7: {  	s30 =	sld [smem:$0x0];
	_ =	sdelay $0x2  }
0xb8: {  	s31 =	sshll.u32 s1, $0xD;
	s1 =	sshrl.u32 s1, $0x2  }
0xb9: {  	s3 =	sand.u32 $0x4000, s31;
	s1 =	sadd.s32 s1, s30  }
0xba: {  	s0 =	sor.u32 s3, s0;
	s1 =	sshll.u32 s1, $0x11  }
0xbb: {  	s0 =	sor.u32 s1, s0  }
0xbc: {  	s0 =	sadd.s32 $0x8F2B, s0  }
0xbd: {  	[sflag:s0] =	ssyncadd.remote.s32 $0x1  }
0xbe: {  	_ =	sfence.sel $0xFFFF  }
0xbf: {  	[dreg:$0x0] =	wrdreg $0xFFFFFFFF;
	(pc) =	sbr.abs _section_cstart, $3  }
0xc0: {  	[dreg:$0x1] =	wrdreg $0xFFFFFFFF  }
0xc1: {  	_ =	task.clear_ibuf [dreg:s6], $0x2FFFF;
	_ =	strace $0x9FFFFFFF  }
0xc2: {  	(tm) =	ssettm $0x7FFFFFFF  }
0xc3: {  	_ =	shalt  }
tec
execute0_lowered:
.L_overlay_start_1:
0x0: {  	(tag) =	ssettag $0x1  }
0x1: {  	s0 =	rddreg [dreg:$0x0]  }
0x2: {  	s1 =	rddreg [dreg:$0x1]  }
0x3: {  	s2 =	simm.s32 $0x0;
	s4 =	srdreg.scid;
	s13 =	stileid.u32  }
0x4: {  	s28 =	simm.s32 $0x1000;
	s29 =	simm.s32 $0x50;
	s30 =	simm.s32 $0x2000  }
0x5: {  	s31 =	simm.s32 $0x4800;
	[smem:$0x7FF] =	sst s2;
	s4 =	sand.u32 $0x1, s4  }
0x6: {  	s3 =	sadd.s32 $0x3C000, s0;
	s9 =	smul.u32 $0x4E000, s13;
	s7 =	ssub.s32 $0x2, s4  }
0x7: {  	s5 =	sadd.s32 $0x28000, s0;
	s6 =	sadd.s32 $0x14000, s0;
	s8 =	sshrl.u32 s7, $0x1  }
0x8: {  	s0 =	sadd.s32 $0x63200, s0;
	s9 =	sshrl.u32 s9, $0x2;
	s11 =	ssub.s32 s7, s8  }
0x9: {  	s18 =	smul.u32 $0x13800, s13;
	s9 =	sadd.s32 s9, s1;
	s14 =	smax.u32 s11, $0x1  }
0xa: {  	_ =	strace $0x8000004D;
	s15 =	sadd.s32 $0x1800, s9;
	[dreg:$0x4] =	wrdreg s14  }
0xb: {  	p0 =	sne.s32 s13, $0xF;
	s16 =	sadd.s32 $0x3000, s9;
	[dreg:$0x5] =	wrdreg s15  }
0xc: {  	s10 =	smul.u32 $0x138800, s4;
	s17 =	sadd.s32 $0x4800, s9;
	[dreg:$0x6] =	wrdreg s16  }
0xd: {  	s4 =	sshll.u32 s4, $0x4;
	s19 =	sadd.s32 $0x6000, s9;
	[dreg:$0x7] =	wrdreg s17  }
0xe: {  	s4 =	sor.u32 s13, s4;
	s20 =	sadd.s32 $0x7800, s9;
	[dreg:$0x8] =	wrdreg s19  }
0xf: {  	s13 =	simm.s32 $0xC00;
	s21 =	sadd.s32 $0x9000, s9;
	[dreg:$0x9] =	wrdreg s20  }
0x10: {  	s7 =	sadd.s32 $0x138000, s1;
	s22 =	sadd.s32 $0xA800, s9;
	[dreg:$0xa] =	wrdreg s21  }
0x11: {  	s12 =	sshrl.u32 s10, $0x3;
	s23 =	sadd.s32 $0xC000, s9;
	[dreg:$0xb] =	wrdreg s22  }
0x12: {  	s8 =	smul.u32 $0x5000, s4;
	s24 =	sadd.s32 $0xD800, s9;
	[dreg:$0xc] =	wrdreg s23  }
0x13: {  	s12 =	sadd.s32 s0, s12;
	s25 =	sadd.s32 $0xF000, s9;
	[dreg:$0xd] =	wrdreg s24  }
0x14: {  	s26 =	sadd.s32 $0x10800, s9;
	s11 =	simm.s32 $0xB80;
	[dreg:$0xe] =	wrdreg s25  }
0x15: {  	s4 =	sadd.s32 $0x27000, s12;
	[dreg:$0xf] =	wrdreg s26;
	s23 =	sadd.s32 $0x12000, s9  }
0x16: {  	s25 =	simm.s32 $0x7000;
	s26 =	simm.s32 $0x3;
	s12 =	simm.s32 $0x1B80  }
0x17: {  	s14 =	simm.s32 $0x1C00;
	[dreg:$0x3] =	wrdreg s4;
	s4 =	sadd.s32 s18, s10  }
0x18: {  	s15 =	simm.s32 $0x0;
	s10 =	simm.s32 $0x1B00;
	s4 =	sshrl.u32 s4, $0x3  }
0x19: {  	v0 =	vimm.f32 $0.0e+00;
	s24 =	sadd.s32 s4, s0;
	s0 =	simm.s32 $0x1;
	s4 =	simm.s32 $0x2  }
.LBB2_1:
0x1a: {  	s16 =	simm.s32 $0x70;
	s17 =	simm.s32 $0x3C0  }
.LBB2_2:
0x1b: {  	p1 =	sne.s32 s17, $0x5FC0;
	[tilespmem:s16+$0x7000] =	vst v0  }
0x1c: {  	[tilespmem:s16+$0x6F90] =	vst v0  }
0x1d: {  	[tilespmem:s16+$0x6FA0] =	vst v0  }
.Ltmp0:
0x1e: {  	[tilespmem:s16+$0x6FB0] =	vst v0;
	(pc) =	sbr.rel @p1 .LBB2_2-.Ltmp0, $4  }
0x1f: {  	[tilespmem:s16+$0x6FC0] =	vst v0  }
0x20: {  	[tilespmem:s16+$0x6FD0] =	vst v0  }
0x21: {  	[tilespmem:s16+$0x6FE0] =	vst v0  }
0x22: {  	[tilespmem:s16+$0x6FF0] =	vst v0;
	s16 =	sshra.s32 s17, $0x2;
	s17 =	sadd.s32 $0x200, s17  }
0x23: {  	[tilespmem:s16+$0x7000] =	vst v0  }
0x24: {  	[tilespmem:s16+$0x6F90] =	vst v0  }
0x25: {  	[tilespmem:s16+$0x6FA0] =	vst v0  }
0x26: {  	[tilespmem:s16+$0x6FB0] =	vst v0  }
0x27: {  	[tilespmem:s16+$0x6FC0] =	vst v0  }
0x28: {  	[tilespmem:s16+$0x6FD0] =	vst v0  }
0x29: {  	[tilespmem:s16+$0x6FE0] =	vst v0  }
0x2a: {  	[tilespmem:s16+$0x6FF0] =	vst v0  }
0x2b: {  	[spmem:s9] =	stream.linear.scatter [tilespmem:s25], [sflag:$0x3], $0x1800, $0x38;
	[tilespmem:$0x1C080] =	vst v63  }
0x2c: {  	_ =	swait.ge [sflag:s26], $0x1800  }
0x2d: {  	[sflag:s26] =	ssyncset.done $0x0  }
0x2e: {  	s18 =	rddreg [dreg:$0x5];
	[sflag:s26] =	ssyncadd.s32 $0xFFFFE800  }
0x2f: {  	[spmem:s18] =	stream.linear.scatter [tilespmem:s25], [sflag:$0x3], $0x1800, $0x38;
	[tilespmem:$0x1C080] =	vst v63  }
0x30: {  	_ =	swait.ge [sflag:s26], $0x1800  }
0x31: {  	[sflag:s26] =	ssyncset.done $0x0  }
0x32: {  	s19 =	rddreg [dreg:$0x6];
	[sflag:s26] =	ssyncadd.s32 $0xFFFFE800  }
0x33: {  	[spmem:s19] =	stream.linear.scatter [tilespmem:s25], [sflag:$0x3], $0x1800, $0x38;
	[tilespmem:$0x1C080] =	vst v63  }
0x34: {  	_ =	swait.ge [sflag:s26], $0x1800  }
0x35: {  	[sflag:s26] =	ssyncset.done $0x0  }
0x36: {  	s20 =	rddreg [dreg:$0x7];
	[sflag:s26] =	ssyncadd.s32 $0xFFFFE800  }
0x37: {  	[spmem:s20] =	stream.linear.scatter [tilespmem:s25], [sflag:$0x3], $0x1800, $0x38;
	[tilespmem:$0x1C080] =	vst v63  }
0x38: {  	_ =	swait.ge [sflag:s26], $0x1800  }
0x39: {  	[sflag:s26] =	ssyncset.done $0x0  }
0x3a: {  	s21 =	rddreg [dreg:$0x8];
	[sflag:s26] =	ssyncadd.s32 $0xFFFFE800  }
0x3b: {  	[spmem:s21] =	stream.linear.scatter [tilespmem:s25], [sflag:$0x3], $0x1800, $0x38;
	[tilespmem:$0x1C080] =	vst v63  }
0x3c: {  	_ =	swait.ge [sflag:s26], $0x1800  }
0x3d: {  	[sflag:s26] =	ssyncset.done $0x0  }
0x3e: {  	s22 =	rddreg [dreg:$0x9];
	[sflag:s26] =	ssyncadd.s32 $0xFFFFE800  }
0x3f: {  	[spmem:s22] =	stream.linear.scatter [tilespmem:s25], [sflag:$0x3], $0x1800, $0x38;
	[tilespmem:$0x1C080] =	vst v63  }
0x40: {  	_ =	swait.ge [sflag:s26], $0x1800  }
0x41: {  	[sflag:s26] =	ssyncset.done $0x0  }
0x42: {  	s17 =	rddreg [dreg:$0xa];
	[sflag:s26] =	ssyncadd.s32 $0xFFFFE800  }
0x43: {  	[spmem:s17] =	stream.linear.scatter [tilespmem:s25], [sflag:$0x3], $0x1800, $0x38;
	[tilespmem:$0x1C080] =	vst v63  }
0x44: {  	_ =	swait.ge [sflag:s26], $0x1800  }
0x45: {  	[sflag:s26] =	ssyncset.done $0x0  }
0x46: {  	s18 =	rddreg [dreg:$0xb];
	[sflag:s26] =	ssyncadd.s32 $0xFFFFE800  }
0x47: {  	[spmem:s18] =	stream.linear.scatter [tilespmem:s25], [sflag:$0x3], $0x1800, $0x38;
	[tilespmem:$0x1C080] =	vst v63  }
0x48: {  	_ =	swait.ge [sflag:s26], $0x1800  }
0x49: {  	[sflag:s26] =	ssyncset.done $0x0  }
0x4a: {  	s19 =	rddreg [dreg:$0xc];
	[sflag:s26] =	ssyncadd.s32 $0xFFFFE800  }
0x4b: {  	[spmem:s19] =	stream.linear.scatter [tilespmem:s25], [sflag:$0x3], $0x1800, $0x38;
	[tilespmem:$0x1C080] =	vst v63  }
0x4c: {  	_ =	swait.ge [sflag:s26], $0x1800  }
0x4d: {  	[sflag:s26] =	ssyncset.done $0x0  }
0x4e: {  	s20 =	rddreg [dreg:$0xd];
	[sflag:s26] =	ssyncadd.s32 $0xFFFFE800  }
0x4f: {  	[spmem:s20] =	stream.linear.scatter [tilespmem:s25], [sflag:$0x3], $0x1800, $0x38;
	[tilespmem:$0x1C080] =	vst v63  }
0x50: {  	_ =	swait.ge [sflag:s26], $0x1800  }
0x51: {  	[sflag:s26] =	ssyncset.done $0x0  }
0x52: {  	s21 =	rddreg [dreg:$0xe];
	[sflag:s26] =	ssyncadd.s32 $0xFFFFE800  }
0x53: {  	[spmem:s21] =	stream.linear.scatter [tilespmem:s25], [sflag:$0x3], $0x1800, $0x38;
	[tilespmem:$0x1C080] =	vst v63  }
0x54: {  	_ =	swait.ge [sflag:s26], $0x1800  }
0x55: {  	[sflag:s26] =	ssyncset.done $0x0  }
0x56: {  	s22 =	rddreg [dreg:$0xf];
	[sflag:s26] =	ssyncadd.s32 $0xFFFFE800  }
0x57: {  	[spmem:s22] =	stream.linear.scatter [tilespmem:s25], [sflag:$0x3], $0x1800, $0x38;
	[tilespmem:$0x1C080] =	vst v63  }
0x58: {  	_ =	swait.ge [sflag:s26], $0x1800  }
0x59: {  	[sflag:s26] =	ssyncset.done $0x0  }
0x5a: {  	[sflag:s26] =	ssyncadd.s32 $0xFFFFE800  }
0x5b: {  	[spmem:s23] =	stream.linear.scatter [tilespmem:s25], [sflag:$0x3], $0x1800, $0x38;
	[tilespmem:$0x1C080] =	vst v63  }
0x5c: {  	_ =	swait.ge [sflag:s26], $0x1800  }
0x5d: {  	[sflag:s26] =	ssyncset.done $0x0  }
0x5e: {  	s16 =	simm.s32 @!p0 $0x7000;
	[sflag:s26] =	ssyncadd.s32 $0xFFFFE800  }
0x5f: {  	[spmem:s7] =	stream.linear.scatter @!p0 [tilespmem:s16], [sflag:$0x3], $0x800, $0x38;
	[tilespmem:$0x1C080] =	vst v63  }
0x60: {  	s16 =	simm.s32 @!p0 $0x3  }
0x61: {  	_ =	swait.ge @!p0 [sflag:s16], $0x800  }
0x62: {  	[sflag:s16] =	ssyncset.done @!p0 $0x0  }
0x63: {  	[sflag:s16] =	ssyncadd.s32 @!p0 $0xFFFFF800  }
0x64: {  	s17 =	simm.s32 $0x0;
	s16 =	simm.s32 $0x0;
	[bflag:$0x0] =	sbarrier.arrive $0xFFFF  }
.LBB2_4:
0x65: {  	s18 =	sshll.u32 s17, $0xC  }
0x66: {  	s18 =	sadd.s32 s8, s18  }
0x67: {  	s18 =	sshrl.u32 s18, $0x3  }
0x68: {  	s19 =	sadd.s32 s5, s18  }
0x69: {  	[tilespmem:s16], [sflag:$0x3] =	stream.linear.gather [hbm4b:s19+s16], $0xC80, $0x38;
	[tilespmem:$0x1C080] =	vst v63  }
0x6a: {  	_ =	swait.ge [sflag:s26], $0xC80  }
0x6b: {  	[sflag:s26] =	ssyncset.done $0x0  }
0x6c: {  	s18 =	sadd.s32 s6, s18;
	[sflag:s26] =	ssyncadd.s32 $0xFFFFF380  }
0x6d: {  	[tilespmem:s28], [sflag:$0x3] =	stream.linear.gather [hbm4b:s18+s16], $0xC80, $0x38;
	[tilespmem:$0x1C080] =	vst v63  }
0x6e: {  	_ =	swait.ge [sflag:s26], $0xC80  }
0x6f: {  	[sflag:s26] =	ssyncset.done $0x0  }
0x70: {  	[sflag:s26] =	ssyncadd.s32 $0xFFFFF380  }
0x71: {  	[tilespmem:s30], [sflag:$0x3] =	stream.indirect.gather [hbm4b:s3+s29], $0x80, s16, s29, $0xb8;
	[tilespmem:$0x1C080] =	vst v63  }
0x72: {  	_ =	swait.ge [sflag:s26], $0x2800  }
0x73: {  	[sflag:s26] =	ssyncset.done $0x0  }
0x74: {  	s19 =	simm.s32 $0x1000;
	[sflag:s26] =	ssyncadd.s32 $0xFFFFD800  }
0x75: {  	[spmem:s1] =	stream.indirect.scatter.add.f32 [tilespmem:s30], [sflag:$0x1], $0x80, s19, s29, $0xb8;
	[tilespmem:$0x1C080] =	vst v63  }
0x76: {  	s20 =	simm.s32 $0x80  }
0x77: {  	[tilespmem:s31], [sflag:$0x3] =	stream.indirect.gather [hbm4b:s3+s29], $0x80, s20, s29, $0xb8;
	[tilespmem:$0x1C080] =	vst v63  }
0x78: {  	_ =	swait.ge [sflag:s26], $0x2800  }
0x79: {  	[sflag:s26] =	ssyncset.done $0x0  }
0x7a: {  	[sflag:s26] =	ssyncadd.s32 $0xFFFFD800  }
0x7b: {  	_ =	swait.ge [sflag:s0], $0x2800  }
0x7c: {  	[sflag:s0] =	ssyncset.done $0x0  }
0x7d: {  	s21 =	simm.s32 $0x1080;
	[sflag:s0] =	ssyncadd.s32 $0xFFFFD800  }
0x7e: {  	[spmem:s1] =	stream.indirect.scatter.add.f32 [tilespmem:s31], [sflag:$0x2], $0x80, s21, s29, $0xb8;
	[tilespmem:$0x1C080] =	vst v63  }
0x7f: {  	s22 =	simm.s32 $0x100  }
0x80: {  	[tilespmem:s30], [sflag:$0x3] =	stream.indirect.gather [hbm4b:s3+s29], $0x80, s22, s29, $0xb8;
	[tilespmem:$0x1C080] =	vst v63  }
0x81: {  	_ =	swait.ge [sflag:s26], $0x2800  }
0x82: {  	[sflag:s26] =	ssyncset.done $0x0  }
0x83: {  	[sflag:s26] =	ssyncadd.s32 $0xFFFFD800  }
0x84: {  	_ =	swait.ge [sflag:s4], $0x2800  }
0x85: {  	s18 =	simm.s32 $0x100;
	s19 =	simm.s32 $0x800;
	[sflag:s4] =	ssyncset.done $0x0  }
.LBB2_5:
0x86: {  	s20 =	sadd.s32 $0x1000, s18  }
0x87: {  	[sflag:s4] =	ssyncadd.s32 $0xFFFFD800;
	s21 =	smov.u32 s19;
	s22 =	sadd.s32 $0x400, s19  }
0x88: {  	[spmem:s1] =	stream.indirect.scatter.add.f32 [tilespmem:s30], [sflag:$0x1], $0x80, s20, s29, $0xb8;
	[tilespmem:$0x1C080] =	vst v63  }
0x89: {  	p1 =	sne.s32 s19, $0x2800;
	s19 =	sadd.s32 $0x80, s18  }
0x8a: {  	[tilespmem:s31], [sflag:$0x3] =	stream.indirect.gather [hbm4b:s3+s29], $0x80, s19, s29, $0xb8;
	[tilespmem:$0x1C080] =	vst v63  }
0x8b: {  	_ =	swait.ge [sflag:s26], $0x2800  }
0x8c: {  	[sflag:s26] =	ssyncset.done $0x0  }
0x8d: {  	[sflag:s26] =	ssyncadd.s32 $0xFFFFD800  }
0x8e: {  	_ =	swait.ge [sflag:s0], $0x2800  }
0x8f: {  	[sflag:s0] =	ssyncset.done $0x0  }
0x90: {  	s19 =	sadd.s32 $0x1080, s18;
	[sflag:s0] =	ssyncadd.s32 $0xFFFFD800  }
0x91: {  	[spmem:s1] =	stream.indirect.scatter.add.f32 [tilespmem:s31], [sflag:$0x2], $0x80, s19, s29, $0xb8;
	[tilespmem:$0x1C080] =	vst v63  }
0x92: {  	s18 =	sadd.s32 $0x100, s18  }
0x93: {  	[tilespmem:s30], [sflag:$0x3] =	stream.indirect.gather [hbm4b:s3+s29], $0x80, s18, s29, $0xb8;
	[tilespmem:$0x1C080] =	vst v63  }
.Ltmp1:
0x94: {  	_ =	swait.ge [sflag:s26], $0x2800;
	(pc) =	sbr.rel @p1 .LBB2_5-.Ltmp1, $4  }
0x95: {  	[sflag:s26] =	ssyncset.done $0x0  }
0x96: {  	[sflag:s26] =	ssyncadd.s32 $0xFFFFD800  }
0x97: {  	_ =	swait.ge [sflag:s4], $0x2800  }
0x98: {  	s19 =	smov.u32 s22;
	s18 =	sshra.s32 s21, $0x2;
	[sflag:s4] =	ssyncset.done $0x0  }
0x99: {  	s19 =	sadd.s32 $0x1000, s18;
	[sflag:s4] =	ssyncadd.s32 $0xFFFFD800  }
0x9a: {  	[spmem:s1] =	stream.indirect.scatter.add.f32 [tilespmem:s30], [sflag:$0x1], $0x80, s19, s29, $0xb8;
	[tilespmem:$0x1C080] =	vst v63  }
0x9b: {  	s20 =	sadd.s32 $0x80, s18  }
0x9c: {  	[tilespmem:s31], [sflag:$0x3] =	stream.indirect.gather [hbm4b:s3+s29], $0x80, s20, s29, $0xb8;
	[tilespmem:$0x1C080] =	vst v63  }
0x9d: {  	_ =	swait.ge [sflag:s26], $0x2800  }
0x9e: {  	[sflag:s26] =	ssyncset.done $0x0  }
0x9f: {  	[sflag:s26] =	ssyncadd.s32 $0xFFFFD800  }
0xa0: {  	_ =	swait.ge [sflag:s0], $0x2800  }
0xa1: {  	[sflag:s0] =	ssyncset.done $0x0  }
0xa2: {  	s21 =	sadd.s32 $0x1080, s18;
	[sflag:s0] =	ssyncadd.s32 $0xFFFFD800  }
0xa3: {  	[spmem:s1] =	stream.indirect.scatter.add.f32 [tilespmem:s31], [sflag:$0x2], $0x80, s21, s29, $0xb8;
	[tilespmem:$0x1C080] =	vst v63  }
0xa4: {  	s22 =	sadd.s32 $0x100, s18  }
0xa5: {  	[tilespmem:s30], [sflag:$0x3] =	stream.indirect.gather [hbm4b:s3+s29], $0x80, s22, s29, $0xb8;
	[tilespmem:$0x1C080] =	vst v63  }
0xa6: {  	_ =	swait.ge [sflag:s26], $0x2800  }
0xa7: {  	[sflag:s26] =	ssyncset.done $0x0  }
0xa8: {  	[sflag:s26] =	ssyncadd.s32 $0xFFFFD800  }
0xa9: {  	_ =	swait.ge [sflag:s4], $0x2800  }
0xaa: {  	[sflag:s4] =	ssyncset.done $0x0  }
0xab: {  	[sflag:s4] =	ssyncadd.s32 $0xFFFFD800  }
0xac: {  	[spmem:s1] =	stream.indirect.scatter.add.f32 [tilespmem:s30], [sflag:$0x1], $0x80, s10, s29, $0xb8;
	[tilespmem:$0x1C080] =	vst v63  }
0xad: {  	_ = 	snop  }
0xae: {  	[tilespmem:s31], [sflag:$0x3] =	stream.indirect.gather [hbm4b:s3+s29], $0x80, s11, s29, $0xb8;
	[tilespmem:$0x1C080] =	vst v63  }
0xaf: {  	_ =	swait.ge [sflag:s26], $0x2800  }
0xb0: {  	[sflag:s26] =	ssyncset.done $0x0  }
0xb1: {  	[sflag:s26] =	ssyncadd.s32 $0xFFFFD800  }
0xb2: {  	_ =	swait.ge [sflag:s0], $0x2800  }
0xb3: {  	[sflag:s0] =	ssyncset.done $0x0  }
0xb4: {  	[sflag:s0] =	ssyncadd.s32 $0xFFFFD800  }
0xb5: {  	[spmem:s1] =	stream.indirect.scatter.add.f32 [tilespmem:s31], [sflag:$0x2], $0x80, s12, s29, $0xb8;
	[tilespmem:$0x1C080] =	vst v63  }
0xb6: {  	_ = 	snop  }
0xb7: {  	[tilespmem:s30], [sflag:$0x3] =	stream.indirect.gather [hbm4b:s3+s29], $0x80, s13, s29, $0xb8;
	[tilespmem:$0x1C080] =	vst v63  }
0xb8: {  	_ =	swait.ge [sflag:s26], $0x2800  }
0xb9: {  	[sflag:s26] =	ssyncset.done $0x0  }
0xba: {  	[sflag:s26] =	ssyncadd.s32 $0xFFFFD800  }
0xbb: {  	s17 =	sadd.s32 $0x1, s17;
	_ =	swait.ge [sflag:s4], $0x2800  }
0xbc: {  	p1 =	sne.s32 s17, $0x5;
	[sflag:s4] =	ssyncset.done $0x0  }
.Ltmp2:
0xbd: {  	[sflag:s4] =	ssyncadd.s32 $0xFFFFD800;
	(pc) =	sbr.rel @p1 .LBB2_4-.Ltmp2, $4  }
0xbe: {  	[spmem:s1] =	stream.indirect.scatter.add.f32 [tilespmem:s30], [sflag:$0x3], $0x80, s14, s29, $0xb8;
	[tilespmem:$0x1C080] =	vst v63  }
0xbf: {  	_ =	swait.ge [sflag:s26], $0x2800  }
0xc0: {  	[sflag:s26] =	ssyncset.done $0x0  }
0xc1: {  	[sflag:s26] =	ssyncadd.s32 $0xFFFFD800  }
0xc2: {  	[bflag:$0x0] =	sbarrier.arrive $0xFFFF  }
0xc3: {  	[tilespmem:s25], [sflag:$0x3] =	stream.linear.gather [spmem:s9], $0x1800, $0x38;
	[tilespmem:$0x1C080] =	vst v63  }
0xc4: {  	_ =	swait.ge [sflag:s26], $0x1800  }
0xc5: {  	[sflag:s26] =	ssyncset.done $0x0  }
0xc6: {  	s16 =	sadd.s32 $0x0, s24;
	[sflag:s26] =	ssyncadd.s32 $0xFFFFE800  }
0xc7: {  	[hbm4b:s16+s2] =	stream.linear.scatter [tilespmem:s25], [sflag:$0x3], $0x1800, $0x38;
	[tilespmem:$0x1C080] =	vst v63  }
0xc8: {  	_ =	swait.ge [sflag:s26], $0x1800  }
0xc9: {  	s17 =	smov.u32 s9;
	s16 =	simm.s32 $0x300;
	[sflag:s26] =	ssyncset.done $0x0  }
.LBB2_8:
0xca: {  	p1 =	sne.s32 s16, $0x2400;
	[sflag:s26] =	ssyncadd.s32 $0xFFFFE800;
	s17 =	sadd.s32 $0x1800, s17  }
0xcb: {  	[tilespmem:s25], [sflag:$0x3] =	stream.linear.gather [spmem:s17], $0x1800, $0x38;
	[tilespmem:$0x1C080] =	vst v63  }
0xcc: {  	s18 =	smov.u32 s16;
	s16 =	sadd.s32 $0x300, s16;
	_ =	swait.ge [sflag:s26], $0x1800  }
.Ltmp3:
0xcd: {  	[sflag:s26] =	ssyncset.done $0x0;
	(pc) =	sbr.rel @p1 .LBB2_8-.Ltmp3, $4  }
0xce: {  	s18 =	sadd.s32 s18, s24;
	[sflag:s26] =	ssyncadd.s32 $0xFFFFE800  }
0xcf: {  	[hbm4b:s18+s2] =	stream.linear.scatter [tilespmem:s25], [sflag:$0x3], $0x1800, $0x38;
	[tilespmem:$0x1C080] =	vst v63  }
0xd0: {  	_ =	swait.ge [sflag:s26], $0x1800  }
0xd1: {  	[sflag:s26] =	ssyncset.done $0x0  }
0xd2: {  	[sflag:s26] =	ssyncadd.s32 $0xFFFFE800;
	s16 =	simm.s32 @!p0 $0x7000;
	s17 =	simm.s32 @!p0 $0x3  }
0xd3: {  	[tilespmem:s16], [sflag:$0x3] =	stream.linear.gather @!p0 [spmem:s7], $0x800, $0x38;
	[tilespmem:$0x1C080] =	vst v63  }
0xd4: {  	_ =	swait.ge @!p0 [sflag:s17], $0x800  }
0xd5: {  	[sflag:s17] =	ssyncset.done @!p0 $0x0  }
0xd6: {  	s18 =	simm.s32 @!p0 $0x0;
	s19 =	rddreg [dreg:$0x3];
	[sflag:s17] =	ssyncadd.s32 @!p0 $0xFFFFF800  }
0xd7: {  	[hbm4b:s19+s18] =	stream.linear.scatter @!p0 [tilespmem:s16], [sflag:$0x3], $0x800, $0x38;
	[tilespmem:$0x1C080] =	vst v63  }
0xd8: {  	_ =	swait.ge @!p0 [sflag:s17], $0x800  }
0xd9: {  	s15 =	sadd.s32 $0x1, s15;
	s22 =	rddreg [dreg:$0x4]  }
0xda: {  	p1 =	sne.s32 s15, s22  }
.Ltmp4:
0xdb: {  	_ = 	snop;
	(pc) =	sbr.rel @p1 .LBB2_1-.Ltmp4, $3  }
0xdc: {  	_ =	sdelay $0x1  }
0xdd: {  	[sflag:s17] =	ssyncset.done @!p0 $0x0  }
0xde: {  	[sflag:s17] =	ssyncadd.s32 @!p0 $0xFFFFF800  }
0xdf: {  	_ =	sfence.sel $0x180000  }
0xe0: {  	[bflag:$0x0] =	sbarrier.arrive $0xFFFF  }
0xe1: {  	_ =	strace $0x9000004D  }
0xe2: {  	s0 =	stileid.u32;
	[bflag:$0x2] =	sbarrier.arrive $0xFFFF  }
0xe3: {  	p0 =	sne.s32 s0, $0x0;
	s0 =	rddreg [dreg:$0x2]  }
0xe4: {  	s0 =	sadd.s32 @!p0 $0x100000, s0  }
0xe5: {  	[sflag:s0] =	ssyncadd.tile.s32 @!p0 $0x1;
	_ =	shalt  }
.Lfunc_end2:
_tile_overlayer_lowered:
.L_overlay_start_2:
0xe6: {  	(tag) =	ssettag $0x2  }
0xe7: {  	s0 =	rddreg [dreg:$0x0];
	s2 =	stileid.u32  }
0xe8: {  	s1 =	rddreg [dreg:$0x1];
	p0 =	sne.s32 s2, $0x0  }
0xe9: {  	s3 =	rddreg [dreg:$0x2];
	[bflag:$0x3] =	sbarrier.arrive $0xFFFF;
	s2 =	simm.s32 @!p0 $0x1C03  }
0xea: {  	[timem:s3], [sflag:s2] =	dma.local @!p0 [hbm:s0], s1  }
0xeb: {  	s0 =	simm.s32 @!p0 $0x3  }
0xec: {  	_ =	swait.ge @!p0 [sflag:s0], s1  }
0xed: {  	s1 =	ssub.s32 @!p0 $0x0, s1;
	[sflag:s0] =	ssyncset.done @!p0 $0x0  }
0xee: {  	[sflag:s0] =	ssyncadd.s32 @!p0 s1  }
0xef: {  	[bflag:$0x3] =	sbarrier.arrive $0xFFFF  }
0xf0: {  	_ =	shalt  }

// kernel: kernel.24.cloned.1.call-start
scs
__scs_entry_jumppad:
0x0: {  	(pc) =	sbr.rel $0x88, $3  }
0x1: {  	(tag) =	ssettag $0x0;
	lr =	simm.s32 $0x1  }
0x2: {  	[smem:$0x3F96] =	sst lr;
	_ =	strace $0xD0000000  }
0x3: {  	_ = 	snop  }
0x4: {  	_ = 	snop  }
0x5: {  	_ = 	snop  }
0x6: {  	_ = 	snop  }
0x7: {  	_ = 	snop  }
__scs_overlays_trampoline_lowered:
0x8: {  	[smem:$0x3FA5] =	sst s0  }
0x9: {  	[smem:$0x3FA6] =	sst s1  }
0xa: {  	[smem:$0x3FA7] =	sst s2  }
0xb: {  	[smem:$0x3FA8] =	sst s3  }
0xc: {  	[smem:$0x3FA9] =	sst s4  }
0xd: {  	[smem:$0x3FAA] =	sst s5  }
0xe: {  	[smem:$0x3FAB] =	sst s6  }
0xf: {  	[smem:$0x3FAC] =	sst s7  }
0x10: {  	[smem:$0x3FAD] =	sst s8  }
0x11: {  	[smem:$0x3FAE] =	sst s9;
	s0 =	simm.s32 @!p0 $0x0  }
0x12: {  	s1 =	sld [smem:$0x3F94];
	s0 =	simm.s32 @p0 $0x1  }
0x13: {  	[smem:$0x3FAF] =	sst s0;
	s0 =	simm.s32 @!p1 $0x0  }
0x14: {  	s2 =	sld [smem:$0x3F93];
	s0 =	simm.s32 @p1 $0x1  }
0x15: {  	[smem:$0x3FB0] =	sst s0;
	s0 =	simm.s32 @!p2 $0x0  }
0x16: {  	s3 =	sld [smem:$0x3FDB];
	s0 =	simm.s32 @p2 $0x1  }
0x17: {  	s4 =	simm.s32 $0x1BF5;
	[smem:$0x3FB2] =	sst s0  }
0x18: {  	s0 =	sld [smem:$0x3F95];
	_ =	swait.ge [sflag:s4], $0x0  }
0x19: {  	s7 =	sld [smem:$0x3F96]  }
0x1a: {  	s8 =	sadd.s32 $0xFFFFE003, lr  }
0x1b: {  	s9 =	sadd.s32 $0xFFFFFEF7, lr;
	s5 =	simm.s32 $0xFFFFFFFF;
	p2 =	slt.u32 s8, $0xFFFFF086  }
0x1c: {  	p1 =	slt.u32 s9, $0xF7A;
	s5 =	simm.s32 @!p2 $0x0  }
0x1d: {  	s5 =	simm.s32 @p1 $0x1;
	p0 =	seq.s32 s7, s2  }
0x1e: {  	s7 =	smul.u32 @!p0 $0xF7A, s2;
	p2 =	seq.s32 @!p0 s5, $0x0  }
0x1f: {  	s9 =	smul.u32 $0xF7A, s1;
	s8 =	simm.s32 @!p0 $0x1BF5;
	p2 =	por !p2, p0  }
0x20: {  	[sflag:s8] =	ssyncset.s32 @!p0 $0xFFFFF086;
	s6 =	sadd.s32 @!p0 s3, s7;
	s7 =	simm.s32 @!p0 $0x108  }
0x21: {  	s3 =	sadd.s32 s3, s9;
	s6 =	sadd.s32 @!p0 $0x88, s6;
	s7 =	simm.s32 @p2 $0x1082  }
0x22: {  	[simem:s7], [sflag:s8] =	dma.local @!p0 [hbm:s6], $0xF7A  }
0x23: {  	s9 =	sor.u32 $0xD0000000, s2;
	s6 =	simm.s32 $0x108;
	_ =	swait.ge @!p0 [sflag:s8], $0x0  }
0x24: {  	s3 =	sadd.s32 $0x88, s3;
	s6 =	simm.s32 @!p1 $0x1082;
	[sflag:s4] =	ssyncset.s32 $0xFFFFF086  }
0x25: {  	[simem:s6], [sflag:s4] =	dma.local [hbm:s3], $0xF7A  }
0x26: {  	[smem:$0x3F96] =	sst s1;
	(tag) =	ssettag s2;
	_ =	strace s9  }
0x27: {  	s1 =	sld [smem:$0x3FA6]  }
0x28: {  	s2 =	sld [smem:$0x3FA7]  }
0x29: {  	s4 =	sld [smem:$0x3FA9]  }
0x2a: {  	p0 =	seq.s32 s5, $0x0;
	s5 =	sld [smem:$0x3FAA]  }
0x2b: {  	s6 =	sld [smem:$0x3FAB]  }
0x2c: {  	s7 =	sld [smem:$0x3FAC]  }
0x2d: {  	s3 =	simm.s32 $0x108;
	s8 =	sld [smem:$0x3FAD]  }
0x2e: {  	s3 =	simm.s32 @!p0 $0x1082;
	s9 =	sld [smem:$0x3FAE]  }
0x2f: {  	lr =	sadd.s32 s0, s3;
	s0 =	sld [smem:$0x3FA5]  }
0x30: {  	s3 =	sld [smem:$0x3FA8]  }
0x31: {  	[smem:$0x3FB1] =	sst s10  }
0x32: {  	s10 =	sld [smem:$0x3FAF];
	_ =	sdelay $0x3  }
0x33: {  	p0 =	seq.s32 s10, $0x1;
	s10 =	sld [smem:$0x3FB1];
	_ =	sdelay $0x3  }
0x34: {  	[smem:$0x3FB1] =	sst s10  }
0x35: {  	s10 =	sld [smem:$0x3FB0];
	_ =	sdelay $0x3  }
0x36: {  	p1 =	seq.s32 s10, $0x1;
	s10 =	sld [smem:$0x3FB1];
	_ =	sdelay $0x3  }
0x37: {  	[smem:$0x3FB1] =	sst s10  }
0x38: {  	s10 =	sld [smem:$0x3FB2]  }
0x39: {  	_ = 	snop;
	(pc) =	sbr.ind lr, $3  }
0x3a: {  	_ = 	snop  }
0x3b: {  	_ = 	snop  }
0x3c: {  	p2 =	seq.s32 s10, $0x1;
	s10 =	sld [smem:$0x3FB1]  }
0x3d: {  	_ =	shalt  }
0x3e: {  	_ =	shalt  }
0x3f: {  	_ =	shalt  }
0x40: {  	_ =	shalt  }
0x41: {  	_ =	shalt  }
0x42: {  	_ =	shalt  }
0x43: {  	_ =	shalt  }
0x44: {  	_ =	shalt  }
0x45: {  	_ =	shalt  }
0x46: {  	_ =	shalt  }
0x47: {  	_ =	shalt  }
0x48: {  	_ =	shalt  }
0x49: {  	_ =	shalt  }
0x4a: {  	_ =	shalt  }
0x4b: {  	_ =	shalt  }
0x4c: {  	_ =	shalt  }
0x4d: {  	_ =	shalt  }
0x4e: {  	_ =	shalt  }
0x4f: {  	_ =	shalt  }
0x50: {  	_ =	shalt  }
0x51: {  	_ =	shalt  }
0x52: {  	_ =	shalt  }
0x53: {  	_ =	shalt  }
0x54: {  	_ =	shalt  }
0x55: {  	_ =	shalt  }
0x56: {  	_ =	shalt  }
0x57: {  	_ =	shalt  }
0x58: {  	_ =	shalt  }
0x59: {  	_ =	shalt  }
0x5a: {  	_ =	shalt  }
0x5b: {  	_ =	shalt  }
0x5c: {  	_ =	shalt  }
0x5d: {  	_ =	shalt  }
0x5e: {  	_ =	shalt  }
0x5f: {  	_ =	shalt  }
0x60: {  	_ =	shalt  }
0x61: {  	_ =	shalt  }
0x62: {  	_ =	shalt  }
0x63: {  	_ =	shalt  }
0x64: {  	_ =	shalt  }
0x65: {  	_ =	shalt  }
0x66: {  	_ =	shalt  }
0x67: {  	_ =	shalt  }
0x68: {  	_ =	shalt  }
0x69: {  	_ =	shalt  }
0x6a: {  	_ =	shalt  }
0x6b: {  	_ =	shalt  }
0x6c: {  	_ =	shalt  }
0x6d: {  	_ =	shalt  }
0x6e: {  	_ =	shalt  }
0x6f: {  	_ =	shalt  }
0x70: {  	_ =	shalt  }
0x71: {  	_ =	shalt  }
0x72: {  	_ =	shalt  }
0x73: {  	_ =	shalt  }
0x74: {  	_ =	shalt  }
0x75: {  	_ =	shalt  }
0x76: {  	_ =	shalt  }
0x77: {  	_ =	shalt  }
0x78: {  	_ =	shalt  }
0x79: {  	_ =	shalt  }
0x7a: {  	_ =	shalt  }
0x7b: {  	_ =	shalt  }
0x7c: {  	_ =	shalt  }
0x7d: {  	_ =	shalt  }
0x7e: {  	_ =	shalt  }
0x7f: {  	_ =	shalt  }
0x80: {  	_ =	shalt  }
0x81: {  	_ =	shalt  }
0x82: {  	_ =	shalt  }
0x83: {  	_ =	shalt  }
0x84: {  	_ =	shalt  }
0x85: {  	_ =	shalt  }
0x86: {  	_ =	shalt  }
0x87: {  	_ =	shalt  }
.Lfunc_end0:
.L_simem_size_0:
called_computation.3_lowered:
.L_overlay_start_0:
0x88: {  	s2 =	sld [smem:$0x3FD9]  }
0x89: {  	s3 =	sld [smem:$0x3FFE];
	_ =	sdelay $0x1  }
0x8a: {  	s1 =	srdreg.scid  }
0x8b: {  	s0 =	sand.u32 $0x1, s1  }
0x8c: {  	s16 =	sshll.u32 s0, $0xA;
	s2 =	sadd.s32 s3, s2  }
0x8d: {  	s2 =	sadd.s32 s2, s16  }
0x8e: {  	[smem:$0x3FBD] =	sst s2  }
0x8f: {  	_ = 	snop  }
0x90: {  	(tm) =	ssettm $0x1  }
0x91: {  	s17 =	sld [smem:$0x3FFB];
	_ =	sdelay $0x3  }
0x92: {  	_ =	strace s17  }
0x93: {  	s2 =	sld [smem:$0x3FFC];
	_ =	sdelay $0x3  }
0x94: {  	_ =	strace s2  }
0x95: {  	s2 =	sld [smem:$0x3FFD];
	_ =	sdelay $0x3  }
0x96: {  	_ =	strace s2  }
0x97: {  	_ =	strace $0x8FFFFFFF  }
0x98: {  	s18 =	sld [smem:$0x3FDB];
	_ =	sdelay $0x1  }
0x99: {  	s19 =	simm.s32 $_scs_section_size  }
0x9a: {  	s4 =	simm.s32 $_size__tile_overlayer_lowered;
	s5 =	simm.s32 $_tile_overlayer_lowered  }
0x9b: {  	s22 =	simm.s32 $0x1BFF;
	s21 =	sshll.u32 s5, $0x1;
	s2 =	sadd.s32 s19, s18  }
0x9c: {  	s6 =	simm.s32 $0x0;
	s20 =	sshll.u32 s4, $0x1;
	s4 =	sadd.s32 s21, s2  }
0x9d: {  	[timem:s6], [sflag:s22] =	dma.local [hbm:s4], s20  }
0x9e: {  	_ =	swait.ge [sflag:s22], s20  }
0x9f: {  	s3 =	ssub.s32 $0x0, s20;
	[sflag:s22] =	ssyncset.done $0x0  }
0xa0: {  	[sflag:s22] =	ssyncadd.s32 s3;
	_ =	sdelay $0x1  }
0xa1: {  	s23 =	simm.s32 $0x1B8B  }
0xa2: {  	_ =	swait.ge [sflag:s23], $0x1  }
0xa3: {  	[sflag:s23] =	ssyncset.done $0x0  }
0xa4: {  	s25 =	simm.s32 $0x1B8E;
	s24 =	sld [smem:$0x3FFE];
	[sflag:s23] =	ssyncadd.s32 $0xFFFFFFFF  }
0xa5: {  	s26 =	simm.s32 $execute0_lowered;
	[smem:$0x3FD2] =	sst s25  }
0xa6: {  	s4 =	sshll.u32 s26, $0x1;
	_ =	strace $0x8000004F;
	[dreg:$0x1] =	wrdreg $0xFFFFFFFF  }
0xa7: {  	s28 =	simm.s32 $_size_execute0_lowered;
	s2 =	sadd.s32 s2, s4;
	[dreg:$0x0] =	wrdreg $0x0  }
0xa8: {  	s4 =	sshll.u32 s28, $0x1;
	[dreg:$0x2] =	wrdreg s2  }
0xa9: {  	[dreg:$0x3] =	wrdreg s4  }
0xaa: {  	[dreg:$0x4] =	wrdreg $0xC0  }
0xab: {  	_ =	task [dreg:s6], $0x5FFFF  }
0xac: {  	[dreg:$0x1] =	wrdreg $0xFFFFFFFF  }
0xad: {  	[dreg:$0x0] =	wrdreg $0x60  }
0xae: {  	[dreg:$0x2] =	wrdreg s24  }
0xaf: {  	[dreg:$0x3] =	wrdreg $0x88000  }
0xb0: {  	[dreg:$0x4] =	wrdreg $0x9  }
0xb1: {  	_ =	task.clear_ibuf [dreg:s6], $0x5FFFF;
	_ =	strace $0x9000004F  }
0xb2: {  	s29 =	simm.s32 $0x9;
	_ =	strace $0x80000051  }
0xb3: {  	_ =	swait.ge [sflag:s29], $0x1  }
0xb4: {  	[sflag:s29] =	ssyncadd.s32 $0xFFFFFFFF  }
0xb5: {  	_ =	strace $0x90000051  }
0xb6: {  	_ =	sfence  }
0xb7: {  	s30 =	sld [smem:$0x0];
	_ =	sdelay $0x2  }
0xb8: {  	s31 =	sshll.u32 s1, $0xD;
	s1 =	sshrl.u32 s1, $0x2  }
0xb9: {  	s3 =	sand.u32 $0x4000, s31;
	s1 =	sadd.s32 s1, s30  }
0xba: {  	s0 =	sor.u32 s3, s0;
	s1 =	sshll.u32 s1, $0x11  }
0xbb: {  	s0 =	sor.u32 s1, s0  }
0xbc: {  	s0 =	sadd.s32 $0x8F2B, s0  }
0xbd: {  	[sflag:s0] =	ssyncadd.remote.s32 $0x1  }
0xbe: {  	_ =	sfence.sel $0xFFFF  }
0xbf: {  	[dreg:$0x0] =	wrdreg $0xFFFFFFFF;
	(pc) =	sbr.abs _section_cstart, $3  }
0xc0: {  	[dreg:$0x1] =	wrdreg $0xFFFFFFFF  }
0xc1: {  	_ =	task.clear_ibuf [dreg:s6], $0x2FFFF;
	_ =	strace $0x9FFFFFFF  }
0xc2: {  	(tm) =	ssettm $0x7FFFFFFF  }
0xc3: {  	_ =	shalt  }
tec
execute0_lowered:
.L_overlay_start_1:
0x0: {  	(tag) =	ssettag $0x1  }
0x1: {  	s0 =	rddreg [dreg:$0x0]  }
0x2: {  	s1 =	rddreg [dreg:$0x1]  }
0x3: {  	s2 =	simm.s32 $0x0;
	s4 =	srdreg.scid;
	s13 =	stileid.u32  }
0x4: {  	s28 =	simm.s32 $0x1000;
	s29 =	simm.s32 $0x50;
	s30 =	simm.s32 $0x2000  }
0x5: {  	s31 =	simm.s32 $0x4800;
	[smem:$0x7FF] =	sst s2;
	s4 =	sand.u32 $0x1, s4  }
0x6: {  	s3 =	sadd.s32 $0x3C000, s0;
	s9 =	smul.u32 $0x4E000, s13;
	s7 =	ssub.s32 $0x2, s4  }
0x7: {  	s5 =	sadd.s32 $0x28000, s0;
	s6 =	sadd.s32 $0x14000, s0;
	s8 =	sshrl.u32 s7, $0x1  }
0x8: {  	s0 =	sadd.s32 $0x63200, s0;
	s9 =	sshrl.u32 s9, $0x2;
	s11 =	ssub.s32 s7, s8  }
0x9: {  	s18 =	smul.u32 $0x13800, s13;
	s9 =	sadd.s32 s9, s1;
	s14 =	smax.u32 s11, $0x1  }
0xa: {  	_ =	strace $0x80000050;
	s15 =	sadd.s32 $0x1800, s9;
	[dreg:$0x4] =	wrdreg s14  }
0xb: {  	p0 =	sne.s32 s13, $0xF;
	s16 =	sadd.s32 $0x3000, s9;
	[dreg:$0x5] =	wrdreg s15  }
0xc: {  	s10 =	smul.u32 $0x138800, s4;
	s17 =	sadd.s32 $0x4800, s9;
	[dreg:$0x6] =	wrdreg s16  }
0xd: {  	s4 =	sshll.u32 s4, $0x4;
	s19 =	sadd.s32 $0x6000, s9;
	[dreg:$0x7] =	wrdreg s17  }
0xe: {  	s4 =	sor.u32 s13, s4;
	s20 =	sadd.s32 $0x7800, s9;
	[dreg:$0x8] =	wrdreg s19  }
0xf: {  	s13 =	simm.s32 $0xC00;
	s21 =	sadd.s32 $0x9000, s9;
	[dreg:$0x9] =	wrdreg s20  }
0x10: {  	s7 =	sadd.s32 $0x138000, s1;
	s22 =	sadd.s32 $0xA800, s9;
	[dreg:$0xa] =	wrdreg s21  }
0x11: {  	s12 =	sshrl.u32 s10, $0x3;
	s23 =	sadd.s32 $0xC000, s9;
	[dreg:$0xb] =	wrdreg s22  }
0x12: {  	s8 =	smul.u32 $0x5000, s4;
	s24 =	sadd.s32 $0xD800, s9;
	[dreg:$0xc] =	wrdreg s23  }
0x13: {  	s12 =	sadd.s32 s0, s12;
	s25 =	sadd.s32 $0xF000, s9;
	[dreg:$0xd] =	wrdreg s24  }
0x14: {  	s26 =	sadd.s32 $0x10800, s9;
	s11 =	simm.s32 $0xB80;
	[dreg:$0xe] =	wrdreg s25  }
0x15: {  	s4 =	sadd.s32 $0x27000, s12;
	[dreg:$0xf] =	wrdreg s26;
	s23 =	sadd.s32 $0x12000, s9  }
0x16: {  	s25 =	simm.s32 $0x7000;
	s26 =	simm.s32 $0x3;
	s12 =	simm.s32 $0x1B80  }
0x17: {  	s14 =	simm.s32 $0x1C00;
	[dreg:$0x3] =	wrdreg s4;
	s4 =	sadd.s32 s18, s10  }
0x18: {  	s15 =	simm.s32 $0x0;
	s10 =	simm.s32 $0x1B00;
	s4 =	sshrl.u32 s4, $0x3  }
0x19: {  	v0 =	vimm.f32 $0.0e+00;
	s24 =	sadd.s32 s4, s0;
	s0 =	simm.s32 $0x1;
	s4 =	simm.s32 $0x2  }
.LBB2_1:
0x1a: {  	s16 =	simm.s32 $0x70;
	s17 =	simm.s32 $0x3C0  }
.LBB2_2:
0x1b: {  	p1 =	sne.s32 s17, $0x5FC0;
	[tilespmem:s16+$0x7000] =	vst v0  }
0x1c: {  	[tilespmem:s16+$0x6F90] =	vst v0  }
0x1d: {  	[tilespmem:s16+$0x6FA0] =	vst v0  }
.Ltmp0:
0x1e: {  	[tilespmem:s16+$0x6FB0] =	vst v0;
	(pc) =	sbr.rel @p1 .LBB2_2-.Ltmp0, $4  }
0x1f: {  	[tilespmem:s16+$0x6FC0] =	vst v0  }
0x20: {  	[tilespmem:s16+$0x6FD0] =	vst v0  }
0x21: {  	[tilespmem:s16+$0x6FE0] =	vst v0  }
0x22: {  	[tilespmem:s16+$0x6FF0] =	vst v0;
	s16 =	sshra.s32 s17, $0x2;
	s17 =	sadd.s32 $0x200, s17  }
0x23: {  	[tilespmem:s16+$0x7000] =	vst v0  }
0x24: {  	[tilespmem:s16+$0x6F90] =	vst v0  }
0x25: {  	[tilespmem:s16+$0x6FA0] =	vst v0  }
0x26: {  	[tilespmem:s16+$0x6FB0] =	vst v0  }
0x27: {  	[tilespmem:s16+$0x6FC0] =	vst v0  }
0x28: {  	[tilespmem:s16+$0x6FD0] =	vst v0  }
0x29: {  	[tilespmem:s16+$0x6FE0] =	vst v0  }
0x2a: {  	[tilespmem:s16+$0x6FF0] =	vst v0  }
0x2b: {  	[spmem:s9] =	stream.linear.scatter [tilespmem:s25], [sflag:$0x3], $0x1800, $0x38;
	[tilespmem:$0x1C080] =	vst v63  }
0x2c: {  	_ =	swait.ge [sflag:s26], $0x1800  }
0x2d: {  	[sflag:s26] =	ssyncset.done $0x0  }
0x2e: {  	s18 =	rddreg [dreg:$0x5];
	[sflag:s26] =	ssyncadd.s32 $0xFFFFE800  }
0x2f: {  	[spmem:s18] =	stream.linear.scatter [tilespmem:s25], [sflag:$0x3], $0x1800, $0x38;
	[tilespmem:$0x1C080] =	vst v63  }
0x30: {  	_ =	swait.ge [sflag:s26], $0x1800  }
0x31: {  	[sflag:s26] =	ssyncset.done $0x0  }
0x32: {  	s19 =	rddreg [dreg:$0x6];
	[sflag:s26] =	ssyncadd.s32 $0xFFFFE800  }
0x33: {  	[spmem:s19] =	stream.linear.scatter [tilespmem:s25], [sflag:$0x3], $0x1800, $0x38;
	[tilespmem:$0x1C080] =	vst v63  }
0x34: {  	_ =	swait.ge [sflag:s26], $0x1800  }
0x35: {  	[sflag:s26] =	ssyncset.done $0x0  }
0x36: {  	s20 =	rddreg [dreg:$0x7];
	[sflag:s26] =	ssyncadd.s32 $0xFFFFE800  }
0x37: {  	[spmem:s20] =	stream.linear.scatter [tilespmem:s25], [sflag:$0x3], $0x1800, $0x38;
	[tilespmem:$0x1C080] =	vst v63  }
0x38: {  	_ =	swait.ge [sflag:s26], $0x1800  }
0x39: {  	[sflag:s26] =	ssyncset.done $0x0  }
0x3a: {  	s21 =	rddreg [dreg:$0x8];
	[sflag:s26] =	ssyncadd.s32 $0xFFFFE800  }
0x3b: {  	[spmem:s21] =	stream.linear.scatter [tilespmem:s25], [sflag:$0x3], $0x1800, $0x38;
	[tilespmem:$0x1C080] =	vst v63  }
0x3c: {  	_ =	swait.ge [sflag:s26], $0x1800  }
0x3d: {  	[sflag:s26] =	ssyncset.done $0x0  }
0x3e: {  	s22 =	rddreg [dreg:$0x9];
	[sflag:s26] =	ssyncadd.s32 $0xFFFFE800  }
0x3f: {  	[spmem:s22] =	stream.linear.scatter [tilespmem:s25], [sflag:$0x3], $0x1800, $0x38;
	[tilespmem:$0x1C080] =	vst v63  }
0x40: {  	_ =	swait.ge [sflag:s26], $0x1800  }
0x41: {  	[sflag:s26] =	ssyncset.done $0x0  }
0x42: {  	s17 =	rddreg [dreg:$0xa];
	[sflag:s26] =	ssyncadd.s32 $0xFFFFE800  }
0x43: {  	[spmem:s17] =	stream.linear.scatter [tilespmem:s25], [sflag:$0x3], $0x1800, $0x38;
	[tilespmem:$0x1C080] =	vst v63  }
0x44: {  	_ =	swait.ge [sflag:s26], $0x1800  }
0x45: {  	[sflag:s26] =	ssyncset.done $0x0  }
0x46: {  	s18 =	rddreg [dreg:$0xb];
	[sflag:s26] =	ssyncadd.s32 $0xFFFFE800  }
0x47: {  	[spmem:s18] =	stream.linear.scatter [tilespmem:s25], [sflag:$0x3], $0x1800, $0x38;
	[tilespmem:$0x1C080] =	vst v63  }
0x48: {  	_ =	swait.ge [sflag:s26], $0x1800  }
0x49: {  	[sflag:s26] =	ssyncset.done $0x0  }
0x4a: {  	s19 =	rddreg [dreg:$0xc];
	[sflag:s26] =	ssyncadd.s32 $0xFFFFE800  }
0x4b: {  	[spmem:s19] =	stream.linear.scatter [tilespmem:s25], [sflag:$0x3], $0x1800, $0x38;
	[tilespmem:$0x1C080] =	vst v63  }
0x4c: {  	_ =	swait.ge [sflag:s26], $0x1800  }
0x4d: {  	[sflag:s26] =	ssyncset.done $0x0  }
0x4e: {  	s20 =	rddreg [dreg:$0xd];
	[sflag:s26] =	ssyncadd.s32 $0xFFFFE800  }
0x4f: {  	[spmem:s20] =	stream.linear.scatter [tilespmem:s25], [sflag:$0x3], $0x1800, $0x38;
	[tilespmem:$0x1C080] =	vst v63  }
0x50: {  	_ =	swait.ge [sflag:s26], $0x1800  }
0x51: {  	[sflag:s26] =	ssyncset.done $0x0  }
0x52: {  	s21 =	rddreg [dreg:$0xe];
	[sflag:s26] =	ssyncadd.s32 $0xFFFFE800  }
0x53: {  	[spmem:s21] =	stream.linear.scatter [tilespmem:s25], [sflag:$0x3], $0x1800, $0x38;
	[tilespmem:$0x1C080] =	vst v63  }
0x54: {  	_ =	swait.ge [sflag:s26], $0x1800  }
0x55: {  	[sflag:s26] =	ssyncset.done $0x0  }
0x56: {  	s22 =	rddreg [dreg:$0xf];
	[sflag:s26] =	ssyncadd.s32 $0xFFFFE800  }
0x57: {  	[spmem:s22] =	stream.linear.scatter [tilespmem:s25], [sflag:$0x3], $0x1800, $0x38;
	[tilespmem:$0x1C080] =	vst v63  }
0x58: {  	_ =	swait.ge [sflag:s26], $0x1800  }
0x59: {  	[sflag:s26] =	ssyncset.done $0x0  }
0x5a: {  	[sflag:s26] =	ssyncadd.s32 $0xFFFFE800  }
0x5b: {  	[spmem:s23] =	stream.linear.scatter [tilespmem:s25], [sflag:$0x3], $0x1800, $0x38;
	[tilespmem:$0x1C080] =	vst v63  }
0x5c: {  	_ =	swait.ge [sflag:s26], $0x1800  }
0x5d: {  	[sflag:s26] =	ssyncset.done $0x0  }
0x5e: {  	s16 =	simm.s32 @!p0 $0x7000;
	[sflag:s26] =	ssyncadd.s32 $0xFFFFE800  }
0x5f: {  	[spmem:s7] =	stream.linear.scatter @!p0 [tilespmem:s16], [sflag:$0x3], $0x800, $0x38;
	[tilespmem:$0x1C080] =	vst v63  }
0x60: {  	s16 =	simm.s32 @!p0 $0x3  }
0x61: {  	_ =	swait.ge @!p0 [sflag:s16], $0x800  }
0x62: {  	[sflag:s16] =	ssyncset.done @!p0 $0x0  }
0x63: {  	[sflag:s16] =	ssyncadd.s32 @!p0 $0xFFFFF800  }
0x64: {  	s17 =	simm.s32 $0x0;
	s16 =	simm.s32 $0x0;
	[bflag:$0x0] =	sbarrier.arrive $0xFFFF  }
.LBB2_4:
0x65: {  	s18 =	sshll.u32 s17, $0xC  }
0x66: {  	s18 =	sadd.s32 s8, s18  }
0x67: {  	s18 =	sshrl.u32 s18, $0x3  }
0x68: {  	s19 =	sadd.s32 s5, s18  }
0x69: {  	[tilespmem:s16], [sflag:$0x3] =	stream.linear.gather [hbm4b:s19+s16], $0xC80, $0x38;
	[tilespmem:$0x1C080] =	vst v63  }
0x6a: {  	_ =	swait.ge [sflag:s26], $0xC80  }
0x6b: {  	[sflag:s26] =	ssyncset.done $0x0  }
0x6c: {  	s18 =	sadd.s32 s6, s18;
	[sflag:s26] =	ssyncadd.s32 $0xFFFFF380  }
0x6d: {  	[tilespmem:s28], [sflag:$0x3] =	stream.linear.gather [hbm4b:s18+s16], $0xC80, $0x38;
	[tilespmem:$0x1C080] =	vst v63  }
0x6e: {  	_ =	swait.ge [sflag:s26], $0xC80  }
0x6f: {  	[sflag:s26] =	ssyncset.done $0x0  }
0x70: {  	[sflag:s26] =	ssyncadd.s32 $0xFFFFF380  }
0x71: {  	[tilespmem:s30], [sflag:$0x3] =	stream.indirect.gather [hbm4b:s3+s29], $0x80, s16, s29, $0xb8;
	[tilespmem:$0x1C080] =	vst v63  }
0x72: {  	_ =	swait.ge [sflag:s26], $0x2800  }
0x73: {  	[sflag:s26] =	ssyncset.done $0x0  }
0x74: {  	s19 =	simm.s32 $0x1000;
	[sflag:s26] =	ssyncadd.s32 $0xFFFFD800  }
0x75: {  	[spmem:s1] =	stream.indirect.scatter.add.f32 [tilespmem:s30], [sflag:$0x1], $0x80, s19, s29, $0xb8;
	[tilespmem:$0x1C080] =	vst v63  }
0x76: {  	s20 =	simm.s32 $0x80  }
0x77: {  	[tilespmem:s31], [sflag:$0x3] =	stream.indirect.gather [hbm4b:s3+s29], $0x80, s20, s29, $0xb8;
	[tilespmem:$0x1C080] =	vst v63  }
0x78: {  	_ =	swait.ge [sflag:s26], $0x2800  }
0x79: {  	[sflag:s26] =	ssyncset.done $0x0  }
0x7a: {  	[sflag:s26] =	ssyncadd.s32 $0xFFFFD800  }
0x7b: {  	_ =	swait.ge [sflag:s0], $0x2800  }
0x7c: {  	[sflag:s0] =	ssyncset.done $0x0  }
0x7d: {  	s21 =	simm.s32 $0x1080;
	[sflag:s0] =	ssyncadd.s32 $0xFFFFD800  }
0x7e: {  	[spmem:s1] =	stream.indirect.scatter.add.f32 [tilespmem:s31], [sflag:$0x2], $0x80, s21, s29, $0xb8;
	[tilespmem:$0x1C080] =	vst v63  }
0x7f: {  	s22 =	simm.s32 $0x100  }
0x80: {  	[tilespmem:s30], [sflag:$0x3] =	stream.indirect.gather [hbm4b:s3+s29], $0x80, s22, s29, $0xb8;
	[tilespmem:$0x1C080] =	vst v63  }
0x81: {  	_ =	swait.ge [sflag:s26], $0x2800  }
0x82: {  	[sflag:s26] =	ssyncset.done $0x0  }
0x83: {  	[sflag:s26] =	ssyncadd.s32 $0xFFFFD800  }
0x84: {  	_ =	swait.ge [sflag:s4], $0x2800  }
0x85: {  	s18 =	simm.s32 $0x100;
	s19 =	simm.s32 $0x800;
	[sflag:s4] =	ssyncset.done $0x0  }
.LBB2_5:
0x86: {  	s20 =	sadd.s32 $0x1000, s18  }
0x87: {  	[sflag:s4] =	ssyncadd.s32 $0xFFFFD800;
	s21 =	smov.u32 s19;
	s22 =	sadd.s32 $0x400, s19  }
0x88: {  	[spmem:s1] =	stream.indirect.scatter.add.f32 [tilespmem:s30], [sflag:$0x1], $0x80, s20, s29, $0xb8;
	[tilespmem:$0x1C080] =	vst v63  }
0x89: {  	p1 =	sne.s32 s19, $0x2800;
	s19 =	sadd.s32 $0x80, s18  }
0x8a: {  	[tilespmem:s31], [sflag:$0x3] =	stream.indirect.gather [hbm4b:s3+s29], $0x80, s19, s29, $0xb8;
	[tilespmem:$0x1C080] =	vst v63  }
0x8b: {  	_ =	swait.ge [sflag:s26], $0x2800  }
0x8c: {  	[sflag:s26] =	ssyncset.done $0x0  }
0x8d: {  	[sflag:s26] =	ssyncadd.s32 $0xFFFFD800  }
0x8e: {  	_ =	swait.ge [sflag:s0], $0x2800  }
0x8f: {  	[sflag:s0] =	ssyncset.done $0x0  }
0x90: {  	s19 =	sadd.s32 $0x1080, s18;
	[sflag:s0] =	ssyncadd.s32 $0xFFFFD800  }
0x91: {  	[spmem:s1] =	stream.indirect.scatter.add.f32 [tilespmem:s31], [sflag:$0x2], $0x80, s19, s29, $0xb8;
	[tilespmem:$0x1C080] =	vst v63  }
0x92: {  	s18 =	sadd.s32 $0x100, s18  }
0x93: {  	[tilespmem:s30], [sflag:$0x3] =	stream.indirect.gather [hbm4b:s3+s29], $0x80, s18, s29, $0xb8;
	[tilespmem:$0x1C080] =	vst v63  }
.Ltmp1:
0x94: {  	_ =	swait.ge [sflag:s26], $0x2800;
	(pc) =	sbr.rel @p1 .LBB2_5-.Ltmp1, $4  }
0x95: {  	[sflag:s26] =	ssyncset.done $0x0  }
0x96: {  	[sflag:s26] =	ssyncadd.s32 $0xFFFFD800  }
0x97: {  	_ =	swait.ge [sflag:s4], $0x2800  }
0x98: {  	s19 =	smov.u32 s22;
	s18 =	sshra.s32 s21, $0x2;
	[sflag:s4] =	ssyncset.done $0x0  }
0x99: {  	s19 =	sadd.s32 $0x1000, s18;
	[sflag:s4] =	ssyncadd.s32 $0xFFFFD800  }
0x9a: {  	[spmem:s1] =	stream.indirect.scatter.add.f32 [tilespmem:s30], [sflag:$0x1], $0x80, s19, s29, $0xb8;
	[tilespmem:$0x1C080] =	vst v63  }
0x9b: {  	s20 =	sadd.s32 $0x80, s18  }
0x9c: {  	[tilespmem:s31], [sflag:$0x3] =	stream.indirect.gather [hbm4b:s3+s29], $0x80, s20, s29, $0xb8;
	[tilespmem:$0x1C080] =	vst v63  }
0x9d: {  	_ =	swait.ge [sflag:s26], $0x2800  }
0x9e: {  	[sflag:s26] =	ssyncset.done $0x0  }
0x9f: {  	[sflag:s26] =	ssyncadd.s32 $0xFFFFD800  }
0xa0: {  	_ =	swait.ge [sflag:s0], $0x2800  }
0xa1: {  	[sflag:s0] =	ssyncset.done $0x0  }
0xa2: {  	s21 =	sadd.s32 $0x1080, s18;
	[sflag:s0] =	ssyncadd.s32 $0xFFFFD800  }
0xa3: {  	[spmem:s1] =	stream.indirect.scatter.add.f32 [tilespmem:s31], [sflag:$0x2], $0x80, s21, s29, $0xb8;
	[tilespmem:$0x1C080] =	vst v63  }
0xa4: {  	s22 =	sadd.s32 $0x100, s18  }
0xa5: {  	[tilespmem:s30], [sflag:$0x3] =	stream.indirect.gather [hbm4b:s3+s29], $0x80, s22, s29, $0xb8;
	[tilespmem:$0x1C080] =	vst v63  }
0xa6: {  	_ =	swait.ge [sflag:s26], $0x2800  }
0xa7: {  	[sflag:s26] =	ssyncset.done $0x0  }
0xa8: {  	[sflag:s26] =	ssyncadd.s32 $0xFFFFD800  }
0xa9: {  	_ =	swait.ge [sflag:s4], $0x2800  }
0xaa: {  	[sflag:s4] =	ssyncset.done $0x0  }
0xab: {  	[sflag:s4] =	ssyncadd.s32 $0xFFFFD800  }
0xac: {  	[spmem:s1] =	stream.indirect.scatter.add.f32 [tilespmem:s30], [sflag:$0x1], $0x80, s10, s29, $0xb8;
	[tilespmem:$0x1C080] =	vst v63  }
0xad: {  	_ = 	snop  }
0xae: {  	[tilespmem:s31], [sflag:$0x3] =	stream.indirect.gather [hbm4b:s3+s29], $0x80, s11, s29, $0xb8;
	[tilespmem:$0x1C080] =	vst v63  }
0xaf: {  	_ =	swait.ge [sflag:s26], $0x2800  }
0xb0: {  	[sflag:s26] =	ssyncset.done $0x0  }
0xb1: {  	[sflag:s26] =	ssyncadd.s32 $0xFFFFD800  }
0xb2: {  	_ =	swait.ge [sflag:s0], $0x2800  }
0xb3: {  	[sflag:s0] =	ssyncset.done $0x0  }
0xb4: {  	[sflag:s0] =	ssyncadd.s32 $0xFFFFD800  }
0xb5: {  	[spmem:s1] =	stream.indirect.scatter.add.f32 [tilespmem:s31], [sflag:$0x2], $0x80, s12, s29, $0xb8;
	[tilespmem:$0x1C080] =	vst v63  }
0xb6: {  	_ = 	snop  }
0xb7: {  	[tilespmem:s30], [sflag:$0x3] =	stream.indirect.gather [hbm4b:s3+s29], $0x80, s13, s29, $0xb8;
	[tilespmem:$0x1C080] =	vst v63  }
0xb8: {  	_ =	swait.ge [sflag:s26], $0x2800  }
0xb9: {  	[sflag:s26] =	ssyncset.done $0x0  }
0xba: {  	[sflag:s26] =	ssyncadd.s32 $0xFFFFD800  }
0xbb: {  	s17 =	sadd.s32 $0x1, s17;
	_ =	swait.ge [sflag:s4], $0x2800  }
0xbc: {  	p1 =	sne.s32 s17, $0x5;
	[sflag:s4] =	ssyncset.done $0x0  }
.Ltmp2:
0xbd: {  	[sflag:s4] =	ssyncadd.s32 $0xFFFFD800;
	(pc) =	sbr.rel @p1 .LBB2_4-.Ltmp2, $4  }
0xbe: {  	[spmem:s1] =	stream.indirect.scatter.add.f32 [tilespmem:s30], [sflag:$0x3], $0x80, s14, s29, $0xb8;
	[tilespmem:$0x1C080] =	vst v63  }
0xbf: {  	_ =	swait.ge [sflag:s26], $0x2800  }
0xc0: {  	[sflag:s26] =	ssyncset.done $0x0  }
0xc1: {  	[sflag:s26] =	ssyncadd.s32 $0xFFFFD800  }
0xc2: {  	[bflag:$0x0] =	sbarrier.arrive $0xFFFF  }
0xc3: {  	[tilespmem:s25], [sflag:$0x3] =	stream.linear.gather [spmem:s9], $0x1800, $0x38;
	[tilespmem:$0x1C080] =	vst v63  }
0xc4: {  	_ =	swait.ge [sflag:s26], $0x1800  }
0xc5: {  	[sflag:s26] =	ssyncset.done $0x0  }
0xc6: {  	s16 =	sadd.s32 $0x0, s24;
	[sflag:s26] =	ssyncadd.s32 $0xFFFFE800  }
0xc7: {  	[hbm4b:s16+s2] =	stream.linear.scatter [tilespmem:s25], [sflag:$0x3], $0x1800, $0x38;
	[tilespmem:$0x1C080] =	vst v63  }
0xc8: {  	_ =	swait.ge [sflag:s26], $0x1800  }
0xc9: {  	s17 =	smov.u32 s9;
	s16 =	simm.s32 $0x300;
	[sflag:s26] =	ssyncset.done $0x0  }
.LBB2_8:
0xca: {  	p1 =	sne.s32 s16, $0x2400;
	[sflag:s26] =	ssyncadd.s32 $0xFFFFE800;
	s17 =	sadd.s32 $0x1800, s17  }
0xcb: {  	[tilespmem:s25], [sflag:$0x3] =	stream.linear.gather [spmem:s17], $0x1800, $0x38;
	[tilespmem:$0x1C080] =	vst v63  }
0xcc: {  	s18 =	smov.u32 s16;
	s16 =	sadd.s32 $0x300, s16;
	_ =	swait.ge [sflag:s26], $0x1800  }
.Ltmp3:
0xcd: {  	[sflag:s26] =	ssyncset.done $0x0;
	(pc) =	sbr.rel @p1 .LBB2_8-.Ltmp3, $4  }
0xce: {  	s18 =	sadd.s32 s18, s24;
	[sflag:s26] =	ssyncadd.s32 $0xFFFFE800  }
0xcf: {  	[hbm4b:s18+s2] =	stream.linear.scatter [tilespmem:s25], [sflag:$0x3], $0x1800, $0x38;
	[tilespmem:$0x1C080] =	vst v63  }
0xd0: {  	_ =	swait.ge [sflag:s26], $0x1800  }
0xd1: {  	[sflag:s26] =	ssyncset.done $0x0  }
0xd2: {  	[sflag:s26] =	ssyncadd.s32 $0xFFFFE800;
	s16 =	simm.s32 @!p0 $0x7000;
	s17 =	simm.s32 @!p0 $0x3  }
0xd3: {  	[tilespmem:s16], [sflag:$0x3] =	stream.linear.gather @!p0 [spmem:s7], $0x800, $0x38;
	[tilespmem:$0x1C080] =	vst v63  }
0xd4: {  	_ =	swait.ge @!p0 [sflag:s17], $0x800  }
0xd5: {  	[sflag:s17] =	ssyncset.done @!p0 $0x0  }
0xd6: {  	s18 =	simm.s32 @!p0 $0x0;
	s19 =	rddreg [dreg:$0x3];
	[sflag:s17] =	ssyncadd.s32 @!p0 $0xFFFFF800  }
0xd7: {  	[hbm4b:s19+s18] =	stream.linear.scatter @!p0 [tilespmem:s16], [sflag:$0x3], $0x800, $0x38;
	[tilespmem:$0x1C080] =	vst v63  }
0xd8: {  	_ =	swait.ge @!p0 [sflag:s17], $0x800  }
0xd9: {  	s15 =	sadd.s32 $0x1, s15;
	s22 =	rddreg [dreg:$0x4]  }
0xda: {  	p1 =	sne.s32 s15, s22  }
.Ltmp4:
0xdb: {  	_ = 	snop;
	(pc) =	sbr.rel @p1 .LBB2_1-.Ltmp4, $3  }
0xdc: {  	_ =	sdelay $0x1  }
0xdd: {  	[sflag:s17] =	ssyncset.done @!p0 $0x0  }
0xde: {  	[sflag:s17] =	ssyncadd.s32 @!p0 $0xFFFFF800  }
0xdf: {  	_ =	sfence.sel $0x180000  }
0xe0: {  	[bflag:$0x0] =	sbarrier.arrive $0xFFFF  }
0xe1: {  	_ =	strace $0x90000050  }
0xe2: {  	s0 =	stileid.u32;
	[bflag:$0x2] =	sbarrier.arrive $0xFFFF  }
0xe3: {  	p0 =	sne.s32 s0, $0x0;
	s0 =	rddreg [dreg:$0x2]  }
0xe4: {  	s0 =	sadd.s32 @!p0 $0x100000, s0  }
0xe5: {  	[sflag:s0] =	ssyncadd.tile.s32 @!p0 $0x1;
	_ =	shalt  }
.Lfunc_end2:
_tile_overlayer_lowered:
.L_overlay_start_2:
0xe6: {  	(tag) =	ssettag $0x2  }
0xe7: {  	s0 =	rddreg [dreg:$0x0];
	s2 =	stileid.u32  }
0xe8: {  	s1 =	rddreg [dreg:$0x1];
	p0 =	sne.s32 s2, $0x0  }
0xe9: {  	s3 =	rddreg [dreg:$0x2];
	[bflag:$0x3] =	sbarrier.arrive $0xFFFF;
	s2 =	simm.s32 @!p0 $0x1C03  }
0xea: {  	[timem:s3], [sflag:s2] =	dma.local @!p0 [hbm:s0], s1  }
0xeb: {  	s0 =	simm.s32 @!p0 $0x3  }
0xec: {  	_ =	swait.ge @!p0 [sflag:s0], s1  }
0xed: {  	s1 =	ssub.s32 @!p0 $0x0, s1;
	[sflag:s0] =	ssyncset.done @!p0 $0x0  }
0xee: {  	[sflag:s0] =	ssyncadd.s32 @!p0 s1  }
0xef: {  	[bflag:$0x3] =	sbarrier.arrive $0xFFFF  }
0xf0: {  	_ =	shalt  }

// kernel: kernel.27.cloned.1.call-start
scs
__scs_entry_jumppad:
0x0: {  	(pc) =	sbr.rel $0x88, $3  }
0x1: {  	(tag) =	ssettag $0x0;
	lr =	simm.s32 $0x1  }
0x2: {  	[smem:$0x3F96] =	sst lr;
	_ =	strace $0xD0000000  }
0x3: {  	_ = 	snop  }
0x4: {  	_ = 	snop  }
0x5: {  	_ = 	snop  }
0x6: {  	_ = 	snop  }
0x7: {  	_ = 	snop  }
__scs_overlays_trampoline_lowered:
0x8: {  	[smem:$0x3FA5] =	sst s0  }
0x9: {  	[smem:$0x3FA6] =	sst s1  }
0xa: {  	[smem:$0x3FA7] =	sst s2  }
0xb: {  	[smem:$0x3FA8] =	sst s3  }
0xc: {  	[smem:$0x3FA9] =	sst s4  }
0xd: {  	[smem:$0x3FAA] =	sst s5  }
0xe: {  	[smem:$0x3FAB] =	sst s6  }
0xf: {  	[smem:$0x3FAC] =	sst s7  }
0x10: {  	[smem:$0x3FAD] =	sst s8  }
0x11: {  	[smem:$0x3FAE] =	sst s9;
	s0 =	simm.s32 @!p0 $0x0  }
0x12: {  	s1 =	sld [smem:$0x3F94];
	s0 =	simm.s32 @p0 $0x1  }
0x13: {  	[smem:$0x3FAF] =	sst s0;
	s0 =	simm.s32 @!p1 $0x0  }
0x14: {  	s2 =	sld [smem:$0x3F93];
	s0 =	simm.s32 @p1 $0x1  }
0x15: {  	[smem:$0x3FB0] =	sst s0;
	s0 =	simm.s32 @!p2 $0x0  }
0x16: {  	s3 =	sld [smem:$0x3FDB];
	s0 =	simm.s32 @p2 $0x1  }
0x17: {  	s4 =	simm.s32 $0x1BF5;
	[smem:$0x3FB2] =	sst s0  }
0x18: {  	s0 =	sld [smem:$0x3F95];
	_ =	swait.ge [sflag:s4], $0x0  }
0x19: {  	s7 =	sld [smem:$0x3F96]  }
0x1a: {  	s8 =	sadd.s32 $0xFFFFE003, lr  }
0x1b: {  	s9 =	sadd.s32 $0xFFFFFEF7, lr;
	s5 =	simm.s32 $0xFFFFFFFF;
	p2 =	slt.u32 s8, $0xFFFFF086  }
0x1c: {  	p1 =	slt.u32 s9, $0xF7A;
	s5 =	simm.s32 @!p2 $0x0  }
0x1d: {  	s5 =	simm.s32 @p1 $0x1;
	p0 =	seq.s32 s7, s2  }
0x1e: {  	s7 =	smul.u32 @!p0 $0xF7A, s2;
	p2 =	seq.s32 @!p0 s5, $0x0  }
0x1f: {  	s9 =	smul.u32 $0xF7A, s1;
	s8 =	simm.s32 @!p0 $0x1BF5;
	p2 =	por !p2, p0  }
0x20: {  	[sflag:s8] =	ssyncset.s32 @!p0 $0xFFFFF086;
	s6 =	sadd.s32 @!p0 s3, s7;
	s7 =	simm.s32 @!p0 $0x108  }
0x21: {  	s3 =	sadd.s32 s3, s9;
	s6 =	sadd.s32 @!p0 $0x88, s6;
	s7 =	simm.s32 @p2 $0x1082  }
0x22: {  	[simem:s7], [sflag:s8] =	dma.local @!p0 [hbm:s6], $0xF7A  }
0x23: {  	s9 =	sor.u32 $0xD0000000, s2;
	s6 =	simm.s32 $0x108;
	_ =	swait.ge @!p0 [sflag:s8], $0x0  }
0x24: {  	s3 =	sadd.s32 $0x88, s3;
	s6 =	simm.s32 @!p1 $0x1082;
	[sflag:s4] =	ssyncset.s32 $0xFFFFF086  }
0x25: {  	[simem:s6], [sflag:s4] =	dma.local [hbm:s3], $0xF7A  }
0x26: {  	[smem:$0x3F96] =	sst s1;
	(tag) =	ssettag s2;
	_ =	strace s9  }
0x27: {  	s1 =	sld [smem:$0x3FA6]  }
0x28: {  	s2 =	sld [smem:$0x3FA7]  }
0x29: {  	s4 =	sld [smem:$0x3FA9]  }
0x2a: {  	p0 =	seq.s32 s5, $0x0;
	s5 =	sld [smem:$0x3FAA]  }
0x2b: {  	s6 =	sld [smem:$0x3FAB]  }
0x2c: {  	s7 =	sld [smem:$0x3FAC]  }
0x2d: {  	s3 =	simm.s32 $0x108;
	s8 =	sld [smem:$0x3FAD]  }
0x2e: {  	s3 =	simm.s32 @!p0 $0x1082;
	s9 =	sld [smem:$0x3FAE]  }
0x2f: {  	lr =	sadd.s32 s0, s3;
	s0 =	sld [smem:$0x3FA5]  }
0x30: {  	s3 =	sld [smem:$0x3FA8]  }
0x31: {  	[smem:$0x3FB1] =	sst s10  }
0x32: {  	s10 =	sld [smem:$0x3FAF];
	_ =	sdelay $0x3  }
0x33: {  	p0 =	seq.s32 s10, $0x1;
	s10 =	sld [smem:$0x3FB1];
	_ =	sdelay $0x3  }
0x34: {  	[smem:$0x3FB1] =	sst s10  }
0x35: {  	s10 =	sld [smem:$0x3FB0];
	_ =	sdelay $0x3  }
0x36: {  	p1 =	seq.s32 s10, $0x1;
	s10 =	sld [smem:$0x3FB1];
	_ =	sdelay $0x3  }
0x37: {  	[smem:$0x3FB1] =	sst s10  }
0x38: {  	s10 =	sld [smem:$0x3FB2]  }
0x39: {  	_ = 	snop;
	(pc) =	sbr.ind lr, $3  }
0x3a: {  	_ = 	snop  }
0x3b: {  	_ = 	snop  }
0x3c: {  	p2 =	seq.s32 s10, $0x1;
	s10 =	sld [smem:$0x3FB1]  }
0x3d: {  	_ =	shalt  }
0x3e: {  	_ =	shalt  }
0x3f: {  	_ =	shalt  }
0x40: {  	_ =	shalt  }
0x41: {  	_ =	shalt  }
0x42: {  	_ =	shalt  }
0x43: {  	_ =	shalt  }
0x44: {  	_ =	shalt  }
0x45: {  	_ =	shalt  }
0x46: {  	_ =	shalt  }
0x47: {  	_ =	shalt  }
0x48: {  	_ =	shalt  }
0x49: {  	_ =	shalt  }
0x4a: {  	_ =	shalt  }
0x4b: {  	_ =	shalt  }
0x4c: {  	_ =	shalt  }
0x4d: {  	_ =	shalt  }
0x4e: {  	_ =	shalt  }
0x4f: {  	_ =	shalt  }
0x50: {  	_ =	shalt  }
0x51: {  	_ =	shalt  }
0x52: {  	_ =	shalt  }
0x53: {  	_ =	shalt  }
0x54: {  	_ =	shalt  }
0x55: {  	_ =	shalt  }
0x56: {  	_ =	shalt  }
0x57: {  	_ =	shalt  }
0x58: {  	_ =	shalt  }
0x59: {  	_ =	shalt  }
0x5a: {  	_ =	shalt  }
0x5b: {  	_ =	shalt  }
0x5c: {  	_ =	shalt  }
0x5d: {  	_ =	shalt  }
0x5e: {  	_ =	shalt  }
0x5f: {  	_ =	shalt  }
0x60: {  	_ =	shalt  }
0x61: {  	_ =	shalt  }
0x62: {  	_ =	shalt  }
0x63: {  	_ =	shalt  }
0x64: {  	_ =	shalt  }
0x65: {  	_ =	shalt  }
0x66: {  	_ =	shalt  }
0x67: {  	_ =	shalt  }
0x68: {  	_ =	shalt  }
0x69: {  	_ =	shalt  }
0x6a: {  	_ =	shalt  }
0x6b: {  	_ =	shalt  }
0x6c: {  	_ =	shalt  }
0x6d: {  	_ =	shalt  }
0x6e: {  	_ =	shalt  }
0x6f: {  	_ =	shalt  }
0x70: {  	_ =	shalt  }
0x71: {  	_ =	shalt  }
0x72: {  	_ =	shalt  }
0x73: {  	_ =	shalt  }
0x74: {  	_ =	shalt  }
0x75: {  	_ =	shalt  }
0x76: {  	_ =	shalt  }
0x77: {  	_ =	shalt  }
0x78: {  	_ =	shalt  }
0x79: {  	_ =	shalt  }
0x7a: {  	_ =	shalt  }
0x7b: {  	_ =	shalt  }
0x7c: {  	_ =	shalt  }
0x7d: {  	_ =	shalt  }
0x7e: {  	_ =	shalt  }
0x7f: {  	_ =	shalt  }
0x80: {  	_ =	shalt  }
0x81: {  	_ =	shalt  }
0x82: {  	_ =	shalt  }
0x83: {  	_ =	shalt  }
0x84: {  	_ =	shalt  }
0x85: {  	_ =	shalt  }
0x86: {  	_ =	shalt  }
0x87: {  	_ =	shalt  }
.Lfunc_end0:
.L_simem_size_0:
called_computation.4_lowered:
.L_overlay_start_0:
0x88: {  	s2 =	sld [smem:$0x3FD9]  }
0x89: {  	s3 =	sld [smem:$0x3FFE];
	_ =	sdelay $0x1  }
0x8a: {  	s1 =	srdreg.scid  }
0x8b: {  	s0 =	sand.u32 $0x1, s1  }
0x8c: {  	s17 =	sshll.u32 s0, $0xA;
	s2 =	sadd.s32 s3, s2  }
0x8d: {  	s2 =	sadd.s32 s2, s17  }
0x8e: {  	[smem:$0x3FBD] =	sst s2  }
0x8f: {  	_ = 	snop  }
0x90: {  	s2 =	sld [smem:$0x3FC7];
	(tm) =	ssettm $0x1  }
0x91: {  	s18 =	sld [smem:$0x3FFB];
	_ =	sdelay $0x3  }
0x92: {  	_ =	strace s18  }
0x93: {  	s3 =	sld [smem:$0x3FFC];
	_ =	sdelay $0x3  }
0x94: {  	_ =	strace s3  }
0x95: {  	s3 =	sld [smem:$0x3FFD];
	_ =	sdelay $0x3  }
0x96: {  	_ =	strace s3  }
0x97: {  	_ =	strace $0x8FFFFFFF  }
0x98: {  	s19 =	sld [smem:$0x3FDB];
	_ =	sdelay $0x1  }
0x99: {  	s4 =	simm.s32 $_scs_section_size  }
0x9a: {  	s5 =	simm.s32 $_size__tile_overlayer_lowered;
	s6 =	simm.s32 $_tile_overlayer_lowered  }
0x9b: {  	s22 =	simm.s32 $0x1BFF;
	s21 =	sshll.u32 s6, $0x1;
	s3 =	sadd.s32 s4, s19  }
0x9c: {  	s7 =	simm.s32 $0x0;
	s20 =	sshll.u32 s5, $0x1;
	s5 =	sadd.s32 s21, s3  }
0x9d: {  	[timem:s7], [sflag:s22] =	dma.local [hbm:s5], s20  }
0x9e: {  	_ =	swait.ge [sflag:s22], s20  }
0x9f: {  	s4 =	ssub.s32 $0x0, s20;
	[sflag:s22] =	ssyncset.done $0x0  }
0xa0: {  	[sflag:s22] =	ssyncadd.s32 s4;
	_ =	sdelay $0x1  }
0xa1: {  	s23 =	simm.s32 $0x1B8B  }
0xa2: {  	_ =	swait.ge [sflag:s23], $0x1  }
0xa3: {  	[sflag:s23] =	ssyncset.done $0x0  }
0xa4: {  	s25 =	simm.s32 $0x1B8E;
	s24 =	sld [smem:$0x3FFE];
	[sflag:s23] =	ssyncadd.s32 $0xFFFFFFFF  }
0xa5: {  	s26 =	simm.s32 $execute0_lowered;
	[smem:$0x3FD2] =	sst s25  }
0xa6: {  	s5 =	sshll.u32 s26, $0x1;
	_ =	strace $0x80000052;
	[dreg:$0x1] =	wrdreg $0xFFFFFFFF  }
0xa7: {  	s28 =	simm.s32 $_size_execute0_lowered;
	s3 =	sadd.s32 s3, s5;
	[dreg:$0x0] =	wrdreg $0x0  }
0xa8: {  	s5 =	sshll.u32 s28, $0x1;
	[dreg:$0x2] =	wrdreg s3  }
0xa9: {  	[dreg:$0x3] =	wrdreg s5  }
0xaa: {  	[dreg:$0x4] =	wrdreg $0xC0  }
0xab: {  	_ =	task [dreg:s7], $0x5FFFF  }
0xac: {  	[dreg:$0x1] =	wrdreg $0xFFFFFFFF  }
0xad: {  	[dreg:$0x0] =	wrdreg $0x60  }
0xae: {  	[dreg:$0x2] =	wrdreg s24  }
0xaf: {  	[dreg:$0x3] =	wrdreg s2  }
0xb0: {  	[dreg:$0x4] =	wrdreg $0x2D800  }
0xb1: {  	[dreg:$0x5] =	wrdreg $0x2F800  }
0xb2: {  	[dreg:$0x6] =	wrdreg $0x9  }
0xb3: {  	_ =	task.clear_ibuf [dreg:s7], $0x7FFFF;
	_ =	strace $0x90000052  }
0xb4: {  	s29 =	simm.s32 $0x9;
	_ =	strace $0x80000054  }
0xb5: {  	_ =	swait.ge [sflag:s29], $0x1  }
0xb6: {  	[sflag:s29] =	ssyncadd.s32 $0xFFFFFFFF  }
0xb7: {  	_ =	strace $0x90000054  }
0xb8: {  	_ =	sfence  }
0xb9: {  	s30 =	sld [smem:$0x0];
	_ =	sdelay $0x2  }
0xba: {  	s31 =	sshll.u32 s1, $0xD;
	s1 =	sshrl.u32 s1, $0x2  }
0xbb: {  	s3 =	sand.u32 $0x4000, s31;
	s1 =	sadd.s32 s1, s30  }
0xbc: {  	s0 =	sor.u32 s3, s0;
	s1 =	sshll.u32 s1, $0x11  }
0xbd: {  	s0 =	sor.u32 s1, s0  }
0xbe: {  	s0 =	sadd.s32 $0x8F2B, s0  }
0xbf: {  	[sflag:s0] =	ssyncadd.remote.s32 $0x1  }
0xc0: {  	_ =	sfence.sel $0xFFFF  }
0xc1: {  	[dreg:$0x0] =	wrdreg $0xFFFFFFFF;
	(pc) =	sbr.abs _section_cstart, $3  }
0xc2: {  	[dreg:$0x1] =	wrdreg $0xFFFFFFFF  }
0xc3: {  	_ =	task.clear_ibuf [dreg:s7], $0x2FFFF;
	_ =	strace $0x9FFFFFFF  }
0xc4: {  	(tm) =	ssettm $0x7FFFFFFF  }
0xc5: {  	_ =	shalt  }
tec
execute0_lowered:
.L_overlay_start_1:
0x0: {  	(tag) =	ssettag $0x1  }
0x1: {  	s5 =	rddreg [dreg:$0x0]  }
0x2: {  	s10 =	rddreg [dreg:$0x1]  }
0x3: {  	s1 =	rddreg [dreg:$0x2]  }
0x4: {  	s0 =	srdreg.scid;
	s2 =	rddreg [dreg:$0x3]  }
0x5: {  	s3 =	simm.s32 $0x0;
	s6 =	sand.u32 $0x1, s0;
	s0 =	rddreg [dreg:$0x4]  }
0x6: {  	[smem:$0x7FF] =	sst s3;
	s4 =	smul.u32 $0x14000, s6  }
0x7: {  	_ =	strace $0x80000053;
	s8 =	sshll.u32 s6, $0x4;
	s11 =	ssub.s32 $0x2, s6  }
0x8: {  	s29 =	sshll.u32 s6, $0xA;
	s15 =	smul.u32 $0x1400, s6;
	s12 =	sadd.s32 s8, s5  }
0x9: {  	s26 =	sshrl.u32 s11, $0x1;
	s9 =	sadd.s32 s4, s5;
	s4 =	stileid.u32  }
0xa: {  	s11 =	ssub.s32 s11, s26;
	s7 =	sshll.u32 s4, $0x7;
	s14 =	smul.u32 $0x1400, s4  }
0xb: {  	s13 =	sor.u32 s4, s8;
	s28 =	sshll.u32 s4, $0xA;
	s16 =	smul.u32 $0x140, s4  }
0xc: {  	s8 =	smax.u32 s11, $0x1;
	p0 =	sgt.u32 s4, $0x7;
	s7 =	sadd.s32 s7, s5  }
0xd: {  	s5 =	sadd.s32 s28, s1;
	p2 =	sne.s32 @!p0 s4, $0x0;
	p3 =	seq.s32 s13, $0x1F  }
0xe: {  	s13 =	simm.s32 $0x50;
	s30 =	sadd.s32 s29, s7;
	s7 =	sadd.s32 $0x2A800, s12  }
0xf: {  	s9 =	sadd.s32 s14, s9;
	s31 =	sadd.s32 s16, s15;
	p1 =	por p2, p0  }
0x10: {  	p2 =	por !p2, p0;
	s12 =	simm.s32 $0x100;
	s14 =	simm.s32 $0x80  }
0x11: {  	s15 =	simm.s32 $0x0;
	s6 =	sadd.s32 $0x2AA00, s30;
	s11 =	sshrl.u32 s31, $0x3  }
0x12: {  	v0 =	vimm.f32 $0.0e+00;
	v1 =	vimm.f32 $1.000000000e+00;
	s9 =	sadd.s32 $0x3600, s9;
	s10 =	sadd.s32 s11, s10;
	s11 =	simm.s32 $0x1  }
.LBB2_1:
0x13: {  	[tilespmem:$0x2900] =	vst v0  }
0x14: {  	[tilespmem:$0x2910] =	vst v0  }
0x15: {  	[tilespmem:$0x2920] =	vst v0  }
0x16: {  	[tilespmem:$0x2930] =	vst v0  }
0x17: {  	[tilespmem:$0x2940] =	vst v0  }
0x18: {  	[tilespmem:$0x2950] =	vst v0  }
0x19: {  	[tilespmem:$0x2960] =	vst v0  }
0x1a: {  	[tilespmem:$0x2970] =	vst v0  }
0x1b: {  	[tilespmem:$0x2980] =	vst v0  }
0x1c: {  	[tilespmem:$0x2990] =	vst v0  }
0x1d: {  	[tilespmem:$0x29A0] =	vst v0  }
0x1e: {  	[tilespmem:$0x29B0] =	vst v0  }
0x1f: {  	[tilespmem:$0x29C0] =	vst v0  }
0x20: {  	[tilespmem:$0x29D0] =	vst v0  }
0x21: {  	[tilespmem:$0x29E0] =	vst v0  }
0x22: {  	[tilespmem:$0x29F0] =	vst v0  }
0x23: {  	[tilespmem:$0x2A00] =	vst v0  }
0x24: {  	[tilespmem:$0x2A10] =	vst v0  }
0x25: {  	[tilespmem:$0x2A20] =	vst v0  }
0x26: {  	[tilespmem:$0x2A30] =	vst v0  }
0x27: {  	[tilespmem:$0x2A40] =	vst v0  }
0x28: {  	[tilespmem:$0x2A50] =	vst v0  }
0x29: {  	[tilespmem:$0x2A60] =	vst v0  }
0x2a: {  	[tilespmem:$0x2A70] =	vst v0  }
0x2b: {  	[tilespmem:$0x2A80] =	vst v0  }
0x2c: {  	[tilespmem:$0x2A90] =	vst v0  }
0x2d: {  	[tilespmem:$0x2AA0] =	vst v0  }
0x2e: {  	[tilespmem:$0x2AB0] =	vst v0  }
0x2f: {  	[tilespmem:$0x2AC0] =	vst v0  }
0x30: {  	[tilespmem:$0x2AD0] =	vst v0  }
0x31: {  	[tilespmem:$0x2AE0] =	vst v0  }
0x32: {  	[tilespmem:$0x2AF0] =	vst v0  }
0x33: {  	[tilespmem:$0x2B00] =	vst v0  }
0x34: {  	[tilespmem:$0x2B10] =	vst v0  }
0x35: {  	[tilespmem:$0x2B20] =	vst v0  }
0x36: {  	[tilespmem:$0x2B30] =	vst v0  }
0x37: {  	[tilespmem:$0x2B40] =	vst v0  }
0x38: {  	[tilespmem:$0x2B50] =	vst v0  }
0x39: {  	[tilespmem:$0x2B60] =	vst v0  }
0x3a: {  	[tilespmem:$0x2B70] =	vst v0  }
0x3b: {  	[tilespmem:$0x2B80] =	vst v0  }
0x3c: {  	[tilespmem:$0x2B90] =	vst v0  }
0x3d: {  	[tilespmem:$0x2BA0] =	vst v0  }
0x3e: {  	[tilespmem:$0x2BB0] =	vst v0  }
0x3f: {  	[tilespmem:$0x2BC0] =	vst v0  }
0x40: {  	[tilespmem:$0x2BD0] =	vst v0  }
0x41: {  	[tilespmem:$0x2BE0] =	vst v0  }
0x42: {  	[tilespmem:$0x2BF0] =	vst v0  }
0x43: {  	[tilespmem:$0x2C00] =	vst v0  }
0x44: {  	[tilespmem:$0x2C10] =	vst v0  }
0x45: {  	[tilespmem:$0x2C20] =	vst v0  }
0x46: {  	[tilespmem:$0x2C30] =	vst v0  }
0x47: {  	[tilespmem:$0x2C40] =	vst v0  }
0x48: {  	[tilespmem:$0x2C50] =	vst v0  }
0x49: {  	[tilespmem:$0x2C60] =	vst v0  }
0x4a: {  	[tilespmem:$0x2C70] =	vst v0  }
0x4b: {  	[tilespmem:$0x2C80] =	vst v0  }
0x4c: {  	[tilespmem:$0x2C90] =	vst v0  }
0x4d: {  	[tilespmem:$0x2CA0] =	vst v0  }
0x4e: {  	[tilespmem:$0x2CB0] =	vst v0  }
0x4f: {  	[tilespmem:$0x2CC0] =	vst v0  }
0x50: {  	[tilespmem:$0x2CD0] =	vst v0  }
0x51: {  	[tilespmem:$0x2CE0] =	vst v0  }
0x52: {  	[tilespmem:$0x2CF0] =	vst v0  }
0x53: {  	[tilespmem:$0x2D00] =	vst v0  }
0x54: {  	[tilespmem:$0x2D10] =	vst v0  }
0x55: {  	[tilespmem:$0x2D20] =	vst v0  }
0x56: {  	[tilespmem:$0x2D30] =	vst v0  }
0x57: {  	[tilespmem:$0x2D40] =	vst v0  }
0x58: {  	[tilespmem:$0x2D50] =	vst v0  }
0x59: {  	[tilespmem:$0x2D60] =	vst v0  }
0x5a: {  	[tilespmem:$0x2D70] =	vst v0;
	s16 =	simm.s32 @!p0 $0x2900  }
0x5b: {  	[spmem:s5] =	stream.linear.scatter @!p0 [tilespmem:s16], [sflag:$0x1], $0x400, $0x38;
	[tilespmem:$0x2F88] =	vst v63  }
0x5c: {  	s16 =	simm.s32 @!p0 $0x1  }
0x5d: {  	_ =	swait.ge @!p0 [sflag:s16], $0x400  }
0x5e: {  	[sflag:s16] =	ssyncset.done @!p0 $0x0  }
0x5f: {  	[sflag:s16] =	ssyncadd.s32 @!p0 $0xFFFFFC00;
	s16 =	simm.s32 @!p1 $0x2D00  }
0x60: {  	[spmem:s2] =	stream.linear.scatter @!p1 [tilespmem:s16], [sflag:$0x1], $0x80, $0x38;
	[tilespmem:$0x2F88] =	vst v63  }
0x61: {  	s16 =	simm.s32 @!p1 $0x1  }
0x62: {  	_ =	swait.ge @!p1 [sflag:s16], $0x80  }
0x63: {  	[sflag:s16] =	ssyncset.done @!p1 $0x0  }
0x64: {  	[sflag:s16] =	ssyncadd.s32 @!p1 $0xFFFFFF80  }
0x65: {  	[tilespmem:$0x80] =	vst v1  }
0x66: {  	[tilespmem:$0x90] =	vst v1  }
0x67: {  	[tilespmem:$0xA0] =	vst v1  }
0x68: {  	p4 =	por @!p0 $0x0, $0x0;
	p5 =	por @!p1 $0x1, $0x1;
	s17 =	smov.u32 s9;
	[tilespmem:$0xB0] =	vst v1  }
0x69: {  	s18 =	simm.s32 $0x0;
	p5 =	por @!p2 p4, p4;
	p4 =	por $0x0, $0x0;
	[tilespmem:$0xC0] =	vst v1  }
0x6a: {  	p4 =	por @!p0 p5, p5;
	s16 =	smov.u32 s10;
	[bflag:$0x0] =	sbarrier.arrive $0xFFFF  }
.LBB2_2:
0x6b: {  	[tilespmem:s3], [sflag:$0x1] =	stream.linear.gather [hbm4b:s16+s3], $0x50, $0x38;
	[tilespmem:$0x2F88] =	vst v63  }
0x6c: {  	_ =	swait.ge [sflag:s11], $0x50  }
0x6d: {  	[sflag:s11] =	ssyncset.done $0x0  }
0x6e: {  	[sflag:s11] =	ssyncadd.s32 $0xFFFFFFB0  }
0x6f: {  	[tilespmem:s12], [sflag:$0x1] =	stream.linear.gather [hbm4b:s17+s3], $0x2800, $0x38;
	[tilespmem:$0x2F88] =	vst v63  }
0x70: {  	_ =	swait.ge [sflag:s11], $0x2800  }
0x71: {  	[sflag:s11] =	ssyncset.done $0x0  }
0x72: {  	[sflag:s11] =	ssyncadd.s32 $0xFFFFD800  }
0x73: {  	[spmem:s1] =	stream.indirect.scatter.add.f32 [tilespmem:s12], [sflag:$0x1], $0x80, s3, s13, $0xb8;
	[tilespmem:$0x2F88] =	vst v63  }
0x74: {  	p5 =	slt.u32 @!p3 s18, $0x3;
	_ =	swait.ge [sflag:s11], $0x2800  }
0x75: {  	p5 =	por p3, !p5;
	[sflag:s11] =	ssyncset.done $0x0  }
.Ltmp0:
0x76: {  	[sflag:s11] =	ssyncadd.s32 $0xFFFFD800;
	(pc) =	sbr.rel @!p5 .LBB2_2-.Ltmp0, $4  }
0x77: {  	[spmem:s2] =	stream.indirect.scatter.add.f32 [tilespmem:s14], [sflag:$0x1], $0x1, s3, s13, $0xb8;
	[tilespmem:$0x2F88] =	vst v63  }
0x78: {  	_ =	swait.ge [sflag:s11], $0x50  }
0x79: {  	s18 =	sadd.s32 $0x1, s18;
	[sflag:s11] =	ssyncset.done $0x0  }
0x7a: {  	s16 =	sadd.s32 $0xA, s16;
	s17 =	sadd.s32 $0x500, s17;
	[sflag:s11] =	ssyncadd.s32 $0xFFFFFFB0  }
0x7b: {  	[bflag:$0x0] =	sbarrier.arrive $0xFFFF;
	s16 =	simm.s32 @!p0 $0x2900;
	s17 =	simm.s32 @!p0 $0x1  }
0x7c: {  	[tilespmem:s16], [sflag:$0x1] =	stream.linear.gather @!p0 [spmem:s5], $0x400, $0x38;
	[tilespmem:$0x2F88] =	vst v63  }
0x7d: {  	_ =	swait.ge @!p0 [sflag:s17], $0x400  }
0x7e: {  	[sflag:s17] =	ssyncset.done @!p0 $0x0  }
0x7f: {  	s18 =	simm.s32 @!p0 $0x0;
	[sflag:s17] =	ssyncadd.s32 @!p0 $0xFFFFFC00  }
0x80: {  	[hbm4b:s6+s18] =	stream.linear.scatter @!p0 [tilespmem:s16], [sflag:$0x1], $0x400, $0x38;
	[tilespmem:$0x2F88] =	vst v63  }
0x81: {  	_ =	swait.ge @!p0 [sflag:s17], $0x400  }
0x82: {  	[sflag:s17] =	ssyncset.done @!p0 $0x0  }
0x83: {  	s16 =	simm.s32 @p4 $0x2D00;
	[sflag:s17] =	ssyncadd.s32 @!p0 $0xFFFFFC00;
	s17 =	simm.s32 @p4 $0x1  }
0x84: {  	[tilespmem:s16], [sflag:$0x1] =	stream.linear.gather @p4 [spmem:s2], $0x80, $0x38;
	[tilespmem:$0x2F88] =	vst v63  }
0x85: {  	s15 =	sadd.s32 $0x1, s15;
	_ =	swait.ge @p4 [sflag:s17], $0x80  }
0x86: {  	p5 =	sne.s32 s15, s8;
	[sflag:s17] =	ssyncset.done @p4 $0x0  }
.Ltmp1:
0x87: {  	s18 =	simm.s32 @p4 $0x0;
	[sflag:s17] =	ssyncadd.s32 @p4 $0xFFFFFF80;
	(pc) =	sbr.rel @p5 .LBB2_1-.Ltmp1, $4  }
0x88: {  	[hbm4b:s7+s18] =	stream.linear.scatter @p4 [tilespmem:s16], [sflag:$0x1], $0x80, $0x38;
	[tilespmem:$0x2F88] =	vst v63  }
0x89: {  	_ =	swait.ge @p4 [sflag:s17], $0x80  }
0x8a: {  	[sflag:s17] =	ssyncset.done @p4 $0x0  }
0x8b: {  	[sflag:s17] =	ssyncadd.s32 @p4 $0xFFFFFF80  }
0x8c: {  	_ =	sfence.sel $0x180000  }
0x8d: {  	[bflag:$0x0] =	sbarrier.arrive $0xFFFF  }
0x8e: {  	p0 =	sne.s32 s4, $0x0;
	_ =	strace $0x90000053  }
0x8f: {  	s0 =	sadd.s32 @!p0 $0x100000, s0;
	[bflag:$0x2] =	sbarrier.arrive $0xFFFF  }
0x90: {  	[sflag:s0] =	ssyncadd.tile.s32 @!p0 $0x1;
	_ =	shalt  }
.Lfunc_end2:
_tile_overlayer_lowered:
.L_overlay_start_2:
0x91: {  	(tag) =	ssettag $0x2  }
0x92: {  	s0 =	rddreg [dreg:$0x0];
	s2 =	stileid.u32  }
0x93: {  	s1 =	rddreg [dreg:$0x1];
	p0 =	sne.s32 s2, $0x0  }
0x94: {  	s3 =	rddreg [dreg:$0x2];
	[bflag:$0x3] =	sbarrier.arrive $0xFFFF;
	s2 =	simm.s32 @!p0 $0x1C01  }
0x95: {  	[timem:s3], [sflag:s2] =	dma.local @!p0 [hbm:s0], s1  }
0x96: {  	s0 =	simm.s32 @!p0 $0x1  }
0x97: {  	_ =	swait.ge @!p0 [sflag:s0], s1  }
0x98: {  	s1 =	ssub.s32 @!p0 $0x0, s1;
	[sflag:s0] =	ssyncset.done @!p0 $0x0  }
0x99: {  	[sflag:s0] =	ssyncadd.s32 @!p0 s1  }
0x9a: {  	[bflag:$0x3] =	sbarrier.arrive $0xFFFF  }
0x9b: {  	_ =	shalt  }

</sc_bundles>
